<compile_context>
chip_gen: v7x
topology: tpu7x:2x2x1
jax: 0.10.2.dev20260603
libtpu: 0.0.44.dev20260713+nightly
codegen_flags: <defaults>
</compile_context>

<pallas_src>
import dataclasses

import jax
import jax.numpy as jnp
from jax import lax
from jax.experimental import pallas as pl
from jax.experimental.pallas import tpu as pltpu
from jax.experimental.pallas import tpu_sc as plsc

B = 8
C = 96
H_OUT = 224
W_OUT = 224
P = H_OUT * W_OUT * C
NB = 112 * 112 * C
ROWS_B = NB // 128
WR = 32
W = WR * 128
NWIN = ROWS_B // WR
NCH = 3
CH = P // NCH
SLICE = CH // 16
ZB = 3584
NZ = SLICE // ZB
CHUNKS = B * NCH


def _compiler_params():
    cp = pltpu.CompilerParams()
    if "needs_layout_passes" in pltpu.CompilerParams.__dataclass_fields__:
        cp = dataclasses.replace(cp, needs_layout_passes=False)
    return cp


def kernel(inputs, indices, output_shape):
    rt0_i = output_shape[0].astype(jnp.int32) - 8
    rt0_f = rt0_i.astype(jnp.float32)
    vals = inputs.reshape(-1, 128) + rt0_f
    idx = indices.astype(jnp.int32).reshape(-1, 128) + rt0_i
    mesh = plsc.VectorSubcoreMesh(core_axis_name="c", subcore_axis_name="s")

    @pl.kernel(
        out_type=jax.ShapeDtypeStruct((B * P,), jnp.float32),
        mesh=mesh,
        scratch_types=[
            pltpu.VMEM((WR, 128), jnp.int32),
            pltpu.VMEM((WR, 128), jnp.int32),
            pltpu.VMEM((WR, 128), jnp.int32),
            pltpu.VMEM((WR, 128), jnp.float32),
            pltpu.VMEM((WR, 128), jnp.float32),
            pltpu.VMEM((WR, 128), jnp.float32),
            pltpu.VMEM((ZB,), jnp.float32),
            pltpu.VMEM_SHARED((CH,), jnp.float32),
            pltpu.SemaphoreType.DMA,
            pltpu.SemaphoreType.DMA,
            pltpu.SemaphoreType.DMA,
            pltpu.SemaphoreType.DMA,
            pltpu.SemaphoreType.DMA,
            pltpu.SemaphoreType.DMA,
            pltpu.SemaphoreType.DMA,
            pltpu.SemaphoreType.DMA,
            pltpu.SemaphoreType.DMA,
        ],
        compiler_params=_compiler_params(),
    )
    def scatter_add_kernel(idx_hbm, vals_hbm, out_hbm, ibuf0, ibuf1, ibuf2,
                           vbuf0, vbuf1, vbuf2, zbuf, shared, semi0, semi1,
                           semi2, semv0, semv1, semv2, sems0, sems1, sems2):
        core = lax.axis_index("c")
        sid = lax.axis_index("s")
        ibufs = (ibuf0, ibuf1, ibuf2)
        vbufs = (vbuf0, vbuf1, vbuf2)
        semis = (semi0, semi1, semi2)
        semvs = (semv0, semv1, semv2)
        semss = (sems0, sems1, sems2)

        @pl.loop(0, ZB, step=16)
        def _(i):
            zbuf[pl.ds(i, 16)] = jnp.zeros((16,), jnp.float32)

        @pl.loop(0, NZ)
        def _(z):
            pltpu.sync_copy(zbuf, shared.at[pl.ds(sid * SLICE + z * ZB, ZB)])

        def row_of(b, w):
            return b * ROWS_B + (sid + 16 * w) * WR

        def issue_load(b, w, k):
            rb = row_of(b, w)
            pltpu.async_copy(idx_hbm.at[pl.ds(rb, WR)], ibufs[k], semis[k])
            pltpu.async_copy(vals_hbm.at[pl.ds(rb, WR)], vbufs[k], semvs[k])

        def wait_load(b, w, k):
            rb = row_of(b, w)
            pltpu.make_async_copy(idx_hbm.at[pl.ds(rb, WR)], ibufs[k],
                                  semis[k]).wait()
            pltpu.make_async_copy(vals_hbm.at[pl.ds(rb, WR)], vbufs[k],
                                  semvs[k]).wait()

        def drain_scatters(k):
            @pl.loop(0, WR, step=8)
            def _(r0):
                for k2 in range(8):
                    pltpu.make_async_copy(
                        vbufs[k].at[r0 + k2],
                        shared.at[plsc.Indices(ibufs[k].at[r0 + k2],
                                               ignored_value=-1)],
                        semss[k],
                    ).wait()

        @pl.loop(0, CHUNKS // 2)
        def _(ci):
            cid = 2 * ci + core
            b = cid // NCH
            j = cid - b * NCH
            lo = j * CH
            nwin = jnp.where(sid < NWIN - 16 * (NWIN // 16), NWIN // 16 + 1,
                             NWIN // 16)
            plsc.subcore_barrier()

            issue_load(b, 0, 0)

            @pl.loop(0, ((NWIN // 16 + 1 + 2) // 3) * 3, step=3)
            def _(w0):
                for k in range(3):
                    w = w0 + k

                    @pl.when(w < nwin)
                    def _():
                        @pl.when(w >= 2)
                        def _():
                            drain_scatters((k + 1) % 3)

                        @pl.when(w + 1 < nwin)
                        def _():
                            issue_load(b, w + 1, (k + 1) % 3)

                        wait_load(b, w, k)
                        ib = ibufs[k]
                        vb = vbufs[k]

                        @pl.loop(0, WR)
                        def _(r):
                            row = ib.at[r]
                            for cc in range(8):
                                sl = pl.ds(cc * 16, 16)
                                v = row[sl]
                                t = v - lo
                                m = (t >= 0) & (t < CH)
                                row[sl] = jnp.where(m, t, -1)

                        @pl.loop(0, WR, step=8)
                        def _(r0):
                            for k2 in range(8):
                                pltpu.async_copy(
                                    vb.at[r0 + k2],
                                    shared.at[plsc.Indices(
                                        ib.at[r0 + k2], ignored_value=-1)],
                                    semss[k],
                                    add=True,
                                )

            for k in range(3):
                @pl.when((lax.rem(nwin - 2, 3) == k)
                         | (lax.rem(nwin - 1, 3) == k))
                def _():
                    drain_scatters(k)

            plsc.subcore_barrier()
            pltpu.sync_copy(
                shared.at[pl.ds(sid * SLICE, SLICE)],
                out_hbm.at[pl.ds(b * P + lo + sid * SLICE, SLICE)],
            )

            @pl.loop(0, NZ)
            def _(z):
                pltpu.sync_copy(zbuf,
                                shared.at[pl.ds(sid * SLICE + z * ZB, ZB)])

    out = scatter_add_kernel(idx, vals)
    return out.reshape(B, H_OUT, W_OUT, C)

# --- scband reference (transcript-rebuilt; emitter-appended) ---
"""Pipeline reference for scband-max-unpooling2-d-69337952027129 (READ-ONLY COPY).

The authoritative reference and input builder live on the scoring server;
editing this copy changes nothing except your own understanding.
"""

import jax, jax.numpy as jnp
import numpy as np

B, h, w, C = 8, 112, 112, 96
H, W = 224, 224

def setup_inputs(seed: int = 0) -> dict:
    key = jax.random.key(seed)
    k1, k2 = jax.random.split(key)
    inputs = jax.random.normal(k1, (B, h, w, C), dtype=jnp.float32)
    # argmax-style indices into the flattened (H*W*C) per-batch output space
    indices = jax.random.randint(k2, (B, h, w, C), 0, H * W * C).astype(jnp.int64)
    output_shape = jnp.array([B, H, W, C], dtype=jnp.int32)
    return {"inputs": inputs, "indices": indices, "output_shape": output_shape}

def reference(inputs, indices, output_shape):
    # output_shape values are static for shape construction (jit-compatible)
    batch_size, height, width, channels = B, H, W, C
    indices = indices.astype(jnp.int32)
    flat_inputs = inputs.reshape(-1)
    flat_indices = indices.reshape(-1)
    per_batch = height * width * channels
    batch_offset = jnp.arange(batch_size, dtype=jnp.int32) * per_batch
    n = flat_indices.shape[0]
    batch_offset = jnp.repeat(batch_offset, n // batch_size)
    flat_indices = flat_indices + batch_offset
    # tf.scatter_nd accumulates duplicate indices -> use scatter-add
    output = jnp.zeros(batch_size * per_batch, dtype=inputs.dtype).at[flat_indices].add(flat_inputs)
    output = output.reshape(batch_size, height, width, channels)
    return output

if __name__ == "__main__":
    import jax
    _d = setup_inputs()
    print(jax.jit(kernel)(*tuple(_d.values())))

</pallas_src>

<mosaic_0001>
#map = affine_map<(d0, d1) -> (0, 0)>
#map1 = affine_map<(d0, d1) -> (0)>
module attributes {stable_mosaic.version = 14 : i64} {
  func.func @scatter_add_kernel(%arg0: i32, %arg1: i32, %arg2: memref<75264x128xi32, #tpu.memory_space<hbm>>, %arg3: memref<75264x128xf32, #tpu.memory_space<hbm>>, %arg4: memref<38535168xf32, #tpu.memory_space<hbm>>, %arg5: memref<32x128xi32, #tpu.memory_space<vmem>>, %arg6: memref<32x128xi32, #tpu.memory_space<vmem>>, %arg7: memref<32x128xi32, #tpu.memory_space<vmem>>, %arg8: memref<32x128xf32, #tpu.memory_space<vmem>>, %arg9: memref<32x128xf32, #tpu.memory_space<vmem>>, %arg10: memref<32x128xf32, #tpu.memory_space<vmem>>, %arg11: memref<3584xf32, #tpu.memory_space<vmem>>, %arg12: memref<1605632xf32, #tpu.memory_space<vmem_shared>>, %arg13: memref<!tpu.dma_semaphore, #tpu.memory_space<semaphore_mem>>, %arg14: memref<!tpu.dma_semaphore, #tpu.memory_space<semaphore_mem>>, %arg15: memref<!tpu.dma_semaphore, #tpu.memory_space<semaphore_mem>>, %arg16: memref<!tpu.dma_semaphore, #tpu.memory_space<semaphore_mem>>, %arg17: memref<!tpu.dma_semaphore, #tpu.memory_space<semaphore_mem>>, %arg18: memref<!tpu.dma_semaphore, #tpu.memory_space<semaphore_mem>>, %arg19: memref<!tpu.dma_semaphore, #tpu.memory_space<semaphore_mem>>, %arg20: memref<!tpu.dma_semaphore, #tpu.memory_space<semaphore_mem>>, %arg21: memref<!tpu.dma_semaphore, #tpu.memory_space<semaphore_mem>>) attributes {dimension_semantics = [#tpu.dimension_semantics<core_parallel>, #tpu.dimension_semantics<subcore_parallel>], iteration_bounds = array<i64: 2, 16>, scalar_prefetch = 0 : i64, scratch_operands = 17 : i64, tpu.core_type = #tpu.core_type<sc_vector_subcore>, window_params = [{transform_indices = #map}, {transform_indices = #map}, {transform_indices = #map1}]} {
    %scan3A = arith.constant 0 : i32
    %scan3A_0 = arith.constant 224 : i32
    %scan3A_1 = arith.addi %scan3A, %scan3A_0 : i32
    %scan3A_2 = arith.constant 1 : i32
    scf.for %scan3A_14 = %scan3A to %scan3A_1 step %scan3A_2  : i32 {
      %mul3A = arith.constant 16 : i32
      %mul3A_15 = arith.muli %scan3A_14, %mul3A : i32
      %add3A = arith.constant 0 : i32
      %add3A_16 = arith.addi %add3A, %mul3A_15 : i32
      %broadcast_in_dim3A = arith.constant 0.000000e+00 : f32
      %broadcast_in_dim3A_17 = vector.broadcast %broadcast_in_dim3A : f32 to vector<16xf32>
      %swap3A = arith.index_cast %add3A_16 : i32 to index
      %swap3A_18 = tpu.vector_load %arg11[%swap3A] {strides = array<i32>} : memref<3584xf32, #tpu.memory_space<vmem>>, vector<16xf32>,
      tpu.vector_store %arg11[%swap3A], %broadcast_in_dim3A_17 {strides = array<i32>} : memref<3584xf32, #tpu.memory_space<vmem>>, vector<16xf32>,
    }
    %scan3A_3 = arith.constant 224 : i32
    %scan3A_4 = arith.constant 0 : i32
    %scan3A_5 = arith.constant 28 : i32
    %scan3A_6 = arith.addi %scan3A_4, %scan3A_5 : i32
    %scan3A_7 = arith.constant 1 : i32
    scf.for %scan3A_14 = %scan3A_4 to %scan3A_6 step %scan3A_7  : i32 {
      %mul3A = arith.constant 1 : i32
      %mul3A_15 = arith.muli %scan3A_14, %mul3A : i32
      %add3A = arith.constant 0 : i32
      %add3A_16 = arith.addi %add3A, %mul3A_15 : i32
      %mul3A_17 = arith.constant 100352 : i32
      %mul3A_18 = arith.muli %arg1, %mul3A_17 : i32
      %mul3A_19 = arith.constant 3584 : i32
      %mul3A_20 = arith.muli %add3A_16, %mul3A_19 : i32
      %add3A_21 = arith.addi %mul3A_18, %mul3A_20 : i32
      "tpu.region"() ({
        %run_scoped3A = tpu.sem_alloc : memref<!tpu.dma_semaphore, #tpu.memory_space<semaphore_mem>>
        %dma_start3A = tpu.memref_slice %arg12[%add3A_21] : memref<1605632xf32, #tpu.memory_space<vmem_shared>> -> memref<3584xf32, #tpu.memory_space<vmem_shared>>
        %dma_start3A_22 = tpu.memref_slice %arg12[%add3A_21] : memref<1605632xf32, #tpu.memory_space<vmem_shared>> -> memref<3584xf32, #tpu.memory_space<vmem_shared>>
        tpu.enqueue_dma source(%arg11 : memref<3584xf32, #tpu.memory_space<vmem>>) target(%dma_start3A_22 : memref<3584xf32, #tpu.memory_space<vmem_shared>>) target_semaphore(%run_scoped3A : memref<!tpu.dma_semaphore, #tpu.memory_space<semaphore_mem>>)
        %dma_wait3A = tpu.memref_slice %arg12[%add3A_21] : memref<1605632xf32, #tpu.memory_space<vmem_shared>> -> memref<3584xf32, #tpu.memory_space<vmem_shared>>
        %dma_wait3A_23 = tpu.memref_slice %arg12[%add3A_21] : memref<1605632xf32, #tpu.memory_space<vmem_shared>> -> memref<3584xf32, #tpu.memory_space<vmem_shared>>
        tpu.wait_dma2 semaphore(%run_scoped3A : memref<!tpu.dma_semaphore, #tpu.memory_space<semaphore_mem>>) src(%arg11 : memref<3584xf32, #tpu.memory_space<vmem>>) dst(%dma_wait3A_23 : memref<3584xf32, #tpu.memory_space<vmem_shared>>)
        tpu.yield
      }) : () -> ()
    }
    %scan3A_8 = arith.constant 28 : i32
    %scan3A_9 = arith.constant 0 : i32
    %scan3A_10 = arith.constant 12 : i32
    %scan3A_11 = arith.addi %scan3A_9, %scan3A_10 : i32
    %scan3A_12 = arith.constant 1 : i32
    scf.for %scan3A_14 = %scan3A_9 to %scan3A_11 step %scan3A_12  : i32 {
      %mul3A = arith.constant 1 : i32
      %mul3A_15 = arith.muli %scan3A_14, %mul3A : i32
      %add3A = arith.constant 0 : i32
      %add3A_16 = arith.addi %add3A, %mul3A_15 : i32
      %mul3A_17 = arith.constant 2 : i32
      %mul3A_18 = arith.muli %mul3A_17, %add3A_16 : i32
      %add3A_19 = arith.addi %mul3A_18, %arg0 : i32
      %jit3A = arith.constant 3 : i32
      %div3A = arith.divsi %add3A_19, %jit3A : i32
      %sign3A = arith.constant 0 : i32
      %sign3A_20 = arith.cmpi sgt, %add3A_19, %sign3A : i32
      %sign3A_21 = arith.extui %sign3A_20 : i1 to i32
      %sign3A_22 = arith.constant 0 : i32
      %sign3A_23 = arith.cmpi slt, %add3A_19, %sign3A_22 : i32
      %sign3A_24 = arith.extui %sign3A_23 : i1 to i32
      %sign3A_25 = arith.subi %sign3A_21, %sign3A_24 : i32
      %sign3A_26 = arith.constant 0 : i32
      %sign3A_27 = arith.cmpi sgt, %jit3A, %sign3A_26 : i32
      %sign3A_28 = arith.extui %sign3A_27 : i1 to i32
      %sign3A_29 = arith.constant 0 : i32
      %sign3A_30 = arith.cmpi slt, %jit3A, %sign3A_29 : i32
      %sign3A_31 = arith.extui %sign3A_30 : i1 to i32
      %sign3A_32 = arith.subi %sign3A_28, %sign3A_31 : i32
      %ne3A = arith.cmpi ne, %sign3A_25, %sign3A_32 : i32
      %rem3A = arith.remsi %add3A_19, %jit3A : i32
      %ne3A_33 = arith.constant 0 : i32
      %ne3A_34 = arith.cmpi ne, %rem3A, %ne3A_33 : i32
      %and3A = arith.andi %ne3A, %ne3A_34 : i1
      %sub3A = arith.constant 1 : i32
      %sub3A_35 = arith.subi %div3A, %sub3A : i32
      %select_n3A = arith.select %and3A, %sub3A_35, %div3A : i32
      %mul3A_36 = arith.constant 3 : i32
      %mul3A_37 = arith.muli %select_n3A, %mul3A_36 : i32
      %sub3A_38 = arith.subi %add3A_19, %mul3A_37 : i32
      %mul3A_39 = arith.constant 1605632 : i32
      %mul3A_40 = arith.muli %sub3A_38, %mul3A_39 : i32
      %lt3A = arith.constant 6 : i32
      %lt3A_41 = arith.cmpi slt, %arg1, %lt3A : i32
      %jit3A_42 = arith.constant 19 : i32
      %jit3A_43 = arith.constant 18 : i32
      %select_n3A_44 = arith.select %lt3A_41, %jit3A_42, %jit3A_43 : i32
      %barrier3A = arith.constant 0 : index
      tpu.barrier barrier_id(%barrier3A)
      %mul3A_45 = arith.constant 9408 : i32
      %mul3A_46 = arith.muli %select_n3A, %mul3A_45 : i32
      %add3A_47 = arith.constant 0 : i32
      %add3A_48 = arith.addi %arg1, %add3A_47 : i32
      %mul3A_49 = arith.constant 32 : i32
      %mul3A_50 = arith.muli %add3A_48, %mul3A_49 : i32
      %add3A_51 = arith.addi %mul3A_46, %mul3A_50 : i32
      %dma_start3A = arith.constant 0 : i32
      %dma_start3A_52 = tpu.memref_slice %arg2[%add3A_51, %dma_start3A] : memref<75264x128xi32, #tpu.memory_space<hbm>> -> memref<32x128xi32, #tpu.memory_space<hbm>>
      %dma_start3A_53 = arith.constant 0 : i32
      %dma_start3A_54 = tpu.memref_slice %arg2[%add3A_51, %dma_start3A_53] : memref<75264x128xi32, #tpu.memory_space<hbm>> -> memref<32x128xi32, #tpu.memory_space<hbm>>
      tpu.enqueue_dma source(%dma_start3A_54 : memref<32x128xi32, #tpu.memory_space<hbm>>) target(%arg5 : memref<32x128xi32, #tpu.memory_space<vmem>>) target_semaphore(%arg13 : memref<!tpu.dma_semaphore, #tpu.memory_space<semaphore_mem>>)
      %dma_start3A_55 = arith.constant 0 : i32
      %dma_start3A_56 = tpu.memref_slice %arg3[%add3A_51, %dma_start3A_55] : memref<75264x128xf32, #tpu.memory_space<hbm>> -> memref<32x128xf32, #tpu.memory_space<hbm>>
      %dma_start3A_57 = arith.constant 0 : i32
      %dma_start3A_58 = tpu.memref_slice %arg3[%add3A_51, %dma_start3A_57] : memref<75264x128xf32, #tpu.memory_space<hbm>> -> memref<32x128xf32, #tpu.memory_space<hbm>>
      tpu.enqueue_dma source(%dma_start3A_58 : memref<32x128xf32, #tpu.memory_space<hbm>>) target(%arg8 : memref<32x128xf32, #tpu.memory_space<vmem>>) target_semaphore(%arg16 : memref<!tpu.dma_semaphore, #tpu.memory_space<semaphore_mem>>)
      %scan3A_59 = arith.constant 0 : i32
      %scan3A_60 = arith.constant 7 : i32
      %scan3A_61 = arith.addi %scan3A_59, %scan3A_60 : i32
      %scan3A_62 = arith.constant 1 : i32
      scf.for %scan3A_122 = %scan3A_59 to %scan3A_61 step %scan3A_62  : i32 {
        %mul3A_123 = arith.constant 3 : i32
        %mul3A_124 = arith.muli %scan3A_122, %mul3A_123 : i32
        %add3A_125 = arith.constant 0 : i32
        %add3A_126 = arith.addi %add3A_125, %mul3A_124 : i32
        %add3A_127 = arith.constant 0 : i32
        %add3A_128 = arith.addi %add3A_126, %add3A_127 : i32
        %lt3A_129 = arith.cmpi slt, %add3A_128, %select_n3A_44 : i32
        %convert_element_type3A_130 = arith.extui %lt3A_129 : i1 to i32
        %cond3A_131 = arith.constant 0 : i32
        %cond3A_132 = arith.cmpi ne, %convert_element_type3A_130, %cond3A_131 : i32
        scf.if %cond3A_132 {
          %ge3A = arith.constant 2 : i32
          %ge3A_145 = arith.cmpi sge, %add3A_128, %ge3A : i32
          %convert_element_type3A_146 = arith.extui %ge3A_145 : i1 to i32
          %cond3A_147 = arith.constant 0 : i32
          %cond3A_148 = arith.cmpi ne, %convert_element_type3A_146, %cond3A_147 : i32
          scf.if %cond3A_148 {
            %scan3A_180 = arith.constant 0 : i32
            %scan3A_181 = arith.constant 4 : i32
            %scan3A_182 = arith.addi %scan3A_180, %scan3A_181 : i32
            %scan3A_183 = arith.constant 1 : i32
            scf.for %scan3A_185 = %scan3A_180 to %scan3A_182 step %scan3A_183  : i32 {
              %mul3A_186 = arith.constant 8 : i32
              %mul3A_187 = arith.muli %scan3A_185, %mul3A_186 : i32
              %add3A_188 = arith.constant 0 : i32
              %add3A_189 = arith.addi %add3A_188, %mul3A_187 : i32
              %add3A_190 = arith.constant 0 : i32
              %add3A_191 = arith.addi %add3A_189, %add3A_190 : i32
              %add3A_192 = arith.constant 0 : i32
              %add3A_193 = arith.addi %add3A_189, %add3A_192 : i32
              %dma_wait3A_194 = arith.constant 0 : i32
              %dma_wait3A_195 = tpu.memref_slice %arg9[%add3A_191, %dma_wait3A_194] : memref<32x128xf32, #tpu.memory_space<vmem>> -> memref<1x128xf32, #tpu.memory_space<vmem>>
              %dma_wait3A_196 = tpu.memref_squeeze %dma_wait3A_195 : memref<1x128xf32, #tpu.memory_space<vmem>> -> memref<128xf32, #tpu.memory_space<vmem>>
              %dma_wait3A_197 = arith.constant 0 : i32
              %dma_wait3A_198 = tpu.memref_slice %arg6[%add3A_193, %dma_wait3A_197] : memref<32x128xi32, #tpu.memory_space<vmem>> -> memref<1x128xi32, #tpu.memory_space<vmem>>
              %dma_wait3A_199 = tpu.memref_squeeze %dma_wait3A_198 : memref<1x128xi32, #tpu.memory_space<vmem>> -> memref<128xi32, #tpu.memory_space<vmem>>
              %dma_wait3A_200 = arith.constant 0 : i32
              %dma_wait3A_201 = tpu.memref_slice %arg12[%dma_wait3A_200] : memref<1605632xf32, #tpu.memory_space<vmem_shared>> -> memref<1605632xf32, #tpu.memory_space<vmem_shared>>
              tpu.wait_indirect_dma semaphore(%arg20 : memref<!tpu.dma_semaphore, #tpu.memory_space<semaphore_mem>>) src(%dma_wait3A_196 : memref<128xf32, #tpu.memory_space<vmem>>) dst(%dma_wait3A_201 : memref<1605632xf32, #tpu.memory_space<vmem_shared>>)
              %add3A_202 = arith.constant 1 : i32
              %add3A_203 = arith.addi %add3A_189, %add3A_202 : i32
              %add3A_204 = arith.constant 1 : i32
              %add3A_205 = arith.addi %add3A_189, %add3A_204 : i32
              %dma_wait3A_206 = arith.constant 0 : i32
              %dma_wait3A_207 = tpu.memref_slice %arg9[%add3A_203, %dma_wait3A_206] : memref<32x128xf32, #tpu.memory_space<vmem>> -> memref<1x128xf32, #tpu.memory_space<vmem>>
              %dma_wait3A_208 = tpu.memref_squeeze %dma_wait3A_207 : memref<1x128xf32, #tpu.memory_space<vmem>> -> memref<128xf32, #tpu.memory_space<vmem>>
              %dma_wait3A_209 = arith.constant 0 : i32
              %dma_wait3A_210 = tpu.memref_slice %arg6[%add3A_205, %dma_wait3A_209] : memref<32x128xi32, #tpu.memory_space<vmem>> -> memref<1x128xi32, #tpu.memory_space<vmem>>
              %dma_wait3A_211 = tpu.memref_squeeze %dma_wait3A_210 : memref<1x128xi32, #tpu.memory_space<vmem>> -> memref<128xi32, #tpu.memory_space<vmem>>
              %dma_wait3A_212 = arith.constant 0 : i32
              %dma_wait3A_213 = tpu.memref_slice %arg12[%dma_wait3A_212] : memref<1605632xf32, #tpu.memory_space<vmem_shared>> -> memref<1605632xf32, #tpu.memory_space<vmem_shared>>
              tpu.wait_indirect_dma semaphore(%arg20 : memref<!tpu.dma_semaphore, #tpu.memory_space<semaphore_mem>>) src(%dma_wait3A_208 : memref<128xf32, #tpu.memory_space<vmem>>) dst(%dma_wait3A_213 : memref<1605632xf32, #tpu.memory_space<vmem_shared>>)
              %add3A_214 = arith.constant 2 : i32
              %add3A_215 = arith.addi %add3A_189, %add3A_214 : i32
              %add3A_216 = arith.constant 2 : i32
              %add3A_217 = arith.addi %add3A_189, %add3A_216 : i32
              %dma_wait3A_218 = arith.constant 0 : i32
              %dma_wait3A_219 = tpu.memref_slice %arg9[%add3A_215, %dma_wait3A_218] : memref<32x128xf32, #tpu.memory_space<vmem>> -> memref<1x128xf32, #tpu.memory_space<vmem>>
              %dma_wait3A_220 = tpu.memref_squeeze %dma_wait3A_219 : memref<1x128xf32, #tpu.memory_space<vmem>> -> memref<128xf32, #tpu.memory_space<vmem>>
              %dma_wait3A_221 = arith.constant 0 : i32
              %dma_wait3A_222 = tpu.memref_slice %arg6[%add3A_217, %dma_wait3A_221] : memref<32x128xi32, #tpu.memory_space<vmem>> -> memref<1x128xi32, #tpu.memory_space<vmem>>
              %dma_wait3A_223 = tpu.memref_squeeze %dma_wait3A_222 : memref<1x128xi32, #tpu.memory_space<vmem>> -> memref<128xi32, #tpu.memory_space<vmem>>
              %dma_wait3A_224 = arith.constant 0 : i32
              %dma_wait3A_225 = tpu.memref_slice %arg12[%dma_wait3A_224] : memref<1605632xf32, #tpu.memory_space<vmem_shared>> -> memref<1605632xf32, #tpu.memory_space<vmem_shared>>
              tpu.wait_indirect_dma semaphore(%arg20 : memref<!tpu.dma_semaphore, #tpu.memory_space<semaphore_mem>>) src(%dma_wait3A_220 : memref<128xf32, #tpu.memory_space<vmem>>) dst(%dma_wait3A_225 : memref<1605632xf32, #tpu.memory_space<vmem_shared>>)
              %add3A_226 = arith.constant 3 : i32
              %add3A_227 = arith.addi %add3A_189, %add3A_226 : i32
              %add3A_228 = arith.constant 3 : i32
              %add3A_229 = arith.addi %add3A_189, %add3A_228 : i32
              %dma_wait3A_230 = arith.constant 0 : i32
              %dma_wait3A_231 = tpu.memref_slice %arg9[%add3A_227, %dma_wait3A_230] : memref<32x128xf32, #tpu.memory_space<vmem>> -> memref<1x128xf32, #tpu.memory_space<vmem>>
              %dma_wait3A_232 = tpu.memref_squeeze %dma_wait3A_231 : memref<1x128xf32, #tpu.memory_space<vmem>> -> memref<128xf32, #tpu.memory_space<vmem>>
              %dma_wait3A_233 = arith.constant 0 : i32
              %dma_wait3A_234 = tpu.memref_slice %arg6[%add3A_229, %dma_wait3A_233] : memref<32x128xi32, #tpu.memory_space<vmem>> -> memref<1x128xi32, #tpu.memory_space<vmem>>
              %dma_wait3A_235 = tpu.memref_squeeze %dma_wait3A_234 : memref<1x128xi32, #tpu.memory_space<vmem>> -> memref<128xi32, #tpu.memory_space<vmem>>
              %dma_wait3A_236 = arith.constant 0 : i32
              %dma_wait3A_237 = tpu.memref_slice %arg12[%dma_wait3A_236] : memref<1605632xf32, #tpu.memory_space<vmem_shared>> -> memref<1605632xf32, #tpu.memory_space<vmem_shared>>
              tpu.wait_indirect_dma semaphore(%arg20 : memref<!tpu.dma_semaphore, #tpu.memory_space<semaphore_mem>>) src(%dma_wait3A_232 : memref<128xf32, #tpu.memory_space<vmem>>) dst(%dma_wait3A_237 : memref<1605632xf32, #tpu.memory_space<vmem_shared>>)
              %add3A_238 = arith.constant 4 : i32
              %add3A_239 = arith.addi %add3A_189, %add3A_238 : i32
              %add3A_240 = arith.constant 4 : i32
              %add3A_241 = arith.addi %add3A_189, %add3A_240 : i32
              %dma_wait3A_242 = arith.constant 0 : i32
              %dma_wait3A_243 = tpu.memref_slice %arg9[%add3A_239, %dma_wait3A_242] : memref<32x128xf32, #tpu.memory_space<vmem>> -> memref<1x128xf32, #tpu.memory_space<vmem>>
              %dma_wait3A_244 = tpu.memref_squeeze %dma_wait3A_243 : memref<1x128xf32, #tpu.memory_space<vmem>> -> memref<128xf32, #tpu.memory_space<vmem>>
              %dma_wait3A_245 = arith.constant 0 : i32
              %dma_wait3A_246 = tpu.memref_slice %arg6[%add3A_241, %dma_wait3A_245] : memref<32x128xi32, #tpu.memory_space<vmem>> -> memref<1x128xi32, #tpu.memory_space<vmem>>
              %dma_wait3A_247 = tpu.memref_squeeze %dma_wait3A_246 : memref<1x128xi32, #tpu.memory_space<vmem>> -> memref<128xi32, #tpu.memory_space<vmem>>
              %dma_wait3A_248 = arith.constant 0 : i32
              %dma_wait3A_249 = tpu.memref_slice %arg12[%dma_wait3A_248] : memref<1605632xf32, #tpu.memory_space<vmem_shared>> -> memref<1605632xf32, #tpu.memory_space<vmem_shared>>
              tpu.wait_indirect_dma semaphore(%arg20 : memref<!tpu.dma_semaphore, #tpu.memory_space<semaphore_mem>>) src(%dma_wait3A_244 : memref<128xf32, #tpu.memory_space<vmem>>) dst(%dma_wait3A_249 : memref<1605632xf32, #tpu.memory_space<vmem_shared>>)
              %add3A_250 = arith.constant 5 : i32
              %add3A_251 = arith.addi %add3A_189, %add3A_250 : i32
              %add3A_252 = arith.constant 5 : i32
              %add3A_253 = arith.addi %add3A_189, %add3A_252 : i32
              %dma_wait3A_254 = arith.constant 0 : i32
              %dma_wait3A_255 = tpu.memref_slice %arg9[%add3A_251, %dma_wait3A_254] : memref<32x128xf32, #tpu.memory_space<vmem>> -> memref<1x128xf32, #tpu.memory_space<vmem>>
              %dma_wait3A_256 = tpu.memref_squeeze %dma_wait3A_255 : memref<1x128xf32, #tpu.memory_space<vmem>> -> memref<128xf32, #tpu.memory_space<vmem>>
              %dma_wait3A_257 = arith.constant 0 : i32
              %dma_wait3A_258 = tpu.memref_slice %arg6[%add3A_253, %dma_wait3A_257] : memref<32x128xi32, #tpu.memory_space<vmem>> -> memref<1x128xi32, #tpu.memory_space<vmem>>
              %dma_wait3A_259 = tpu.memref_squeeze %dma_wait3A_258 : memref<1x128xi32, #tpu.memory_space<vmem>> -> memref<128xi32, #tpu.memory_space<vmem>>
              %dma_wait3A_260 = arith.constant 0 : i32
              %dma_wait3A_261 = tpu.memref_slice %arg12[%dma_wait3A_260] : memref<1605632xf32, #tpu.memory_space<vmem_shared>> -> memref<1605632xf32, #tpu.memory_space<vmem_shared>>
              tpu.wait_indirect_dma semaphore(%arg20 : memref<!tpu.dma_semaphore, #tpu.memory_space<semaphore_mem>>) src(%dma_wait3A_256 : memref<128xf32, #tpu.memory_space<vmem>>) dst(%dma_wait3A_261 : memref<1605632xf32, #tpu.memory_space<vmem_shared>>)
              %add3A_262 = arith.constant 6 : i32
              %add3A_263 = arith.addi %add3A_189, %add3A_262 : i32
              %add3A_264 = arith.constant 6 : i32
              %add3A_265 = arith.addi %add3A_189, %add3A_264 : i32
              %dma_wait3A_266 = arith.constant 0 : i32
              %dma_wait3A_267 = tpu.memref_slice %arg9[%add3A_263, %dma_wait3A_266] : memref<32x128xf32, #tpu.memory_space<vmem>> -> memref<1x128xf32, #tpu.memory_space<vmem>>
              %dma_wait3A_268 = tpu.memref_squeeze %dma_wait3A_267 : memref<1x128xf32, #tpu.memory_space<vmem>> -> memref<128xf32, #tpu.memory_space<vmem>>
              %dma_wait3A_269 = arith.constant 0 : i32
              %dma_wait3A_270 = tpu.memref_slice %arg6[%add3A_265, %dma_wait3A_269] : memref<32x128xi32, #tpu.memory_space<vmem>> -> memref<1x128xi32, #tpu.memory_space<vmem>>
              %dma_wait3A_271 = tpu.memref_squeeze %dma_wait3A_270 : memref<1x128xi32, #tpu.memory_space<vmem>> -> memref<128xi32, #tpu.memory_space<vmem>>
              %dma_wait3A_272 = arith.constant 0 : i32
              %dma_wait3A_273 = tpu.memref_slice %arg12[%dma_wait3A_272] : memref<1605632xf32, #tpu.memory_space<vmem_shared>> -> memref<1605632xf32, #tpu.memory_space<vmem_shared>>
              tpu.wait_indirect_dma semaphore(%arg20 : memref<!tpu.dma_semaphore, #tpu.memory_space<semaphore_mem>>) src(%dma_wait3A_268 : memref<128xf32, #tpu.memory_space<vmem>>) dst(%dma_wait3A_273 : memref<1605632xf32, #tpu.memory_space<vmem_shared>>)
              %add3A_274 = arith.constant 7 : i32
              %add3A_275 = arith.addi %add3A_189, %add3A_274 : i32
              %add3A_276 = arith.constant 7 : i32
              %add3A_277 = arith.addi %add3A_189, %add3A_276 : i32
              %dma_wait3A_278 = arith.constant 0 : i32
              %dma_wait3A_279 = tpu.memref_slice %arg9[%add3A_275, %dma_wait3A_278] : memref<32x128xf32, #tpu.memory_space<vmem>> -> memref<1x128xf32, #tpu.memory_space<vmem>>
              %dma_wait3A_280 = tpu.memref_squeeze %dma_wait3A_279 : memref<1x128xf32, #tpu.memory_space<vmem>> -> memref<128xf32, #tpu.memory_space<vmem>>
              %dma_wait3A_281 = arith.constant 0 : i32
              %dma_wait3A_282 = tpu.memref_slice %arg6[%add3A_277, %dma_wait3A_281] : memref<32x128xi32, #tpu.memory_space<vmem>> -> memref<1x128xi32, #tpu.memory_space<vmem>>
              %dma_wait3A_283 = tpu.memref_squeeze %dma_wait3A_282 : memref<1x128xi32, #tpu.memory_space<vmem>> -> memref<128xi32, #tpu.memory_space<vmem>>
              %dma_wait3A_284 = arith.constant 0 : i32
              %dma_wait3A_285 = tpu.memref_slice %arg12[%dma_wait3A_284] : memref<1605632xf32, #tpu.memory_space<vmem_shared>> -> memref<1605632xf32, #tpu.memory_space<vmem_shared>>
              tpu.wait_indirect_dma semaphore(%arg20 : memref<!tpu.dma_semaphore, #tpu.memory_space<semaphore_mem>>) src(%dma_wait3A_280 : memref<128xf32, #tpu.memory_space<vmem>>) dst(%dma_wait3A_285 : memref<1605632xf32, #tpu.memory_space<vmem_shared>>)
            }
            %scan3A_184 = arith.constant 4 : i32
          } else {
          }
          %add3A_149 = arith.constant 1 : i32
          %add3A_150 = arith.addi %add3A_128, %add3A_149 : i32
          %lt3A_151 = arith.cmpi slt, %add3A_150, %select_n3A_44 : i32
          %convert_element_type3A_152 = arith.extui %lt3A_151 : i1 to i32
          %cond3A_153 = arith.constant 0 : i32
          %cond3A_154 = arith.cmpi ne, %convert_element_type3A_152, %cond3A_153 : i32
          scf.if %cond3A_154 {
            %add3A_180 = arith.constant 1 : i32
            %add3A_181 = arith.addi %add3A_128, %add3A_180 : i32
            %mul3A_182 = arith.constant 9408 : i32
            %mul3A_183 = arith.muli %select_n3A, %mul3A_182 : i32
            %mul3A_184 = arith.constant 16 : i32
            %mul3A_185 = arith.muli %mul3A_184, %add3A_181 : i32
            %add3A_186 = arith.addi %arg1, %mul3A_185 : i32
            %mul3A_187 = arith.constant 32 : i32
            %mul3A_188 = arith.muli %add3A_186, %mul3A_187 : i32
            %add3A_189 = arith.addi %mul3A_183, %mul3A_188 : i32
            %dma_start3A_190 = arith.constant 0 : i32
            %dma_start3A_191 = tpu.memref_slice %arg2[%add3A_189, %dma_start3A_190] : memref<75264x128xi32, #tpu.memory_space<hbm>> -> memref<32x128xi32, #tpu.memory_space<hbm>>
            %dma_start3A_192 = arith.constant 0 : i32
            %dma_start3A_193 = tpu.memref_slice %arg2[%add3A_189, %dma_start3A_192] : memref<75264x128xi32, #tpu.memory_space<hbm>> -> memref<32x128xi32, #tpu.memory_space<hbm>>
            tpu.enqueue_dma source(%dma_start3A_193 : memref<32x128xi32, #tpu.memory_space<hbm>>) target(%arg6 : memref<32x128xi32, #tpu.memory_space<vmem>>) target_semaphore(%arg14 : memref<!tpu.dma_semaphore, #tpu.memory_space<semaphore_mem>>)
            %dma_start3A_194 = arith.constant 0 : i32
            %dma_start3A_195 = tpu.memref_slice %arg3[%add3A_189, %dma_start3A_194] : memref<75264x128xf32, #tpu.memory_space<hbm>> -> memref<32x128xf32, #tpu.memory_space<hbm>>
            %dma_start3A_196 = arith.constant 0 : i32
            %dma_start3A_197 = tpu.memref_slice %arg3[%add3A_189, %dma_start3A_196] : memref<75264x128xf32, #tpu.memory_space<hbm>> -> memref<32x128xf32, #tpu.memory_space<hbm>>
            tpu.enqueue_dma source(%dma_start3A_197 : memref<32x128xf32, #tpu.memory_space<hbm>>) target(%arg9 : memref<32x128xf32, #tpu.memory_space<vmem>>) target_semaphore(%arg17 : memref<!tpu.dma_semaphore, #tpu.memory_space<semaphore_mem>>)
          } else {
          }
          %mul3A_155 = arith.constant 9408 : i32
          %mul3A_156 = arith.muli %select_n3A, %mul3A_155 : i32
          %mul3A_157 = arith.constant 16 : i32
          %mul3A_158 = arith.muli %mul3A_157, %add3A_128 : i32
          %add3A_159 = arith.addi %arg1, %mul3A_158 : i32
          %mul3A_160 = arith.constant 32 : i32
          %mul3A_161 = arith.muli %add3A_159, %mul3A_160 : i32
          %add3A_162 = arith.addi %mul3A_156, %mul3A_161 : i32
          %dma_wait3A = arith.constant 0 : i32
          %dma_wait3A_163 = tpu.memref_slice %arg2[%add3A_162, %dma_wait3A] : memref<75264x128xi32, #tpu.memory_space<hbm>> -> memref<32x128xi32, #tpu.memory_space<hbm>>
          %dma_wait3A_164 = arith.constant 0 : i32
          %dma_wait3A_165 = tpu.memref_slice %arg2[%add3A_162, %dma_wait3A_164] : memref<75264x128xi32, #tpu.memory_space<hbm>> -> memref<32x128xi32, #tpu.memory_space<hbm>>
          tpu.wait_dma2 semaphore(%arg13 : memref<!tpu.dma_semaphore, #tpu.memory_space<semaphore_mem>>) src(%dma_wait3A_165 : memref<32x128xi32, #tpu.memory_space<hbm>>) dst(%arg5 : memref<32x128xi32, #tpu.memory_space<vmem>>)
          %dma_wait3A_166 = arith.constant 0 : i32
          %dma_wait3A_167 = tpu.memref_slice %arg3[%add3A_162, %dma_wait3A_166] : memref<75264x128xf32, #tpu.memory_space<hbm>> -> memref<32x128xf32, #tpu.memory_space<hbm>>
          %dma_wait3A_168 = arith.constant 0 : i32
          %dma_wait3A_169 = tpu.memref_slice %arg3[%add3A_162, %dma_wait3A_168] : memref<75264x128xf32, #tpu.memory_space<hbm>> -> memref<32x128xf32, #tpu.memory_space<hbm>>
          tpu.wait_dma2 semaphore(%arg16 : memref<!tpu.dma_semaphore, #tpu.memory_space<semaphore_mem>>) src(%dma_wait3A_169 : memref<32x128xf32, #tpu.memory_space<hbm>>) dst(%arg8 : memref<32x128xf32, #tpu.memory_space<vmem>>)
          %scan3A_170 = arith.constant 0 : i32
          %scan3A_171 = arith.constant 32 : i32
          %scan3A_172 = arith.addi %scan3A_170, %scan3A_171 : i32
          %scan3A_173 = arith.constant 1 : i32
          scf.for %scan3A_180 = %scan3A_170 to %scan3A_172 step %scan3A_173  : i32 {
            %mul3A_181 = arith.constant 1 : i32
            %mul3A_182 = arith.muli %scan3A_180, %mul3A_181 : i32
            %add3A_183 = arith.constant 0 : i32
            %add3A_184 = arith.addi %add3A_183, %mul3A_182 : i32
            %get3A = arith.constant 0 : i32
            %get3A_185 = tpu.memref_slice %arg5[%add3A_184, %get3A] : memref<32x128xi32, #tpu.memory_space<vmem>> -> memref<1x128xi32, #tpu.memory_space<vmem>>
            %get3A_186 = tpu.memref_squeeze %get3A_185 : memref<1x128xi32, #tpu.memory_space<vmem>> -> memref<128xi32, #tpu.memory_space<vmem>>
            %get3A_187 = arith.constant 0 : index
            %get3A_188 = tpu.vector_load %get3A_186[%get3A_187] {strides = array<i32>} : memref<128xi32, #tpu.memory_space<vmem>>, vector<16xi32>,
            %sub3A_189 = vector.broadcast %mul3A_40 : i32 to vector<16xi32>
            %sub3A_190 = arith.subi %get3A_188, %sub3A_189 : vector<16xi32>
            %ge3A_191 = arith.constant 0 : i32
            %ge3A_192 = vector.broadcast %ge3A_191 : i32 to vector<16xi32>
            %ge3A_193 = arith.cmpi sge, %sub3A_190, %ge3A_192 : vector<16xi32>
            %lt3A_194 = arith.constant 1605632 : i32
            %lt3A_195 = vector.broadcast %lt3A_194 : i32 to vector<16xi32>
            %lt3A_196 = arith.cmpi slt, %sub3A_190, %lt3A_195 : vector<16xi32>
            %and3A_197 = arith.andi %ge3A_193, %lt3A_196 : vector<16xi1>
            %jit3A_198 = arith.constant -1 : i32
            %broadcast_in_dim3A = vector.broadcast %jit3A_198 : i32 to vector<16xi32>
            %select_n3A_199 = arith.select %and3A_197, %sub3A_190, %broadcast_in_dim3A : vector<16xi1>, vector<16xi32>
            %swap3A = arith.constant 0 : i32
            %swap3A_200 = tpu.memref_slice %arg5[%add3A_184, %swap3A] : memref<32x128xi32, #tpu.memory_space<vmem>> -> memref<1x128xi32, #tpu.memory_space<vmem>>
            %swap3A_201 = tpu.memref_squeeze %swap3A_200 : memref<1x128xi32, #tpu.memory_space<vmem>> -> memref<128xi32, #tpu.memory_space<vmem>>
            %swap3A_202 = arith.constant 0 : index
            %swap3A_203 = tpu.vector_load %swap3A_201[%swap3A_202] {strides = array<i32>} : memref<128xi32, #tpu.memory_space<vmem>>, vector<16xi32>,
            tpu.vector_store %swap3A_201[%swap3A_202], %select_n3A_199 {strides = array<i32>} : memref<128xi32, #tpu.memory_space<vmem>>, vector<16xi32>,
            %get3A_204 = arith.constant 0 : i32
            %get3A_205 = tpu.memref_slice %arg5[%add3A_184, %get3A_204] : memref<32x128xi32, #tpu.memory_space<vmem>> -> memref<1x128xi32, #tpu.memory_space<vmem>>
            %get3A_206 = tpu.memref_squeeze %get3A_205 : memref<1x128xi32, #tpu.memory_space<vmem>> -> memref<128xi32, #tpu.memory_space<vmem>>
            %get3A_207 = arith.constant 16 : index
            %get3A_208 = tpu.vector_load %get3A_206[%get3A_207] {strides = array<i32>} : memref<128xi32, #tpu.memory_space<vmem>>, vector<16xi32>,
            %sub3A_209 = vector.broadcast %mul3A_40 : i32 to vector<16xi32>
            %sub3A_210 = arith.subi %get3A_208, %sub3A_209 : vector<16xi32>
            %ge3A_211 = arith.constant 0 : i32
            %ge3A_212 = vector.broadcast %ge3A_211 : i32 to vector<16xi32>
            %ge3A_213 = arith.cmpi sge, %sub3A_210, %ge3A_212 : vector<16xi32>
            %lt3A_214 = arith.constant 1605632 : i32
            %lt3A_215 = vector.broadcast %lt3A_214 : i32 to vector<16xi32>
            %lt3A_216 = arith.cmpi slt, %sub3A_210, %lt3A_215 : vector<16xi32>
            %and3A_217 = arith.andi %ge3A_213, %lt3A_216 : vector<16xi1>
            %jit3A_218 = arith.constant -1 : i32
            %broadcast_in_dim3A_219 = vector.broadcast %jit3A_218 : i32 to vector<16xi32>
            %select_n3A_220 = arith.select %and3A_217, %sub3A_210, %broadcast_in_dim3A_219 : vector<16xi1>, vector<16xi32>
            %swap3A_221 = arith.constant 0 : i32
            %swap3A_222 = tpu.memref_slice %arg5[%add3A_184, %swap3A_221] : memref<32x128xi32, #tpu.memory_space<vmem>> -> memref<1x128xi32, #tpu.memory_space<vmem>>
            %swap3A_223 = tpu.memref_squeeze %swap3A_222 : memref<1x128xi32, #tpu.memory_space<vmem>> -> memref<128xi32, #tpu.memory_space<vmem>>
            %swap3A_224 = arith.constant 16 : index
            %swap3A_225 = tpu.vector_load %swap3A_223[%swap3A_224] {strides = array<i32>} : memref<128xi32, #tpu.memory_space<vmem>>, vector<16xi32>,
            tpu.vector_store %swap3A_223[%swap3A_224], %select_n3A_220 {strides = array<i32>} : memref<128xi32, #tpu.memory_space<vmem>>, vector<16xi32>,
            %get3A_226 = arith.constant 0 : i32
            %get3A_227 = tpu.memref_slice %arg5[%add3A_184, %get3A_226] : memref<32x128xi32, #tpu.memory_space<vmem>> -> memref<1x128xi32, #tpu.memory_space<vmem>>
            %get3A_228 = tpu.memref_squeeze %get3A_227 : memref<1x128xi32, #tpu.memory_space<vmem>> -> memref<128xi32, #tpu.memory_space<vmem>>
            %get3A_229 = arith.constant 32 : index
            %get3A_230 = tpu.vector_load %get3A_228[%get3A_229] {strides = array<i32>} : memref<128xi32, #tpu.memory_space<vmem>>, vector<16xi32>,
            %sub3A_231 = vector.broadcast %mul3A_40 : i32 to vector<16xi32>
            %sub3A_232 = arith.subi %get3A_230, %sub3A_231 : vector<16xi32>
            %ge3A_233 = arith.constant 0 : i32
            %ge3A_234 = vector.broadcast %ge3A_233 : i32 to vector<16xi32>
            %ge3A_235 = arith.cmpi sge, %sub3A_232, %ge3A_234 : vector<16xi32>
            %lt3A_236 = arith.constant 1605632 : i32
            %lt3A_237 = vector.broadcast %lt3A_236 : i32 to vector<16xi32>
            %lt3A_238 = arith.cmpi slt, %sub3A_232, %lt3A_237 : vector<16xi32>
            %and3A_239 = arith.andi %ge3A_235, %lt3A_238 : vector<16xi1>
            %jit3A_240 = arith.constant -1 : i32
            %broadcast_in_dim3A_241 = vector.broadcast %jit3A_240 : i32 to vector<16xi32>
            %select_n3A_242 = arith.select %and3A_239, %sub3A_232, %broadcast_in_dim3A_241 : vector<16xi1>, vector<16xi32>
            %swap3A_243 = arith.constant 0 : i32
            %swap3A_244 = tpu.memref_slice %arg5[%add3A_184, %swap3A_243] : memref<32x128xi32, #tpu.memory_space<vmem>> -> memref<1x128xi32, #tpu.memory_space<vmem>>
            %swap3A_245 = tpu.memref_squeeze %swap3A_244 : memref<1x128xi32, #tpu.memory_space<vmem>> -> memref<128xi32, #tpu.memory_space<vmem>>
            %swap3A_246 = arith.constant 32 : index
            %swap3A_247 = tpu.vector_load %swap3A_245[%swap3A_246] {strides = array<i32>} : memref<128xi32, #tpu.memory_space<vmem>>, vector<16xi32>,
            tpu.vector_store %swap3A_245[%swap3A_246], %select_n3A_242 {strides = array<i32>} : memref<128xi32, #tpu.memory_space<vmem>>, vector<16xi32>,
            %get3A_248 = arith.constant 0 : i32
            %get3A_249 = tpu.memref_slice %arg5[%add3A_184, %get3A_248] : memref<32x128xi32, #tpu.memory_space<vmem>> -> memref<1x128xi32, #tpu.memory_space<vmem>>
            %get3A_250 = tpu.memref_squeeze %get3A_249 : memref<1x128xi32, #tpu.memory_space<vmem>> -> memref<128xi32, #tpu.memory_space<vmem>>
            %get3A_251 = arith.constant 48 : index
            %get3A_252 = tpu.vector_load %get3A_250[%get3A_251] {strides = array<i32>} : memref<128xi32, #tpu.memory_space<vmem>>, vector<16xi32>,
            %sub3A_253 = vector.broadcast %mul3A_40 : i32 to vector<16xi32>
            %sub3A_254 = arith.subi %get3A_252, %sub3A_253 : vector<16xi32>
            %ge3A_255 = arith.constant 0 : i32
            %ge3A_256 = vector.broadcast %ge3A_255 : i32 to vector<16xi32>
            %ge3A_257 = arith.cmpi sge, %sub3A_254, %ge3A_256 : vector<16xi32>
            %lt3A_258 = arith.constant 1605632 : i32
            %lt3A_259 = vector.broadcast %lt3A_258 : i32 to vector<16xi32>
            %lt3A_260 = arith.cmpi slt, %sub3A_254, %lt3A_259 : vector<16xi32>
            %and3A_261 = arith.andi %ge3A_257, %lt3A_260 : vector<16xi1>
            %jit3A_262 = arith.constant -1 : i32
            %broadcast_in_dim3A_263 = vector.broadcast %jit3A_262 : i32 to vector<16xi32>
            %select_n3A_264 = arith.select %and3A_261, %sub3A_254, %broadcast_in_dim3A_263 : vector<16xi1>, vector<16xi32>
            %swap3A_265 = arith.constant 0 : i32
            %swap3A_266 = tpu.memref_slice %arg5[%add3A_184, %swap3A_265] : memref<32x128xi32, #tpu.memory_space<vmem>> -> memref<1x128xi32, #tpu.memory_space<vmem>>
            %swap3A_267 = tpu.memref_squeeze %swap3A_266 : memref<1x128xi32, #tpu.memory_space<vmem>> -> memref<128xi32, #tpu.memory_space<vmem>>
            %swap3A_268 = arith.constant 48 : index
            %swap3A_269 = tpu.vector_load %swap3A_267[%swap3A_268] {strides = array<i32>} : memref<128xi32, #tpu.memory_space<vmem>>, vector<16xi32>,
            tpu.vector_store %swap3A_267[%swap3A_268], %select_n3A_264 {strides = array<i32>} : memref<128xi32, #tpu.memory_space<vmem>>, vector<16xi32>,
            %get3A_270 = arith.constant 0 : i32
            %get3A_271 = tpu.memref_slice %arg5[%add3A_184, %get3A_270] : memref<32x128xi32, #tpu.memory_space<vmem>> -> memref<1x128xi32, #tpu.memory_space<vmem>>
            %get3A_272 = tpu.memref_squeeze %get3A_271 : memref<1x128xi32, #tpu.memory_space<vmem>> -> memref<128xi32, #tpu.memory_space<vmem>>
            %get3A_273 = arith.constant 64 : index
            %get3A_274 = tpu.vector_load %get3A_272[%get3A_273] {strides = array<i32>} : memref<128xi32, #tpu.memory_space<vmem>>, vector<16xi32>,
            %sub3A_275 = vector.broadcast %mul3A_40 : i32 to vector<16xi32>
            %sub3A_276 = arith.subi %get3A_274, %sub3A_275 : vector<16xi32>
            %ge3A_277 = arith.constant 0 : i32
            %ge3A_278 = vector.broadcast %ge3A_277 : i32 to vector<16xi32>
            %ge3A_279 = arith.cmpi sge, %sub3A_276, %ge3A_278 : vector<16xi32>
            %lt3A_280 = arith.constant 1605632 : i32
            %lt3A_281 = vector.broadcast %lt3A_280 : i32 to vector<16xi32>
            %lt3A_282 = arith.cmpi slt, %sub3A_276, %lt3A_281 : vector<16xi32>
            %and3A_283 = arith.andi %ge3A_279, %lt3A_282 : vector<16xi1>
            %jit3A_284 = arith.constant -1 : i32
            %broadcast_in_dim3A_285 = vector.broadcast %jit3A_284 : i32 to vector<16xi32>
            %select_n3A_286 = arith.select %and3A_283, %sub3A_276, %broadcast_in_dim3A_285 : vector<16xi1>, vector<16xi32>
            %swap3A_287 = arith.constant 0 : i32
            %swap3A_288 = tpu.memref_slice %arg5[%add3A_184, %swap3A_287] : memref<32x128xi32, #tpu.memory_space<vmem>> -> memref<1x128xi32, #tpu.memory_space<vmem>>
            %swap3A_289 = tpu.memref_squeeze %swap3A_288 : memref<1x128xi32, #tpu.memory_space<vmem>> -> memref<128xi32, #tpu.memory_space<vmem>>
            %swap3A_290 = arith.constant 64 : index
            %swap3A_291 = tpu.vector_load %swap3A_289[%swap3A_290] {strides = array<i32>} : memref<128xi32, #tpu.memory_space<vmem>>, vector<16xi32>,
            tpu.vector_store %swap3A_289[%swap3A_290], %select_n3A_286 {strides = array<i32>} : memref<128xi32, #tpu.memory_space<vmem>>, vector<16xi32>,
            %get3A_292 = arith.constant 0 : i32
            %get3A_293 = tpu.memref_slice %arg5[%add3A_184, %get3A_292] : memref<32x128xi32, #tpu.memory_space<vmem>> -> memref<1x128xi32, #tpu.memory_space<vmem>>
            %get3A_294 = tpu.memref_squeeze %get3A_293 : memref<1x128xi32, #tpu.memory_space<vmem>> -> memref<128xi32, #tpu.memory_space<vmem>>
            %get3A_295 = arith.constant 80 : index
            %get3A_296 = tpu.vector_load %get3A_294[%get3A_295] {strides = array<i32>} : memref<128xi32, #tpu.memory_space<vmem>>, vector<16xi32>,
            %sub3A_297 = vector.broadcast %mul3A_40 : i32 to vector<16xi32>
            %sub3A_298 = arith.subi %get3A_296, %sub3A_297 : vector<16xi32>
            %ge3A_299 = arith.constant 0 : i32
            %ge3A_300 = vector.broadcast %ge3A_299 : i32 to vector<16xi32>
            %ge3A_301 = arith.cmpi sge, %sub3A_298, %ge3A_300 : vector<16xi32>
            %lt3A_302 = arith.constant 1605632 : i32
            %lt3A_303 = vector.broadcast %lt3A_302 : i32 to vector<16xi32>
            %lt3A_304 = arith.cmpi slt, %sub3A_298, %lt3A_303 : vector<16xi32>
            %and3A_305 = arith.andi %ge3A_301, %lt3A_304 : vector<16xi1>
            %jit3A_306 = arith.constant -1 : i32
            %broadcast_in_dim3A_307 = vector.broadcast %jit3A_306 : i32 to vector<16xi32>
            %select_n3A_308 = arith.select %and3A_305, %sub3A_298, %broadcast_in_dim3A_307 : vector<16xi1>, vector<16xi32>
            %swap3A_309 = arith.constant 0 : i32
            %swap3A_310 = tpu.memref_slice %arg5[%add3A_184, %swap3A_309] : memref<32x128xi32, #tpu.memory_space<vmem>> -> memref<1x128xi32, #tpu.memory_space<vmem>>
            %swap3A_311 = tpu.memref_squeeze %swap3A_310 : memref<1x128xi32, #tpu.memory_space<vmem>> -> memref<128xi32, #tpu.memory_space<vmem>>
            %swap3A_312 = arith.constant 80 : index
            %swap3A_313 = tpu.vector_load %swap3A_311[%swap3A_312] {strides = array<i32>} : memref<128xi32, #tpu.memory_space<vmem>>, vector<16xi32>,
            tpu.vector_store %swap3A_311[%swap3A_312], %select_n3A_308 {strides = array<i32>} : memref<128xi32, #tpu.memory_space<vmem>>, vector<16xi32>,
            %get3A_314 = arith.constant 0 : i32
            %get3A_315 = tpu.memref_slice %arg5[%add3A_184, %get3A_314] : memref<32x128xi32, #tpu.memory_space<vmem>> -> memref<1x128xi32, #tpu.memory_space<vmem>>
            %get3A_316 = tpu.memref_squeeze %get3A_315 : memref<1x128xi32, #tpu.memory_space<vmem>> -> memref<128xi32, #tpu.memory_space<vmem>>
            %get3A_317 = arith.constant 96 : index
            %get3A_318 = tpu.vector_load %get3A_316[%get3A_317] {strides = array<i32>} : memref<128xi32, #tpu.memory_space<vmem>>, vector<16xi32>,
            %sub3A_319 = vector.broadcast %mul3A_40 : i32 to vector<16xi32>
            %sub3A_320 = arith.subi %get3A_318, %sub3A_319 : vector<16xi32>
            %ge3A_321 = arith.constant 0 : i32
            %ge3A_322 = vector.broadcast %ge3A_321 : i32 to vector<16xi32>
            %ge3A_323 = arith.cmpi sge, %sub3A_320, %ge3A_322 : vector<16xi32>
            %lt3A_324 = arith.constant 1605632 : i32
            %lt3A_325 = vector.broadcast %lt3A_324 : i32 to vector<16xi32>
            %lt3A_326 = arith.cmpi slt, %sub3A_320, %lt3A_325 : vector<16xi32>
            %and3A_327 = arith.andi %ge3A_323, %lt3A_326 : vector<16xi1>
            %jit3A_328 = arith.constant -1 : i32
            %broadcast_in_dim3A_329 = vector.broadcast %jit3A_328 : i32 to vector<16xi32>
            %select_n3A_330 = arith.select %and3A_327, %sub3A_320, %broadcast_in_dim3A_329 : vector<16xi1>, vector<16xi32>
            %swap3A_331 = arith.constant 0 : i32
            %swap3A_332 = tpu.memref_slice %arg5[%add3A_184, %swap3A_331] : memref<32x128xi32, #tpu.memory_space<vmem>> -> memref<1x128xi32, #tpu.memory_space<vmem>>
            %swap3A_333 = tpu.memref_squeeze %swap3A_332 : memref<1x128xi32, #tpu.memory_space<vmem>> -> memref<128xi32, #tpu.memory_space<vmem>>
            %swap3A_334 = arith.constant 96 : index
            %swap3A_335 = tpu.vector_load %swap3A_333[%swap3A_334] {strides = array<i32>} : memref<128xi32, #tpu.memory_space<vmem>>, vector<16xi32>,
            tpu.vector_store %swap3A_333[%swap3A_334], %select_n3A_330 {strides = array<i32>} : memref<128xi32, #tpu.memory_space<vmem>>, vector<16xi32>,
            %get3A_336 = arith.constant 0 : i32
            %get3A_337 = tpu.memref_slice %arg5[%add3A_184, %get3A_336] : memref<32x128xi32, #tpu.memory_space<vmem>> -> memref<1x128xi32, #tpu.memory_space<vmem>>
            %get3A_338 = tpu.memref_squeeze %get3A_337 : memref<1x128xi32, #tpu.memory_space<vmem>> -> memref<128xi32, #tpu.memory_space<vmem>>
            %get3A_339 = arith.constant 112 : index
            %get3A_340 = tpu.vector_load %get3A_338[%get3A_339] {strides = array<i32>} : memref<128xi32, #tpu.memory_space<vmem>>, vector<16xi32>,
            %sub3A_341 = vector.broadcast %mul3A_40 : i32 to vector<16xi32>
            %sub3A_342 = arith.subi %get3A_340, %sub3A_341 : vector<16xi32>
            %ge3A_343 = arith.constant 0 : i32
            %ge3A_344 = vector.broadcast %ge3A_343 : i32 to vector<16xi32>
            %ge3A_345 = arith.cmpi sge, %sub3A_342, %ge3A_344 : vector<16xi32>
            %lt3A_346 = arith.constant 1605632 : i32
            %lt3A_347 = vector.broadcast %lt3A_346 : i32 to vector<16xi32>
            %lt3A_348 = arith.cmpi slt, %sub3A_342, %lt3A_347 : vector<16xi32>
            %and3A_349 = arith.andi %ge3A_345, %lt3A_348 : vector<16xi1>
            %jit3A_350 = arith.constant -1 : i32
            %broadcast_in_dim3A_351 = vector.broadcast %jit3A_350 : i32 to vector<16xi32>
            %select_n3A_352 = arith.select %and3A_349, %sub3A_342, %broadcast_in_dim3A_351 : vector<16xi1>, vector<16xi32>
            %swap3A_353 = arith.constant 0 : i32
            %swap3A_354 = tpu.memref_slice %arg5[%add3A_184, %swap3A_353] : memref<32x128xi32, #tpu.memory_space<vmem>> -> memref<1x128xi32, #tpu.memory_space<vmem>>
            %swap3A_355 = tpu.memref_squeeze %swap3A_354 : memref<1x128xi32, #tpu.memory_space<vmem>> -> memref<128xi32, #tpu.memory_space<vmem>>
            %swap3A_356 = arith.constant 112 : index
            %swap3A_357 = tpu.vector_load %swap3A_355[%swap3A_356] {strides = array<i32>} : memref<128xi32, #tpu.memory_space<vmem>>, vector<16xi32>,
            tpu.vector_store %swap3A_355[%swap3A_356], %select_n3A_352 {strides = array<i32>} : memref<128xi32, #tpu.memory_space<vmem>>, vector<16xi32>,
          }
          %scan3A_174 = arith.constant 32 : i32
          %scan3A_175 = arith.constant 0 : i32
          %scan3A_176 = arith.constant 4 : i32
          %scan3A_177 = arith.addi %scan3A_175, %scan3A_176 : i32
          %scan3A_178 = arith.constant 1 : i32
          scf.for %scan3A_180 = %scan3A_175 to %scan3A_177 step %scan3A_178  : i32 {
            %mul3A_181 = arith.constant 8 : i32
            %mul3A_182 = arith.muli %scan3A_180, %mul3A_181 : i32
            %add3A_183 = arith.constant 0 : i32
            %add3A_184 = arith.addi %add3A_183, %mul3A_182 : i32
            %add3A_185 = arith.constant 0 : i32
            %add3A_186 = arith.addi %add3A_184, %add3A_185 : i32
            %add3A_187 = arith.constant 0 : i32
            %add3A_188 = arith.addi %add3A_184, %add3A_187 : i32
            %dma_start3A_189 = arith.constant 0 : i32
            %dma_start3A_190 = tpu.memref_slice %arg8[%add3A_186, %dma_start3A_189] : memref<32x128xf32, #tpu.memory_space<vmem>> -> memref<1x128xf32, #tpu.memory_space<vmem>>
            %dma_start3A_191 = tpu.memref_squeeze %dma_start3A_190 : memref<1x128xf32, #tpu.memory_space<vmem>> -> memref<128xf32, #tpu.memory_space<vmem>>
            %dma_start3A_192 = arith.constant 0 : i32
            %dma_start3A_193 = tpu.memref_slice %arg5[%add3A_188, %dma_start3A_192] : memref<32x128xi32, #tpu.memory_space<vmem>> -> memref<1x128xi32, #tpu.memory_space<vmem>>
            %dma_start3A_194 = tpu.memref_squeeze %dma_start3A_193 : memref<1x128xi32, #tpu.memory_space<vmem>> -> memref<128xi32, #tpu.memory_space<vmem>>
            %dma_start3A_195 = arith.constant 0 : i32
            %dma_start3A_196 = tpu.memref_slice %arg12[%dma_start3A_195] : memref<1605632xf32, #tpu.memory_space<vmem_shared>> -> memref<1605632xf32, #tpu.memory_space<vmem_shared>>
            %dma_start3A_197 = arith.constant -1 : i32
            tpu.enqueue_indirect_dma source(%dma_start3A_191 : memref<128xf32, #tpu.memory_space<vmem>>) target(%dma_start3A_196 : memref<1605632xf32, #tpu.memory_space<vmem_shared>>) offsets(%dma_start3A_194 : memref<128xi32, #tpu.memory_space<vmem>>) offset_filter(%dma_start3A_197) semaphore(%arg19 : memref<!tpu.dma_semaphore, #tpu.memory_space<semaphore_mem>>) {add = true}
            %add3A_198 = arith.constant 1 : i32
            %add3A_199 = arith.addi %add3A_184, %add3A_198 : i32
            %add3A_200 = arith.constant 1 : i32
            %add3A_201 = arith.addi %add3A_184, %add3A_200 : i32
            %dma_start3A_202 = arith.constant 0 : i32
            %dma_start3A_203 = tpu.memref_slice %arg8[%add3A_199, %dma_start3A_202] : memref<32x128xf32, #tpu.memory_space<vmem>> -> memref<1x128xf32, #tpu.memory_space<vmem>>
            %dma_start3A_204 = tpu.memref_squeeze %dma_start3A_203 : memref<1x128xf32, #tpu.memory_space<vmem>> -> memref<128xf32, #tpu.memory_space<vmem>>
            %dma_start3A_205 = arith.constant 0 : i32
            %dma_start3A_206 = tpu.memref_slice %arg5[%add3A_201, %dma_start3A_205] : memref<32x128xi32, #tpu.memory_space<vmem>> -> memref<1x128xi32, #tpu.memory_space<vmem>>
            %dma_start3A_207 = tpu.memref_squeeze %dma_start3A_206 : memref<1x128xi32, #tpu.memory_space<vmem>> -> memref<128xi32, #tpu.memory_space<vmem>>
            %dma_start3A_208 = arith.constant 0 : i32
            %dma_start3A_209 = tpu.memref_slice %arg12[%dma_start3A_208] : memref<1605632xf32, #tpu.memory_space<vmem_shared>> -> memref<1605632xf32, #tpu.memory_space<vmem_shared>>
            %dma_start3A_210 = arith.constant -1 : i32
            tpu.enqueue_indirect_dma source(%dma_start3A_204 : memref<128xf32, #tpu.memory_space<vmem>>) target(%dma_start3A_209 : memref<1605632xf32, #tpu.memory_space<vmem_shared>>) offsets(%dma_start3A_207 : memref<128xi32, #tpu.memory_space<vmem>>) offset_filter(%dma_start3A_210) semaphore(%arg19 : memref<!tpu.dma_semaphore, #tpu.memory_space<semaphore_mem>>) {add = true}
            %add3A_211 = arith.constant 2 : i32
            %add3A_212 = arith.addi %add3A_184, %add3A_211 : i32
            %add3A_213 = arith.constant 2 : i32
            %add3A_214 = arith.addi %add3A_184, %add3A_213 : i32
            %dma_start3A_215 = arith.constant 0 : i32
            %dma_start3A_216 = tpu.memref_slice %arg8[%add3A_212, %dma_start3A_215] : memref<32x128xf32, #tpu.memory_space<vmem>> -> memref<1x128xf32, #tpu.memory_space<vmem>>
            %dma_start3A_217 = tpu.memref_squeeze %dma_start3A_216 : memref<1x128xf32, #tpu.memory_space<vmem>> -> memref<128xf32, #tpu.memory_space<vmem>>
            %dma_start3A_218 = arith.constant 0 : i32
            %dma_start3A_219 = tpu.memref_slice %arg5[%add3A_214, %dma_start3A_218] : memref<32x128xi32, #tpu.memory_space<vmem>> -> memref<1x128xi32, #tpu.memory_space<vmem>>
            %dma_start3A_220 = tpu.memref_squeeze %dma_start3A_219 : memref<1x128xi32, #tpu.memory_space<vmem>> -> memref<128xi32, #tpu.memory_space<vmem>>
            %dma_start3A_221 = arith.constant 0 : i32
            %dma_start3A_222 = tpu.memref_slice %arg12[%dma_start3A_221] : memref<1605632xf32, #tpu.memory_space<vmem_shared>> -> memref<1605632xf32, #tpu.memory_space<vmem_shared>>
            %dma_start3A_223 = arith.constant -1 : i32
            tpu.enqueue_indirect_dma source(%dma_start3A_217 : memref<128xf32, #tpu.memory_space<vmem>>) target(%dma_start3A_222 : memref<1605632xf32, #tpu.memory_space<vmem_shared>>) offsets(%dma_start3A_220 : memref<128xi32, #tpu.memory_space<vmem>>) offset_filter(%dma_start3A_223) semaphore(%arg19 : memref<!tpu.dma_semaphore, #tpu.memory_space<semaphore_mem>>) {add = true}
            %add3A_224 = arith.constant 3 : i32
            %add3A_225 = arith.addi %add3A_184, %add3A_224 : i32
            %add3A_226 = arith.constant 3 : i32
            %add3A_227 = arith.addi %add3A_184, %add3A_226 : i32
            %dma_start3A_228 = arith.constant 0 : i32
            %dma_start3A_229 = tpu.memref_slice %arg8[%add3A_225, %dma_start3A_228] : memref<32x128xf32, #tpu.memory_space<vmem>> -> memref<1x128xf32, #tpu.memory_space<vmem>>
            %dma_start3A_230 = tpu.memref_squeeze %dma_start3A_229 : memref<1x128xf32, #tpu.memory_space<vmem>> -> memref<128xf32, #tpu.memory_space<vmem>>
            %dma_start3A_231 = arith.constant 0 : i32
            %dma_start3A_232 = tpu.memref_slice %arg5[%add3A_227, %dma_start3A_231] : memref<32x128xi32, #tpu.memory_space<vmem>> -> memref<1x128xi32, #tpu.memory_space<vmem>>
            %dma_start3A_233 = tpu.memref_squeeze %dma_start3A_232 : memref<1x128xi32, #tpu.memory_space<vmem>> -> memref<128xi32, #tpu.memory_space<vmem>>
            %dma_start3A_234 = arith.constant 0 : i32
            %dma_start3A_235 = tpu.memref_slice %arg12[%dma_start3A_234] : memref<1605632xf32, #tpu.memory_space<vmem_shared>> -> memref<1605632xf32, #tpu.memory_space<vmem_shared>>
            %dma_start3A_236 = arith.constant -1 : i32
            tpu.enqueue_indirect_dma source(%dma_start3A_230 : memref<128xf32, #tpu.memory_space<vmem>>) target(%dma_start3A_235 : memref<1605632xf32, #tpu.memory_space<vmem_shared>>) offsets(%dma_start3A_233 : memref<128xi32, #tpu.memory_space<vmem>>) offset_filter(%dma_start3A_236) semaphore(%arg19 : memref<!tpu.dma_semaphore, #tpu.memory_space<semaphore_mem>>) {add = true}
            %add3A_237 = arith.constant 4 : i32
            %add3A_238 = arith.addi %add3A_184, %add3A_237 : i32
            %add3A_239 = arith.constant 4 : i32
            %add3A_240 = arith.addi %add3A_184, %add3A_239 : i32
            %dma_start3A_241 = arith.constant 0 : i32
            %dma_start3A_242 = tpu.memref_slice %arg8[%add3A_238, %dma_start3A_241] : memref<32x128xf32, #tpu.memory_space<vmem>> -> memref<1x128xf32, #tpu.memory_space<vmem>>
            %dma_start3A_243 = tpu.memref_squeeze %dma_start3A_242 : memref<1x128xf32, #tpu.memory_space<vmem>> -> memref<128xf32, #tpu.memory_space<vmem>>
            %dma_start3A_244 = arith.constant 0 : i32
            %dma_start3A_245 = tpu.memref_slice %arg5[%add3A_240, %dma_start3A_244] : memref<32x128xi32, #tpu.memory_space<vmem>> -> memref<1x128xi32, #tpu.memory_space<vmem>>
            %dma_start3A_246 = tpu.memref_squeeze %dma_start3A_245 : memref<1x128xi32, #tpu.memory_space<vmem>> -> memref<128xi32, #tpu.memory_space<vmem>>
            %dma_start3A_247 = arith.constant 0 : i32
            %dma_start3A_248 = tpu.memref_slice %arg12[%dma_start3A_247] : memref<1605632xf32, #tpu.memory_space<vmem_shared>> -> memref<1605632xf32, #tpu.memory_space<vmem_shared>>
            %dma_start3A_249 = arith.constant -1 : i32
            tpu.enqueue_indirect_dma source(%dma_start3A_243 : memref<128xf32, #tpu.memory_space<vmem>>) target(%dma_start3A_248 : memref<1605632xf32, #tpu.memory_space<vmem_shared>>) offsets(%dma_start3A_246 : memref<128xi32, #tpu.memory_space<vmem>>) offset_filter(%dma_start3A_249) semaphore(%arg19 : memref<!tpu.dma_semaphore, #tpu.memory_space<semaphore_mem>>) {add = true}
            %add3A_250 = arith.constant 5 : i32
            %add3A_251 = arith.addi %add3A_184, %add3A_250 : i32
            %add3A_252 = arith.constant 5 : i32
            %add3A_253 = arith.addi %add3A_184, %add3A_252 : i32
            %dma_start3A_254 = arith.constant 0 : i32
            %dma_start3A_255 = tpu.memref_slice %arg8[%add3A_251, %dma_start3A_254] : memref<32x128xf32, #tpu.memory_space<vmem>> -> memref<1x128xf32, #tpu.memory_space<vmem>>
            %dma_start3A_256 = tpu.memref_squeeze %dma_start3A_255 : memref<1x128xf32, #tpu.memory_space<vmem>> -> memref<128xf32, #tpu.memory_space<vmem>>
            %dma_start3A_257 = arith.constant 0 : i32
            %dma_start3A_258 = tpu.memref_slice %arg5[%add3A_253, %dma_start3A_257] : memref<32x128xi32, #tpu.memory_space<vmem>> -> memref<1x128xi32, #tpu.memory_space<vmem>>
            %dma_start3A_259 = tpu.memref_squeeze %dma_start3A_258 : memref<1x128xi32, #tpu.memory_space<vmem>> -> memref<128xi32, #tpu.memory_space<vmem>>
            %dma_start3A_260 = arith.constant 0 : i32
            %dma_start3A_261 = tpu.memref_slice %arg12[%dma_start3A_260] : memref<1605632xf32, #tpu.memory_space<vmem_shared>> -> memref<1605632xf32, #tpu.memory_space<vmem_shared>>
            %dma_start3A_262 = arith.constant -1 : i32
            tpu.enqueue_indirect_dma source(%dma_start3A_256 : memref<128xf32, #tpu.memory_space<vmem>>) target(%dma_start3A_261 : memref<1605632xf32, #tpu.memory_space<vmem_shared>>) offsets(%dma_start3A_259 : memref<128xi32, #tpu.memory_space<vmem>>) offset_filter(%dma_start3A_262) semaphore(%arg19 : memref<!tpu.dma_semaphore, #tpu.memory_space<semaphore_mem>>) {add = true}
            %add3A_263 = arith.constant 6 : i32
            %add3A_264 = arith.addi %add3A_184, %add3A_263 : i32
            %add3A_265 = arith.constant 6 : i32
            %add3A_266 = arith.addi %add3A_184, %add3A_265 : i32
            %dma_start3A_267 = arith.constant 0 : i32
            %dma_start3A_268 = tpu.memref_slice %arg8[%add3A_264, %dma_start3A_267] : memref<32x128xf32, #tpu.memory_space<vmem>> -> memref<1x128xf32, #tpu.memory_space<vmem>>
            %dma_start3A_269 = tpu.memref_squeeze %dma_start3A_268 : memref<1x128xf32, #tpu.memory_space<vmem>> -> memref<128xf32, #tpu.memory_space<vmem>>
            %dma_start3A_270 = arith.constant 0 : i32
            %dma_start3A_271 = tpu.memref_slice %arg5[%add3A_266, %dma_start3A_270] : memref<32x128xi32, #tpu.memory_space<vmem>> -> memref<1x128xi32, #tpu.memory_space<vmem>>
            %dma_start3A_272 = tpu.memref_squeeze %dma_start3A_271 : memref<1x128xi32, #tpu.memory_space<vmem>> -> memref<128xi32, #tpu.memory_space<vmem>>
            %dma_start3A_273 = arith.constant 0 : i32
            %dma_start3A_274 = tpu.memref_slice %arg12[%dma_start3A_273] : memref<1605632xf32, #tpu.memory_space<vmem_shared>> -> memref<1605632xf32, #tpu.memory_space<vmem_shared>>
            %dma_start3A_275 = arith.constant -1 : i32
            tpu.enqueue_indirect_dma source(%dma_start3A_269 : memref<128xf32, #tpu.memory_space<vmem>>) target(%dma_start3A_274 : memref<1605632xf32, #tpu.memory_space<vmem_shared>>) offsets(%dma_start3A_272 : memref<128xi32, #tpu.memory_space<vmem>>) offset_filter(%dma_start3A_275) semaphore(%arg19 : memref<!tpu.dma_semaphore, #tpu.memory_space<semaphore_mem>>) {add = true}
            %add3A_276 = arith.constant 7 : i32
            %add3A_277 = arith.addi %add3A_184, %add3A_276 : i32
            %add3A_278 = arith.constant 7 : i32
            %add3A_279 = arith.addi %add3A_184, %add3A_278 : i32
            %dma_start3A_280 = arith.constant 0 : i32
            %dma_start3A_281 = tpu.memref_slice %arg8[%add3A_277, %dma_start3A_280] : memref<32x128xf32, #tpu.memory_space<vmem>> -> memref<1x128xf32, #tpu.memory_space<vmem>>
            %dma_start3A_282 = tpu.memref_squeeze %dma_start3A_281 : memref<1x128xf32, #tpu.memory_space<vmem>> -> memref<128xf32, #tpu.memory_space<vmem>>
            %dma_start3A_283 = arith.constant 0 : i32
            %dma_start3A_284 = tpu.memref_slice %arg5[%add3A_279, %dma_start3A_283] : memref<32x128xi32, #tpu.memory_space<vmem>> -> memref<1x128xi32, #tpu.memory_space<vmem>>
            %dma_start3A_285 = tpu.memref_squeeze %dma_start3A_284 : memref<1x128xi32, #tpu.memory_space<vmem>> -> memref<128xi32, #tpu.memory_space<vmem>>
            %dma_start3A_286 = arith.constant 0 : i32
            %dma_start3A_287 = tpu.memref_slice %arg12[%dma_start3A_286] : memref<1605632xf32, #tpu.memory_space<vmem_shared>> -> memref<1605632xf32, #tpu.memory_space<vmem_shared>>
            %dma_start3A_288 = arith.constant -1 : i32
            tpu.enqueue_indirect_dma source(%dma_start3A_282 : memref<128xf32, #tpu.memory_space<vmem>>) target(%dma_start3A_287 : memref<1605632xf32, #tpu.memory_space<vmem_shared>>) offsets(%dma_start3A_285 : memref<128xi32, #tpu.memory_space<vmem>>) offset_filter(%dma_start3A_288) semaphore(%arg19 : memref<!tpu.dma_semaphore, #tpu.memory_space<semaphore_mem>>) {add = true}
          }
          %scan3A_179 = arith.constant 4 : i32
        } else {
        }
        %add3A_133 = arith.constant 1 : i32
        %add3A_134 = arith.addi %add3A_126, %add3A_133 : i32
        %lt3A_135 = arith.cmpi slt, %add3A_134, %select_n3A_44 : i32
        %convert_element_type3A_136 = arith.extui %lt3A_135 : i1 to i32
        %cond3A_137 = arith.constant 0 : i32
        %cond3A_138 = arith.cmpi ne, %convert_element_type3A_136, %cond3A_137 : i32
        scf.if %cond3A_138 {
          %ge3A = arith.constant 2 : i32
          %ge3A_145 = arith.cmpi sge, %add3A_134, %ge3A : i32
          %convert_element_type3A_146 = arith.extui %ge3A_145 : i1 to i32
          %cond3A_147 = arith.constant 0 : i32
          %cond3A_148 = arith.cmpi ne, %convert_element_type3A_146, %cond3A_147 : i32
          scf.if %cond3A_148 {
            %scan3A_180 = arith.constant 0 : i32
            %scan3A_181 = arith.constant 4 : i32
            %scan3A_182 = arith.addi %scan3A_180, %scan3A_181 : i32
            %scan3A_183 = arith.constant 1 : i32
            scf.for %scan3A_185 = %scan3A_180 to %scan3A_182 step %scan3A_183  : i32 {
              %mul3A_186 = arith.constant 8 : i32
              %mul3A_187 = arith.muli %scan3A_185, %mul3A_186 : i32
              %add3A_188 = arith.constant 0 : i32
              %add3A_189 = arith.addi %add3A_188, %mul3A_187 : i32
              %add3A_190 = arith.constant 0 : i32
              %add3A_191 = arith.addi %add3A_189, %add3A_190 : i32
              %add3A_192 = arith.constant 0 : i32
              %add3A_193 = arith.addi %add3A_189, %add3A_192 : i32
              %dma_wait3A_194 = arith.constant 0 : i32
              %dma_wait3A_195 = tpu.memref_slice %arg10[%add3A_191, %dma_wait3A_194] : memref<32x128xf32, #tpu.memory_space<vmem>> -> memref<1x128xf32, #tpu.memory_space<vmem>>
              %dma_wait3A_196 = tpu.memref_squeeze %dma_wait3A_195 : memref<1x128xf32, #tpu.memory_space<vmem>> -> memref<128xf32, #tpu.memory_space<vmem>>
              %dma_wait3A_197 = arith.constant 0 : i32
              %dma_wait3A_198 = tpu.memref_slice %arg7[%add3A_193, %dma_wait3A_197] : memref<32x128xi32, #tpu.memory_space<vmem>> -> memref<1x128xi32, #tpu.memory_space<vmem>>
              %dma_wait3A_199 = tpu.memref_squeeze %dma_wait3A_198 : memref<1x128xi32, #tpu.memory_space<vmem>> -> memref<128xi32, #tpu.memory_space<vmem>>
              %dma_wait3A_200 = arith.constant 0 : i32
              %dma_wait3A_201 = tpu.memref_slice %arg12[%dma_wait3A_200] : memref<1605632xf32, #tpu.memory_space<vmem_shared>> -> memref<1605632xf32, #tpu.memory_space<vmem_shared>>
              tpu.wait_indirect_dma semaphore(%arg21 : memref<!tpu.dma_semaphore, #tpu.memory_space<semaphore_mem>>) src(%dma_wait3A_196 : memref<128xf32, #tpu.memory_space<vmem>>) dst(%dma_wait3A_201 : memref<1605632xf32, #tpu.memory_space<vmem_shared>>)
              %add3A_202 = arith.constant 1 : i32
              %add3A_203 = arith.addi %add3A_189, %add3A_202 : i32
              %add3A_204 = arith.constant 1 : i32
              %add3A_205 = arith.addi %add3A_189, %add3A_204 : i32
              %dma_wait3A_206 = arith.constant 0 : i32
              %dma_wait3A_207 = tpu.memref_slice %arg10[%add3A_203, %dma_wait3A_206] : memref<32x128xf32, #tpu.memory_space<vmem>> -> memref<1x128xf32, #tpu.memory_space<vmem>>
              %dma_wait3A_208 = tpu.memref_squeeze %dma_wait3A_207 : memref<1x128xf32, #tpu.memory_space<vmem>> -> memref<128xf32, #tpu.memory_space<vmem>>
              %dma_wait3A_209 = arith.constant 0 : i32
              %dma_wait3A_210 = tpu.memref_slice %arg7[%add3A_205, %dma_wait3A_209] : memref<32x128xi32, #tpu.memory_space<vmem>> -> memref<1x128xi32, #tpu.memory_space<vmem>>
              %dma_wait3A_211 = tpu.memref_squeeze %dma_wait3A_210 : memref<1x128xi32, #tpu.memory_space<vmem>> -> memref<128xi32, #tpu.memory_space<vmem>>
              %dma_wait3A_212 = arith.constant 0 : i32
              %dma_wait3A_213 = tpu.memref_slice %arg12[%dma_wait3A_212] : memref<1605632xf32, #tpu.memory_space<vmem_shared>> -> memref<1605632xf32, #tpu.memory_space<vmem_shared>>
              tpu.wait_indirect_dma semaphore(%arg21 : memref<!tpu.dma_semaphore, #tpu.memory_space<semaphore_mem>>) src(%dma_wait3A_208 : memref<128xf32, #tpu.memory_space<vmem>>) dst(%dma_wait3A_213 : memref<1605632xf32, #tpu.memory_space<vmem_shared>>)
              %add3A_214 = arith.constant 2 : i32
              %add3A_215 = arith.addi %add3A_189, %add3A_214 : i32
              %add3A_216 = arith.constant 2 : i32
              %add3A_217 = arith.addi %add3A_189, %add3A_216 : i32
              %dma_wait3A_218 = arith.constant 0 : i32
              %dma_wait3A_219 = tpu.memref_slice %arg10[%add3A_215, %dma_wait3A_218] : memref<32x128xf32, #tpu.memory_space<vmem>> -> memref<1x128xf32, #tpu.memory_space<vmem>>
              %dma_wait3A_220 = tpu.memref_squeeze %dma_wait3A_219 : memref<1x128xf32, #tpu.memory_space<vmem>> -> memref<128xf32, #tpu.memory_space<vmem>>
              %dma_wait3A_221 = arith.constant 0 : i32
              %dma_wait3A_222 = tpu.memref_slice %arg7[%add3A_217, %dma_wait3A_221] : memref<32x128xi32, #tpu.memory_space<vmem>> -> memref<1x128xi32, #tpu.memory_space<vmem>>
              %dma_wait3A_223 = tpu.memref_squeeze %dma_wait3A_222 : memref<1x128xi32, #tpu.memory_space<vmem>> -> memref<128xi32, #tpu.memory_space<vmem>>
              %dma_wait3A_224 = arith.constant 0 : i32
              %dma_wait3A_225 = tpu.memref_slice %arg12[%dma_wait3A_224] : memref<1605632xf32, #tpu.memory_space<vmem_shared>> -> memref<1605632xf32, #tpu.memory_space<vmem_shared>>
              tpu.wait_indirect_dma semaphore(%arg21 : memref<!tpu.dma_semaphore, #tpu.memory_space<semaphore_mem>>) src(%dma_wait3A_220 : memref<128xf32, #tpu.memory_space<vmem>>) dst(%dma_wait3A_225 : memref<1605632xf32, #tpu.memory_space<vmem_shared>>)
              %add3A_226 = arith.constant 3 : i32
              %add3A_227 = arith.addi %add3A_189, %add3A_226 : i32
              %add3A_228 = arith.constant 3 : i32
              %add3A_229 = arith.addi %add3A_189, %add3A_228 : i32
              %dma_wait3A_230 = arith.constant 0 : i32
              %dma_wait3A_231 = tpu.memref_slice %arg10[%add3A_227, %dma_wait3A_230] : memref<32x128xf32, #tpu.memory_space<vmem>> -> memref<1x128xf32, #tpu.memory_space<vmem>>
              %dma_wait3A_232 = tpu.memref_squeeze %dma_wait3A_231 : memref<1x128xf32, #tpu.memory_space<vmem>> -> memref<128xf32, #tpu.memory_space<vmem>>
              %dma_wait3A_233 = arith.constant 0 : i32
              %dma_wait3A_234 = tpu.memref_slice %arg7[%add3A_229, %dma_wait3A_233] : memref<32x128xi32, #tpu.memory_space<vmem>> -> memref<1x128xi32, #tpu.memory_space<vmem>>
              %dma_wait3A_235 = tpu.memref_squeeze %dma_wait3A_234 : memref<1x128xi32, #tpu.memory_space<vmem>> -> memref<128xi32, #tpu.memory_space<vmem>>
              %dma_wait3A_236 = arith.constant 0 : i32
              %dma_wait3A_237 = tpu.memref_slice %arg12[%dma_wait3A_236] : memref<1605632xf32, #tpu.memory_space<vmem_shared>> -> memref<1605632xf32, #tpu.memory_space<vmem_shared>>
              tpu.wait_indirect_dma semaphore(%arg21 : memref<!tpu.dma_semaphore, #tpu.memory_space<semaphore_mem>>) src(%dma_wait3A_232 : memref<128xf32, #tpu.memory_space<vmem>>) dst(%dma_wait3A_237 : memref<1605632xf32, #tpu.memory_space<vmem_shared>>)
              %add3A_238 = arith.constant 4 : i32
              %add3A_239 = arith.addi %add3A_189, %add3A_238 : i32
              %add3A_240 = arith.constant 4 : i32
              %add3A_241 = arith.addi %add3A_189, %add3A_240 : i32
              %dma_wait3A_242 = arith.constant 0 : i32
              %dma_wait3A_243 = tpu.memref_slice %arg10[%add3A_239, %dma_wait3A_242] : memref<32x128xf32, #tpu.memory_space<vmem>> -> memref<1x128xf32, #tpu.memory_space<vmem>>
              %dma_wait3A_244 = tpu.memref_squeeze %dma_wait3A_243 : memref<1x128xf32, #tpu.memory_space<vmem>> -> memref<128xf32, #tpu.memory_space<vmem>>
              %dma_wait3A_245 = arith.constant 0 : i32
              %dma_wait3A_246 = tpu.memref_slice %arg7[%add3A_241, %dma_wait3A_245] : memref<32x128xi32, #tpu.memory_space<vmem>> -> memref<1x128xi32, #tpu.memory_space<vmem>>
              %dma_wait3A_247 = tpu.memref_squeeze %dma_wait3A_246 : memref<1x128xi32, #tpu.memory_space<vmem>> -> memref<128xi32, #tpu.memory_space<vmem>>
              %dma_wait3A_248 = arith.constant 0 : i32
              %dma_wait3A_249 = tpu.memref_slice %arg12[%dma_wait3A_248] : memref<1605632xf32, #tpu.memory_space<vmem_shared>> -> memref<1605632xf32, #tpu.memory_space<vmem_shared>>
              tpu.wait_indirect_dma semaphore(%arg21 : memref<!tpu.dma_semaphore, #tpu.memory_space<semaphore_mem>>) src(%dma_wait3A_244 : memref<128xf32, #tpu.memory_space<vmem>>) dst(%dma_wait3A_249 : memref<1605632xf32, #tpu.memory_space<vmem_shared>>)
              %add3A_250 = arith.constant 5 : i32
              %add3A_251 = arith.addi %add3A_189, %add3A_250 : i32
              %add3A_252 = arith.constant 5 : i32
              %add3A_253 = arith.addi %add3A_189, %add3A_252 : i32
              %dma_wait3A_254 = arith.constant 0 : i32
              %dma_wait3A_255 = tpu.memref_slice %arg10[%add3A_251, %dma_wait3A_254] : memref<32x128xf32, #tpu.memory_space<vmem>> -> memref<1x128xf32, #tpu.memory_space<vmem>>
              %dma_wait3A_256 = tpu.memref_squeeze %dma_wait3A_255 : memref<1x128xf32, #tpu.memory_space<vmem>> -> memref<128xf32, #tpu.memory_space<vmem>>
              %dma_wait3A_257 = arith.constant 0 : i32
              %dma_wait3A_258 = tpu.memref_slice %arg7[%add3A_253, %dma_wait3A_257] : memref<32x128xi32, #tpu.memory_space<vmem>> -> memref<1x128xi32, #tpu.memory_space<vmem>>
              %dma_wait3A_259 = tpu.memref_squeeze %dma_wait3A_258 : memref<1x128xi32, #tpu.memory_space<vmem>> -> memref<128xi32, #tpu.memory_space<vmem>>
              %dma_wait3A_260 = arith.constant 0 : i32
              %dma_wait3A_261 = tpu.memref_slice %arg12[%dma_wait3A_260] : memref<1605632xf32, #tpu.memory_space<vmem_shared>> -> memref<1605632xf32, #tpu.memory_space<vmem_shared>>
              tpu.wait_indirect_dma semaphore(%arg21 : memref<!tpu.dma_semaphore, #tpu.memory_space<semaphore_mem>>) src(%dma_wait3A_256 : memref<128xf32, #tpu.memory_space<vmem>>) dst(%dma_wait3A_261 : memref<1605632xf32, #tpu.memory_space<vmem_shared>>)
              %add3A_262 = arith.constant 6 : i32
              %add3A_263 = arith.addi %add3A_189, %add3A_262 : i32
              %add3A_264 = arith.constant 6 : i32
              %add3A_265 = arith.addi %add3A_189, %add3A_264 : i32
              %dma_wait3A_266 = arith.constant 0 : i32
              %dma_wait3A_267 = tpu.memref_slice %arg10[%add3A_263, %dma_wait3A_266] : memref<32x128xf32, #tpu.memory_space<vmem>> -> memref<1x128xf32, #tpu.memory_space<vmem>>
              %dma_wait3A_268 = tpu.memref_squeeze %dma_wait3A_267 : memref<1x128xf32, #tpu.memory_space<vmem>> -> memref<128xf32, #tpu.memory_space<vmem>>
              %dma_wait3A_269 = arith.constant 0 : i32
              %dma_wait3A_270 = tpu.memref_slice %arg7[%add3A_265, %dma_wait3A_269] : memref<32x128xi32, #tpu.memory_space<vmem>> -> memref<1x128xi32, #tpu.memory_space<vmem>>
              %dma_wait3A_271 = tpu.memref_squeeze %dma_wait3A_270 : memref<1x128xi32, #tpu.memory_space<vmem>> -> memref<128xi32, #tpu.memory_space<vmem>>
              %dma_wait3A_272 = arith.constant 0 : i32
              %dma_wait3A_273 = tpu.memref_slice %arg12[%dma_wait3A_272] : memref<1605632xf32, #tpu.memory_space<vmem_shared>> -> memref<1605632xf32, #tpu.memory_space<vmem_shared>>
              tpu.wait_indirect_dma semaphore(%arg21 : memref<!tpu.dma_semaphore, #tpu.memory_space<semaphore_mem>>) src(%dma_wait3A_268 : memref<128xf32, #tpu.memory_space<vmem>>) dst(%dma_wait3A_273 : memref<1605632xf32, #tpu.memory_space<vmem_shared>>)
              %add3A_274 = arith.constant 7 : i32
              %add3A_275 = arith.addi %add3A_189, %add3A_274 : i32
              %add3A_276 = arith.constant 7 : i32
              %add3A_277 = arith.addi %add3A_189, %add3A_276 : i32
              %dma_wait3A_278 = arith.constant 0 : i32
              %dma_wait3A_279 = tpu.memref_slice %arg10[%add3A_275, %dma_wait3A_278] : memref<32x128xf32, #tpu.memory_space<vmem>> -> memref<1x128xf32, #tpu.memory_space<vmem>>
              %dma_wait3A_280 = tpu.memref_squeeze %dma_wait3A_279 : memref<1x128xf32, #tpu.memory_space<vmem>> -> memref<128xf32, #tpu.memory_space<vmem>>
              %dma_wait3A_281 = arith.constant 0 : i32
              %dma_wait3A_282 = tpu.memref_slice %arg7[%add3A_277, %dma_wait3A_281] : memref<32x128xi32, #tpu.memory_space<vmem>> -> memref<1x128xi32, #tpu.memory_space<vmem>>
              %dma_wait3A_283 = tpu.memref_squeeze %dma_wait3A_282 : memref<1x128xi32, #tpu.memory_space<vmem>> -> memref<128xi32, #tpu.memory_space<vmem>>
              %dma_wait3A_284 = arith.constant 0 : i32
              %dma_wait3A_285 = tpu.memref_slice %arg12[%dma_wait3A_284] : memref<1605632xf32, #tpu.memory_space<vmem_shared>> -> memref<1605632xf32, #tpu.memory_space<vmem_shared>>
              tpu.wait_indirect_dma semaphore(%arg21 : memref<!tpu.dma_semaphore, #tpu.memory_space<semaphore_mem>>) src(%dma_wait3A_280 : memref<128xf32, #tpu.memory_space<vmem>>) dst(%dma_wait3A_285 : memref<1605632xf32, #tpu.memory_space<vmem_shared>>)
            }
            %scan3A_184 = arith.constant 4 : i32
          } else {
          }
          %add3A_149 = arith.constant 1 : i32
          %add3A_150 = arith.addi %add3A_134, %add3A_149 : i32
          %lt3A_151 = arith.cmpi slt, %add3A_150, %select_n3A_44 : i32
          %convert_element_type3A_152 = arith.extui %lt3A_151 : i1 to i32
          %cond3A_153 = arith.constant 0 : i32
          %cond3A_154 = arith.cmpi ne, %convert_element_type3A_152, %cond3A_153 : i32
          scf.if %cond3A_154 {
            %add3A_180 = arith.constant 1 : i32
            %add3A_181 = arith.addi %add3A_134, %add3A_180 : i32
            %mul3A_182 = arith.constant 9408 : i32
            %mul3A_183 = arith.muli %select_n3A, %mul3A_182 : i32
            %mul3A_184 = arith.constant 16 : i32
            %mul3A_185 = arith.muli %mul3A_184, %add3A_181 : i32
            %add3A_186 = arith.addi %arg1, %mul3A_185 : i32
            %mul3A_187 = arith.constant 32 : i32
            %mul3A_188 = arith.muli %add3A_186, %mul3A_187 : i32
            %add3A_189 = arith.addi %mul3A_183, %mul3A_188 : i32
            %dma_start3A_190 = arith.constant 0 : i32
            %dma_start3A_191 = tpu.memref_slice %arg2[%add3A_189, %dma_start3A_190] : memref<75264x128xi32, #tpu.memory_space<hbm>> -> memref<32x128xi32, #tpu.memory_space<hbm>>
            %dma_start3A_192 = arith.constant 0 : i32
            %dma_start3A_193 = tpu.memref_slice %arg2[%add3A_189, %dma_start3A_192] : memref<75264x128xi32, #tpu.memory_space<hbm>> -> memref<32x128xi32, #tpu.memory_space<hbm>>
            tpu.enqueue_dma source(%dma_start3A_193 : memref<32x128xi32, #tpu.memory_space<hbm>>) target(%arg7 : memref<32x128xi32, #tpu.memory_space<vmem>>) target_semaphore(%arg15 : memref<!tpu.dma_semaphore, #tpu.memory_space<semaphore_mem>>)
            %dma_start3A_194 = arith.constant 0 : i32
            %dma_start3A_195 = tpu.memref_slice %arg3[%add3A_189, %dma_start3A_194] : memref<75264x128xf32, #tpu.memory_space<hbm>> -> memref<32x128xf32, #tpu.memory_space<hbm>>
            %dma_start3A_196 = arith.constant 0 : i32
            %dma_start3A_197 = tpu.memref_slice %arg3[%add3A_189, %dma_start3A_196] : memref<75264x128xf32, #tpu.memory_space<hbm>> -> memref<32x128xf32, #tpu.memory_space<hbm>>
            tpu.enqueue_dma source(%dma_start3A_197 : memref<32x128xf32, #tpu.memory_space<hbm>>) target(%arg10 : memref<32x128xf32, #tpu.memory_space<vmem>>) target_semaphore(%arg18 : memref<!tpu.dma_semaphore, #tpu.memory_space<semaphore_mem>>)
          } else {
          }
          %mul3A_155 = arith.constant 9408 : i32
          %mul3A_156 = arith.muli %select_n3A, %mul3A_155 : i32
          %mul3A_157 = arith.constant 16 : i32
          %mul3A_158 = arith.muli %mul3A_157, %add3A_134 : i32
          %add3A_159 = arith.addi %arg1, %mul3A_158 : i32
          %mul3A_160 = arith.constant 32 : i32
          %mul3A_161 = arith.muli %add3A_159, %mul3A_160 : i32
          %add3A_162 = arith.addi %mul3A_156, %mul3A_161 : i32
          %dma_wait3A = arith.constant 0 : i32
          %dma_wait3A_163 = tpu.memref_slice %arg2[%add3A_162, %dma_wait3A] : memref<75264x128xi32, #tpu.memory_space<hbm>> -> memref<32x128xi32, #tpu.memory_space<hbm>>
          %dma_wait3A_164 = arith.constant 0 : i32
          %dma_wait3A_165 = tpu.memref_slice %arg2[%add3A_162, %dma_wait3A_164] : memref<75264x128xi32, #tpu.memory_space<hbm>> -> memref<32x128xi32, #tpu.memory_space<hbm>>
          tpu.wait_dma2 semaphore(%arg14 : memref<!tpu.dma_semaphore, #tpu.memory_space<semaphore_mem>>) src(%dma_wait3A_165 : memref<32x128xi32, #tpu.memory_space<hbm>>) dst(%arg6 : memref<32x128xi32, #tpu.memory_space<vmem>>)
          %dma_wait3A_166 = arith.constant 0 : i32
          %dma_wait3A_167 = tpu.memref_slice %arg3[%add3A_162, %dma_wait3A_166] : memref<75264x128xf32, #tpu.memory_space<hbm>> -> memref<32x128xf32, #tpu.memory_space<hbm>>
          %dma_wait3A_168 = arith.constant 0 : i32
          %dma_wait3A_169 = tpu.memref_slice %arg3[%add3A_162, %dma_wait3A_168] : memref<75264x128xf32, #tpu.memory_space<hbm>> -> memref<32x128xf32, #tpu.memory_space<hbm>>
          tpu.wait_dma2 semaphore(%arg17 : memref<!tpu.dma_semaphore, #tpu.memory_space<semaphore_mem>>) src(%dma_wait3A_169 : memref<32x128xf32, #tpu.memory_space<hbm>>) dst(%arg9 : memref<32x128xf32, #tpu.memory_space<vmem>>)
          %scan3A_170 = arith.constant 0 : i32
          %scan3A_171 = arith.constant 32 : i32
          %scan3A_172 = arith.addi %scan3A_170, %scan3A_171 : i32
          %scan3A_173 = arith.constant 1 : i32
          scf.for %scan3A_180 = %scan3A_170 to %scan3A_172 step %scan3A_173  : i32 {
            %mul3A_181 = arith.constant 1 : i32
            %mul3A_182 = arith.muli %scan3A_180, %mul3A_181 : i32
            %add3A_183 = arith.constant 0 : i32
            %add3A_184 = arith.addi %add3A_183, %mul3A_182 : i32
            %get3A = arith.constant 0 : i32
            %get3A_185 = tpu.memref_slice %arg6[%add3A_184, %get3A] : memref<32x128xi32, #tpu.memory_space<vmem>> -> memref<1x128xi32, #tpu.memory_space<vmem>>
            %get3A_186 = tpu.memref_squeeze %get3A_185 : memref<1x128xi32, #tpu.memory_space<vmem>> -> memref<128xi32, #tpu.memory_space<vmem>>
            %get3A_187 = arith.constant 0 : index
            %get3A_188 = tpu.vector_load %get3A_186[%get3A_187] {strides = array<i32>} : memref<128xi32, #tpu.memory_space<vmem>>, vector<16xi32>,
            %sub3A_189 = vector.broadcast %mul3A_40 : i32 to vector<16xi32>
            %sub3A_190 = arith.subi %get3A_188, %sub3A_189 : vector<16xi32>
            %ge3A_191 = arith.constant 0 : i32
            %ge3A_192 = vector.broadcast %ge3A_191 : i32 to vector<16xi32>
            %ge3A_193 = arith.cmpi sge, %sub3A_190, %ge3A_192 : vector<16xi32>
            %lt3A_194 = arith.constant 1605632 : i32
            %lt3A_195 = vector.broadcast %lt3A_194 : i32 to vector<16xi32>
            %lt3A_196 = arith.cmpi slt, %sub3A_190, %lt3A_195 : vector<16xi32>
            %and3A_197 = arith.andi %ge3A_193, %lt3A_196 : vector<16xi1>
            %jit3A_198 = arith.constant -1 : i32
            %broadcast_in_dim3A = vector.broadcast %jit3A_198 : i32 to vector<16xi32>
            %select_n3A_199 = arith.select %and3A_197, %sub3A_190, %broadcast_in_dim3A : vector<16xi1>, vector<16xi32>
            %swap3A = arith.constant 0 : i32
            %swap3A_200 = tpu.memref_slice %arg6[%add3A_184, %swap3A] : memref<32x128xi32, #tpu.memory_space<vmem>> -> memref<1x128xi32, #tpu.memory_space<vmem>>
            %swap3A_201 = tpu.memref_squeeze %swap3A_200 : memref<1x128xi32, #tpu.memory_space<vmem>> -> memref<128xi32, #tpu.memory_space<vmem>>
            %swap3A_202 = arith.constant 0 : index
            %swap3A_203 = tpu.vector_load %swap3A_201[%swap3A_202] {strides = array<i32>} : memref<128xi32, #tpu.memory_space<vmem>>, vector<16xi32>,
            tpu.vector_store %swap3A_201[%swap3A_202], %select_n3A_199 {strides = array<i32>} : memref<128xi32, #tpu.memory_space<vmem>>, vector<16xi32>,
            %get3A_204 = arith.constant 0 : i32
            %get3A_205 = tpu.memref_slice %arg6[%add3A_184, %get3A_204] : memref<32x128xi32, #tpu.memory_space<vmem>> -> memref<1x128xi32, #tpu.memory_space<vmem>>
            %get3A_206 = tpu.memref_squeeze %get3A_205 : memref<1x128xi32, #tpu.memory_space<vmem>> -> memref<128xi32, #tpu.memory_space<vmem>>
            %get3A_207 = arith.constant 16 : index
            %get3A_208 = tpu.vector_load %get3A_206[%get3A_207] {strides = array<i32>} : memref<128xi32, #tpu.memory_space<vmem>>, vector<16xi32>,
            %sub3A_209 = vector.broadcast %mul3A_40 : i32 to vector<16xi32>
            %sub3A_210 = arith.subi %get3A_208, %sub3A_209 : vector<16xi32>
            %ge3A_211 = arith.constant 0 : i32
            %ge3A_212 = vector.broadcast %ge3A_211 : i32 to vector<16xi32>
            %ge3A_213 = arith.cmpi sge, %sub3A_210, %ge3A_212 : vector<16xi32>
            %lt3A_214 = arith.constant 1605632 : i32
            %lt3A_215 = vector.broadcast %lt3A_214 : i32 to vector<16xi32>
            %lt3A_216 = arith.cmpi slt, %sub3A_210, %lt3A_215 : vector<16xi32>
            %and3A_217 = arith.andi %ge3A_213, %lt3A_216 : vector<16xi1>
            %jit3A_218 = arith.constant -1 : i32
            %broadcast_in_dim3A_219 = vector.broadcast %jit3A_218 : i32 to vector<16xi32>
            %select_n3A_220 = arith.select %and3A_217, %sub3A_210, %broadcast_in_dim3A_219 : vector<16xi1>, vector<16xi32>
            %swap3A_221 = arith.constant 0 : i32
            %swap3A_222 = tpu.memref_slice %arg6[%add3A_184, %swap3A_221] : memref<32x128xi32, #tpu.memory_space<vmem>> -> memref<1x128xi32, #tpu.memory_space<vmem>>
            %swap3A_223 = tpu.memref_squeeze %swap3A_222 : memref<1x128xi32, #tpu.memory_space<vmem>> -> memref<128xi32, #tpu.memory_space<vmem>>
            %swap3A_224 = arith.constant 16 : index
            %swap3A_225 = tpu.vector_load %swap3A_223[%swap3A_224] {strides = array<i32>} : memref<128xi32, #tpu.memory_space<vmem>>, vector<16xi32>,
            tpu.vector_store %swap3A_223[%swap3A_224], %select_n3A_220 {strides = array<i32>} : memref<128xi32, #tpu.memory_space<vmem>>, vector<16xi32>,
            %get3A_226 = arith.constant 0 : i32
            %get3A_227 = tpu.memref_slice %arg6[%add3A_184, %get3A_226] : memref<32x128xi32, #tpu.memory_space<vmem>> -> memref<1x128xi32, #tpu.memory_space<vmem>>
            %get3A_228 = tpu.memref_squeeze %get3A_227 : memref<1x128xi32, #tpu.memory_space<vmem>> -> memref<128xi32, #tpu.memory_space<vmem>>
            %get3A_229 = arith.constant 32 : index
            %get3A_230 = tpu.vector_load %get3A_228[%get3A_229] {strides = array<i32>} : memref<128xi32, #tpu.memory_space<vmem>>, vector<16xi32>,
            %sub3A_231 = vector.broadcast %mul3A_40 : i32 to vector<16xi32>
            %sub3A_232 = arith.subi %get3A_230, %sub3A_231 : vector<16xi32>
            %ge3A_233 = arith.constant 0 : i32
            %ge3A_234 = vector.broadcast %ge3A_233 : i32 to vector<16xi32>
            %ge3A_235 = arith.cmpi sge, %sub3A_232, %ge3A_234 : vector<16xi32>
            %lt3A_236 = arith.constant 1605632 : i32
            %lt3A_237 = vector.broadcast %lt3A_236 : i32 to vector<16xi32>
            %lt3A_238 = arith.cmpi slt, %sub3A_232, %lt3A_237 : vector<16xi32>
            %and3A_239 = arith.andi %ge3A_235, %lt3A_238 : vector<16xi1>
            %jit3A_240 = arith.constant -1 : i32
            %broadcast_in_dim3A_241 = vector.broadcast %jit3A_240 : i32 to vector<16xi32>
            %select_n3A_242 = arith.select %and3A_239, %sub3A_232, %broadcast_in_dim3A_241 : vector<16xi1>, vector<16xi32>
            %swap3A_243 = arith.constant 0 : i32
            %swap3A_244 = tpu.memref_slice %arg6[%add3A_184, %swap3A_243] : memref<32x128xi32, #tpu.memory_space<vmem>> -> memref<1x128xi32, #tpu.memory_space<vmem>>
            %swap3A_245 = tpu.memref_squeeze %swap3A_244 : memref<1x128xi32, #tpu.memory_space<vmem>> -> memref<128xi32, #tpu.memory_space<vmem>>
            %swap3A_246 = arith.constant 32 : index
            %swap3A_247 = tpu.vector_load %swap3A_245[%swap3A_246] {strides = array<i32>} : memref<128xi32, #tpu.memory_space<vmem>>, vector<16xi32>,
            tpu.vector_store %swap3A_245[%swap3A_246], %select_n3A_242 {strides = array<i32>} : memref<128xi32, #tpu.memory_space<vmem>>, vector<16xi32>,
            %get3A_248 = arith.constant 0 : i32
            %get3A_249 = tpu.memref_slice %arg6[%add3A_184, %get3A_248] : memref<32x128xi32, #tpu.memory_space<vmem>> -> memref<1x128xi32, #tpu.memory_space<vmem>>
            %get3A_250 = tpu.memref_squeeze %get3A_249 : memref<1x128xi32, #tpu.memory_space<vmem>> -> memref<128xi32, #tpu.memory_space<vmem>>
            %get3A_251 = arith.constant 48 : index
            %get3A_252 = tpu.vector_load %get3A_250[%get3A_251] {strides = array<i32>} : memref<128xi32, #tpu.memory_space<vmem>>, vector<16xi32>,
            %sub3A_253 = vector.broadcast %mul3A_40 : i32 to vector<16xi32>
            %sub3A_254 = arith.subi %get3A_252, %sub3A_253 : vector<16xi32>
            %ge3A_255 = arith.constant 0 : i32
            %ge3A_256 = vector.broadcast %ge3A_255 : i32 to vector<16xi32>
            %ge3A_257 = arith.cmpi sge, %sub3A_254, %ge3A_256 : vector<16xi32>
            %lt3A_258 = arith.constant 1605632 : i32
            %lt3A_259 = vector.broadcast %lt3A_258 : i32 to vector<16xi32>
            %lt3A_260 = arith.cmpi slt, %sub3A_254, %lt3A_259 : vector<16xi32>
            %and3A_261 = arith.andi %ge3A_257, %lt3A_260 : vector<16xi1>
            %jit3A_262 = arith.constant -1 : i32
            %broadcast_in_dim3A_263 = vector.broadcast %jit3A_262 : i32 to vector<16xi32>
            %select_n3A_264 = arith.select %and3A_261, %sub3A_254, %broadcast_in_dim3A_263 : vector<16xi1>, vector<16xi32>
            %swap3A_265 = arith.constant 0 : i32
            %swap3A_266 = tpu.memref_slice %arg6[%add3A_184, %swap3A_265] : memref<32x128xi32, #tpu.memory_space<vmem>> -> memref<1x128xi32, #tpu.memory_space<vmem>>
            %swap3A_267 = tpu.memref_squeeze %swap3A_266 : memref<1x128xi32, #tpu.memory_space<vmem>> -> memref<128xi32, #tpu.memory_space<vmem>>
            %swap3A_268 = arith.constant 48 : index
            %swap3A_269 = tpu.vector_load %swap3A_267[%swap3A_268] {strides = array<i32>} : memref<128xi32, #tpu.memory_space<vmem>>, vector<16xi32>,
            tpu.vector_store %swap3A_267[%swap3A_268], %select_n3A_264 {strides = array<i32>} : memref<128xi32, #tpu.memory_space<vmem>>, vector<16xi32>,
            %get3A_270 = arith.constant 0 : i32
            %get3A_271 = tpu.memref_slice %arg6[%add3A_184, %get3A_270] : memref<32x128xi32, #tpu.memory_space<vmem>> -> memref<1x128xi32, #tpu.memory_space<vmem>>
            %get3A_272 = tpu.memref_squeeze %get3A_271 : memref<1x128xi32, #tpu.memory_space<vmem>> -> memref<128xi32, #tpu.memory_space<vmem>>
            %get3A_273 = arith.constant 64 : index
            %get3A_274 = tpu.vector_load %get3A_272[%get3A_273] {strides = array<i32>} : memref<128xi32, #tpu.memory_space<vmem>>, vector<16xi32>,
            %sub3A_275 = vector.broadcast %mul3A_40 : i32 to vector<16xi32>
            %sub3A_276 = arith.subi %get3A_274, %sub3A_275 : vector<16xi32>
            %ge3A_277 = arith.constant 0 : i32
            %ge3A_278 = vector.broadcast %ge3A_277 : i32 to vector<16xi32>
            %ge3A_279 = arith.cmpi sge, %sub3A_276, %ge3A_278 : vector<16xi32>
            %lt3A_280 = arith.constant 1605632 : i32
            %lt3A_281 = vector.broadcast %lt3A_280 : i32 to vector<16xi32>
            %lt3A_282 = arith.cmpi slt, %sub3A_276, %lt3A_281 : vector<16xi32>
            %and3A_283 = arith.andi %ge3A_279, %lt3A_282 : vector<16xi1>
            %jit3A_284 = arith.constant -1 : i32
            %broadcast_in_dim3A_285 = vector.broadcast %jit3A_284 : i32 to vector<16xi32>
            %select_n3A_286 = arith.select %and3A_283, %sub3A_276, %broadcast_in_dim3A_285 : vector<16xi1>, vector<16xi32>
            %swap3A_287 = arith.constant 0 : i32
            %swap3A_288 = tpu.memref_slice %arg6[%add3A_184, %swap3A_287] : memref<32x128xi32, #tpu.memory_space<vmem>> -> memref<1x128xi32, #tpu.memory_space<vmem>>
            %swap3A_289 = tpu.memref_squeeze %swap3A_288 : memref<1x128xi32, #tpu.memory_space<vmem>> -> memref<128xi32, #tpu.memory_space<vmem>>
            %swap3A_290 = arith.constant 64 : index
            %swap3A_291 = tpu.vector_load %swap3A_289[%swap3A_290] {strides = array<i32>} : memref<128xi32, #tpu.memory_space<vmem>>, vector<16xi32>,
            tpu.vector_store %swap3A_289[%swap3A_290], %select_n3A_286 {strides = array<i32>} : memref<128xi32, #tpu.memory_space<vmem>>, vector<16xi32>,
            %get3A_292 = arith.constant 0 : i32
            %get3A_293 = tpu.memref_slice %arg6[%add3A_184, %get3A_292] : memref<32x128xi32, #tpu.memory_space<vmem>> -> memref<1x128xi32, #tpu.memory_space<vmem>>
            %get3A_294 = tpu.memref_squeeze %get3A_293 : memref<1x128xi32, #tpu.memory_space<vmem>> -> memref<128xi32, #tpu.memory_space<vmem>>
            %get3A_295 = arith.constant 80 : index
            %get3A_296 = tpu.vector_load %get3A_294[%get3A_295] {strides = array<i32>} : memref<128xi32, #tpu.memory_space<vmem>>, vector<16xi32>,
            %sub3A_297 = vector.broadcast %mul3A_40 : i32 to vector<16xi32>
            %sub3A_298 = arith.subi %get3A_296, %sub3A_297 : vector<16xi32>
            %ge3A_299 = arith.constant 0 : i32
            %ge3A_300 = vector.broadcast %ge3A_299 : i32 to vector<16xi32>
            %ge3A_301 = arith.cmpi sge, %sub3A_298, %ge3A_300 : vector<16xi32>
            %lt3A_302 = arith.constant 1605632 : i32
            %lt3A_303 = vector.broadcast %lt3A_302 : i32 to vector<16xi32>
            %lt3A_304 = arith.cmpi slt, %sub3A_298, %lt3A_303 : vector<16xi32>
            %and3A_305 = arith.andi %ge3A_301, %lt3A_304 : vector<16xi1>
            %jit3A_306 = arith.constant -1 : i32
            %broadcast_in_dim3A_307 = vector.broadcast %jit3A_306 : i32 to vector<16xi32>
            %select_n3A_308 = arith.select %and3A_305, %sub3A_298, %broadcast_in_dim3A_307 : vector<16xi1>, vector<16xi32>
            %swap3A_309 = arith.constant 0 : i32
            %swap3A_310 = tpu.memref_slice %arg6[%add3A_184, %swap3A_309] : memref<32x128xi32, #tpu.memory_space<vmem>> -> memref<1x128xi32, #tpu.memory_space<vmem>>
            %swap3A_311 = tpu.memref_squeeze %swap3A_310 : memref<1x128xi32, #tpu.memory_space<vmem>> -> memref<128xi32, #tpu.memory_space<vmem>>
            %swap3A_312 = arith.constant 80 : index
            %swap3A_313 = tpu.vector_load %swap3A_311[%swap3A_312] {strides = array<i32>} : memref<128xi32, #tpu.memory_space<vmem>>, vector<16xi32>,
            tpu.vector_store %swap3A_311[%swap3A_312], %select_n3A_308 {strides = array<i32>} : memref<128xi32, #tpu.memory_space<vmem>>, vector<16xi32>,
            %get3A_314 = arith.constant 0 : i32
            %get3A_315 = tpu.memref_slice %arg6[%add3A_184, %get3A_314] : memref<32x128xi32, #tpu.memory_space<vmem>> -> memref<1x128xi32, #tpu.memory_space<vmem>>
            %get3A_316 = tpu.memref_squeeze %get3A_315 : memref<1x128xi32, #tpu.memory_space<vmem>> -> memref<128xi32, #tpu.memory_space<vmem>>
            %get3A_317 = arith.constant 96 : index
            %get3A_318 = tpu.vector_load %get3A_316[%get3A_317] {strides = array<i32>} : memref<128xi32, #tpu.memory_space<vmem>>, vector<16xi32>,
            %sub3A_319 = vector.broadcast %mul3A_40 : i32 to vector<16xi32>
            %sub3A_320 = arith.subi %get3A_318, %sub3A_319 : vector<16xi32>
            %ge3A_321 = arith.constant 0 : i32
            %ge3A_322 = vector.broadcast %ge3A_321 : i32 to vector<16xi32>
            %ge3A_323 = arith.cmpi sge, %sub3A_320, %ge3A_322 : vector<16xi32>
            %lt3A_324 = arith.constant 1605632 : i32
            %lt3A_325 = vector.broadcast %lt3A_324 : i32 to vector<16xi32>
            %lt3A_326 = arith.cmpi slt, %sub3A_320, %lt3A_325 : vector<16xi32>
            %and3A_327 = arith.andi %ge3A_323, %lt3A_326 : vector<16xi1>
            %jit3A_328 = arith.constant -1 : i32
            %broadcast_in_dim3A_329 = vector.broadcast %jit3A_328 : i32 to vector<16xi32>
            %select_n3A_330 = arith.select %and3A_327, %sub3A_320, %broadcast_in_dim3A_329 : vector<16xi1>, vector<16xi32>
            %swap3A_331 = arith.constant 0 : i32
            %swap3A_332 = tpu.memref_slice %arg6[%add3A_184, %swap3A_331] : memref<32x128xi32, #tpu.memory_space<vmem>> -> memref<1x128xi32, #tpu.memory_space<vmem>>
            %swap3A_333 = tpu.memref_squeeze %swap3A_332 : memref<1x128xi32, #tpu.memory_space<vmem>> -> memref<128xi32, #tpu.memory_space<vmem>>
            %swap3A_334 = arith.constant 96 : index
            %swap3A_335 = tpu.vector_load %swap3A_333[%swap3A_334] {strides = array<i32>} : memref<128xi32, #tpu.memory_space<vmem>>, vector<16xi32>,
            tpu.vector_store %swap3A_333[%swap3A_334], %select_n3A_330 {strides = array<i32>} : memref<128xi32, #tpu.memory_space<vmem>>, vector<16xi32>,
            %get3A_336 = arith.constant 0 : i32
            %get3A_337 = tpu.memref_slice %arg6[%add3A_184, %get3A_336] : memref<32x128xi32, #tpu.memory_space<vmem>> -> memref<1x128xi32, #tpu.memory_space<vmem>>
            %get3A_338 = tpu.memref_squeeze %get3A_337 : memref<1x128xi32, #tpu.memory_space<vmem>> -> memref<128xi32, #tpu.memory_space<vmem>>
            %get3A_339 = arith.constant 112 : index
            %get3A_340 = tpu.vector_load %get3A_338[%get3A_339] {strides = array<i32>} : memref<128xi32, #tpu.memory_space<vmem>>, vector<16xi32>,
            %sub3A_341 = vector.broadcast %mul3A_40 : i32 to vector<16xi32>
            %sub3A_342 = arith.subi %get3A_340, %sub3A_341 : vector<16xi32>
            %ge3A_343 = arith.constant 0 : i32
            %ge3A_344 = vector.broadcast %ge3A_343 : i32 to vector<16xi32>
            %ge3A_345 = arith.cmpi sge, %sub3A_342, %ge3A_344 : vector<16xi32>
            %lt3A_346 = arith.constant 1605632 : i32
            %lt3A_347 = vector.broadcast %lt3A_346 : i32 to vector<16xi32>
            %lt3A_348 = arith.cmpi slt, %sub3A_342, %lt3A_347 : vector<16xi32>
            %and3A_349 = arith.andi %ge3A_345, %lt3A_348 : vector<16xi1>
            %jit3A_350 = arith.constant -1 : i32
            %broadcast_in_dim3A_351 = vector.broadcast %jit3A_350 : i32 to vector<16xi32>
            %select_n3A_352 = arith.select %and3A_349, %sub3A_342, %broadcast_in_dim3A_351 : vector<16xi1>, vector<16xi32>
            %swap3A_353 = arith.constant 0 : i32
            %swap3A_354 = tpu.memref_slice %arg6[%add3A_184, %swap3A_353] : memref<32x128xi32, #tpu.memory_space<vmem>> -> memref<1x128xi32, #tpu.memory_space<vmem>>
            %swap3A_355 = tpu.memref_squeeze %swap3A_354 : memref<1x128xi32, #tpu.memory_space<vmem>> -> memref<128xi32, #tpu.memory_space<vmem>>
            %swap3A_356 = arith.constant 112 : index
            %swap3A_357 = tpu.vector_load %swap3A_355[%swap3A_356] {strides = array<i32>} : memref<128xi32, #tpu.memory_space<vmem>>, vector<16xi32>,
            tpu.vector_store %swap3A_355[%swap3A_356], %select_n3A_352 {strides = array<i32>} : memref<128xi32, #tpu.memory_space<vmem>>, vector<16xi32>,
          }
          %scan3A_174 = arith.constant 32 : i32
          %scan3A_175 = arith.constant 0 : i32
          %scan3A_176 = arith.constant 4 : i32
          %scan3A_177 = arith.addi %scan3A_175, %scan3A_176 : i32
          %scan3A_178 = arith.constant 1 : i32
          scf.for %scan3A_180 = %scan3A_175 to %scan3A_177 step %scan3A_178  : i32 {
            %mul3A_181 = arith.constant 8 : i32
            %mul3A_182 = arith.muli %scan3A_180, %mul3A_181 : i32
            %add3A_183 = arith.constant 0 : i32
            %add3A_184 = arith.addi %add3A_183, %mul3A_182 : i32
            %add3A_185 = arith.constant 0 : i32
            %add3A_186 = arith.addi %add3A_184, %add3A_185 : i32
            %add3A_187 = arith.constant 0 : i32
            %add3A_188 = arith.addi %add3A_184, %add3A_187 : i32
            %dma_start3A_189 = arith.constant 0 : i32
            %dma_start3A_190 = tpu.memref_slice %arg9[%add3A_186, %dma_start3A_189] : memref<32x128xf32, #tpu.memory_space<vmem>> -> memref<1x128xf32, #tpu.memory_space<vmem>>
            %dma_start3A_191 = tpu.memref_squeeze %dma_start3A_190 : memref<1x128xf32, #tpu.memory_space<vmem>> -> memref<128xf32, #tpu.memory_space<vmem>>
            %dma_start3A_192 = arith.constant 0 : i32
            %dma_start3A_193 = tpu.memref_slice %arg6[%add3A_188, %dma_start3A_192] : memref<32x128xi32, #tpu.memory_space<vmem>> -> memref<1x128xi32, #tpu.memory_space<vmem>>
            %dma_start3A_194 = tpu.memref_squeeze %dma_start3A_193 : memref<1x128xi32, #tpu.memory_space<vmem>> -> memref<128xi32, #tpu.memory_space<vmem>>
            %dma_start3A_195 = arith.constant 0 : i32
            %dma_start3A_196 = tpu.memref_slice %arg12[%dma_start3A_195] : memref<1605632xf32, #tpu.memory_space<vmem_shared>> -> memref<1605632xf32, #tpu.memory_space<vmem_shared>>
            %dma_start3A_197 = arith.constant -1 : i32
            tpu.enqueue_indirect_dma source(%dma_start3A_191 : memref<128xf32, #tpu.memory_space<vmem>>) target(%dma_start3A_196 : memref<1605632xf32, #tpu.memory_space<vmem_shared>>) offsets(%dma_start3A_194 : memref<128xi32, #tpu.memory_space<vmem>>) offset_filter(%dma_start3A_197) semaphore(%arg20 : memref<!tpu.dma_semaphore, #tpu.memory_space<semaphore_mem>>) {add = true}
            %add3A_198 = arith.constant 1 : i32
            %add3A_199 = arith.addi %add3A_184, %add3A_198 : i32
            %add3A_200 = arith.constant 1 : i32
            %add3A_201 = arith.addi %add3A_184, %add3A_200 : i32
            %dma_start3A_202 = arith.constant 0 : i32
            %dma_start3A_203 = tpu.memref_slice %arg9[%add3A_199, %dma_start3A_202] : memref<32x128xf32, #tpu.memory_space<vmem>> -> memref<1x128xf32, #tpu.memory_space<vmem>>
            %dma_start3A_204 = tpu.memref_squeeze %dma_start3A_203 : memref<1x128xf32, #tpu.memory_space<vmem>> -> memref<128xf32, #tpu.memory_space<vmem>>
            %dma_start3A_205 = arith.constant 0 : i32
            %dma_start3A_206 = tpu.memref_slice %arg6[%add3A_201, %dma_start3A_205] : memref<32x128xi32, #tpu.memory_space<vmem>> -> memref<1x128xi32, #tpu.memory_space<vmem>>
            %dma_start3A_207 = tpu.memref_squeeze %dma_start3A_206 : memref<1x128xi32, #tpu.memory_space<vmem>> -> memref<128xi32, #tpu.memory_space<vmem>>
            %dma_start3A_208 = arith.constant 0 : i32
            %dma_start3A_209 = tpu.memref_slice %arg12[%dma_start3A_208] : memref<1605632xf32, #tpu.memory_space<vmem_shared>> -> memref<1605632xf32, #tpu.memory_space<vmem_shared>>
            %dma_start3A_210 = arith.constant -1 : i32
            tpu.enqueue_indirect_dma source(%dma_start3A_204 : memref<128xf32, #tpu.memory_space<vmem>>) target(%dma_start3A_209 : memref<1605632xf32, #tpu.memory_space<vmem_shared>>) offsets(%dma_start3A_207 : memref<128xi32, #tpu.memory_space<vmem>>) offset_filter(%dma_start3A_210) semaphore(%arg20 : memref<!tpu.dma_semaphore, #tpu.memory_space<semaphore_mem>>) {add = true}
            %add3A_211 = arith.constant 2 : i32
            %add3A_212 = arith.addi %add3A_184, %add3A_211 : i32
            %add3A_213 = arith.constant 2 : i32
            %add3A_214 = arith.addi %add3A_184, %add3A_213 : i32
            %dma_start3A_215 = arith.constant 0 : i32
            %dma_start3A_216 = tpu.memref_slice %arg9[%add3A_212, %dma_start3A_215] : memref<32x128xf32, #tpu.memory_space<vmem>> -> memref<1x128xf32, #tpu.memory_space<vmem>>
            %dma_start3A_217 = tpu.memref_squeeze %dma_start3A_216 : memref<1x128xf32, #tpu.memory_space<vmem>> -> memref<128xf32, #tpu.memory_space<vmem>>
            %dma_start3A_218 = arith.constant 0 : i32
            %dma_start3A_219 = tpu.memref_slice %arg6[%add3A_214, %dma_start3A_218] : memref<32x128xi32, #tpu.memory_space<vmem>> -> memref<1x128xi32, #tpu.memory_space<vmem>>
            %dma_start3A_220 = tpu.memref_squeeze %dma_start3A_219 : memref<1x128xi32, #tpu.memory_space<vmem>> -> memref<128xi32, #tpu.memory_space<vmem>>
            %dma_start3A_221 = arith.constant 0 : i32
            %dma_start3A_222 = tpu.memref_slice %arg12[%dma_start3A_221] : memref<1605632xf32, #tpu.memory_space<vmem_shared>> -> memref<1605632xf32, #tpu.memory_space<vmem_shared>>
            %dma_start3A_223 = arith.constant -1 : i32
            tpu.enqueue_indirect_dma source(%dma_start3A_217 : memref<128xf32, #tpu.memory_space<vmem>>) target(%dma_start3A_222 : memref<1605632xf32, #tpu.memory_space<vmem_shared>>) offsets(%dma_start3A_220 : memref<128xi32, #tpu.memory_space<vmem>>) offset_filter(%dma_start3A_223) semaphore(%arg20 : memref<!tpu.dma_semaphore, #tpu.memory_space<semaphore_mem>>) {add = true}
            %add3A_224 = arith.constant 3 : i32
            %add3A_225 = arith.addi %add3A_184, %add3A_224 : i32
            %add3A_226 = arith.constant 3 : i32
            %add3A_227 = arith.addi %add3A_184, %add3A_226 : i32
            %dma_start3A_228 = arith.constant 0 : i32
            %dma_start3A_229 = tpu.memref_slice %arg9[%add3A_225, %dma_start3A_228] : memref<32x128xf32, #tpu.memory_space<vmem>> -> memref<1x128xf32, #tpu.memory_space<vmem>>
            %dma_start3A_230 = tpu.memref_squeeze %dma_start3A_229 : memref<1x128xf32, #tpu.memory_space<vmem>> -> memref<128xf32, #tpu.memory_space<vmem>>
            %dma_start3A_231 = arith.constant 0 : i32
            %dma_start3A_232 = tpu.memref_slice %arg6[%add3A_227, %dma_start3A_231] : memref<32x128xi32, #tpu.memory_space<vmem>> -> memref<1x128xi32, #tpu.memory_space<vmem>>
            %dma_start3A_233 = tpu.memref_squeeze %dma_start3A_232 : memref<1x128xi32, #tpu.memory_space<vmem>> -> memref<128xi32, #tpu.memory_space<vmem>>
            %dma_start3A_234 = arith.constant 0 : i32
            %dma_start3A_235 = tpu.memref_slice %arg12[%dma_start3A_234] : memref<1605632xf32, #tpu.memory_space<vmem_shared>> -> memref<1605632xf32, #tpu.memory_space<vmem_shared>>
            %dma_start3A_236 = arith.constant -1 : i32
            tpu.enqueue_indirect_dma source(%dma_start3A_230 : memref<128xf32, #tpu.memory_space<vmem>>) target(%dma_start3A_235 : memref<1605632xf32, #tpu.memory_space<vmem_shared>>) offsets(%dma_start3A_233 : memref<128xi32, #tpu.memory_space<vmem>>) offset_filter(%dma_start3A_236) semaphore(%arg20 : memref<!tpu.dma_semaphore, #tpu.memory_space<semaphore_mem>>) {add = true}
            %add3A_237 = arith.constant 4 : i32
            %add3A_238 = arith.addi %add3A_184, %add3A_237 : i32
            %add3A_239 = arith.constant 4 : i32
            %add3A_240 = arith.addi %add3A_184, %add3A_239 : i32
            %dma_start3A_241 = arith.constant 0 : i32
            %dma_start3A_242 = tpu.memref_slice %arg9[%add3A_238, %dma_start3A_241] : memref<32x128xf32, #tpu.memory_space<vmem>> -> memref<1x128xf32, #tpu.memory_space<vmem>>
            %dma_start3A_243 = tpu.memref_squeeze %dma_start3A_242 : memref<1x128xf32, #tpu.memory_space<vmem>> -> memref<128xf32, #tpu.memory_space<vmem>>
            %dma_start3A_244 = arith.constant 0 : i32
            %dma_start3A_245 = tpu.memref_slice %arg6[%add3A_240, %dma_start3A_244] : memref<32x128xi32, #tpu.memory_space<vmem>> -> memref<1x128xi32, #tpu.memory_space<vmem>>
            %dma_start3A_246 = tpu.memref_squeeze %dma_start3A_245 : memref<1x128xi32, #tpu.memory_space<vmem>> -> memref<128xi32, #tpu.memory_space<vmem>>
            %dma_start3A_247 = arith.constant 0 : i32
            %dma_start3A_248 = tpu.memref_slice %arg12[%dma_start3A_247] : memref<1605632xf32, #tpu.memory_space<vmem_shared>> -> memref<1605632xf32, #tpu.memory_space<vmem_shared>>
            %dma_start3A_249 = arith.constant -1 : i32
            tpu.enqueue_indirect_dma source(%dma_start3A_243 : memref<128xf32, #tpu.memory_space<vmem>>) target(%dma_start3A_248 : memref<1605632xf32, #tpu.memory_space<vmem_shared>>) offsets(%dma_start3A_246 : memref<128xi32, #tpu.memory_space<vmem>>) offset_filter(%dma_start3A_249) semaphore(%arg20 : memref<!tpu.dma_semaphore, #tpu.memory_space<semaphore_mem>>) {add = true}
            %add3A_250 = arith.constant 5 : i32
            %add3A_251 = arith.addi %add3A_184, %add3A_250 : i32
            %add3A_252 = arith.constant 5 : i32
            %add3A_253 = arith.addi %add3A_184, %add3A_252 : i32
            %dma_start3A_254 = arith.constant 0 : i32
            %dma_start3A_255 = tpu.memref_slice %arg9[%add3A_251, %dma_start3A_254] : memref<32x128xf32, #tpu.memory_space<vmem>> -> memref<1x128xf32, #tpu.memory_space<vmem>>
            %dma_start3A_256 = tpu.memref_squeeze %dma_start3A_255 : memref<1x128xf32, #tpu.memory_space<vmem>> -> memref<128xf32, #tpu.memory_space<vmem>>
            %dma_start3A_257 = arith.constant 0 : i32
            %dma_start3A_258 = tpu.memref_slice %arg6[%add3A_253, %dma_start3A_257] : memref<32x128xi32, #tpu.memory_space<vmem>> -> memref<1x128xi32, #tpu.memory_space<vmem>>
            %dma_start3A_259 = tpu.memref_squeeze %dma_start3A_258 : memref<1x128xi32, #tpu.memory_space<vmem>> -> memref<128xi32, #tpu.memory_space<vmem>>
            %dma_start3A_260 = arith.constant 0 : i32
            %dma_start3A_261 = tpu.memref_slice %arg12[%dma_start3A_260] : memref<1605632xf32, #tpu.memory_space<vmem_shared>> -> memref<1605632xf32, #tpu.memory_space<vmem_shared>>
            %dma_start3A_262 = arith.constant -1 : i32
            tpu.enqueue_indirect_dma source(%dma_start3A_256 : memref<128xf32, #tpu.memory_space<vmem>>) target(%dma_start3A_261 : memref<1605632xf32, #tpu.memory_space<vmem_shared>>) offsets(%dma_start3A_259 : memref<128xi32, #tpu.memory_space<vmem>>) offset_filter(%dma_start3A_262) semaphore(%arg20 : memref<!tpu.dma_semaphore, #tpu.memory_space<semaphore_mem>>) {add = true}
            %add3A_263 = arith.constant 6 : i32
            %add3A_264 = arith.addi %add3A_184, %add3A_263 : i32
            %add3A_265 = arith.constant 6 : i32
            %add3A_266 = arith.addi %add3A_184, %add3A_265 : i32
            %dma_start3A_267 = arith.constant 0 : i32
            %dma_start3A_268 = tpu.memref_slice %arg9[%add3A_264, %dma_start3A_267] : memref<32x128xf32, #tpu.memory_space<vmem>> -> memref<1x128xf32, #tpu.memory_space<vmem>>
            %dma_start3A_269 = tpu.memref_squeeze %dma_start3A_268 : memref<1x128xf32, #tpu.memory_space<vmem>> -> memref<128xf32, #tpu.memory_space<vmem>>
            %dma_start3A_270 = arith.constant 0 : i32
            %dma_start3A_271 = tpu.memref_slice %arg6[%add3A_266, %dma_start3A_270] : memref<32x128xi32, #tpu.memory_space<vmem>> -> memref<1x128xi32, #tpu.memory_space<vmem>>
            %dma_start3A_272 = tpu.memref_squeeze %dma_start3A_271 : memref<1x128xi32, #tpu.memory_space<vmem>> -> memref<128xi32, #tpu.memory_space<vmem>>
            %dma_start3A_273 = arith.constant 0 : i32
            %dma_start3A_274 = tpu.memref_slice %arg12[%dma_start3A_273] : memref<1605632xf32, #tpu.memory_space<vmem_shared>> -> memref<1605632xf32, #tpu.memory_space<vmem_shared>>
            %dma_start3A_275 = arith.constant -1 : i32
            tpu.enqueue_indirect_dma source(%dma_start3A_269 : memref<128xf32, #tpu.memory_space<vmem>>) target(%dma_start3A_274 : memref<1605632xf32, #tpu.memory_space<vmem_shared>>) offsets(%dma_start3A_272 : memref<128xi32, #tpu.memory_space<vmem>>) offset_filter(%dma_start3A_275) semaphore(%arg20 : memref<!tpu.dma_semaphore, #tpu.memory_space<semaphore_mem>>) {add = true}
            %add3A_276 = arith.constant 7 : i32
            %add3A_277 = arith.addi %add3A_184, %add3A_276 : i32
            %add3A_278 = arith.constant 7 : i32
            %add3A_279 = arith.addi %add3A_184, %add3A_278 : i32
            %dma_start3A_280 = arith.constant 0 : i32
            %dma_start3A_281 = tpu.memref_slice %arg9[%add3A_277, %dma_start3A_280] : memref<32x128xf32, #tpu.memory_space<vmem>> -> memref<1x128xf32, #tpu.memory_space<vmem>>
            %dma_start3A_282 = tpu.memref_squeeze %dma_start3A_281 : memref<1x128xf32, #tpu.memory_space<vmem>> -> memref<128xf32, #tpu.memory_space<vmem>>
            %dma_start3A_283 = arith.constant 0 : i32
            %dma_start3A_284 = tpu.memref_slice %arg6[%add3A_279, %dma_start3A_283] : memref<32x128xi32, #tpu.memory_space<vmem>> -> memref<1x128xi32, #tpu.memory_space<vmem>>
            %dma_start3A_285 = tpu.memref_squeeze %dma_start3A_284 : memref<1x128xi32, #tpu.memory_space<vmem>> -> memref<128xi32, #tpu.memory_space<vmem>>
            %dma_start3A_286 = arith.constant 0 : i32
            %dma_start3A_287 = tpu.memref_slice %arg12[%dma_start3A_286] : memref<1605632xf32, #tpu.memory_space<vmem_shared>> -> memref<1605632xf32, #tpu.memory_space<vmem_shared>>
            %dma_start3A_288 = arith.constant -1 : i32
            tpu.enqueue_indirect_dma source(%dma_start3A_282 : memref<128xf32, #tpu.memory_space<vmem>>) target(%dma_start3A_287 : memref<1605632xf32, #tpu.memory_space<vmem_shared>>) offsets(%dma_start3A_285 : memref<128xi32, #tpu.memory_space<vmem>>) offset_filter(%dma_start3A_288) semaphore(%arg20 : memref<!tpu.dma_semaphore, #tpu.memory_space<semaphore_mem>>) {add = true}
          }
          %scan3A_179 = arith.constant 4 : i32
        } else {
        }
        %add3A_139 = arith.constant 2 : i32
        %add3A_140 = arith.addi %add3A_126, %add3A_139 : i32
        %lt3A_141 = arith.cmpi slt, %add3A_140, %select_n3A_44 : i32
        %convert_element_type3A_142 = arith.extui %lt3A_141 : i1 to i32
        %cond3A_143 = arith.constant 0 : i32
        %cond3A_144 = arith.cmpi ne, %convert_element_type3A_142, %cond3A_143 : i32
        scf.if %cond3A_144 {
          %ge3A = arith.constant 2 : i32
          %ge3A_145 = arith.cmpi sge, %add3A_140, %ge3A : i32
          %convert_element_type3A_146 = arith.extui %ge3A_145 : i1 to i32
          %cond3A_147 = arith.constant 0 : i32
          %cond3A_148 = arith.cmpi ne, %convert_element_type3A_146, %cond3A_147 : i32
          scf.if %cond3A_148 {
            %scan3A_180 = arith.constant 0 : i32
            %scan3A_181 = arith.constant 4 : i32
            %scan3A_182 = arith.addi %scan3A_180, %scan3A_181 : i32
            %scan3A_183 = arith.constant 1 : i32
            scf.for %scan3A_185 = %scan3A_180 to %scan3A_182 step %scan3A_183  : i32 {
              %mul3A_186 = arith.constant 8 : i32
              %mul3A_187 = arith.muli %scan3A_185, %mul3A_186 : i32
              %add3A_188 = arith.constant 0 : i32
              %add3A_189 = arith.addi %add3A_188, %mul3A_187 : i32
              %add3A_190 = arith.constant 0 : i32
              %add3A_191 = arith.addi %add3A_189, %add3A_190 : i32
              %add3A_192 = arith.constant 0 : i32
              %add3A_193 = arith.addi %add3A_189, %add3A_192 : i32
              %dma_wait3A_194 = arith.constant 0 : i32
              %dma_wait3A_195 = tpu.memref_slice %arg8[%add3A_191, %dma_wait3A_194] : memref<32x128xf32, #tpu.memory_space<vmem>> -> memref<1x128xf32, #tpu.memory_space<vmem>>
              %dma_wait3A_196 = tpu.memref_squeeze %dma_wait3A_195 : memref<1x128xf32, #tpu.memory_space<vmem>> -> memref<128xf32, #tpu.memory_space<vmem>>
              %dma_wait3A_197 = arith.constant 0 : i32
              %dma_wait3A_198 = tpu.memref_slice %arg5[%add3A_193, %dma_wait3A_197] : memref<32x128xi32, #tpu.memory_space<vmem>> -> memref<1x128xi32, #tpu.memory_space<vmem>>
              %dma_wait3A_199 = tpu.memref_squeeze %dma_wait3A_198 : memref<1x128xi32, #tpu.memory_space<vmem>> -> memref<128xi32, #tpu.memory_space<vmem>>
              %dma_wait3A_200 = arith.constant 0 : i32
              %dma_wait3A_201 = tpu.memref_slice %arg12[%dma_wait3A_200] : memref<1605632xf32, #tpu.memory_space<vmem_shared>> -> memref<1605632xf32, #tpu.memory_space<vmem_shared>>
              tpu.wait_indirect_dma semaphore(%arg19 : memref<!tpu.dma_semaphore, #tpu.memory_space<semaphore_mem>>) src(%dma_wait3A_196 : memref<128xf32, #tpu.memory_space<vmem>>) dst(%dma_wait3A_201 : memref<1605632xf32, #tpu.memory_space<vmem_shared>>)
              %add3A_202 = arith.constant 1 : i32
              %add3A_203 = arith.addi %add3A_189, %add3A_202 : i32
              %add3A_204 = arith.constant 1 : i32
              %add3A_205 = arith.addi %add3A_189, %add3A_204 : i32
              %dma_wait3A_206 = arith.constant 0 : i32
              %dma_wait3A_207 = tpu.memref_slice %arg8[%add3A_203, %dma_wait3A_206] : memref<32x128xf32, #tpu.memory_space<vmem>> -> memref<1x128xf32, #tpu.memory_space<vmem>>
              %dma_wait3A_208 = tpu.memref_squeeze %dma_wait3A_207 : memref<1x128xf32, #tpu.memory_space<vmem>> -> memref<128xf32, #tpu.memory_space<vmem>>
              %dma_wait3A_209 = arith.constant 0 : i32
              %dma_wait3A_210 = tpu.memref_slice %arg5[%add3A_205, %dma_wait3A_209] : memref<32x128xi32, #tpu.memory_space<vmem>> -> memref<1x128xi32, #tpu.memory_space<vmem>>
              %dma_wait3A_211 = tpu.memref_squeeze %dma_wait3A_210 : memref<1x128xi32, #tpu.memory_space<vmem>> -> memref<128xi32, #tpu.memory_space<vmem>>
              %dma_wait3A_212 = arith.constant 0 : i32
              %dma_wait3A_213 = tpu.memref_slice %arg12[%dma_wait3A_212] : memref<1605632xf32, #tpu.memory_space<vmem_shared>> -> memref<1605632xf32, #tpu.memory_space<vmem_shared>>
              tpu.wait_indirect_dma semaphore(%arg19 : memref<!tpu.dma_semaphore, #tpu.memory_space<semaphore_mem>>) src(%dma_wait3A_208 : memref<128xf32, #tpu.memory_space<vmem>>) dst(%dma_wait3A_213 : memref<1605632xf32, #tpu.memory_space<vmem_shared>>)
              %add3A_214 = arith.constant 2 : i32
              %add3A_215 = arith.addi %add3A_189, %add3A_214 : i32
              %add3A_216 = arith.constant 2 : i32
              %add3A_217 = arith.addi %add3A_189, %add3A_216 : i32
              %dma_wait3A_218 = arith.constant 0 : i32
              %dma_wait3A_219 = tpu.memref_slice %arg8[%add3A_215, %dma_wait3A_218] : memref<32x128xf32, #tpu.memory_space<vmem>> -> memref<1x128xf32, #tpu.memory_space<vmem>>
              %dma_wait3A_220 = tpu.memref_squeeze %dma_wait3A_219 : memref<1x128xf32, #tpu.memory_space<vmem>> -> memref<128xf32, #tpu.memory_space<vmem>>
              %dma_wait3A_221 = arith.constant 0 : i32
              %dma_wait3A_222 = tpu.memref_slice %arg5[%add3A_217, %dma_wait3A_221] : memref<32x128xi32, #tpu.memory_space<vmem>> -> memref<1x128xi32, #tpu.memory_space<vmem>>
              %dma_wait3A_223 = tpu.memref_squeeze %dma_wait3A_222 : memref<1x128xi32, #tpu.memory_space<vmem>> -> memref<128xi32, #tpu.memory_space<vmem>>
              %dma_wait3A_224 = arith.constant 0 : i32
              %dma_wait3A_225 = tpu.memref_slice %arg12[%dma_wait3A_224] : memref<1605632xf32, #tpu.memory_space<vmem_shared>> -> memref<1605632xf32, #tpu.memory_space<vmem_shared>>
              tpu.wait_indirect_dma semaphore(%arg19 : memref<!tpu.dma_semaphore, #tpu.memory_space<semaphore_mem>>) src(%dma_wait3A_220 : memref<128xf32, #tpu.memory_space<vmem>>) dst(%dma_wait3A_225 : memref<1605632xf32, #tpu.memory_space<vmem_shared>>)
              %add3A_226 = arith.constant 3 : i32
              %add3A_227 = arith.addi %add3A_189, %add3A_226 : i32
              %add3A_228 = arith.constant 3 : i32
              %add3A_229 = arith.addi %add3A_189, %add3A_228 : i32
              %dma_wait3A_230 = arith.constant 0 : i32
              %dma_wait3A_231 = tpu.memref_slice %arg8[%add3A_227, %dma_wait3A_230] : memref<32x128xf32, #tpu.memory_space<vmem>> -> memref<1x128xf32, #tpu.memory_space<vmem>>
              %dma_wait3A_232 = tpu.memref_squeeze %dma_wait3A_231 : memref<1x128xf32, #tpu.memory_space<vmem>> -> memref<128xf32, #tpu.memory_space<vmem>>
              %dma_wait3A_233 = arith.constant 0 : i32
              %dma_wait3A_234 = tpu.memref_slice %arg5[%add3A_229, %dma_wait3A_233] : memref<32x128xi32, #tpu.memory_space<vmem>> -> memref<1x128xi32, #tpu.memory_space<vmem>>
              %dma_wait3A_235 = tpu.memref_squeeze %dma_wait3A_234 : memref<1x128xi32, #tpu.memory_space<vmem>> -> memref<128xi32, #tpu.memory_space<vmem>>
              %dma_wait3A_236 = arith.constant 0 : i32
              %dma_wait3A_237 = tpu.memref_slice %arg12[%dma_wait3A_236] : memref<1605632xf32, #tpu.memory_space<vmem_shared>> -> memref<1605632xf32, #tpu.memory_space<vmem_shared>>
              tpu.wait_indirect_dma semaphore(%arg19 : memref<!tpu.dma_semaphore, #tpu.memory_space<semaphore_mem>>) src(%dma_wait3A_232 : memref<128xf32, #tpu.memory_space<vmem>>) dst(%dma_wait3A_237 : memref<1605632xf32, #tpu.memory_space<vmem_shared>>)
              %add3A_238 = arith.constant 4 : i32
              %add3A_239 = arith.addi %add3A_189, %add3A_238 : i32
              %add3A_240 = arith.constant 4 : i32
              %add3A_241 = arith.addi %add3A_189, %add3A_240 : i32
              %dma_wait3A_242 = arith.constant 0 : i32
              %dma_wait3A_243 = tpu.memref_slice %arg8[%add3A_239, %dma_wait3A_242] : memref<32x128xf32, #tpu.memory_space<vmem>> -> memref<1x128xf32, #tpu.memory_space<vmem>>
              %dma_wait3A_244 = tpu.memref_squeeze %dma_wait3A_243 : memref<1x128xf32, #tpu.memory_space<vmem>> -> memref<128xf32, #tpu.memory_space<vmem>>
              %dma_wait3A_245 = arith.constant 0 : i32
              %dma_wait3A_246 = tpu.memref_slice %arg5[%add3A_241, %dma_wait3A_245] : memref<32x128xi32, #tpu.memory_space<vmem>> -> memref<1x128xi32, #tpu.memory_space<vmem>>
              %dma_wait3A_247 = tpu.memref_squeeze %dma_wait3A_246 : memref<1x128xi32, #tpu.memory_space<vmem>> -> memref<128xi32, #tpu.memory_space<vmem>>
              %dma_wait3A_248 = arith.constant 0 : i32
              %dma_wait3A_249 = tpu.memref_slice %arg12[%dma_wait3A_248] : memref<1605632xf32, #tpu.memory_space<vmem_shared>> -> memref<1605632xf32, #tpu.memory_space<vmem_shared>>
              tpu.wait_indirect_dma semaphore(%arg19 : memref<!tpu.dma_semaphore, #tpu.memory_space<semaphore_mem>>) src(%dma_wait3A_244 : memref<128xf32, #tpu.memory_space<vmem>>) dst(%dma_wait3A_249 : memref<1605632xf32, #tpu.memory_space<vmem_shared>>)
              %add3A_250 = arith.constant 5 : i32
              %add3A_251 = arith.addi %add3A_189, %add3A_250 : i32
              %add3A_252 = arith.constant 5 : i32
              %add3A_253 = arith.addi %add3A_189, %add3A_252 : i32
              %dma_wait3A_254 = arith.constant 0 : i32
              %dma_wait3A_255 = tpu.memref_slice %arg8[%add3A_251, %dma_wait3A_254] : memref<32x128xf32, #tpu.memory_space<vmem>> -> memref<1x128xf32, #tpu.memory_space<vmem>>
              %dma_wait3A_256 = tpu.memref_squeeze %dma_wait3A_255 : memref<1x128xf32, #tpu.memory_space<vmem>> -> memref<128xf32, #tpu.memory_space<vmem>>
              %dma_wait3A_257 = arith.constant 0 : i32
              %dma_wait3A_258 = tpu.memref_slice %arg5[%add3A_253, %dma_wait3A_257] : memref<32x128xi32, #tpu.memory_space<vmem>> -> memref<1x128xi32, #tpu.memory_space<vmem>>
              %dma_wait3A_259 = tpu.memref_squeeze %dma_wait3A_258 : memref<1x128xi32, #tpu.memory_space<vmem>> -> memref<128xi32, #tpu.memory_space<vmem>>
              %dma_wait3A_260 = arith.constant 0 : i32
              %dma_wait3A_261 = tpu.memref_slice %arg12[%dma_wait3A_260] : memref<1605632xf32, #tpu.memory_space<vmem_shared>> -> memref<1605632xf32, #tpu.memory_space<vmem_shared>>
              tpu.wait_indirect_dma semaphore(%arg19 : memref<!tpu.dma_semaphore, #tpu.memory_space<semaphore_mem>>) src(%dma_wait3A_256 : memref<128xf32, #tpu.memory_space<vmem>>) dst(%dma_wait3A_261 : memref<1605632xf32, #tpu.memory_space<vmem_shared>>)
              %add3A_262 = arith.constant 6 : i32
              %add3A_263 = arith.addi %add3A_189, %add3A_262 : i32
              %add3A_264 = arith.constant 6 : i32
              %add3A_265 = arith.addi %add3A_189, %add3A_264 : i32
              %dma_wait3A_266 = arith.constant 0 : i32
              %dma_wait3A_267 = tpu.memref_slice %arg8[%add3A_263, %dma_wait3A_266] : memref<32x128xf32, #tpu.memory_space<vmem>> -> memref<1x128xf32, #tpu.memory_space<vmem>>
              %dma_wait3A_268 = tpu.memref_squeeze %dma_wait3A_267 : memref<1x128xf32, #tpu.memory_space<vmem>> -> memref<128xf32, #tpu.memory_space<vmem>>
              %dma_wait3A_269 = arith.constant 0 : i32
              %dma_wait3A_270 = tpu.memref_slice %arg5[%add3A_265, %dma_wait3A_269] : memref<32x128xi32, #tpu.memory_space<vmem>> -> memref<1x128xi32, #tpu.memory_space<vmem>>
              %dma_wait3A_271 = tpu.memref_squeeze %dma_wait3A_270 : memref<1x128xi32, #tpu.memory_space<vmem>> -> memref<128xi32, #tpu.memory_space<vmem>>
              %dma_wait3A_272 = arith.constant 0 : i32
              %dma_wait3A_273 = tpu.memref_slice %arg12[%dma_wait3A_272] : memref<1605632xf32, #tpu.memory_space<vmem_shared>> -> memref<1605632xf32, #tpu.memory_space<vmem_shared>>
              tpu.wait_indirect_dma semaphore(%arg19 : memref<!tpu.dma_semaphore, #tpu.memory_space<semaphore_mem>>) src(%dma_wait3A_268 : memref<128xf32, #tpu.memory_space<vmem>>) dst(%dma_wait3A_273 : memref<1605632xf32, #tpu.memory_space<vmem_shared>>)
              %add3A_274 = arith.constant 7 : i32
              %add3A_275 = arith.addi %add3A_189, %add3A_274 : i32
              %add3A_276 = arith.constant 7 : i32
              %add3A_277 = arith.addi %add3A_189, %add3A_276 : i32
              %dma_wait3A_278 = arith.constant 0 : i32
              %dma_wait3A_279 = tpu.memref_slice %arg8[%add3A_275, %dma_wait3A_278] : memref<32x128xf32, #tpu.memory_space<vmem>> -> memref<1x128xf32, #tpu.memory_space<vmem>>
              %dma_wait3A_280 = tpu.memref_squeeze %dma_wait3A_279 : memref<1x128xf32, #tpu.memory_space<vmem>> -> memref<128xf32, #tpu.memory_space<vmem>>
              %dma_wait3A_281 = arith.constant 0 : i32
              %dma_wait3A_282 = tpu.memref_slice %arg5[%add3A_277, %dma_wait3A_281] : memref<32x128xi32, #tpu.memory_space<vmem>> -> memref<1x128xi32, #tpu.memory_space<vmem>>
              %dma_wait3A_283 = tpu.memref_squeeze %dma_wait3A_282 : memref<1x128xi32, #tpu.memory_space<vmem>> -> memref<128xi32, #tpu.memory_space<vmem>>
              %dma_wait3A_284 = arith.constant 0 : i32
              %dma_wait3A_285 = tpu.memref_slice %arg12[%dma_wait3A_284] : memref<1605632xf32, #tpu.memory_space<vmem_shared>> -> memref<1605632xf32, #tpu.memory_space<vmem_shared>>
              tpu.wait_indirect_dma semaphore(%arg19 : memref<!tpu.dma_semaphore, #tpu.memory_space<semaphore_mem>>) src(%dma_wait3A_280 : memref<128xf32, #tpu.memory_space<vmem>>) dst(%dma_wait3A_285 : memref<1605632xf32, #tpu.memory_space<vmem_shared>>)
            }
            %scan3A_184 = arith.constant 4 : i32
          } else {
          }
          %add3A_149 = arith.constant 1 : i32
          %add3A_150 = arith.addi %add3A_140, %add3A_149 : i32
          %lt3A_151 = arith.cmpi slt, %add3A_150, %select_n3A_44 : i32
          %convert_element_type3A_152 = arith.extui %lt3A_151 : i1 to i32
          %cond3A_153 = arith.constant 0 : i32
          %cond3A_154 = arith.cmpi ne, %convert_element_type3A_152, %cond3A_153 : i32
          scf.if %cond3A_154 {
            %add3A_180 = arith.constant 1 : i32
            %add3A_181 = arith.addi %add3A_140, %add3A_180 : i32
            %mul3A_182 = arith.constant 9408 : i32
            %mul3A_183 = arith.muli %select_n3A, %mul3A_182 : i32
            %mul3A_184 = arith.constant 16 : i32
            %mul3A_185 = arith.muli %mul3A_184, %add3A_181 : i32
            %add3A_186 = arith.addi %arg1, %mul3A_185 : i32
            %mul3A_187 = arith.constant 32 : i32
            %mul3A_188 = arith.muli %add3A_186, %mul3A_187 : i32
            %add3A_189 = arith.addi %mul3A_183, %mul3A_188 : i32
            %dma_start3A_190 = arith.constant 0 : i32
            %dma_start3A_191 = tpu.memref_slice %arg2[%add3A_189, %dma_start3A_190] : memref<75264x128xi32, #tpu.memory_space<hbm>> -> memref<32x128xi32, #tpu.memory_space<hbm>>
            %dma_start3A_192 = arith.constant 0 : i32
            %dma_start3A_193 = tpu.memref_slice %arg2[%add3A_189, %dma_start3A_192] : memref<75264x128xi32, #tpu.memory_space<hbm>> -> memref<32x128xi32, #tpu.memory_space<hbm>>
            tpu.enqueue_dma source(%dma_start3A_193 : memref<32x128xi32, #tpu.memory_space<hbm>>) target(%arg5 : memref<32x128xi32, #tpu.memory_space<vmem>>) target_semaphore(%arg13 : memref<!tpu.dma_semaphore, #tpu.memory_space<semaphore_mem>>)
            %dma_start3A_194 = arith.constant 0 : i32
            %dma_start3A_195 = tpu.memref_slice %arg3[%add3A_189, %dma_start3A_194] : memref<75264x128xf32, #tpu.memory_space<hbm>> -> memref<32x128xf32, #tpu.memory_space<hbm>>
            %dma_start3A_196 = arith.constant 0 : i32
            %dma_start3A_197 = tpu.memref_slice %arg3[%add3A_189, %dma_start3A_196] : memref<75264x128xf32, #tpu.memory_space<hbm>> -> memref<32x128xf32, #tpu.memory_space<hbm>>
            tpu.enqueue_dma source(%dma_start3A_197 : memref<32x128xf32, #tpu.memory_space<hbm>>) target(%arg8 : memref<32x128xf32, #tpu.memory_space<vmem>>) target_semaphore(%arg16 : memref<!tpu.dma_semaphore, #tpu.memory_space<semaphore_mem>>)
          } else {
          }
          %mul3A_155 = arith.constant 9408 : i32
          %mul3A_156 = arith.muli %select_n3A, %mul3A_155 : i32
          %mul3A_157 = arith.constant 16 : i32
          %mul3A_158 = arith.muli %mul3A_157, %add3A_140 : i32
          %add3A_159 = arith.addi %arg1, %mul3A_158 : i32
          %mul3A_160 = arith.constant 32 : i32
          %mul3A_161 = arith.muli %add3A_159, %mul3A_160 : i32
          %add3A_162 = arith.addi %mul3A_156, %mul3A_161 : i32
          %dma_wait3A = arith.constant 0 : i32
          %dma_wait3A_163 = tpu.memref_slice %arg2[%add3A_162, %dma_wait3A] : memref<75264x128xi32, #tpu.memory_space<hbm>> -> memref<32x128xi32, #tpu.memory_space<hbm>>
          %dma_wait3A_164 = arith.constant 0 : i32
          %dma_wait3A_165 = tpu.memref_slice %arg2[%add3A_162, %dma_wait3A_164] : memref<75264x128xi32, #tpu.memory_space<hbm>> -> memref<32x128xi32, #tpu.memory_space<hbm>>
          tpu.wait_dma2 semaphore(%arg15 : memref<!tpu.dma_semaphore, #tpu.memory_space<semaphore_mem>>) src(%dma_wait3A_165 : memref<32x128xi32, #tpu.memory_space<hbm>>) dst(%arg7 : memref<32x128xi32, #tpu.memory_space<vmem>>)
          %dma_wait3A_166 = arith.constant 0 : i32
          %dma_wait3A_167 = tpu.memref_slice %arg3[%add3A_162, %dma_wait3A_166] : memref<75264x128xf32, #tpu.memory_space<hbm>> -> memref<32x128xf32, #tpu.memory_space<hbm>>
          %dma_wait3A_168 = arith.constant 0 : i32
          %dma_wait3A_169 = tpu.memref_slice %arg3[%add3A_162, %dma_wait3A_168] : memref<75264x128xf32, #tpu.memory_space<hbm>> -> memref<32x128xf32, #tpu.memory_space<hbm>>
          tpu.wait_dma2 semaphore(%arg18 : memref<!tpu.dma_semaphore, #tpu.memory_space<semaphore_mem>>) src(%dma_wait3A_169 : memref<32x128xf32, #tpu.memory_space<hbm>>) dst(%arg10 : memref<32x128xf32, #tpu.memory_space<vmem>>)
          %scan3A_170 = arith.constant 0 : i32
          %scan3A_171 = arith.constant 32 : i32
          %scan3A_172 = arith.addi %scan3A_170, %scan3A_171 : i32
          %scan3A_173 = arith.constant 1 : i32
          scf.for %scan3A_180 = %scan3A_170 to %scan3A_172 step %scan3A_173  : i32 {
            %mul3A_181 = arith.constant 1 : i32
            %mul3A_182 = arith.muli %scan3A_180, %mul3A_181 : i32
            %add3A_183 = arith.constant 0 : i32
            %add3A_184 = arith.addi %add3A_183, %mul3A_182 : i32
            %get3A = arith.constant 0 : i32
            %get3A_185 = tpu.memref_slice %arg7[%add3A_184, %get3A] : memref<32x128xi32, #tpu.memory_space<vmem>> -> memref<1x128xi32, #tpu.memory_space<vmem>>
            %get3A_186 = tpu.memref_squeeze %get3A_185 : memref<1x128xi32, #tpu.memory_space<vmem>> -> memref<128xi32, #tpu.memory_space<vmem>>
            %get3A_187 = arith.constant 0 : index
            %get3A_188 = tpu.vector_load %get3A_186[%get3A_187] {strides = array<i32>} : memref<128xi32, #tpu.memory_space<vmem>>, vector<16xi32>,
            %sub3A_189 = vector.broadcast %mul3A_40 : i32 to vector<16xi32>
            %sub3A_190 = arith.subi %get3A_188, %sub3A_189 : vector<16xi32>
            %ge3A_191 = arith.constant 0 : i32
            %ge3A_192 = vector.broadcast %ge3A_191 : i32 to vector<16xi32>
            %ge3A_193 = arith.cmpi sge, %sub3A_190, %ge3A_192 : vector<16xi32>
            %lt3A_194 = arith.constant 1605632 : i32
            %lt3A_195 = vector.broadcast %lt3A_194 : i32 to vector<16xi32>
            %lt3A_196 = arith.cmpi slt, %sub3A_190, %lt3A_195 : vector<16xi32>
            %and3A_197 = arith.andi %ge3A_193, %lt3A_196 : vector<16xi1>
            %jit3A_198 = arith.constant -1 : i32
            %broadcast_in_dim3A = vector.broadcast %jit3A_198 : i32 to vector<16xi32>
            %select_n3A_199 = arith.select %and3A_197, %sub3A_190, %broadcast_in_dim3A : vector<16xi1>, vector<16xi32>
            %swap3A = arith.constant 0 : i32
            %swap3A_200 = tpu.memref_slice %arg7[%add3A_184, %swap3A] : memref<32x128xi32, #tpu.memory_space<vmem>> -> memref<1x128xi32, #tpu.memory_space<vmem>>
            %swap3A_201 = tpu.memref_squeeze %swap3A_200 : memref<1x128xi32, #tpu.memory_space<vmem>> -> memref<128xi32, #tpu.memory_space<vmem>>
            %swap3A_202 = arith.constant 0 : index
            %swap3A_203 = tpu.vector_load %swap3A_201[%swap3A_202] {strides = array<i32>} : memref<128xi32, #tpu.memory_space<vmem>>, vector<16xi32>,
            tpu.vector_store %swap3A_201[%swap3A_202], %select_n3A_199 {strides = array<i32>} : memref<128xi32, #tpu.memory_space<vmem>>, vector<16xi32>,
            %get3A_204 = arith.constant 0 : i32
            %get3A_205 = tpu.memref_slice %arg7[%add3A_184, %get3A_204] : memref<32x128xi32, #tpu.memory_space<vmem>> -> memref<1x128xi32, #tpu.memory_space<vmem>>
            %get3A_206 = tpu.memref_squeeze %get3A_205 : memref<1x128xi32, #tpu.memory_space<vmem>> -> memref<128xi32, #tpu.memory_space<vmem>>
            %get3A_207 = arith.constant 16 : index
            %get3A_208 = tpu.vector_load %get3A_206[%get3A_207] {strides = array<i32>} : memref<128xi32, #tpu.memory_space<vmem>>, vector<16xi32>,
            %sub3A_209 = vector.broadcast %mul3A_40 : i32 to vector<16xi32>
            %sub3A_210 = arith.subi %get3A_208, %sub3A_209 : vector<16xi32>
            %ge3A_211 = arith.constant 0 : i32
            %ge3A_212 = vector.broadcast %ge3A_211 : i32 to vector<16xi32>
            %ge3A_213 = arith.cmpi sge, %sub3A_210, %ge3A_212 : vector<16xi32>
            %lt3A_214 = arith.constant 1605632 : i32
            %lt3A_215 = vector.broadcast %lt3A_214 : i32 to vector<16xi32>
            %lt3A_216 = arith.cmpi slt, %sub3A_210, %lt3A_215 : vector<16xi32>
            %and3A_217 = arith.andi %ge3A_213, %lt3A_216 : vector<16xi1>
            %jit3A_218 = arith.constant -1 : i32
            %broadcast_in_dim3A_219 = vector.broadcast %jit3A_218 : i32 to vector<16xi32>
            %select_n3A_220 = arith.select %and3A_217, %sub3A_210, %broadcast_in_dim3A_219 : vector<16xi1>, vector<16xi32>
            %swap3A_221 = arith.constant 0 : i32
            %swap3A_222 = tpu.memref_slice %arg7[%add3A_184, %swap3A_221] : memref<32x128xi32, #tpu.memory_space<vmem>> -> memref<1x128xi32, #tpu.memory_space<vmem>>
            %swap3A_223 = tpu.memref_squeeze %swap3A_222 : memref<1x128xi32, #tpu.memory_space<vmem>> -> memref<128xi32, #tpu.memory_space<vmem>>
            %swap3A_224 = arith.constant 16 : index
            %swap3A_225 = tpu.vector_load %swap3A_223[%swap3A_224] {strides = array<i32>} : memref<128xi32, #tpu.memory_space<vmem>>, vector<16xi32>,
            tpu.vector_store %swap3A_223[%swap3A_224], %select_n3A_220 {strides = array<i32>} : memref<128xi32, #tpu.memory_space<vmem>>, vector<16xi32>,
            %get3A_226 = arith.constant 0 : i32
            %get3A_227 = tpu.memref_slice %arg7[%add3A_184, %get3A_226] : memref<32x128xi32, #tpu.memory_space<vmem>> -> memref<1x128xi32, #tpu.memory_space<vmem>>
            %get3A_228 = tpu.memref_squeeze %get3A_227 : memref<1x128xi32, #tpu.memory_space<vmem>> -> memref<128xi32, #tpu.memory_space<vmem>>
            %get3A_229 = arith.constant 32 : index
            %get3A_230 = tpu.vector_load %get3A_228[%get3A_229] {strides = array<i32>} : memref<128xi32, #tpu.memory_space<vmem>>, vector<16xi32>,
            %sub3A_231 = vector.broadcast %mul3A_40 : i32 to vector<16xi32>
            %sub3A_232 = arith.subi %get3A_230, %sub3A_231 : vector<16xi32>
            %ge3A_233 = arith.constant 0 : i32
            %ge3A_234 = vector.broadcast %ge3A_233 : i32 to vector<16xi32>
            %ge3A_235 = arith.cmpi sge, %sub3A_232, %ge3A_234 : vector<16xi32>
            %lt3A_236 = arith.constant 1605632 : i32
            %lt3A_237 = vector.broadcast %lt3A_236 : i32 to vector<16xi32>
            %lt3A_238 = arith.cmpi slt, %sub3A_232, %lt3A_237 : vector<16xi32>
            %and3A_239 = arith.andi %ge3A_235, %lt3A_238 : vector<16xi1>
            %jit3A_240 = arith.constant -1 : i32
            %broadcast_in_dim3A_241 = vector.broadcast %jit3A_240 : i32 to vector<16xi32>
            %select_n3A_242 = arith.select %and3A_239, %sub3A_232, %broadcast_in_dim3A_241 : vector<16xi1>, vector<16xi32>
            %swap3A_243 = arith.constant 0 : i32
            %swap3A_244 = tpu.memref_slice %arg7[%add3A_184, %swap3A_243] : memref<32x128xi32, #tpu.memory_space<vmem>> -> memref<1x128xi32, #tpu.memory_space<vmem>>
            %swap3A_245 = tpu.memref_squeeze %swap3A_244 : memref<1x128xi32, #tpu.memory_space<vmem>> -> memref<128xi32, #tpu.memory_space<vmem>>
            %swap3A_246 = arith.constant 32 : index
            %swap3A_247 = tpu.vector_load %swap3A_245[%swap3A_246] {strides = array<i32>} : memref<128xi32, #tpu.memory_space<vmem>>, vector<16xi32>,
            tpu.vector_store %swap3A_245[%swap3A_246], %select_n3A_242 {strides = array<i32>} : memref<128xi32, #tpu.memory_space<vmem>>, vector<16xi32>,
            %get3A_248 = arith.constant 0 : i32
            %get3A_249 = tpu.memref_slice %arg7[%add3A_184, %get3A_248] : memref<32x128xi32, #tpu.memory_space<vmem>> -> memref<1x128xi32, #tpu.memory_space<vmem>>
            %get3A_250 = tpu.memref_squeeze %get3A_249 : memref<1x128xi32, #tpu.memory_space<vmem>> -> memref<128xi32, #tpu.memory_space<vmem>>
            %get3A_251 = arith.constant 48 : index
            %get3A_252 = tpu.vector_load %get3A_250[%get3A_251] {strides = array<i32>} : memref<128xi32, #tpu.memory_space<vmem>>, vector<16xi32>,
            %sub3A_253 = vector.broadcast %mul3A_40 : i32 to vector<16xi32>
            %sub3A_254 = arith.subi %get3A_252, %sub3A_253 : vector<16xi32>
            %ge3A_255 = arith.constant 0 : i32
            %ge3A_256 = vector.broadcast %ge3A_255 : i32 to vector<16xi32>
            %ge3A_257 = arith.cmpi sge, %sub3A_254, %ge3A_256 : vector<16xi32>
            %lt3A_258 = arith.constant 1605632 : i32
            %lt3A_259 = vector.broadcast %lt3A_258 : i32 to vector<16xi32>
            %lt3A_260 = arith.cmpi slt, %sub3A_254, %lt3A_259 : vector<16xi32>
            %and3A_261 = arith.andi %ge3A_257, %lt3A_260 : vector<16xi1>
            %jit3A_262 = arith.constant -1 : i32
            %broadcast_in_dim3A_263 = vector.broadcast %jit3A_262 : i32 to vector<16xi32>
            %select_n3A_264 = arith.select %and3A_261, %sub3A_254, %broadcast_in_dim3A_263 : vector<16xi1>, vector<16xi32>
            %swap3A_265 = arith.constant 0 : i32
            %swap3A_266 = tpu.memref_slice %arg7[%add3A_184, %swap3A_265] : memref<32x128xi32, #tpu.memory_space<vmem>> -> memref<1x128xi32, #tpu.memory_space<vmem>>
            %swap3A_267 = tpu.memref_squeeze %swap3A_266 : memref<1x128xi32, #tpu.memory_space<vmem>> -> memref<128xi32, #tpu.memory_space<vmem>>
            %swap3A_268 = arith.constant 48 : index
            %swap3A_269 = tpu.vector_load %swap3A_267[%swap3A_268] {strides = array<i32>} : memref<128xi32, #tpu.memory_space<vmem>>, vector<16xi32>,
            tpu.vector_store %swap3A_267[%swap3A_268], %select_n3A_264 {strides = array<i32>} : memref<128xi32, #tpu.memory_space<vmem>>, vector<16xi32>,
            %get3A_270 = arith.constant 0 : i32
            %get3A_271 = tpu.memref_slice %arg7[%add3A_184, %get3A_270] : memref<32x128xi32, #tpu.memory_space<vmem>> -> memref<1x128xi32, #tpu.memory_space<vmem>>
            %get3A_272 = tpu.memref_squeeze %get3A_271 : memref<1x128xi32, #tpu.memory_space<vmem>> -> memref<128xi32, #tpu.memory_space<vmem>>
            %get3A_273 = arith.constant 64 : index
            %get3A_274 = tpu.vector_load %get3A_272[%get3A_273] {strides = array<i32>} : memref<128xi32, #tpu.memory_space<vmem>>, vector<16xi32>,
            %sub3A_275 = vector.broadcast %mul3A_40 : i32 to vector<16xi32>
            %sub3A_276 = arith.subi %get3A_274, %sub3A_275 : vector<16xi32>
            %ge3A_277 = arith.constant 0 : i32
            %ge3A_278 = vector.broadcast %ge3A_277 : i32 to vector<16xi32>
            %ge3A_279 = arith.cmpi sge, %sub3A_276, %ge3A_278 : vector<16xi32>
            %lt3A_280 = arith.constant 1605632 : i32
            %lt3A_281 = vector.broadcast %lt3A_280 : i32 to vector<16xi32>
            %lt3A_282 = arith.cmpi slt, %sub3A_276, %lt3A_281 : vector<16xi32>
            %and3A_283 = arith.andi %ge3A_279, %lt3A_282 : vector<16xi1>
            %jit3A_284 = arith.constant -1 : i32
            %broadcast_in_dim3A_285 = vector.broadcast %jit3A_284 : i32 to vector<16xi32>
            %select_n3A_286 = arith.select %and3A_283, %sub3A_276, %broadcast_in_dim3A_285 : vector<16xi1>, vector<16xi32>
            %swap3A_287 = arith.constant 0 : i32
            %swap3A_288 = tpu.memref_slice %arg7[%add3A_184, %swap3A_287] : memref<32x128xi32, #tpu.memory_space<vmem>> -> memref<1x128xi32, #tpu.memory_space<vmem>>
            %swap3A_289 = tpu.memref_squeeze %swap3A_288 : memref<1x128xi32, #tpu.memory_space<vmem>> -> memref<128xi32, #tpu.memory_space<vmem>>
            %swap3A_290 = arith.constant 64 : index
            %swap3A_291 = tpu.vector_load %swap3A_289[%swap3A_290] {strides = array<i32>} : memref<128xi32, #tpu.memory_space<vmem>>, vector<16xi32>,
            tpu.vector_store %swap3A_289[%swap3A_290], %select_n3A_286 {strides = array<i32>} : memref<128xi32, #tpu.memory_space<vmem>>, vector<16xi32>,
            %get3A_292 = arith.constant 0 : i32
            %get3A_293 = tpu.memref_slice %arg7[%add3A_184, %get3A_292] : memref<32x128xi32, #tpu.memory_space<vmem>> -> memref<1x128xi32, #tpu.memory_space<vmem>>
            %get3A_294 = tpu.memref_squeeze %get3A_293 : memref<1x128xi32, #tpu.memory_space<vmem>> -> memref<128xi32, #tpu.memory_space<vmem>>
            %get3A_295 = arith.constant 80 : index
            %get3A_296 = tpu.vector_load %get3A_294[%get3A_295] {strides = array<i32>} : memref<128xi32, #tpu.memory_space<vmem>>, vector<16xi32>,
            %sub3A_297 = vector.broadcast %mul3A_40 : i32 to vector<16xi32>
            %sub3A_298 = arith.subi %get3A_296, %sub3A_297 : vector<16xi32>
            %ge3A_299 = arith.constant 0 : i32
            %ge3A_300 = vector.broadcast %ge3A_299 : i32 to vector<16xi32>
            %ge3A_301 = arith.cmpi sge, %sub3A_298, %ge3A_300 : vector<16xi32>
            %lt3A_302 = arith.constant 1605632 : i32
            %lt3A_303 = vector.broadcast %lt3A_302 : i32 to vector<16xi32>
            %lt3A_304 = arith.cmpi slt, %sub3A_298, %lt3A_303 : vector<16xi32>
            %and3A_305 = arith.andi %ge3A_301, %lt3A_304 : vector<16xi1>
            %jit3A_306 = arith.constant -1 : i32
            %broadcast_in_dim3A_307 = vector.broadcast %jit3A_306 : i32 to vector<16xi32>
            %select_n3A_308 = arith.select %and3A_305, %sub3A_298, %broadcast_in_dim3A_307 : vector<16xi1>, vector<16xi32>
            %swap3A_309 = arith.constant 0 : i32
            %swap3A_310 = tpu.memref_slice %arg7[%add3A_184, %swap3A_309] : memref<32x128xi32, #tpu.memory_space<vmem>> -> memref<1x128xi32, #tpu.memory_space<vmem>>
            %swap3A_311 = tpu.memref_squeeze %swap3A_310 : memref<1x128xi32, #tpu.memory_space<vmem>> -> memref<128xi32, #tpu.memory_space<vmem>>
            %swap3A_312 = arith.constant 80 : index
            %swap3A_313 = tpu.vector_load %swap3A_311[%swap3A_312] {strides = array<i32>} : memref<128xi32, #tpu.memory_space<vmem>>, vector<16xi32>,
            tpu.vector_store %swap3A_311[%swap3A_312], %select_n3A_308 {strides = array<i32>} : memref<128xi32, #tpu.memory_space<vmem>>, vector<16xi32>,
            %get3A_314 = arith.constant 0 : i32
            %get3A_315 = tpu.memref_slice %arg7[%add3A_184, %get3A_314] : memref<32x128xi32, #tpu.memory_space<vmem>> -> memref<1x128xi32, #tpu.memory_space<vmem>>
            %get3A_316 = tpu.memref_squeeze %get3A_315 : memref<1x128xi32, #tpu.memory_space<vmem>> -> memref<128xi32, #tpu.memory_space<vmem>>
            %get3A_317 = arith.constant 96 : index
            %get3A_318 = tpu.vector_load %get3A_316[%get3A_317] {strides = array<i32>} : memref<128xi32, #tpu.memory_space<vmem>>, vector<16xi32>,
            %sub3A_319 = vector.broadcast %mul3A_40 : i32 to vector<16xi32>
            %sub3A_320 = arith.subi %get3A_318, %sub3A_319 : vector<16xi32>
            %ge3A_321 = arith.constant 0 : i32
            %ge3A_322 = vector.broadcast %ge3A_321 : i32 to vector<16xi32>
            %ge3A_323 = arith.cmpi sge, %sub3A_320, %ge3A_322 : vector<16xi32>
            %lt3A_324 = arith.constant 1605632 : i32
            %lt3A_325 = vector.broadcast %lt3A_324 : i32 to vector<16xi32>
            %lt3A_326 = arith.cmpi slt, %sub3A_320, %lt3A_325 : vector<16xi32>
            %and3A_327 = arith.andi %ge3A_323, %lt3A_326 : vector<16xi1>
            %jit3A_328 = arith.constant -1 : i32
            %broadcast_in_dim3A_329 = vector.broadcast %jit3A_328 : i32 to vector<16xi32>
            %select_n3A_330 = arith.select %and3A_327, %sub3A_320, %broadcast_in_dim3A_329 : vector<16xi1>, vector<16xi32>
            %swap3A_331 = arith.constant 0 : i32
            %swap3A_332 = tpu.memref_slice %arg7[%add3A_184, %swap3A_331] : memref<32x128xi32, #tpu.memory_space<vmem>> -> memref<1x128xi32, #tpu.memory_space<vmem>>
            %swap3A_333 = tpu.memref_squeeze %swap3A_332 : memref<1x128xi32, #tpu.memory_space<vmem>> -> memref<128xi32, #tpu.memory_space<vmem>>
            %swap3A_334 = arith.constant 96 : index
            %swap3A_335 = tpu.vector_load %swap3A_333[%swap3A_334] {strides = array<i32>} : memref<128xi32, #tpu.memory_space<vmem>>, vector<16xi32>,
            tpu.vector_store %swap3A_333[%swap3A_334], %select_n3A_330 {strides = array<i32>} : memref<128xi32, #tpu.memory_space<vmem>>, vector<16xi32>,
            %get3A_336 = arith.constant 0 : i32
            %get3A_337 = tpu.memref_slice %arg7[%add3A_184, %get3A_336] : memref<32x128xi32, #tpu.memory_space<vmem>> -> memref<1x128xi32, #tpu.memory_space<vmem>>
            %get3A_338 = tpu.memref_squeeze %get3A_337 : memref<1x128xi32, #tpu.memory_space<vmem>> -> memref<128xi32, #tpu.memory_space<vmem>>
            %get3A_339 = arith.constant 112 : index
            %get3A_340 = tpu.vector_load %get3A_338[%get3A_339] {strides = array<i32>} : memref<128xi32, #tpu.memory_space<vmem>>, vector<16xi32>,
            %sub3A_341 = vector.broadcast %mul3A_40 : i32 to vector<16xi32>
            %sub3A_342 = arith.subi %get3A_340, %sub3A_341 : vector<16xi32>
            %ge3A_343 = arith.constant 0 : i32
            %ge3A_344 = vector.broadcast %ge3A_343 : i32 to vector<16xi32>
            %ge3A_345 = arith.cmpi sge, %sub3A_342, %ge3A_344 : vector<16xi32>
            %lt3A_346 = arith.constant 1605632 : i32
            %lt3A_347 = vector.broadcast %lt3A_346 : i32 to vector<16xi32>
            %lt3A_348 = arith.cmpi slt, %sub3A_342, %lt3A_347 : vector<16xi32>
            %and3A_349 = arith.andi %ge3A_345, %lt3A_348 : vector<16xi1>
            %jit3A_350 = arith.constant -1 : i32
            %broadcast_in_dim3A_351 = vector.broadcast %jit3A_350 : i32 to vector<16xi32>
            %select_n3A_352 = arith.select %and3A_349, %sub3A_342, %broadcast_in_dim3A_351 : vector<16xi1>, vector<16xi32>
            %swap3A_353 = arith.constant 0 : i32
            %swap3A_354 = tpu.memref_slice %arg7[%add3A_184, %swap3A_353] : memref<32x128xi32, #tpu.memory_space<vmem>> -> memref<1x128xi32, #tpu.memory_space<vmem>>
            %swap3A_355 = tpu.memref_squeeze %swap3A_354 : memref<1x128xi32, #tpu.memory_space<vmem>> -> memref<128xi32, #tpu.memory_space<vmem>>
            %swap3A_356 = arith.constant 112 : index
            %swap3A_357 = tpu.vector_load %swap3A_355[%swap3A_356] {strides = array<i32>} : memref<128xi32, #tpu.memory_space<vmem>>, vector<16xi32>,
            tpu.vector_store %swap3A_355[%swap3A_356], %select_n3A_352 {strides = array<i32>} : memref<128xi32, #tpu.memory_space<vmem>>, vector<16xi32>,
          }
          %scan3A_174 = arith.constant 32 : i32
          %scan3A_175 = arith.constant 0 : i32
          %scan3A_176 = arith.constant 4 : i32
          %scan3A_177 = arith.addi %scan3A_175, %scan3A_176 : i32
          %scan3A_178 = arith.constant 1 : i32
          scf.for %scan3A_180 = %scan3A_175 to %scan3A_177 step %scan3A_178  : i32 {
            %mul3A_181 = arith.constant 8 : i32
            %mul3A_182 = arith.muli %scan3A_180, %mul3A_181 : i32
            %add3A_183 = arith.constant 0 : i32
            %add3A_184 = arith.addi %add3A_183, %mul3A_182 : i32
            %add3A_185 = arith.constant 0 : i32
            %add3A_186 = arith.addi %add3A_184, %add3A_185 : i32
            %add3A_187 = arith.constant 0 : i32
            %add3A_188 = arith.addi %add3A_184, %add3A_187 : i32
            %dma_start3A_189 = arith.constant 0 : i32
            %dma_start3A_190 = tpu.memref_slice %arg10[%add3A_186, %dma_start3A_189] : memref<32x128xf32, #tpu.memory_space<vmem>> -> memref<1x128xf32, #tpu.memory_space<vmem>>
            %dma_start3A_191 = tpu.memref_squeeze %dma_start3A_190 : memref<1x128xf32, #tpu.memory_space<vmem>> -> memref<128xf32, #tpu.memory_space<vmem>>
            %dma_start3A_192 = arith.constant 0 : i32
            %dma_start3A_193 = tpu.memref_slice %arg7[%add3A_188, %dma_start3A_192] : memref<32x128xi32, #tpu.memory_space<vmem>> -> memref<1x128xi32, #tpu.memory_space<vmem>>
            %dma_start3A_194 = tpu.memref_squeeze %dma_start3A_193 : memref<1x128xi32, #tpu.memory_space<vmem>> -> memref<128xi32, #tpu.memory_space<vmem>>
            %dma_start3A_195 = arith.constant 0 : i32
            %dma_start3A_196 = tpu.memref_slice %arg12[%dma_start3A_195] : memref<1605632xf32, #tpu.memory_space<vmem_shared>> -> memref<1605632xf32, #tpu.memory_space<vmem_shared>>
            %dma_start3A_197 = arith.constant -1 : i32
            tpu.enqueue_indirect_dma source(%dma_start3A_191 : memref<128xf32, #tpu.memory_space<vmem>>) target(%dma_start3A_196 : memref<1605632xf32, #tpu.memory_space<vmem_shared>>) offsets(%dma_start3A_194 : memref<128xi32, #tpu.memory_space<vmem>>) offset_filter(%dma_start3A_197) semaphore(%arg21 : memref<!tpu.dma_semaphore, #tpu.memory_space<semaphore_mem>>) {add = true}
            %add3A_198 = arith.constant 1 : i32
            %add3A_199 = arith.addi %add3A_184, %add3A_198 : i32
            %add3A_200 = arith.constant 1 : i32
            %add3A_201 = arith.addi %add3A_184, %add3A_200 : i32
            %dma_start3A_202 = arith.constant 0 : i32
            %dma_start3A_203 = tpu.memref_slice %arg10[%add3A_199, %dma_start3A_202] : memref<32x128xf32, #tpu.memory_space<vmem>> -> memref<1x128xf32, #tpu.memory_space<vmem>>
            %dma_start3A_204 = tpu.memref_squeeze %dma_start3A_203 : memref<1x128xf32, #tpu.memory_space<vmem>> -> memref<128xf32, #tpu.memory_space<vmem>>
            %dma_start3A_205 = arith.constant 0 : i32
            %dma_start3A_206 = tpu.memref_slice %arg7[%add3A_201, %dma_start3A_205] : memref<32x128xi32, #tpu.memory_space<vmem>> -> memref<1x128xi32, #tpu.memory_space<vmem>>
            %dma_start3A_207 = tpu.memref_squeeze %dma_start3A_206 : memref<1x128xi32, #tpu.memory_space<vmem>> -> memref<128xi32, #tpu.memory_space<vmem>>
            %dma_start3A_208 = arith.constant 0 : i32
            %dma_start3A_209 = tpu.memref_slice %arg12[%dma_start3A_208] : memref<1605632xf32, #tpu.memory_space<vmem_shared>> -> memref<1605632xf32, #tpu.memory_space<vmem_shared>>
            %dma_start3A_210 = arith.constant -1 : i32
            tpu.enqueue_indirect_dma source(%dma_start3A_204 : memref<128xf32, #tpu.memory_space<vmem>>) target(%dma_start3A_209 : memref<1605632xf32, #tpu.memory_space<vmem_shared>>) offsets(%dma_start3A_207 : memref<128xi32, #tpu.memory_space<vmem>>) offset_filter(%dma_start3A_210) semaphore(%arg21 : memref<!tpu.dma_semaphore, #tpu.memory_space<semaphore_mem>>) {add = true}
            %add3A_211 = arith.constant 2 : i32
            %add3A_212 = arith.addi %add3A_184, %add3A_211 : i32
            %add3A_213 = arith.constant 2 : i32
            %add3A_214 = arith.addi %add3A_184, %add3A_213 : i32
            %dma_start3A_215 = arith.constant 0 : i32
            %dma_start3A_216 = tpu.memref_slice %arg10[%add3A_212, %dma_start3A_215] : memref<32x128xf32, #tpu.memory_space<vmem>> -> memref<1x128xf32, #tpu.memory_space<vmem>>
            %dma_start3A_217 = tpu.memref_squeeze %dma_start3A_216 : memref<1x128xf32, #tpu.memory_space<vmem>> -> memref<128xf32, #tpu.memory_space<vmem>>
            %dma_start3A_218 = arith.constant 0 : i32
            %dma_start3A_219 = tpu.memref_slice %arg7[%add3A_214, %dma_start3A_218] : memref<32x128xi32, #tpu.memory_space<vmem>> -> memref<1x128xi32, #tpu.memory_space<vmem>>
            %dma_start3A_220 = tpu.memref_squeeze %dma_start3A_219 : memref<1x128xi32, #tpu.memory_space<vmem>> -> memref<128xi32, #tpu.memory_space<vmem>>
            %dma_start3A_221 = arith.constant 0 : i32
            %dma_start3A_222 = tpu.memref_slice %arg12[%dma_start3A_221] : memref<1605632xf32, #tpu.memory_space<vmem_shared>> -> memref<1605632xf32, #tpu.memory_space<vmem_shared>>
            %dma_start3A_223 = arith.constant -1 : i32
            tpu.enqueue_indirect_dma source(%dma_start3A_217 : memref<128xf32, #tpu.memory_space<vmem>>) target(%dma_start3A_222 : memref<1605632xf32, #tpu.memory_space<vmem_shared>>) offsets(%dma_start3A_220 : memref<128xi32, #tpu.memory_space<vmem>>) offset_filter(%dma_start3A_223) semaphore(%arg21 : memref<!tpu.dma_semaphore, #tpu.memory_space<semaphore_mem>>) {add = true}
            %add3A_224 = arith.constant 3 : i32
            %add3A_225 = arith.addi %add3A_184, %add3A_224 : i32
            %add3A_226 = arith.constant 3 : i32
            %add3A_227 = arith.addi %add3A_184, %add3A_226 : i32
            %dma_start3A_228 = arith.constant 0 : i32
            %dma_start3A_229 = tpu.memref_slice %arg10[%add3A_225, %dma_start3A_228] : memref<32x128xf32, #tpu.memory_space<vmem>> -> memref<1x128xf32, #tpu.memory_space<vmem>>
            %dma_start3A_230 = tpu.memref_squeeze %dma_start3A_229 : memref<1x128xf32, #tpu.memory_space<vmem>> -> memref<128xf32, #tpu.memory_space<vmem>>
            %dma_start3A_231 = arith.constant 0 : i32
            %dma_start3A_232 = tpu.memref_slice %arg7[%add3A_227, %dma_start3A_231] : memref<32x128xi32, #tpu.memory_space<vmem>> -> memref<1x128xi32, #tpu.memory_space<vmem>>
            %dma_start3A_233 = tpu.memref_squeeze %dma_start3A_232 : memref<1x128xi32, #tpu.memory_space<vmem>> -> memref<128xi32, #tpu.memory_space<vmem>>
            %dma_start3A_234 = arith.constant 0 : i32
            %dma_start3A_235 = tpu.memref_slice %arg12[%dma_start3A_234] : memref<1605632xf32, #tpu.memory_space<vmem_shared>> -> memref<1605632xf32, #tpu.memory_space<vmem_shared>>
            %dma_start3A_236 = arith.constant -1 : i32
            tpu.enqueue_indirect_dma source(%dma_start3A_230 : memref<128xf32, #tpu.memory_space<vmem>>) target(%dma_start3A_235 : memref<1605632xf32, #tpu.memory_space<vmem_shared>>) offsets(%dma_start3A_233 : memref<128xi32, #tpu.memory_space<vmem>>) offset_filter(%dma_start3A_236) semaphore(%arg21 : memref<!tpu.dma_semaphore, #tpu.memory_space<semaphore_mem>>) {add = true}
            %add3A_237 = arith.constant 4 : i32
            %add3A_238 = arith.addi %add3A_184, %add3A_237 : i32
            %add3A_239 = arith.constant 4 : i32
            %add3A_240 = arith.addi %add3A_184, %add3A_239 : i32
            %dma_start3A_241 = arith.constant 0 : i32
            %dma_start3A_242 = tpu.memref_slice %arg10[%add3A_238, %dma_start3A_241] : memref<32x128xf32, #tpu.memory_space<vmem>> -> memref<1x128xf32, #tpu.memory_space<vmem>>
            %dma_start3A_243 = tpu.memref_squeeze %dma_start3A_242 : memref<1x128xf32, #tpu.memory_space<vmem>> -> memref<128xf32, #tpu.memory_space<vmem>>
            %dma_start3A_244 = arith.constant 0 : i32
            %dma_start3A_245 = tpu.memref_slice %arg7[%add3A_240, %dma_start3A_244] : memref<32x128xi32, #tpu.memory_space<vmem>> -> memref<1x128xi32, #tpu.memory_space<vmem>>
            %dma_start3A_246 = tpu.memref_squeeze %dma_start3A_245 : memref<1x128xi32, #tpu.memory_space<vmem>> -> memref<128xi32, #tpu.memory_space<vmem>>
            %dma_start3A_247 = arith.constant 0 : i32
            %dma_start3A_248 = tpu.memref_slice %arg12[%dma_start3A_247] : memref<1605632xf32, #tpu.memory_space<vmem_shared>> -> memref<1605632xf32, #tpu.memory_space<vmem_shared>>
            %dma_start3A_249 = arith.constant -1 : i32
            tpu.enqueue_indirect_dma source(%dma_start3A_243 : memref<128xf32, #tpu.memory_space<vmem>>) target(%dma_start3A_248 : memref<1605632xf32, #tpu.memory_space<vmem_shared>>) offsets(%dma_start3A_246 : memref<128xi32, #tpu.memory_space<vmem>>) offset_filter(%dma_start3A_249) semaphore(%arg21 : memref<!tpu.dma_semaphore, #tpu.memory_space<semaphore_mem>>) {add = true}
            %add3A_250 = arith.constant 5 : i32
            %add3A_251 = arith.addi %add3A_184, %add3A_250 : i32
            %add3A_252 = arith.constant 5 : i32
            %add3A_253 = arith.addi %add3A_184, %add3A_252 : i32
            %dma_start3A_254 = arith.constant 0 : i32
            %dma_start3A_255 = tpu.memref_slice %arg10[%add3A_251, %dma_start3A_254] : memref<32x128xf32, #tpu.memory_space<vmem>> -> memref<1x128xf32, #tpu.memory_space<vmem>>
            %dma_start3A_256 = tpu.memref_squeeze %dma_start3A_255 : memref<1x128xf32, #tpu.memory_space<vmem>> -> memref<128xf32, #tpu.memory_space<vmem>>
            %dma_start3A_257 = arith.constant 0 : i32
            %dma_start3A_258 = tpu.memref_slice %arg7[%add3A_253, %dma_start3A_257] : memref<32x128xi32, #tpu.memory_space<vmem>> -> memref<1x128xi32, #tpu.memory_space<vmem>>
            %dma_start3A_259 = tpu.memref_squeeze %dma_start3A_258 : memref<1x128xi32, #tpu.memory_space<vmem>> -> memref<128xi32, #tpu.memory_space<vmem>>
            %dma_start3A_260 = arith.constant 0 : i32
            %dma_start3A_261 = tpu.memref_slice %arg12[%dma_start3A_260] : memref<1605632xf32, #tpu.memory_space<vmem_shared>> -> memref<1605632xf32, #tpu.memory_space<vmem_shared>>
            %dma_start3A_262 = arith.constant -1 : i32
            tpu.enqueue_indirect_dma source(%dma_start3A_256 : memref<128xf32, #tpu.memory_space<vmem>>) target(%dma_start3A_261 : memref<1605632xf32, #tpu.memory_space<vmem_shared>>) offsets(%dma_start3A_259 : memref<128xi32, #tpu.memory_space<vmem>>) offset_filter(%dma_start3A_262) semaphore(%arg21 : memref<!tpu.dma_semaphore, #tpu.memory_space<semaphore_mem>>) {add = true}
            %add3A_263 = arith.constant 6 : i32
            %add3A_264 = arith.addi %add3A_184, %add3A_263 : i32
            %add3A_265 = arith.constant 6 : i32
            %add3A_266 = arith.addi %add3A_184, %add3A_265 : i32
            %dma_start3A_267 = arith.constant 0 : i32
            %dma_start3A_268 = tpu.memref_slice %arg10[%add3A_264, %dma_start3A_267] : memref<32x128xf32, #tpu.memory_space<vmem>> -> memref<1x128xf32, #tpu.memory_space<vmem>>
            %dma_start3A_269 = tpu.memref_squeeze %dma_start3A_268 : memref<1x128xf32, #tpu.memory_space<vmem>> -> memref<128xf32, #tpu.memory_space<vmem>>
            %dma_start3A_270 = arith.constant 0 : i32
            %dma_start3A_271 = tpu.memref_slice %arg7[%add3A_266, %dma_start3A_270] : memref<32x128xi32, #tpu.memory_space<vmem>> -> memref<1x128xi32, #tpu.memory_space<vmem>>
            %dma_start3A_272 = tpu.memref_squeeze %dma_start3A_271 : memref<1x128xi32, #tpu.memory_space<vmem>> -> memref<128xi32, #tpu.memory_space<vmem>>
            %dma_start3A_273 = arith.constant 0 : i32
            %dma_start3A_274 = tpu.memref_slice %arg12[%dma_start3A_273] : memref<1605632xf32, #tpu.memory_space<vmem_shared>> -> memref<1605632xf32, #tpu.memory_space<vmem_shared>>
            %dma_start3A_275 = arith.constant -1 : i32
            tpu.enqueue_indirect_dma source(%dma_start3A_269 : memref<128xf32, #tpu.memory_space<vmem>>) target(%dma_start3A_274 : memref<1605632xf32, #tpu.memory_space<vmem_shared>>) offsets(%dma_start3A_272 : memref<128xi32, #tpu.memory_space<vmem>>) offset_filter(%dma_start3A_275) semaphore(%arg21 : memref<!tpu.dma_semaphore, #tpu.memory_space<semaphore_mem>>) {add = true}
            %add3A_276 = arith.constant 7 : i32
            %add3A_277 = arith.addi %add3A_184, %add3A_276 : i32
            %add3A_278 = arith.constant 7 : i32
            %add3A_279 = arith.addi %add3A_184, %add3A_278 : i32
            %dma_start3A_280 = arith.constant 0 : i32
            %dma_start3A_281 = tpu.memref_slice %arg10[%add3A_277, %dma_start3A_280] : memref<32x128xf32, #tpu.memory_space<vmem>> -> memref<1x128xf32, #tpu.memory_space<vmem>>
            %dma_start3A_282 = tpu.memref_squeeze %dma_start3A_281 : memref<1x128xf32, #tpu.memory_space<vmem>> -> memref<128xf32, #tpu.memory_space<vmem>>
            %dma_start3A_283 = arith.constant 0 : i32
            %dma_start3A_284 = tpu.memref_slice %arg7[%add3A_279, %dma_start3A_283] : memref<32x128xi32, #tpu.memory_space<vmem>> -> memref<1x128xi32, #tpu.memory_space<vmem>>
            %dma_start3A_285 = tpu.memref_squeeze %dma_start3A_284 : memref<1x128xi32, #tpu.memory_space<vmem>> -> memref<128xi32, #tpu.memory_space<vmem>>
            %dma_start3A_286 = arith.constant 0 : i32
            %dma_start3A_287 = tpu.memref_slice %arg12[%dma_start3A_286] : memref<1605632xf32, #tpu.memory_space<vmem_shared>> -> memref<1605632xf32, #tpu.memory_space<vmem_shared>>
            %dma_start3A_288 = arith.constant -1 : i32
            tpu.enqueue_indirect_dma source(%dma_start3A_282 : memref<128xf32, #tpu.memory_space<vmem>>) target(%dma_start3A_287 : memref<1605632xf32, #tpu.memory_space<vmem_shared>>) offsets(%dma_start3A_285 : memref<128xi32, #tpu.memory_space<vmem>>) offset_filter(%dma_start3A_288) semaphore(%arg21 : memref<!tpu.dma_semaphore, #tpu.memory_space<semaphore_mem>>) {add = true}
          }
          %scan3A_179 = arith.constant 4 : i32
        } else {
        }
      }
      %scan3A_63 = arith.constant 7 : i32
      %sub3A_64 = arith.constant 2 : i32
      %sub3A_65 = arith.subi %select_n3A_44, %sub3A_64 : i32
      %rem3A_66 = arith.constant 3 : i32
      %rem3A_67 = arith.remsi %sub3A_65, %rem3A_66 : i32
      %eq3A = arith.constant 0 : i32
      %eq3A_68 = arith.cmpi eq, %rem3A_67, %eq3A : i32
      %sub3A_69 = arith.constant 1 : i32
      %sub3A_70 = arith.subi %select_n3A_44, %sub3A_69 : i32
      %rem3A_71 = arith.constant 3 : i32
      %rem3A_72 = arith.remsi %sub3A_70, %rem3A_71 : i32
      %eq3A_73 = arith.constant 0 : i32
      %eq3A_74 = arith.cmpi eq, %rem3A_72, %eq3A_73 : i32
      %or3A = arith.ori %eq3A_68, %eq3A_74 : i1
      %convert_element_type3A = arith.extui %or3A : i1 to i32
      %cond3A = arith.constant 0 : i32
      %cond3A_75 = arith.cmpi ne, %convert_element_type3A, %cond3A : i32
      scf.if %cond3A_75 {
        %scan3A_122 = arith.constant 0 : i32
        %scan3A_123 = arith.constant 4 : i32
        %scan3A_124 = arith.addi %scan3A_122, %scan3A_123 : i32
        %scan3A_125 = arith.constant 1 : i32
        scf.for %scan3A_127 = %scan3A_122 to %scan3A_124 step %scan3A_125  : i32 {
          %mul3A_128 = arith.constant 8 : i32
          %mul3A_129 = arith.muli %scan3A_127, %mul3A_128 : i32
          %add3A_130 = arith.constant 0 : i32
          %add3A_131 = arith.addi %add3A_130, %mul3A_129 : i32
          %add3A_132 = arith.constant 0 : i32
          %add3A_133 = arith.addi %add3A_131, %add3A_132 : i32
          %add3A_134 = arith.constant 0 : i32
          %add3A_135 = arith.addi %add3A_131, %add3A_134 : i32
          %dma_wait3A = arith.constant 0 : i32
          %dma_wait3A_136 = tpu.memref_slice %arg8[%add3A_133, %dma_wait3A] : memref<32x128xf32, #tpu.memory_space<vmem>> -> memref<1x128xf32, #tpu.memory_space<vmem>>
          %dma_wait3A_137 = tpu.memref_squeeze %dma_wait3A_136 : memref<1x128xf32, #tpu.memory_space<vmem>> -> memref<128xf32, #tpu.memory_space<vmem>>
          %dma_wait3A_138 = arith.constant 0 : i32
          %dma_wait3A_139 = tpu.memref_slice %arg5[%add3A_135, %dma_wait3A_138] : memref<32x128xi32, #tpu.memory_space<vmem>> -> memref<1x128xi32, #tpu.memory_space<vmem>>
          %dma_wait3A_140 = tpu.memref_squeeze %dma_wait3A_139 : memref<1x128xi32, #tpu.memory_space<vmem>> -> memref<128xi32, #tpu.memory_space<vmem>>
          %dma_wait3A_141 = arith.constant 0 : i32
          %dma_wait3A_142 = tpu.memref_slice %arg12[%dma_wait3A_141] : memref<1605632xf32, #tpu.memory_space<vmem_shared>> -> memref<1605632xf32, #tpu.memory_space<vmem_shared>>
          tpu.wait_indirect_dma semaphore(%arg19 : memref<!tpu.dma_semaphore, #tpu.memory_space<semaphore_mem>>) src(%dma_wait3A_137 : memref<128xf32, #tpu.memory_space<vmem>>) dst(%dma_wait3A_142 : memref<1605632xf32, #tpu.memory_space<vmem_shared>>)
          %add3A_143 = arith.constant 1 : i32
          %add3A_144 = arith.addi %add3A_131, %add3A_143 : i32
          %add3A_145 = arith.constant 1 : i32
          %add3A_146 = arith.addi %add3A_131, %add3A_145 : i32
          %dma_wait3A_147 = arith.constant 0 : i32
          %dma_wait3A_148 = tpu.memref_slice %arg8[%add3A_144, %dma_wait3A_147] : memref<32x128xf32, #tpu.memory_space<vmem>> -> memref<1x128xf32, #tpu.memory_space<vmem>>
          %dma_wait3A_149 = tpu.memref_squeeze %dma_wait3A_148 : memref<1x128xf32, #tpu.memory_space<vmem>> -> memref<128xf32, #tpu.memory_space<vmem>>
          %dma_wait3A_150 = arith.constant 0 : i32
          %dma_wait3A_151 = tpu.memref_slice %arg5[%add3A_146, %dma_wait3A_150] : memref<32x128xi32, #tpu.memory_space<vmem>> -> memref<1x128xi32, #tpu.memory_space<vmem>>
          %dma_wait3A_152 = tpu.memref_squeeze %dma_wait3A_151 : memref<1x128xi32, #tpu.memory_space<vmem>> -> memref<128xi32, #tpu.memory_space<vmem>>
          %dma_wait3A_153 = arith.constant 0 : i32
          %dma_wait3A_154 = tpu.memref_slice %arg12[%dma_wait3A_153] : memref<1605632xf32, #tpu.memory_space<vmem_shared>> -> memref<1605632xf32, #tpu.memory_space<vmem_shared>>
          tpu.wait_indirect_dma semaphore(%arg19 : memref<!tpu.dma_semaphore, #tpu.memory_space<semaphore_mem>>) src(%dma_wait3A_149 : memref<128xf32, #tpu.memory_space<vmem>>) dst(%dma_wait3A_154 : memref<1605632xf32, #tpu.memory_space<vmem_shared>>)
          %add3A_155 = arith.constant 2 : i32
          %add3A_156 = arith.addi %add3A_131, %add3A_155 : i32
          %add3A_157 = arith.constant 2 : i32
          %add3A_158 = arith.addi %add3A_131, %add3A_157 : i32
          %dma_wait3A_159 = arith.constant 0 : i32
          %dma_wait3A_160 = tpu.memref_slice %arg8[%add3A_156, %dma_wait3A_159] : memref<32x128xf32, #tpu.memory_space<vmem>> -> memref<1x128xf32, #tpu.memory_space<vmem>>
          %dma_wait3A_161 = tpu.memref_squeeze %dma_wait3A_160 : memref<1x128xf32, #tpu.memory_space<vmem>> -> memref<128xf32, #tpu.memory_space<vmem>>
          %dma_wait3A_162 = arith.constant 0 : i32
          %dma_wait3A_163 = tpu.memref_slice %arg5[%add3A_158, %dma_wait3A_162] : memref<32x128xi32, #tpu.memory_space<vmem>> -> memref<1x128xi32, #tpu.memory_space<vmem>>
          %dma_wait3A_164 = tpu.memref_squeeze %dma_wait3A_163 : memref<1x128xi32, #tpu.memory_space<vmem>> -> memref<128xi32, #tpu.memory_space<vmem>>
          %dma_wait3A_165 = arith.constant 0 : i32
          %dma_wait3A_166 = tpu.memref_slice %arg12[%dma_wait3A_165] : memref<1605632xf32, #tpu.memory_space<vmem_shared>> -> memref<1605632xf32, #tpu.memory_space<vmem_shared>>
          tpu.wait_indirect_dma semaphore(%arg19 : memref<!tpu.dma_semaphore, #tpu.memory_space<semaphore_mem>>) src(%dma_wait3A_161 : memref<128xf32, #tpu.memory_space<vmem>>) dst(%dma_wait3A_166 : memref<1605632xf32, #tpu.memory_space<vmem_shared>>)
          %add3A_167 = arith.constant 3 : i32
          %add3A_168 = arith.addi %add3A_131, %add3A_167 : i32
          %add3A_169 = arith.constant 3 : i32
          %add3A_170 = arith.addi %add3A_131, %add3A_169 : i32
          %dma_wait3A_171 = arith.constant 0 : i32
          %dma_wait3A_172 = tpu.memref_slice %arg8[%add3A_168, %dma_wait3A_171] : memref<32x128xf32, #tpu.memory_space<vmem>> -> memref<1x128xf32, #tpu.memory_space<vmem>>
          %dma_wait3A_173 = tpu.memref_squeeze %dma_wait3A_172 : memref<1x128xf32, #tpu.memory_space<vmem>> -> memref<128xf32, #tpu.memory_space<vmem>>
          %dma_wait3A_174 = arith.constant 0 : i32
          %dma_wait3A_175 = tpu.memref_slice %arg5[%add3A_170, %dma_wait3A_174] : memref<32x128xi32, #tpu.memory_space<vmem>> -> memref<1x128xi32, #tpu.memory_space<vmem>>
          %dma_wait3A_176 = tpu.memref_squeeze %dma_wait3A_175 : memref<1x128xi32, #tpu.memory_space<vmem>> -> memref<128xi32, #tpu.memory_space<vmem>>
          %dma_wait3A_177 = arith.constant 0 : i32
          %dma_wait3A_178 = tpu.memref_slice %arg12[%dma_wait3A_177] : memref<1605632xf32, #tpu.memory_space<vmem_shared>> -> memref<1605632xf32, #tpu.memory_space<vmem_shared>>
          tpu.wait_indirect_dma semaphore(%arg19 : memref<!tpu.dma_semaphore, #tpu.memory_space<semaphore_mem>>) src(%dma_wait3A_173 : memref<128xf32, #tpu.memory_space<vmem>>) dst(%dma_wait3A_178 : memref<1605632xf32, #tpu.memory_space<vmem_shared>>)
          %add3A_179 = arith.constant 4 : i32
          %add3A_180 = arith.addi %add3A_131, %add3A_179 : i32
          %add3A_181 = arith.constant 4 : i32
          %add3A_182 = arith.addi %add3A_131, %add3A_181 : i32
          %dma_wait3A_183 = arith.constant 0 : i32
          %dma_wait3A_184 = tpu.memref_slice %arg8[%add3A_180, %dma_wait3A_183] : memref<32x128xf32, #tpu.memory_space<vmem>> -> memref<1x128xf32, #tpu.memory_space<vmem>>
          %dma_wait3A_185 = tpu.memref_squeeze %dma_wait3A_184 : memref<1x128xf32, #tpu.memory_space<vmem>> -> memref<128xf32, #tpu.memory_space<vmem>>
          %dma_wait3A_186 = arith.constant 0 : i32
          %dma_wait3A_187 = tpu.memref_slice %arg5[%add3A_182, %dma_wait3A_186] : memref<32x128xi32, #tpu.memory_space<vmem>> -> memref<1x128xi32, #tpu.memory_space<vmem>>
          %dma_wait3A_188 = tpu.memref_squeeze %dma_wait3A_187 : memref<1x128xi32, #tpu.memory_space<vmem>> -> memref<128xi32, #tpu.memory_space<vmem>>
          %dma_wait3A_189 = arith.constant 0 : i32
          %dma_wait3A_190 = tpu.memref_slice %arg12[%dma_wait3A_189] : memref<1605632xf32, #tpu.memory_space<vmem_shared>> -> memref<1605632xf32, #tpu.memory_space<vmem_shared>>
          tpu.wait_indirect_dma semaphore(%arg19 : memref<!tpu.dma_semaphore, #tpu.memory_space<semaphore_mem>>) src(%dma_wait3A_185 : memref<128xf32, #tpu.memory_space<vmem>>) dst(%dma_wait3A_190 : memref<1605632xf32, #tpu.memory_space<vmem_shared>>)
          %add3A_191 = arith.constant 5 : i32
          %add3A_192 = arith.addi %add3A_131, %add3A_191 : i32
          %add3A_193 = arith.constant 5 : i32
          %add3A_194 = arith.addi %add3A_131, %add3A_193 : i32
          %dma_wait3A_195 = arith.constant 0 : i32
          %dma_wait3A_196 = tpu.memref_slice %arg8[%add3A_192, %dma_wait3A_195] : memref<32x128xf32, #tpu.memory_space<vmem>> -> memref<1x128xf32, #tpu.memory_space<vmem>>
          %dma_wait3A_197 = tpu.memref_squeeze %dma_wait3A_196 : memref<1x128xf32, #tpu.memory_space<vmem>> -> memref<128xf32, #tpu.memory_space<vmem>>
          %dma_wait3A_198 = arith.constant 0 : i32
          %dma_wait3A_199 = tpu.memref_slice %arg5[%add3A_194, %dma_wait3A_198] : memref<32x128xi32, #tpu.memory_space<vmem>> -> memref<1x128xi32, #tpu.memory_space<vmem>>
          %dma_wait3A_200 = tpu.memref_squeeze %dma_wait3A_199 : memref<1x128xi32, #tpu.memory_space<vmem>> -> memref<128xi32, #tpu.memory_space<vmem>>
          %dma_wait3A_201 = arith.constant 0 : i32
          %dma_wait3A_202 = tpu.memref_slice %arg12[%dma_wait3A_201] : memref<1605632xf32, #tpu.memory_space<vmem_shared>> -> memref<1605632xf32, #tpu.memory_space<vmem_shared>>
          tpu.wait_indirect_dma semaphore(%arg19 : memref<!tpu.dma_semaphore, #tpu.memory_space<semaphore_mem>>) src(%dma_wait3A_197 : memref<128xf32, #tpu.memory_space<vmem>>) dst(%dma_wait3A_202 : memref<1605632xf32, #tpu.memory_space<vmem_shared>>)
          %add3A_203 = arith.constant 6 : i32
          %add3A_204 = arith.addi %add3A_131, %add3A_203 : i32
          %add3A_205 = arith.constant 6 : i32
          %add3A_206 = arith.addi %add3A_131, %add3A_205 : i32
          %dma_wait3A_207 = arith.constant 0 : i32
          %dma_wait3A_208 = tpu.memref_slice %arg8[%add3A_204, %dma_wait3A_207] : memref<32x128xf32, #tpu.memory_space<vmem>> -> memref<1x128xf32, #tpu.memory_space<vmem>>
          %dma_wait3A_209 = tpu.memref_squeeze %dma_wait3A_208 : memref<1x128xf32, #tpu.memory_space<vmem>> -> memref<128xf32, #tpu.memory_space<vmem>>
          %dma_wait3A_210 = arith.constant 0 : i32
          %dma_wait3A_211 = tpu.memref_slice %arg5[%add3A_206, %dma_wait3A_210] : memref<32x128xi32, #tpu.memory_space<vmem>> -> memref<1x128xi32, #tpu.memory_space<vmem>>
          %dma_wait3A_212 = tpu.memref_squeeze %dma_wait3A_211 : memref<1x128xi32, #tpu.memory_space<vmem>> -> memref<128xi32, #tpu.memory_space<vmem>>
          %dma_wait3A_213 = arith.constant 0 : i32
          %dma_wait3A_214 = tpu.memref_slice %arg12[%dma_wait3A_213] : memref<1605632xf32, #tpu.memory_space<vmem_shared>> -> memref<1605632xf32, #tpu.memory_space<vmem_shared>>
          tpu.wait_indirect_dma semaphore(%arg19 : memref<!tpu.dma_semaphore, #tpu.memory_space<semaphore_mem>>) src(%dma_wait3A_209 : memref<128xf32, #tpu.memory_space<vmem>>) dst(%dma_wait3A_214 : memref<1605632xf32, #tpu.memory_space<vmem_shared>>)
          %add3A_215 = arith.constant 7 : i32
          %add3A_216 = arith.addi %add3A_131, %add3A_215 : i32
          %add3A_217 = arith.constant 7 : i32
          %add3A_218 = arith.addi %add3A_131, %add3A_217 : i32
          %dma_wait3A_219 = arith.constant 0 : i32
          %dma_wait3A_220 = tpu.memref_slice %arg8[%add3A_216, %dma_wait3A_219] : memref<32x128xf32, #tpu.memory_space<vmem>> -> memref<1x128xf32, #tpu.memory_space<vmem>>
          %dma_wait3A_221 = tpu.memref_squeeze %dma_wait3A_220 : memref<1x128xf32, #tpu.memory_space<vmem>> -> memref<128xf32, #tpu.memory_space<vmem>>
          %dma_wait3A_222 = arith.constant 0 : i32
          %dma_wait3A_223 = tpu.memref_slice %arg5[%add3A_218, %dma_wait3A_222] : memref<32x128xi32, #tpu.memory_space<vmem>> -> memref<1x128xi32, #tpu.memory_space<vmem>>
          %dma_wait3A_224 = tpu.memref_squeeze %dma_wait3A_223 : memref<1x128xi32, #tpu.memory_space<vmem>> -> memref<128xi32, #tpu.memory_space<vmem>>
          %dma_wait3A_225 = arith.constant 0 : i32
          %dma_wait3A_226 = tpu.memref_slice %arg12[%dma_wait3A_225] : memref<1605632xf32, #tpu.memory_space<vmem_shared>> -> memref<1605632xf32, #tpu.memory_space<vmem_shared>>
          tpu.wait_indirect_dma semaphore(%arg19 : memref<!tpu.dma_semaphore, #tpu.memory_space<semaphore_mem>>) src(%dma_wait3A_221 : memref<128xf32, #tpu.memory_space<vmem>>) dst(%dma_wait3A_226 : memref<1605632xf32, #tpu.memory_space<vmem_shared>>)
        }
        %scan3A_126 = arith.constant 4 : i32
      } else {
      }
      %sub3A_76 = arith.constant 2 : i32
      %sub3A_77 = arith.subi %select_n3A_44, %sub3A_76 : i32
      %rem3A_78 = arith.constant 3 : i32
      %rem3A_79 = arith.remsi %sub3A_77, %rem3A_78 : i32
      %eq3A_80 = arith.constant 1 : i32
      %eq3A_81 = arith.cmpi eq, %rem3A_79, %eq3A_80 : i32
      %sub3A_82 = arith.constant 1 : i32
      %sub3A_83 = arith.subi %select_n3A_44, %sub3A_82 : i32
      %rem3A_84 = arith.constant 3 : i32
      %rem3A_85 = arith.remsi %sub3A_83, %rem3A_84 : i32
      %eq3A_86 = arith.constant 1 : i32
      %eq3A_87 = arith.cmpi eq, %rem3A_85, %eq3A_86 : i32
      %or3A_88 = arith.ori %eq3A_81, %eq3A_87 : i1
      %convert_element_type3A_89 = arith.extui %or3A_88 : i1 to i32
      %cond3A_90 = arith.constant 0 : i32
      %cond3A_91 = arith.cmpi ne, %convert_element_type3A_89, %cond3A_90 : i32
      scf.if %cond3A_91 {
        %scan3A_122 = arith.constant 0 : i32
        %scan3A_123 = arith.constant 4 : i32
        %scan3A_124 = arith.addi %scan3A_122, %scan3A_123 : i32
        %scan3A_125 = arith.constant 1 : i32
        scf.for %scan3A_127 = %scan3A_122 to %scan3A_124 step %scan3A_125  : i32 {
          %mul3A_128 = arith.constant 8 : i32
          %mul3A_129 = arith.muli %scan3A_127, %mul3A_128 : i32
          %add3A_130 = arith.constant 0 : i32
          %add3A_131 = arith.addi %add3A_130, %mul3A_129 : i32
          %add3A_132 = arith.constant 0 : i32
          %add3A_133 = arith.addi %add3A_131, %add3A_132 : i32
          %add3A_134 = arith.constant 0 : i32
          %add3A_135 = arith.addi %add3A_131, %add3A_134 : i32
          %dma_wait3A = arith.constant 0 : i32
          %dma_wait3A_136 = tpu.memref_slice %arg9[%add3A_133, %dma_wait3A] : memref<32x128xf32, #tpu.memory_space<vmem>> -> memref<1x128xf32, #tpu.memory_space<vmem>>
          %dma_wait3A_137 = tpu.memref_squeeze %dma_wait3A_136 : memref<1x128xf32, #tpu.memory_space<vmem>> -> memref<128xf32, #tpu.memory_space<vmem>>
          %dma_wait3A_138 = arith.constant 0 : i32
          %dma_wait3A_139 = tpu.memref_slice %arg6[%add3A_135, %dma_wait3A_138] : memref<32x128xi32, #tpu.memory_space<vmem>> -> memref<1x128xi32, #tpu.memory_space<vmem>>
          %dma_wait3A_140 = tpu.memref_squeeze %dma_wait3A_139 : memref<1x128xi32, #tpu.memory_space<vmem>> -> memref<128xi32, #tpu.memory_space<vmem>>
          %dma_wait3A_141 = arith.constant 0 : i32
          %dma_wait3A_142 = tpu.memref_slice %arg12[%dma_wait3A_141] : memref<1605632xf32, #tpu.memory_space<vmem_shared>> -> memref<1605632xf32, #tpu.memory_space<vmem_shared>>
          tpu.wait_indirect_dma semaphore(%arg20 : memref<!tpu.dma_semaphore, #tpu.memory_space<semaphore_mem>>) src(%dma_wait3A_137 : memref<128xf32, #tpu.memory_space<vmem>>) dst(%dma_wait3A_142 : memref<1605632xf32, #tpu.memory_space<vmem_shared>>)
          %add3A_143 = arith.constant 1 : i32
          %add3A_144 = arith.addi %add3A_131, %add3A_143 : i32
          %add3A_145 = arith.constant 1 : i32
          %add3A_146 = arith.addi %add3A_131, %add3A_145 : i32
          %dma_wait3A_147 = arith.constant 0 : i32
          %dma_wait3A_148 = tpu.memref_slice %arg9[%add3A_144, %dma_wait3A_147] : memref<32x128xf32, #tpu.memory_space<vmem>> -> memref<1x128xf32, #tpu.memory_space<vmem>>
          %dma_wait3A_149 = tpu.memref_squeeze %dma_wait3A_148 : memref<1x128xf32, #tpu.memory_space<vmem>> -> memref<128xf32, #tpu.memory_space<vmem>>
          %dma_wait3A_150 = arith.constant 0 : i32
          %dma_wait3A_151 = tpu.memref_slice %arg6[%add3A_146, %dma_wait3A_150] : memref<32x128xi32, #tpu.memory_space<vmem>> -> memref<1x128xi32, #tpu.memory_space<vmem>>
          %dma_wait3A_152 = tpu.memref_squeeze %dma_wait3A_151 : memref<1x128xi32, #tpu.memory_space<vmem>> -> memref<128xi32, #tpu.memory_space<vmem>>
          %dma_wait3A_153 = arith.constant 0 : i32
          %dma_wait3A_154 = tpu.memref_slice %arg12[%dma_wait3A_153] : memref<1605632xf32, #tpu.memory_space<vmem_shared>> -> memref<1605632xf32, #tpu.memory_space<vmem_shared>>
          tpu.wait_indirect_dma semaphore(%arg20 : memref<!tpu.dma_semaphore, #tpu.memory_space<semaphore_mem>>) src(%dma_wait3A_149 : memref<128xf32, #tpu.memory_space<vmem>>) dst(%dma_wait3A_154 : memref<1605632xf32, #tpu.memory_space<vmem_shared>>)
          %add3A_155 = arith.constant 2 : i32
          %add3A_156 = arith.addi %add3A_131, %add3A_155 : i32
          %add3A_157 = arith.constant 2 : i32
          %add3A_158 = arith.addi %add3A_131, %add3A_157 : i32
          %dma_wait3A_159 = arith.constant 0 : i32
          %dma_wait3A_160 = tpu.memref_slice %arg9[%add3A_156, %dma_wait3A_159] : memref<32x128xf32, #tpu.memory_space<vmem>> -> memref<1x128xf32, #tpu.memory_space<vmem>>
          %dma_wait3A_161 = tpu.memref_squeeze %dma_wait3A_160 : memref<1x128xf32, #tpu.memory_space<vmem>> -> memref<128xf32, #tpu.memory_space<vmem>>
          %dma_wait3A_162 = arith.constant 0 : i32
          %dma_wait3A_163 = tpu.memref_slice %arg6[%add3A_158, %dma_wait3A_162] : memref<32x128xi32, #tpu.memory_space<vmem>> -> memref<1x128xi32, #tpu.memory_space<vmem>>
          %dma_wait3A_164 = tpu.memref_squeeze %dma_wait3A_163 : memref<1x128xi32, #tpu.memory_space<vmem>> -> memref<128xi32, #tpu.memory_space<vmem>>
          %dma_wait3A_165 = arith.constant 0 : i32
          %dma_wait3A_166 = tpu.memref_slice %arg12[%dma_wait3A_165] : memref<1605632xf32, #tpu.memory_space<vmem_shared>> -> memref<1605632xf32, #tpu.memory_space<vmem_shared>>
          tpu.wait_indirect_dma semaphore(%arg20 : memref<!tpu.dma_semaphore, #tpu.memory_space<semaphore_mem>>) src(%dma_wait3A_161 : memref<128xf32, #tpu.memory_space<vmem>>) dst(%dma_wait3A_166 : memref<1605632xf32, #tpu.memory_space<vmem_shared>>)
          %add3A_167 = arith.constant 3 : i32
          %add3A_168 = arith.addi %add3A_131, %add3A_167 : i32
          %add3A_169 = arith.constant 3 : i32
          %add3A_170 = arith.addi %add3A_131, %add3A_169 : i32
          %dma_wait3A_171 = arith.constant 0 : i32
          %dma_wait3A_172 = tpu.memref_slice %arg9[%add3A_168, %dma_wait3A_171] : memref<32x128xf32, #tpu.memory_space<vmem>> -> memref<1x128xf32, #tpu.memory_space<vmem>>
          %dma_wait3A_173 = tpu.memref_squeeze %dma_wait3A_172 : memref<1x128xf32, #tpu.memory_space<vmem>> -> memref<128xf32, #tpu.memory_space<vmem>>
          %dma_wait3A_174 = arith.constant 0 : i32
          %dma_wait3A_175 = tpu.memref_slice %arg6[%add3A_170, %dma_wait3A_174] : memref<32x128xi32, #tpu.memory_space<vmem>> -> memref<1x128xi32, #tpu.memory_space<vmem>>
          %dma_wait3A_176 = tpu.memref_squeeze %dma_wait3A_175 : memref<1x128xi32, #tpu.memory_space<vmem>> -> memref<128xi32, #tpu.memory_space<vmem>>
          %dma_wait3A_177 = arith.constant 0 : i32
          %dma_wait3A_178 = tpu.memref_slice %arg12[%dma_wait3A_177] : memref<1605632xf32, #tpu.memory_space<vmem_shared>> -> memref<1605632xf32, #tpu.memory_space<vmem_shared>>
          tpu.wait_indirect_dma semaphore(%arg20 : memref<!tpu.dma_semaphore, #tpu.memory_space<semaphore_mem>>) src(%dma_wait3A_173 : memref<128xf32, #tpu.memory_space<vmem>>) dst(%dma_wait3A_178 : memref<1605632xf32, #tpu.memory_space<vmem_shared>>)
          %add3A_179 = arith.constant 4 : i32
          %add3A_180 = arith.addi %add3A_131, %add3A_179 : i32
          %add3A_181 = arith.constant 4 : i32
          %add3A_182 = arith.addi %add3A_131, %add3A_181 : i32
          %dma_wait3A_183 = arith.constant 0 : i32
          %dma_wait3A_184 = tpu.memref_slice %arg9[%add3A_180, %dma_wait3A_183] : memref<32x128xf32, #tpu.memory_space<vmem>> -> memref<1x128xf32, #tpu.memory_space<vmem>>
          %dma_wait3A_185 = tpu.memref_squeeze %dma_wait3A_184 : memref<1x128xf32, #tpu.memory_space<vmem>> -> memref<128xf32, #tpu.memory_space<vmem>>
          %dma_wait3A_186 = arith.constant 0 : i32
          %dma_wait3A_187 = tpu.memref_slice %arg6[%add3A_182, %dma_wait3A_186] : memref<32x128xi32, #tpu.memory_space<vmem>> -> memref<1x128xi32, #tpu.memory_space<vmem>>
          %dma_wait3A_188 = tpu.memref_squeeze %dma_wait3A_187 : memref<1x128xi32, #tpu.memory_space<vmem>> -> memref<128xi32, #tpu.memory_space<vmem>>
          %dma_wait3A_189 = arith.constant 0 : i32
          %dma_wait3A_190 = tpu.memref_slice %arg12[%dma_wait3A_189] : memref<1605632xf32, #tpu.memory_space<vmem_shared>> -> memref<1605632xf32, #tpu.memory_space<vmem_shared>>
          tpu.wait_indirect_dma semaphore(%arg20 : memref<!tpu.dma_semaphore, #tpu.memory_space<semaphore_mem>>) src(%dma_wait3A_185 : memref<128xf32, #tpu.memory_space<vmem>>) dst(%dma_wait3A_190 : memref<1605632xf32, #tpu.memory_space<vmem_shared>>)
          %add3A_191 = arith.constant 5 : i32
          %add3A_192 = arith.addi %add3A_131, %add3A_191 : i32
          %add3A_193 = arith.constant 5 : i32
          %add3A_194 = arith.addi %add3A_131, %add3A_193 : i32
          %dma_wait3A_195 = arith.constant 0 : i32
          %dma_wait3A_196 = tpu.memref_slice %arg9[%add3A_192, %dma_wait3A_195] : memref<32x128xf32, #tpu.memory_space<vmem>> -> memref<1x128xf32, #tpu.memory_space<vmem>>
          %dma_wait3A_197 = tpu.memref_squeeze %dma_wait3A_196 : memref<1x128xf32, #tpu.memory_space<vmem>> -> memref<128xf32, #tpu.memory_space<vmem>>
          %dma_wait3A_198 = arith.constant 0 : i32
          %dma_wait3A_199 = tpu.memref_slice %arg6[%add3A_194, %dma_wait3A_198] : memref<32x128xi32, #tpu.memory_space<vmem>> -> memref<1x128xi32, #tpu.memory_space<vmem>>
          %dma_wait3A_200 = tpu.memref_squeeze %dma_wait3A_199 : memref<1x128xi32, #tpu.memory_space<vmem>> -> memref<128xi32, #tpu.memory_space<vmem>>
          %dma_wait3A_201 = arith.constant 0 : i32
          %dma_wait3A_202 = tpu.memref_slice %arg12[%dma_wait3A_201] : memref<1605632xf32, #tpu.memory_space<vmem_shared>> -> memref<1605632xf32, #tpu.memory_space<vmem_shared>>
          tpu.wait_indirect_dma semaphore(%arg20 : memref<!tpu.dma_semaphore, #tpu.memory_space<semaphore_mem>>) src(%dma_wait3A_197 : memref<128xf32, #tpu.memory_space<vmem>>) dst(%dma_wait3A_202 : memref<1605632xf32, #tpu.memory_space<vmem_shared>>)
          %add3A_203 = arith.constant 6 : i32
          %add3A_204 = arith.addi %add3A_131, %add3A_203 : i32
          %add3A_205 = arith.constant 6 : i32
          %add3A_206 = arith.addi %add3A_131, %add3A_205 : i32
          %dma_wait3A_207 = arith.constant 0 : i32
          %dma_wait3A_208 = tpu.memref_slice %arg9[%add3A_204, %dma_wait3A_207] : memref<32x128xf32, #tpu.memory_space<vmem>> -> memref<1x128xf32, #tpu.memory_space<vmem>>
          %dma_wait3A_209 = tpu.memref_squeeze %dma_wait3A_208 : memref<1x128xf32, #tpu.memory_space<vmem>> -> memref<128xf32, #tpu.memory_space<vmem>>
          %dma_wait3A_210 = arith.constant 0 : i32
          %dma_wait3A_211 = tpu.memref_slice %arg6[%add3A_206, %dma_wait3A_210] : memref<32x128xi32, #tpu.memory_space<vmem>> -> memref<1x128xi32, #tpu.memory_space<vmem>>
          %dma_wait3A_212 = tpu.memref_squeeze %dma_wait3A_211 : memref<1x128xi32, #tpu.memory_space<vmem>> -> memref<128xi32, #tpu.memory_space<vmem>>
          %dma_wait3A_213 = arith.constant 0 : i32
          %dma_wait3A_214 = tpu.memref_slice %arg12[%dma_wait3A_213] : memref<1605632xf32, #tpu.memory_space<vmem_shared>> -> memref<1605632xf32, #tpu.memory_space<vmem_shared>>
          tpu.wait_indirect_dma semaphore(%arg20 : memref<!tpu.dma_semaphore, #tpu.memory_space<semaphore_mem>>) src(%dma_wait3A_209 : memref<128xf32, #tpu.memory_space<vmem>>) dst(%dma_wait3A_214 : memref<1605632xf32, #tpu.memory_space<vmem_shared>>)
          %add3A_215 = arith.constant 7 : i32
          %add3A_216 = arith.addi %add3A_131, %add3A_215 : i32
          %add3A_217 = arith.constant 7 : i32
          %add3A_218 = arith.addi %add3A_131, %add3A_217 : i32
          %dma_wait3A_219 = arith.constant 0 : i32
          %dma_wait3A_220 = tpu.memref_slice %arg9[%add3A_216, %dma_wait3A_219] : memref<32x128xf32, #tpu.memory_space<vmem>> -> memref<1x128xf32, #tpu.memory_space<vmem>>
          %dma_wait3A_221 = tpu.memref_squeeze %dma_wait3A_220 : memref<1x128xf32, #tpu.memory_space<vmem>> -> memref<128xf32, #tpu.memory_space<vmem>>
          %dma_wait3A_222 = arith.constant 0 : i32
          %dma_wait3A_223 = tpu.memref_slice %arg6[%add3A_218, %dma_wait3A_222] : memref<32x128xi32, #tpu.memory_space<vmem>> -> memref<1x128xi32, #tpu.memory_space<vmem>>
          %dma_wait3A_224 = tpu.memref_squeeze %dma_wait3A_223 : memref<1x128xi32, #tpu.memory_space<vmem>> -> memref<128xi32, #tpu.memory_space<vmem>>
          %dma_wait3A_225 = arith.constant 0 : i32
          %dma_wait3A_226 = tpu.memref_slice %arg12[%dma_wait3A_225] : memref<1605632xf32, #tpu.memory_space<vmem_shared>> -> memref<1605632xf32, #tpu.memory_space<vmem_shared>>
          tpu.wait_indirect_dma semaphore(%arg20 : memref<!tpu.dma_semaphore, #tpu.memory_space<semaphore_mem>>) src(%dma_wait3A_221 : memref<128xf32, #tpu.memory_space<vmem>>) dst(%dma_wait3A_226 : memref<1605632xf32, #tpu.memory_space<vmem_shared>>)
        }
        %scan3A_126 = arith.constant 4 : i32
      } else {
      }
      %sub3A_92 = arith.constant 2 : i32
      %sub3A_93 = arith.subi %select_n3A_44, %sub3A_92 : i32
      %rem3A_94 = arith.constant 3 : i32
      %rem3A_95 = arith.remsi %sub3A_93, %rem3A_94 : i32
      %eq3A_96 = arith.constant 2 : i32
      %eq3A_97 = arith.cmpi eq, %rem3A_95, %eq3A_96 : i32
      %sub3A_98 = arith.constant 1 : i32
      %sub3A_99 = arith.subi %select_n3A_44, %sub3A_98 : i32
      %rem3A_100 = arith.constant 3 : i32
      %rem3A_101 = arith.remsi %sub3A_99, %rem3A_100 : i32
      %eq3A_102 = arith.constant 2 : i32
      %eq3A_103 = arith.cmpi eq, %rem3A_101, %eq3A_102 : i32
      %or3A_104 = arith.ori %eq3A_97, %eq3A_103 : i1
      %convert_element_type3A_105 = arith.extui %or3A_104 : i1 to i32
      %cond3A_106 = arith.constant 0 : i32
      %cond3A_107 = arith.cmpi ne, %convert_element_type3A_105, %cond3A_106 : i32
      scf.if %cond3A_107 {
        %scan3A_122 = arith.constant 0 : i32
        %scan3A_123 = arith.constant 4 : i32
        %scan3A_124 = arith.addi %scan3A_122, %scan3A_123 : i32
        %scan3A_125 = arith.constant 1 : i32
        scf.for %scan3A_127 = %scan3A_122 to %scan3A_124 step %scan3A_125  : i32 {
          %mul3A_128 = arith.constant 8 : i32
          %mul3A_129 = arith.muli %scan3A_127, %mul3A_128 : i32
          %add3A_130 = arith.constant 0 : i32
          %add3A_131 = arith.addi %add3A_130, %mul3A_129 : i32
          %add3A_132 = arith.constant 0 : i32
          %add3A_133 = arith.addi %add3A_131, %add3A_132 : i32
          %add3A_134 = arith.constant 0 : i32
          %add3A_135 = arith.addi %add3A_131, %add3A_134 : i32
          %dma_wait3A = arith.constant 0 : i32
          %dma_wait3A_136 = tpu.memref_slice %arg10[%add3A_133, %dma_wait3A] : memref<32x128xf32, #tpu.memory_space<vmem>> -> memref<1x128xf32, #tpu.memory_space<vmem>>
          %dma_wait3A_137 = tpu.memref_squeeze %dma_wait3A_136 : memref<1x128xf32, #tpu.memory_space<vmem>> -> memref<128xf32, #tpu.memory_space<vmem>>
          %dma_wait3A_138 = arith.constant 0 : i32
          %dma_wait3A_139 = tpu.memref_slice %arg7[%add3A_135, %dma_wait3A_138] : memref<32x128xi32, #tpu.memory_space<vmem>> -> memref<1x128xi32, #tpu.memory_space<vmem>>
          %dma_wait3A_140 = tpu.memref_squeeze %dma_wait3A_139 : memref<1x128xi32, #tpu.memory_space<vmem>> -> memref<128xi32, #tpu.memory_space<vmem>>
          %dma_wait3A_141 = arith.constant 0 : i32
          %dma_wait3A_142 = tpu.memref_slice %arg12[%dma_wait3A_141] : memref<1605632xf32, #tpu.memory_space<vmem_shared>> -> memref<1605632xf32, #tpu.memory_space<vmem_shared>>
          tpu.wait_indirect_dma semaphore(%arg21 : memref<!tpu.dma_semaphore, #tpu.memory_space<semaphore_mem>>) src(%dma_wait3A_137 : memref<128xf32, #tpu.memory_space<vmem>>) dst(%dma_wait3A_142 : memref<1605632xf32, #tpu.memory_space<vmem_shared>>)
          %add3A_143 = arith.constant 1 : i32
          %add3A_144 = arith.addi %add3A_131, %add3A_143 : i32
          %add3A_145 = arith.constant 1 : i32
          %add3A_146 = arith.addi %add3A_131, %add3A_145 : i32
          %dma_wait3A_147 = arith.constant 0 : i32
          %dma_wait3A_148 = tpu.memref_slice %arg10[%add3A_144, %dma_wait3A_147] : memref<32x128xf32, #tpu.memory_space<vmem>> -> memref<1x128xf32, #tpu.memory_space<vmem>>
          %dma_wait3A_149 = tpu.memref_squeeze %dma_wait3A_148 : memref<1x128xf32, #tpu.memory_space<vmem>> -> memref<128xf32, #tpu.memory_space<vmem>>
          %dma_wait3A_150 = arith.constant 0 : i32
          %dma_wait3A_151 = tpu.memref_slice %arg7[%add3A_146, %dma_wait3A_150] : memref<32x128xi32, #tpu.memory_space<vmem>> -> memref<1x128xi32, #tpu.memory_space<vmem>>
          %dma_wait3A_152 = tpu.memref_squeeze %dma_wait3A_151 : memref<1x128xi32, #tpu.memory_space<vmem>> -> memref<128xi32, #tpu.memory_space<vmem>>
          %dma_wait3A_153 = arith.constant 0 : i32
          %dma_wait3A_154 = tpu.memref_slice %arg12[%dma_wait3A_153] : memref<1605632xf32, #tpu.memory_space<vmem_shared>> -> memref<1605632xf32, #tpu.memory_space<vmem_shared>>
          tpu.wait_indirect_dma semaphore(%arg21 : memref<!tpu.dma_semaphore, #tpu.memory_space<semaphore_mem>>) src(%dma_wait3A_149 : memref<128xf32, #tpu.memory_space<vmem>>) dst(%dma_wait3A_154 : memref<1605632xf32, #tpu.memory_space<vmem_shared>>)
          %add3A_155 = arith.constant 2 : i32
          %add3A_156 = arith.addi %add3A_131, %add3A_155 : i32
          %add3A_157 = arith.constant 2 : i32
          %add3A_158 = arith.addi %add3A_131, %add3A_157 : i32
          %dma_wait3A_159 = arith.constant 0 : i32
          %dma_wait3A_160 = tpu.memref_slice %arg10[%add3A_156, %dma_wait3A_159] : memref<32x128xf32, #tpu.memory_space<vmem>> -> memref<1x128xf32, #tpu.memory_space<vmem>>
          %dma_wait3A_161 = tpu.memref_squeeze %dma_wait3A_160 : memref<1x128xf32, #tpu.memory_space<vmem>> -> memref<128xf32, #tpu.memory_space<vmem>>
          %dma_wait3A_162 = arith.constant 0 : i32
          %dma_wait3A_163 = tpu.memref_slice %arg7[%add3A_158, %dma_wait3A_162] : memref<32x128xi32, #tpu.memory_space<vmem>> -> memref<1x128xi32, #tpu.memory_space<vmem>>
          %dma_wait3A_164 = tpu.memref_squeeze %dma_wait3A_163 : memref<1x128xi32, #tpu.memory_space<vmem>> -> memref<128xi32, #tpu.memory_space<vmem>>
          %dma_wait3A_165 = arith.constant 0 : i32
          %dma_wait3A_166 = tpu.memref_slice %arg12[%dma_wait3A_165] : memref<1605632xf32, #tpu.memory_space<vmem_shared>> -> memref<1605632xf32, #tpu.memory_space<vmem_shared>>
          tpu.wait_indirect_dma semaphore(%arg21 : memref<!tpu.dma_semaphore, #tpu.memory_space<semaphore_mem>>) src(%dma_wait3A_161 : memref<128xf32, #tpu.memory_space<vmem>>) dst(%dma_wait3A_166 : memref<1605632xf32, #tpu.memory_space<vmem_shared>>)
          %add3A_167 = arith.constant 3 : i32
          %add3A_168 = arith.addi %add3A_131, %add3A_167 : i32
          %add3A_169 = arith.constant 3 : i32
          %add3A_170 = arith.addi %add3A_131, %add3A_169 : i32
          %dma_wait3A_171 = arith.constant 0 : i32
          %dma_wait3A_172 = tpu.memref_slice %arg10[%add3A_168, %dma_wait3A_171] : memref<32x128xf32, #tpu.memory_space<vmem>> -> memref<1x128xf32, #tpu.memory_space<vmem>>
          %dma_wait3A_173 = tpu.memref_squeeze %dma_wait3A_172 : memref<1x128xf32, #tpu.memory_space<vmem>> -> memref<128xf32, #tpu.memory_space<vmem>>
          %dma_wait3A_174 = arith.constant 0 : i32
          %dma_wait3A_175 = tpu.memref_slice %arg7[%add3A_170, %dma_wait3A_174] : memref<32x128xi32, #tpu.memory_space<vmem>> -> memref<1x128xi32, #tpu.memory_space<vmem>>
          %dma_wait3A_176 = tpu.memref_squeeze %dma_wait3A_175 : memref<1x128xi32, #tpu.memory_space<vmem>> -> memref<128xi32, #tpu.memory_space<vmem>>
          %dma_wait3A_177 = arith.constant 0 : i32
          %dma_wait3A_178 = tpu.memref_slice %arg12[%dma_wait3A_177] : memref<1605632xf32, #tpu.memory_space<vmem_shared>> -> memref<1605632xf32, #tpu.memory_space<vmem_shared>>
          tpu.wait_indirect_dma semaphore(%arg21 : memref<!tpu.dma_semaphore, #tpu.memory_space<semaphore_mem>>) src(%dma_wait3A_173 : memref<128xf32, #tpu.memory_space<vmem>>) dst(%dma_wait3A_178 : memref<1605632xf32, #tpu.memory_space<vmem_shared>>)
          %add3A_179 = arith.constant 4 : i32
          %add3A_180 = arith.addi %add3A_131, %add3A_179 : i32
          %add3A_181 = arith.constant 4 : i32
          %add3A_182 = arith.addi %add3A_131, %add3A_181 : i32
          %dma_wait3A_183 = arith.constant 0 : i32
          %dma_wait3A_184 = tpu.memref_slice %arg10[%add3A_180, %dma_wait3A_183] : memref<32x128xf32, #tpu.memory_space<vmem>> -> memref<1x128xf32, #tpu.memory_space<vmem>>
          %dma_wait3A_185 = tpu.memref_squeeze %dma_wait3A_184 : memref<1x128xf32, #tpu.memory_space<vmem>> -> memref<128xf32, #tpu.memory_space<vmem>>
          %dma_wait3A_186 = arith.constant 0 : i32
          %dma_wait3A_187 = tpu.memref_slice %arg7[%add3A_182, %dma_wait3A_186] : memref<32x128xi32, #tpu.memory_space<vmem>> -> memref<1x128xi32, #tpu.memory_space<vmem>>
          %dma_wait3A_188 = tpu.memref_squeeze %dma_wait3A_187 : memref<1x128xi32, #tpu.memory_space<vmem>> -> memref<128xi32, #tpu.memory_space<vmem>>
          %dma_wait3A_189 = arith.constant 0 : i32
          %dma_wait3A_190 = tpu.memref_slice %arg12[%dma_wait3A_189] : memref<1605632xf32, #tpu.memory_space<vmem_shared>> -> memref<1605632xf32, #tpu.memory_space<vmem_shared>>
          tpu.wait_indirect_dma semaphore(%arg21 : memref<!tpu.dma_semaphore, #tpu.memory_space<semaphore_mem>>) src(%dma_wait3A_185 : memref<128xf32, #tpu.memory_space<vmem>>) dst(%dma_wait3A_190 : memref<1605632xf32, #tpu.memory_space<vmem_shared>>)
          %add3A_191 = arith.constant 5 : i32
          %add3A_192 = arith.addi %add3A_131, %add3A_191 : i32
          %add3A_193 = arith.constant 5 : i32
          %add3A_194 = arith.addi %add3A_131, %add3A_193 : i32
          %dma_wait3A_195 = arith.constant 0 : i32
          %dma_wait3A_196 = tpu.memref_slice %arg10[%add3A_192, %dma_wait3A_195] : memref<32x128xf32, #tpu.memory_space<vmem>> -> memref<1x128xf32, #tpu.memory_space<vmem>>
          %dma_wait3A_197 = tpu.memref_squeeze %dma_wait3A_196 : memref<1x128xf32, #tpu.memory_space<vmem>> -> memref<128xf32, #tpu.memory_space<vmem>>
          %dma_wait3A_198 = arith.constant 0 : i32
          %dma_wait3A_199 = tpu.memref_slice %arg7[%add3A_194, %dma_wait3A_198] : memref<32x128xi32, #tpu.memory_space<vmem>> -> memref<1x128xi32, #tpu.memory_space<vmem>>
          %dma_wait3A_200 = tpu.memref_squeeze %dma_wait3A_199 : memref<1x128xi32, #tpu.memory_space<vmem>> -> memref<128xi32, #tpu.memory_space<vmem>>
          %dma_wait3A_201 = arith.constant 0 : i32
          %dma_wait3A_202 = tpu.memref_slice %arg12[%dma_wait3A_201] : memref<1605632xf32, #tpu.memory_space<vmem_shared>> -> memref<1605632xf32, #tpu.memory_space<vmem_shared>>
          tpu.wait_indirect_dma semaphore(%arg21 : memref<!tpu.dma_semaphore, #tpu.memory_space<semaphore_mem>>) src(%dma_wait3A_197 : memref<128xf32, #tpu.memory_space<vmem>>) dst(%dma_wait3A_202 : memref<1605632xf32, #tpu.memory_space<vmem_shared>>)
          %add3A_203 = arith.constant 6 : i32
          %add3A_204 = arith.addi %add3A_131, %add3A_203 : i32
          %add3A_205 = arith.constant 6 : i32
          %add3A_206 = arith.addi %add3A_131, %add3A_205 : i32
          %dma_wait3A_207 = arith.constant 0 : i32
          %dma_wait3A_208 = tpu.memref_slice %arg10[%add3A_204, %dma_wait3A_207] : memref<32x128xf32, #tpu.memory_space<vmem>> -> memref<1x128xf32, #tpu.memory_space<vmem>>
          %dma_wait3A_209 = tpu.memref_squeeze %dma_wait3A_208 : memref<1x128xf32, #tpu.memory_space<vmem>> -> memref<128xf32, #tpu.memory_space<vmem>>
          %dma_wait3A_210 = arith.constant 0 : i32
          %dma_wait3A_211 = tpu.memref_slice %arg7[%add3A_206, %dma_wait3A_210] : memref<32x128xi32, #tpu.memory_space<vmem>> -> memref<1x128xi32, #tpu.memory_space<vmem>>
          %dma_wait3A_212 = tpu.memref_squeeze %dma_wait3A_211 : memref<1x128xi32, #tpu.memory_space<vmem>> -> memref<128xi32, #tpu.memory_space<vmem>>
          %dma_wait3A_213 = arith.constant 0 : i32
          %dma_wait3A_214 = tpu.memref_slice %arg12[%dma_wait3A_213] : memref<1605632xf32, #tpu.memory_space<vmem_shared>> -> memref<1605632xf32, #tpu.memory_space<vmem_shared>>
          tpu.wait_indirect_dma semaphore(%arg21 : memref<!tpu.dma_semaphore, #tpu.memory_space<semaphore_mem>>) src(%dma_wait3A_209 : memref<128xf32, #tpu.memory_space<vmem>>) dst(%dma_wait3A_214 : memref<1605632xf32, #tpu.memory_space<vmem_shared>>)
          %add3A_215 = arith.constant 7 : i32
          %add3A_216 = arith.addi %add3A_131, %add3A_215 : i32
          %add3A_217 = arith.constant 7 : i32
          %add3A_218 = arith.addi %add3A_131, %add3A_217 : i32
          %dma_wait3A_219 = arith.constant 0 : i32
          %dma_wait3A_220 = tpu.memref_slice %arg10[%add3A_216, %dma_wait3A_219] : memref<32x128xf32, #tpu.memory_space<vmem>> -> memref<1x128xf32, #tpu.memory_space<vmem>>
          %dma_wait3A_221 = tpu.memref_squeeze %dma_wait3A_220 : memref<1x128xf32, #tpu.memory_space<vmem>> -> memref<128xf32, #tpu.memory_space<vmem>>
          %dma_wait3A_222 = arith.constant 0 : i32
          %dma_wait3A_223 = tpu.memref_slice %arg7[%add3A_218, %dma_wait3A_222] : memref<32x128xi32, #tpu.memory_space<vmem>> -> memref<1x128xi32, #tpu.memory_space<vmem>>
          %dma_wait3A_224 = tpu.memref_squeeze %dma_wait3A_223 : memref<1x128xi32, #tpu.memory_space<vmem>> -> memref<128xi32, #tpu.memory_space<vmem>>
          %dma_wait3A_225 = arith.constant 0 : i32
          %dma_wait3A_226 = tpu.memref_slice %arg12[%dma_wait3A_225] : memref<1605632xf32, #tpu.memory_space<vmem_shared>> -> memref<1605632xf32, #tpu.memory_space<vmem_shared>>
          tpu.wait_indirect_dma semaphore(%arg21 : memref<!tpu.dma_semaphore, #tpu.memory_space<semaphore_mem>>) src(%dma_wait3A_221 : memref<128xf32, #tpu.memory_space<vmem>>) dst(%dma_wait3A_226 : memref<1605632xf32, #tpu.memory_space<vmem_shared>>)
        }
        %scan3A_126 = arith.constant 4 : i32
      } else {
      }
      %barrier3A_108 = arith.constant 0 : index
      tpu.barrier barrier_id(%barrier3A_108)
      %mul3A_109 = arith.constant 100352 : i32
      %mul3A_110 = arith.muli %arg1, %mul3A_109 : i32
      %mul3A_111 = arith.constant 4816896 : i32
      %mul3A_112 = arith.muli %select_n3A, %mul3A_111 : i32
      %add3A_113 = arith.addi %mul3A_112, %mul3A_40 : i32
      %mul3A_114 = arith.constant 100352 : i32
      %mul3A_115 = arith.muli %arg1, %mul3A_114 : i32
      %add3A_116 = arith.addi %add3A_113, %mul3A_115 : i32
      "tpu.region"() ({
        %run_scoped3A = tpu.sem_alloc : memref<!tpu.dma_semaphore, #tpu.memory_space<semaphore_mem>>
        %dma_start3A_122 = tpu.memref_slice %arg4[%add3A_116] : memref<38535168xf32, #tpu.memory_space<hbm>> -> memref<100352xf32, #tpu.memory_space<hbm>>
        %dma_start3A_123 = tpu.memref_slice %arg12[%mul3A_110] : memref<1605632xf32, #tpu.memory_space<vmem_shared>> -> memref<100352xf32, #tpu.memory_space<vmem_shared>>
        tpu.enqueue_dma source(%dma_start3A_123 : memref<100352xf32, #tpu.memory_space<vmem_shared>>) target(%dma_start3A_122 : memref<100352xf32, #tpu.memory_space<hbm>>) target_semaphore(%run_scoped3A : memref<!tpu.dma_semaphore, #tpu.memory_space<semaphore_mem>>)
        %dma_wait3A = tpu.memref_slice %arg4[%add3A_116] : memref<38535168xf32, #tpu.memory_space<hbm>> -> memref<100352xf32, #tpu.memory_space<hbm>>
        %dma_wait3A_124 = tpu.memref_slice %arg12[%mul3A_110] : memref<1605632xf32, #tpu.memory_space<vmem_shared>> -> memref<100352xf32, #tpu.memory_space<vmem_shared>>
        tpu.wait_dma2 semaphore(%run_scoped3A : memref<!tpu.dma_semaphore, #tpu.memory_space<semaphore_mem>>) src(%dma_wait3A_124 : memref<100352xf32, #tpu.memory_space<vmem_shared>>) dst(%dma_wait3A : memref<100352xf32, #tpu.memory_space<hbm>>)
        tpu.yield
      }) : () -> ()
      %scan3A_117 = arith.constant 0 : i32
      %scan3A_118 = arith.constant 28 : i32
      %scan3A_119 = arith.addi %scan3A_117, %scan3A_118 : i32
      %scan3A_120 = arith.constant 1 : i32
      scf.for %scan3A_122 = %scan3A_117 to %scan3A_119 step %scan3A_120  : i32 {
        %mul3A_123 = arith.constant 1 : i32
        %mul3A_124 = arith.muli %scan3A_122, %mul3A_123 : i32
        %add3A_125 = arith.constant 0 : i32
        %add3A_126 = arith.addi %add3A_125, %mul3A_124 : i32
        %mul3A_127 = arith.constant 100352 : i32
        %mul3A_128 = arith.muli %arg1, %mul3A_127 : i32
        %mul3A_129 = arith.constant 3584 : i32
        %mul3A_130 = arith.muli %add3A_126, %mul3A_129 : i32
        %add3A_131 = arith.addi %mul3A_128, %mul3A_130 : i32
        "tpu.region"() ({
          %run_scoped3A = tpu.sem_alloc : memref<!tpu.dma_semaphore, #tpu.memory_space<semaphore_mem>>
          %dma_start3A_132 = tpu.memref_slice %arg12[%add3A_131] : memref<1605632xf32, #tpu.memory_space<vmem_shared>> -> memref<3584xf32, #tpu.memory_space<vmem_shared>>
          %dma_start3A_133 = tpu.memref_slice %arg12[%add3A_131] : memref<1605632xf32, #tpu.memory_space<vmem_shared>> -> memref<3584xf32, #tpu.memory_space<vmem_shared>>
          tpu.enqueue_dma source(%arg11 : memref<3584xf32, #tpu.memory_space<vmem>>) target(%dma_start3A_133 : memref<3584xf32, #tpu.memory_space<vmem_shared>>) target_semaphore(%run_scoped3A : memref<!tpu.dma_semaphore, #tpu.memory_space<semaphore_mem>>)
          %dma_wait3A = tpu.memref_slice %arg12[%add3A_131] : memref<1605632xf32, #tpu.memory_space<vmem_shared>> -> memref<3584xf32, #tpu.memory_space<vmem_shared>>
          %dma_wait3A_134 = tpu.memref_slice %arg12[%add3A_131] : memref<1605632xf32, #tpu.memory_space<vmem_shared>> -> memref<3584xf32, #tpu.memory_space<vmem_shared>>
          tpu.wait_dma2 semaphore(%run_scoped3A : memref<!tpu.dma_semaphore, #tpu.memory_space<semaphore_mem>>) src(%arg11 : memref<3584xf32, #tpu.memory_space<vmem>>) dst(%dma_wait3A_134 : memref<3584xf32, #tpu.memory_space<vmem_shared>>)
          tpu.yield
        }) : () -> ()
      }
      %scan3A_121 = arith.constant 28 : i32
    }
    %scan3A_13 = arith.constant 12 : i32
    return
  }
}

</mosaic_0001>

<sc_bundles>
// kernel: kernel.3.cloned.1.call-start
scs
__scs_entry_jumppad:
0x0: {  	(pc) =	sbr.rel $0x88, $3  }
0x1: {  	(tag) =	ssettag $0x0;
	lr =	simm.s32 $0x1  }
0x2: {  	[smem:$0x3F9E] =	sst lr;
	_ =	strace $0xD0000000  }
0x3: {  	_ = 	snop  }
0x4: {  	_ = 	snop  }
0x5: {  	_ = 	snop  }
0x6: {  	_ = 	snop  }
0x7: {  	_ = 	snop  }
__scs_overlays_trampoline_lowered:
0x8: {  	[smem:$0x3FAD] =	sst s0  }
0x9: {  	[smem:$0x3FAE] =	sst s1  }
0xa: {  	[smem:$0x3FAF] =	sst s2  }
0xb: {  	[smem:$0x3FB0] =	sst s3  }
0xc: {  	[smem:$0x3FB1] =	sst s4  }
0xd: {  	[smem:$0x3FB2] =	sst s5  }
0xe: {  	[smem:$0x3FB3] =	sst s6  }
0xf: {  	[smem:$0x3FB4] =	sst s7  }
0x10: {  	[smem:$0x3FB5] =	sst s8  }
0x11: {  	[smem:$0x3FB6] =	sst s9;
	s0 =	simm.s32 @!p0 $0x0  }
0x12: {  	s1 =	sld [smem:$0x3F9C];
	s0 =	simm.s32 @p0 $0x1  }
0x13: {  	[smem:$0x3FB7] =	sst s0;
	s0 =	simm.s32 @!p1 $0x0  }
0x14: {  	s2 =	sld [smem:$0x3F9B];
	s0 =	simm.s32 @p1 $0x1  }
0x15: {  	[smem:$0x3FB8] =	sst s0;
	s0 =	simm.s32 @!p2 $0x0  }
0x16: {  	s3 =	sld [smem:$0x3FDB];
	s0 =	simm.s32 @p2 $0x1  }
0x17: {  	s4 =	simm.s32 $0x1BF5;
	[smem:$0x3FBA] =	sst s0  }
0x18: {  	s0 =	sld [smem:$0x3F9D];
	_ =	swait.ge [sflag:s4], $0x0  }
0x19: {  	s7 =	sld [smem:$0x3F9E]  }
0x1a: {  	s8 =	sadd.s32 $0xFFFFE003, lr  }
0x1b: {  	s9 =	sadd.s32 $0xFFFFFEF7, lr;
	s5 =	simm.s32 $0xFFFFFFFF;
	p2 =	slt.u32 s8, $0xFFFFF086  }
0x1c: {  	p1 =	slt.u32 s9, $0xF7A;
	s5 =	simm.s32 @!p2 $0x0  }
0x1d: {  	s5 =	simm.s32 @p1 $0x1;
	p0 =	seq.s32 s7, s2  }
0x1e: {  	s7 =	smul.u32 @!p0 $0xF7A, s2;
	p2 =	seq.s32 @!p0 s5, $0x0  }
0x1f: {  	s9 =	smul.u32 $0xF7A, s1;
	s8 =	simm.s32 @!p0 $0x1BF5;
	p2 =	por !p2, p0  }
0x20: {  	[sflag:s8] =	ssyncset.s32 @!p0 $0xFFFFF086;
	s6 =	sadd.s32 @!p0 s3, s7;
	s7 =	simm.s32 @!p0 $0x108  }
0x21: {  	s3 =	sadd.s32 s3, s9;
	s6 =	sadd.s32 @!p0 $0x88, s6;
	s7 =	simm.s32 @p2 $0x1082  }
0x22: {  	[simem:s7], [sflag:s8] =	dma.local @!p0 [hbm:s6], $0xF7A  }
0x23: {  	s9 =	sor.u32 $0xD0000000, s2;
	s6 =	simm.s32 $0x108;
	_ =	swait.ge @!p0 [sflag:s8], $0x0  }
0x24: {  	s3 =	sadd.s32 $0x88, s3;
	s6 =	simm.s32 @!p1 $0x1082;
	[sflag:s4] =	ssyncset.s32 $0xFFFFF086  }
0x25: {  	[simem:s6], [sflag:s4] =	dma.local [hbm:s3], $0xF7A  }
0x26: {  	[smem:$0x3F9E] =	sst s1;
	(tag) =	ssettag s2;
	_ =	strace s9  }
0x27: {  	s1 =	sld [smem:$0x3FAE]  }
0x28: {  	s2 =	sld [smem:$0x3FAF]  }
0x29: {  	s4 =	sld [smem:$0x3FB1]  }
0x2a: {  	p0 =	seq.s32 s5, $0x0;
	s5 =	sld [smem:$0x3FB2]  }
0x2b: {  	s6 =	sld [smem:$0x3FB3]  }
0x2c: {  	s7 =	sld [smem:$0x3FB4]  }
0x2d: {  	s3 =	simm.s32 $0x108;
	s8 =	sld [smem:$0x3FB5]  }
0x2e: {  	s3 =	simm.s32 @!p0 $0x1082;
	s9 =	sld [smem:$0x3FB6]  }
0x2f: {  	lr =	sadd.s32 s0, s3;
	s0 =	sld [smem:$0x3FAD]  }
0x30: {  	s3 =	sld [smem:$0x3FB0]  }
0x31: {  	[smem:$0x3FB9] =	sst s10  }
0x32: {  	s10 =	sld [smem:$0x3FB7];
	_ =	sdelay $0x3  }
0x33: {  	p0 =	seq.s32 s10, $0x1;
	s10 =	sld [smem:$0x3FB9];
	_ =	sdelay $0x3  }
0x34: {  	[smem:$0x3FB9] =	sst s10  }
0x35: {  	s10 =	sld [smem:$0x3FB8];
	_ =	sdelay $0x3  }
0x36: {  	p1 =	seq.s32 s10, $0x1;
	s10 =	sld [smem:$0x3FB9];
	_ =	sdelay $0x3  }
0x37: {  	[smem:$0x3FB9] =	sst s10  }
0x38: {  	s10 =	sld [smem:$0x3FBA]  }
0x39: {  	_ = 	snop;
	(pc) =	sbr.ind lr, $3  }
0x3a: {  	_ = 	snop  }
0x3b: {  	_ = 	snop  }
0x3c: {  	p2 =	seq.s32 s10, $0x1;
	s10 =	sld [smem:$0x3FB9]  }
0x3d: {  	_ =	shalt  }
0x3e: {  	_ =	shalt  }
0x3f: {  	_ =	shalt  }
0x40: {  	_ =	shalt  }
0x41: {  	_ =	shalt  }
0x42: {  	_ =	shalt  }
0x43: {  	_ =	shalt  }
0x44: {  	_ =	shalt  }
0x45: {  	_ =	shalt  }
0x46: {  	_ =	shalt  }
0x47: {  	_ =	shalt  }
0x48: {  	_ =	shalt  }
0x49: {  	_ =	shalt  }
0x4a: {  	_ =	shalt  }
0x4b: {  	_ =	shalt  }
0x4c: {  	_ =	shalt  }
0x4d: {  	_ =	shalt  }
0x4e: {  	_ =	shalt  }
0x4f: {  	_ =	shalt  }
0x50: {  	_ =	shalt  }
0x51: {  	_ =	shalt  }
0x52: {  	_ =	shalt  }
0x53: {  	_ =	shalt  }
0x54: {  	_ =	shalt  }
0x55: {  	_ =	shalt  }
0x56: {  	_ =	shalt  }
0x57: {  	_ =	shalt  }
0x58: {  	_ =	shalt  }
0x59: {  	_ =	shalt  }
0x5a: {  	_ =	shalt  }
0x5b: {  	_ =	shalt  }
0x5c: {  	_ =	shalt  }
0x5d: {  	_ =	shalt  }
0x5e: {  	_ =	shalt  }
0x5f: {  	_ =	shalt  }
0x60: {  	_ =	shalt  }
0x61: {  	_ =	shalt  }
0x62: {  	_ =	shalt  }
0x63: {  	_ =	shalt  }
0x64: {  	_ =	shalt  }
0x65: {  	_ =	shalt  }
0x66: {  	_ =	shalt  }
0x67: {  	_ =	shalt  }
0x68: {  	_ =	shalt  }
0x69: {  	_ =	shalt  }
0x6a: {  	_ =	shalt  }
0x6b: {  	_ =	shalt  }
0x6c: {  	_ =	shalt  }
0x6d: {  	_ =	shalt  }
0x6e: {  	_ =	shalt  }
0x6f: {  	_ =	shalt  }
0x70: {  	_ =	shalt  }
0x71: {  	_ =	shalt  }
0x72: {  	_ =	shalt  }
0x73: {  	_ =	shalt  }
0x74: {  	_ =	shalt  }
0x75: {  	_ =	shalt  }
0x76: {  	_ =	shalt  }
0x77: {  	_ =	shalt  }
0x78: {  	_ =	shalt  }
0x79: {  	_ =	shalt  }
0x7a: {  	_ =	shalt  }
0x7b: {  	_ =	shalt  }
0x7c: {  	_ =	shalt  }
0x7d: {  	_ =	shalt  }
0x7e: {  	_ =	shalt  }
0x7f: {  	_ =	shalt  }
0x80: {  	_ =	shalt  }
0x81: {  	_ =	shalt  }
0x82: {  	_ =	shalt  }
0x83: {  	_ =	shalt  }
0x84: {  	_ =	shalt  }
0x85: {  	_ =	shalt  }
0x86: {  	_ =	shalt  }
0x87: {  	_ =	shalt  }
.Lfunc_end0:
.L_simem_size_0:
called_computation.3_lowered:
.L_overlay_start_0:
0x88: {  	s2 =	sld [smem:$0x3FD9]  }
0x89: {  	s3 =	sld [smem:$0x3FFE];
	_ =	sdelay $0x1  }
0x8a: {  	s1 =	srdreg.scid  }
0x8b: {  	s0 =	sand.u32 $0x1, s1  }
0x8c: {  	s17 =	sshll.u32 s0, $0xA;
	s2 =	sadd.s32 s3, s2  }
0x8d: {  	s2 =	sadd.s32 s2, s17  }
0x8e: {  	[smem:$0x3FC5] =	sst s2  }
0x8f: {  	_ = 	snop  }
0x90: {  	s2 =	sld [smem:$0x3FD0];
	(tm) =	ssettm $0x1  }
0x91: {  	s18 =	sld [smem:$0x3FFB];
	_ =	sdelay $0x3  }
0x92: {  	_ =	strace s18  }
0x93: {  	s3 =	sld [smem:$0x3FFC];
	_ =	sdelay $0x3  }
0x94: {  	_ =	strace s3  }
0x95: {  	s3 =	sld [smem:$0x3FFD];
	_ =	sdelay $0x3  }
0x96: {  	_ =	strace s3  }
0x97: {  	_ =	strace $0x8FFFFFFF  }
0x98: {  	s19 =	sld [smem:$0x3FDB];
	_ =	sdelay $0x1  }
0x99: {  	s4 =	simm.s32 $_scs_section_size  }
0x9a: {  	s5 =	simm.s32 $_size__tile_overlayer_lowered;
	s6 =	simm.s32 $_tile_overlayer_lowered  }
0x9b: {  	s22 =	simm.s32 $0x1BFF;
	s21 =	sshll.u32 s6, $0x1;
	s3 =	sadd.s32 s4, s19  }
0x9c: {  	s7 =	simm.s32 $0x0;
	s20 =	sshll.u32 s5, $0x1;
	s5 =	sadd.s32 s21, s3  }
0x9d: {  	[timem:s7], [sflag:s22] =	dma.local [hbm:s5], s20  }
0x9e: {  	_ =	swait.ge [sflag:s22], s20  }
0x9f: {  	s4 =	ssub.s32 $0x0, s20;
	[sflag:s22] =	ssyncset.done $0x0  }
0xa0: {  	[sflag:s22] =	ssyncadd.s32 s4;
	_ =	sdelay $0x1  }
0xa1: {  	s23 =	simm.s32 $0x1B8B  }
0xa2: {  	_ =	swait.ge [sflag:s23], $0x1  }
0xa3: {  	[sflag:s23] =	ssyncset.done $0x0  }
0xa4: {  	s25 =	simm.s32 $0x1B8E;
	s24 =	sld [smem:$0x3FFE];
	[sflag:s23] =	ssyncadd.s32 $0xFFFFFFFF  }
0xa5: {  	s26 =	simm.s32 $execute0_lowered;
	[smem:$0x3FD2] =	sst s25  }
0xa6: {  	s5 =	sshll.u32 s26, $0x1;
	_ =	strace $0x8000004C;
	[dreg:$0x1] =	wrdreg $0xFFFFFFFF  }
0xa7: {  	s28 =	simm.s32 $_size_execute0_lowered;
	s3 =	sadd.s32 s3, s5;
	[dreg:$0x0] =	wrdreg $0x0  }
0xa8: {  	s5 =	sshll.u32 s28, $0x1;
	[dreg:$0x2] =	wrdreg s3  }
0xa9: {  	[dreg:$0x3] =	wrdreg s5  }
0xaa: {  	[dreg:$0x4] =	wrdreg $0xC0  }
0xab: {  	_ =	task [dreg:s7], $0x5FFFF  }
0xac: {  	[dreg:$0x1] =	wrdreg $0xFFFFFFFF  }
0xad: {  	[dreg:$0x0] =	wrdreg $0x60  }
0xae: {  	[dreg:$0x2] =	wrdreg s24  }
0xaf: {  	[dreg:$0x3] =	wrdreg s2  }
0xb0: {  	[dreg:$0x4] =	wrdreg $0x6E000  }
0xb1: {  	[dreg:$0x5] =	wrdreg $0x9  }
0xb2: {  	_ =	task.clear_ibuf [dreg:s7], $0x6FFFF;
	_ =	strace $0x9000004C  }
0xb3: {  	s29 =	simm.s32 $0x9;
	_ =	strace $0x8000004E  }
0xb4: {  	_ =	swait.ge [sflag:s29], $0x1  }
0xb5: {  	[sflag:s29] =	ssyncadd.s32 $0xFFFFFFFF  }
0xb6: {  	_ =	strace $0x9000004E  }
0xb7: {  	_ =	sfence  }
0xb8: {  	s30 =	sld [smem:$0x0];
	_ =	sdelay $0x2  }
0xb9: {  	s31 =	sshll.u32 s1, $0xD;
	s1 =	sshrl.u32 s1, $0x2  }
0xba: {  	s3 =	sand.u32 $0x4000, s31;
	s1 =	sadd.s32 s1, s30  }
0xbb: {  	s0 =	sor.u32 s3, s0;
	s1 =	sshll.u32 s1, $0x11  }
0xbc: {  	s0 =	sor.u32 s1, s0  }
0xbd: {  	s0 =	sadd.s32 $0x8F2B, s0  }
0xbe: {  	[sflag:s0] =	ssyncadd.remote.s32 $0x1  }
0xbf: {  	_ =	sfence.sel $0xFFFF  }
0xc0: {  	[dreg:$0x0] =	wrdreg $0xFFFFFFFF;
	(pc) =	sbr.abs _section_cstart, $3  }
0xc1: {  	[dreg:$0x1] =	wrdreg $0xFFFFFFFF  }
0xc2: {  	_ =	task.clear_ibuf [dreg:s7], $0x2FFFF;
	_ =	strace $0x9FFFFFFF  }
0xc3: {  	(tm) =	ssettm $0x7FFFFFFF  }
tec
execute0_lowered:
.L_overlay_start_1:
0x0: {  	(tag) =	ssettag $0x1  }
0x1: {  	s0 =	rddreg [dreg:$0x0];
	s8 =	stileid.u32;
	s3 =	simm.s32 $0x13  }
0x2: {  	s4 =	rddreg [dreg:$0x2];
	s2 =	simm.s32 $0x0;
	s22 =	srdreg.scid  }
0x3: {  	s16 =	simm.s32 $0x6000;
	s17 =	simm.s32 $0xA;
	s19 =	simm.s32 $0x1  }
0x4: {  	s20 =	simm.s32 $0x4;
	s31 =	simm.s32 $0x8;
	s14 =	simm.s32 $0x5  }
0x5: {  	s11 =	simm.s32 $0x7;
	s18 =	simm.s32 $0x3;
	s13 =	simm.s32 $0x6  }
0x6: {  	s15 =	simm.s32 $0x2F00;
	p0 =	slt.u32 s8, $0x6;
	[smem:$0x7FF] =	sst s2  }
0x7: {  	s6 =	sadd.s32 $0x1000, s0;
	s7 =	sadd.s32 $0x127000, s0;
	s25 =	smul.u32 $0x62000, s8  }
0x8: {  	s5 =	sand.u32 $0x1, s22;
	s26 =	smul.u32 $0x18800, s8;
	s28 =	sshll.u32 s8, $0xC  }
0x9: {  	s30 =	sshll.u32 s8, $0x9;
	s8 =	simm.s32 $0x9;
	s3 =	simm.s32 @!p0 $0x12  }
0xa: {  	_ =	strace $0x8000004D;
	[dreg:$0x4] =	wrdreg s5;
	s1 =	smul.u32 $0x56, s3  }
0xb: {  	s22 =	simm.s32 $0x5F80;
	s24 =	ssub.s32 $0x2, s5;
	[dreg:$0x6] =	wrdreg s28  }
0xc: {  	[dreg:$0x8] =	wrdreg s30;
	s9 =	sadd.s32 $0xFFFFFFFE, s3;
	s21 =	sadd.s32 $0xFFFFFF54, s1  }
0xd: {  	s5 =	sshrl.u32 s24, $0x1;
	s1 =	sadd.s32 $0xFFFFFFAA, s1;
	s2 =	sshrl.u32 s21, $0x8  }
0xe: {  	s10 =	sadd.s32 $0xFFFFFFFF, s3;
	s1 =	sshrl.u32 s1, $0x8;
	s23 =	smul.u32 $0x3, s2  }
0xf: {  	[dreg:$0x5] =	wrdreg s26;
	s21 =	simm.s32 $0x80;
	s1 =	smul.u32 $0x3, s1  }
0x10: {  	s2 =	ssub.s32 s24, s5;
	s5 =	sshrl.u32 s25, $0x2;
	s25 =	simm.s32 $0x5F00  }
0x11: {  	s12 =	sadd.s32 s5, s4;
	s29 =	smax.u32 s2, $0x1;
	s5 =	simm.s32 $0x2F80  }
0x12: {  	s2 =	simm.s32 $0x0;
	s0 =	ssub.s32 s9, s23;
	s1 =	ssub.s32 s10, s1  }
0x13: {  	[dreg:$0x7] =	wrdreg s29;
	s0 =	sand.u32 $0xFF, s0;
	p1 =	seq.s32 s1, $0x0  }
0x14: {  	p3 =	seq.s32 s1, $0x1;
	p6 =	seq.s32 s1, $0x2;
	p4 =	seq.s32 s0, $0x0  }
0x15: {  	p2 =	seq.s32 s0, $0x1;
	p5 =	seq.s32 s0, $0x2;
	s0 =	sadd.s32 s26, s4  }
0x16: {  	s1 =	simm.s32 $0x2;
	p0 =	por p4, p1;
	s0 =	sshrl.u32 s0, $0x3  }
0x17: {  	v0 =	vimm.f32 $0.0e+00;
	p1 =	por p2, p3;
	p2 =	por p5, p6;
	[dreg:$0x9] =	wrdreg s0  }
.LBB2_1:
0x18: {  	[dreg:$0xa] =	wrdreg s2;
	s23 =	simm.s32 $0x40;
	s24 =	simm.s32 $0x0  }
.LBB2_2:
0x19: {  	p3 =	sne.s32 s23, $0x37C0;
	[tilespmem:s24+$0x6000] =	vst v0;
	s24 =	smov.u32 s23;
	s23 =	sadd.s32 $0x40, s23  }
.Ltmp0:
0x1a: {  	(pc) =	sbr.rel @p3 .LBB2_2-.Ltmp0, $2  }
0x1b: {  	_ =	sdelay $0x2  }
0x1c: {  	s24 =	sshra.s32 s24, $0x2  }
0x1d: {  	[tilespmem:s24+$0x6000] =	vst v0;
	s23 =	sadd.s32 $0x0, s12  }
0x1e: {  	[spmem:s23] =	stream.linear.scatter [tilespmem:s16], [sflag:$0xA], $0xE00, $0x38;
	[tilespmem:$0x1F600] =	vst v63  }
0x1f: {  	s24 =	simm.s32 $0x3800;
	s23 =	simm.s32 $0x0;
	_ =	swait.ge [sflag:s17], $0xE00  }
.LBB2_4:
0x20: {  	s26 =	sshra.s32 s24, $0x2;
	[sflag:s17] =	ssyncset.done $0x0;
	p3 =	sne.s32 s24, $0x5E800  }
.Ltmp1:
0x21: {  	s26 =	sadd.s32 s26, s12;
	[sflag:s17] =	ssyncadd.s32 $0xFFFFF200;
	(pc) =	sbr.rel @p3 .LBB2_4-.Ltmp1, $3  }
0x22: {  	[spmem:s26] =	stream.linear.scatter [tilespmem:s16], [sflag:$0xA], $0xE00, $0x38;
	[tilespmem:$0x1F600] =	vst v63  }
0x23: {  	s24 =	sadd.s32 $0x3800, s24;
	_ =	sdelay $0x1  }
0x24: {  	_ =	swait.ge [sflag:s17], $0xE00  }
0x25: {  	[sflag:s17] =	ssyncset.done $0x0  }
0x26: {  	[sflag:s17] =	ssyncadd.s32 $0xFFFFF200  }
.LBB2_6:
0x27: {  	s24 =	sshll.u32 s23, $0x1;
	s0 =	rddreg [dreg:$0x4]  }
0x28: {  	s24 =	sor.u32 s0, s24  }
0x29: {  	s2 =	smulhi.u32 $0x55555556, s24;
	_ =	sdelay $0x1  }
0x2a: {  	s26 =	smul.u32 $0x126000, s2  }
0x2b: {  	s29 =	rddreg [dreg:$0x6];
	s28 =	smul.u32 $0xFFFFFFFD, s2  }
0x2c: {  	s26 =	sadd.s32 s29, s26  }
0x2d: {  	[bflag:$0x0] =	sbarrier.arrive $0xFFFF;
	s28 =	sadd.s32 s24, s28;
	s26 =	sshrl.u32 s26, $0x3  }
0x2e: {  	s24 =	simm.s32 $0x0;
	s28 =	smul.u32 $0x188000, s28;
	s29 =	sadd.s32 s6, s26  }
0x2f: {  	[tilespmem:s24], [sflag:$0x1] =	stream.linear.gather [hbm4b:s29+s24], $0x1000, $0x38;
	[tilespmem:$0x1F600] =	vst v63  }
.Ltmp2:
0x30: {  	s30 =	simm.s32 $0x3000;
	(pc) =	sbr.rel .LBB2_7-.Ltmp2, $4  }
0x31: {  	[dreg:$0xb] =	wrdreg s2;
	s26 =	sadd.s32 s7, s26;
	s29 =	smul.u32 $0x24C00, s2  }
0x32: {  	[tilespmem:s30], [sflag:$0x4] =	stream.linear.gather [hbm4b:s26+s24], $0x1000, $0x38;
	[tilespmem:$0x1F600] =	vst v63  }
0x33: {  	s30 =	rddreg [dreg:$0x8]  }
0x34: {  	[dreg:$0xc] =	wrdreg s28;
	v1 =	vmov s28;
	s26 =	sadd.s32 s29, s30  }
.LBB2_22:
0x35: {  	v8 =	vnsel vm0, $0xFFFFFFFF, v8;
	vm9 =	vlt.u32 v7, $0x188000;
	v6 =	vsub.s32 v6, v1;
	v9 =	vld [tilespmem:s28+$0x2070]  }
0x36: {  	v5 =	vsub.s32 v5, v1;
	[tilespmem:s28+$0x2000] =	vst v8;
	v7 =	vnsel vm9, $0xFFFFFFFF, v7;
	vm10 =	vlt.u32 v6, $0x188000  }
0x37: {  	v4 =	vsub.s32 v4, v1;
	vm11 =	vlt.u32 v5, $0x188000;
	[tilespmem:s28+$0x2010] =	vst v7;
	v6 =	vnsel vm10, $0xFFFFFFFF, v6  }
0x38: {  	v3 =	vsub.s32 v3, v1;
	vm12 =	vlt.u32 v4, $0x188000;
	v5 =	vnsel vm11, $0xFFFFFFFF, v5;
	[tilespmem:s28+$0x2020] =	vst v6  }
0x39: {  	v2 =	vsub.s32 v2, v1;
	vm13 =	vlt.u32 v3, $0x188000;
	v4 =	vnsel vm12, $0xFFFFFFFF, v4;
	[tilespmem:s28+$0x2030] =	vst v5  }
0x3a: {  	vm14 =	vlt.u32 v2, $0x188000;
	v3 =	vnsel vm13, $0xFFFFFFFF, v3;
	[tilespmem:s28+$0x2040] =	vst v4;
	v63 =	vsub.s32 v9, v1  }
0x3b: {  	v2 =	vnsel vm14, $0xFFFFFFFF, v2;
	[tilespmem:s28+$0x2050] =	vst v3;
	vm15 =	vlt.u32 v63, $0x188000  }
0x3c: {  	[tilespmem:s28+$0x2060] =	vst v2;
	v2 =	vnsel vm15, $0xFFFFFFFF, v63  }
0x3d: {  	s0 =	simm.s32 $0x2000;
	s2 =	simm.s32 $0x5000;
	[tilespmem:s28+$0x2070] =	vst v2;
	(ifvalue) =	ssetifvalue $0xFFFFFFFF  }
0x3e: {  	[spmem:s4] =	stream.indirect.scatter.add.f32 [tilespmem:s2], [sflag:$0x9], $0x1, s0, s21, $0x40b8;
	[tilespmem:$0x1F600] =	vst v63  }
0x3f: {  	s29 =	simm.s32 $0x2080;
	s30 =	simm.s32 $0x5080;
	(ifvalue) =	ssetifvalue $0xFFFFFFFF  }
0x40: {  	[spmem:s4] =	stream.indirect.scatter.add.f32 [tilespmem:s30], [sflag:$0x9], $0x1, s29, s21, $0x40b8;
	[tilespmem:$0x1F600] =	vst v63  }
0x41: {  	s2 =	simm.s32 $0x2100;
	s28 =	simm.s32 $0x5100;
	(ifvalue) =	ssetifvalue $0xFFFFFFFF  }
0x42: {  	[spmem:s4] =	stream.indirect.scatter.add.f32 [tilespmem:s28], [sflag:$0x9], $0x1, s2, s21, $0x40b8;
	[tilespmem:$0x1F600] =	vst v63  }
0x43: {  	s29 =	simm.s32 $0x2180;
	s30 =	simm.s32 $0x5180;
	(ifvalue) =	ssetifvalue $0xFFFFFFFF  }
0x44: {  	[spmem:s4] =	stream.indirect.scatter.add.f32 [tilespmem:s30], [sflag:$0x9], $0x1, s29, s21, $0x40b8;
	[tilespmem:$0x1F600] =	vst v63  }
0x45: {  	s2 =	simm.s32 $0x2200;
	s28 =	simm.s32 $0x5200;
	(ifvalue) =	ssetifvalue $0xFFFFFFFF  }
0x46: {  	[spmem:s4] =	stream.indirect.scatter.add.f32 [tilespmem:s28], [sflag:$0x9], $0x1, s2, s21, $0x40b8;
	[tilespmem:$0x1F600] =	vst v63  }
0x47: {  	s29 =	simm.s32 $0x2280;
	s30 =	simm.s32 $0x5280;
	(ifvalue) =	ssetifvalue $0xFFFFFFFF  }
0x48: {  	[spmem:s4] =	stream.indirect.scatter.add.f32 [tilespmem:s30], [sflag:$0x9], $0x1, s29, s21, $0x40b8;
	[tilespmem:$0x1F600] =	vst v63  }
0x49: {  	s2 =	simm.s32 $0x2300;
	s28 =	simm.s32 $0x5300;
	(ifvalue) =	ssetifvalue $0xFFFFFFFF  }
0x4a: {  	[spmem:s4] =	stream.indirect.scatter.add.f32 [tilespmem:s28], [sflag:$0x9], $0x1, s2, s21, $0x40b8;
	[tilespmem:$0x1F600] =	vst v63  }
0x4b: {  	s29 =	simm.s32 $0x2380;
	s30 =	simm.s32 $0x5380;
	(ifvalue) =	ssetifvalue $0xFFFFFFFF  }
0x4c: {  	[spmem:s4] =	stream.indirect.scatter.add.f32 [tilespmem:s30], [sflag:$0x9], $0x1, s29, s21, $0x40b8;
	[tilespmem:$0x1F600] =	vst v63  }
0x4d: {  	s2 =	simm.s32 $0x2400;
	s28 =	simm.s32 $0x5400;
	(ifvalue) =	ssetifvalue $0xFFFFFFFF  }
0x4e: {  	[spmem:s4] =	stream.indirect.scatter.add.f32 [tilespmem:s28], [sflag:$0x9], $0x1, s2, s21, $0x40b8;
	[tilespmem:$0x1F600] =	vst v63  }
0x4f: {  	s29 =	simm.s32 $0x2480;
	s30 =	simm.s32 $0x5480;
	(ifvalue) =	ssetifvalue $0xFFFFFFFF  }
0x50: {  	[spmem:s4] =	stream.indirect.scatter.add.f32 [tilespmem:s30], [sflag:$0x9], $0x1, s29, s21, $0x40b8;
	[tilespmem:$0x1F600] =	vst v63  }
0x51: {  	s2 =	simm.s32 $0x2500;
	s28 =	simm.s32 $0x5500;
	(ifvalue) =	ssetifvalue $0xFFFFFFFF  }
0x52: {  	[spmem:s4] =	stream.indirect.scatter.add.f32 [tilespmem:s28], [sflag:$0x9], $0x1, s2, s21, $0x40b8;
	[tilespmem:$0x1F600] =	vst v63  }
0x53: {  	s29 =	simm.s32 $0x2580;
	s30 =	simm.s32 $0x5580;
	(ifvalue) =	ssetifvalue $0xFFFFFFFF  }
0x54: {  	[spmem:s4] =	stream.indirect.scatter.add.f32 [tilespmem:s30], [sflag:$0x9], $0x1, s29, s21, $0x40b8;
	[tilespmem:$0x1F600] =	vst v63  }
0x55: {  	s2 =	simm.s32 $0x2600;
	s28 =	simm.s32 $0x5600;
	(ifvalue) =	ssetifvalue $0xFFFFFFFF  }
0x56: {  	[spmem:s4] =	stream.indirect.scatter.add.f32 [tilespmem:s28], [sflag:$0x9], $0x1, s2, s21, $0x40b8;
	[tilespmem:$0x1F600] =	vst v63  }
0x57: {  	s29 =	simm.s32 $0x2680;
	s30 =	simm.s32 $0x5680;
	(ifvalue) =	ssetifvalue $0xFFFFFFFF  }
0x58: {  	[spmem:s4] =	stream.indirect.scatter.add.f32 [tilespmem:s30], [sflag:$0x9], $0x1, s29, s21, $0x40b8;
	[tilespmem:$0x1F600] =	vst v63  }
0x59: {  	s2 =	simm.s32 $0x2700;
	s28 =	simm.s32 $0x5700;
	(ifvalue) =	ssetifvalue $0xFFFFFFFF  }
0x5a: {  	[spmem:s4] =	stream.indirect.scatter.add.f32 [tilespmem:s28], [sflag:$0x9], $0x1, s2, s21, $0x40b8;
	[tilespmem:$0x1F600] =	vst v63  }
0x5b: {  	s29 =	simm.s32 $0x2780;
	s30 =	simm.s32 $0x5780;
	(ifvalue) =	ssetifvalue $0xFFFFFFFF  }
0x5c: {  	[spmem:s4] =	stream.indirect.scatter.add.f32 [tilespmem:s30], [sflag:$0x9], $0x1, s29, s21, $0x40b8;
	[tilespmem:$0x1F600] =	vst v63  }
0x5d: {  	s2 =	simm.s32 $0x2800;
	s28 =	simm.s32 $0x5800;
	(ifvalue) =	ssetifvalue $0xFFFFFFFF  }
0x5e: {  	[spmem:s4] =	stream.indirect.scatter.add.f32 [tilespmem:s28], [sflag:$0x9], $0x1, s2, s21, $0x40b8;
	[tilespmem:$0x1F600] =	vst v63  }
0x5f: {  	s29 =	simm.s32 $0x2880;
	s30 =	simm.s32 $0x5880;
	(ifvalue) =	ssetifvalue $0xFFFFFFFF  }
0x60: {  	[spmem:s4] =	stream.indirect.scatter.add.f32 [tilespmem:s30], [sflag:$0x9], $0x1, s29, s21, $0x40b8;
	[tilespmem:$0x1F600] =	vst v63  }
0x61: {  	s2 =	simm.s32 $0x2900;
	s28 =	simm.s32 $0x5900;
	(ifvalue) =	ssetifvalue $0xFFFFFFFF  }
0x62: {  	[spmem:s4] =	stream.indirect.scatter.add.f32 [tilespmem:s28], [sflag:$0x9], $0x1, s2, s21, $0x40b8;
	[tilespmem:$0x1F600] =	vst v63  }
0x63: {  	s29 =	simm.s32 $0x2980;
	s30 =	simm.s32 $0x5980;
	(ifvalue) =	ssetifvalue $0xFFFFFFFF  }
0x64: {  	[spmem:s4] =	stream.indirect.scatter.add.f32 [tilespmem:s30], [sflag:$0x9], $0x1, s29, s21, $0x40b8;
	[tilespmem:$0x1F600] =	vst v63  }
0x65: {  	s2 =	simm.s32 $0x2A00;
	s28 =	simm.s32 $0x5A00;
	(ifvalue) =	ssetifvalue $0xFFFFFFFF  }
0x66: {  	[spmem:s4] =	stream.indirect.scatter.add.f32 [tilespmem:s28], [sflag:$0x9], $0x1, s2, s21, $0x40b8;
	[tilespmem:$0x1F600] =	vst v63  }
0x67: {  	s29 =	simm.s32 $0x2A80;
	s30 =	simm.s32 $0x5A80;
	(ifvalue) =	ssetifvalue $0xFFFFFFFF  }
0x68: {  	[spmem:s4] =	stream.indirect.scatter.add.f32 [tilespmem:s30], [sflag:$0x9], $0x1, s29, s21, $0x40b8;
	[tilespmem:$0x1F600] =	vst v63  }
0x69: {  	s2 =	simm.s32 $0x2B00;
	s28 =	simm.s32 $0x5B00;
	(ifvalue) =	ssetifvalue $0xFFFFFFFF  }
0x6a: {  	[spmem:s4] =	stream.indirect.scatter.add.f32 [tilespmem:s28], [sflag:$0x9], $0x1, s2, s21, $0x40b8;
	[tilespmem:$0x1F600] =	vst v63  }
0x6b: {  	s29 =	simm.s32 $0x2B80;
	s30 =	simm.s32 $0x5B80;
	(ifvalue) =	ssetifvalue $0xFFFFFFFF  }
0x6c: {  	[spmem:s4] =	stream.indirect.scatter.add.f32 [tilespmem:s30], [sflag:$0x9], $0x1, s29, s21, $0x40b8;
	[tilespmem:$0x1F600] =	vst v63  }
0x6d: {  	s2 =	simm.s32 $0x2C00;
	s28 =	simm.s32 $0x5C00;
	(ifvalue) =	ssetifvalue $0xFFFFFFFF  }
0x6e: {  	[spmem:s4] =	stream.indirect.scatter.add.f32 [tilespmem:s28], [sflag:$0x9], $0x1, s2, s21, $0x40b8;
	[tilespmem:$0x1F600] =	vst v63  }
0x6f: {  	s29 =	simm.s32 $0x2C80;
	s30 =	simm.s32 $0x5C80;
	(ifvalue) =	ssetifvalue $0xFFFFFFFF  }
0x70: {  	[spmem:s4] =	stream.indirect.scatter.add.f32 [tilespmem:s30], [sflag:$0x9], $0x1, s29, s21, $0x40b8;
	[tilespmem:$0x1F600] =	vst v63  }
0x71: {  	s2 =	simm.s32 $0x2D00;
	s28 =	simm.s32 $0x5D00;
	(ifvalue) =	ssetifvalue $0xFFFFFFFF  }
0x72: {  	[spmem:s4] =	stream.indirect.scatter.add.f32 [tilespmem:s28], [sflag:$0x9], $0x1, s2, s21, $0x40b8;
	[tilespmem:$0x1F600] =	vst v63  }
0x73: {  	s29 =	simm.s32 $0x2D80;
	s30 =	simm.s32 $0x5D80;
	(ifvalue) =	ssetifvalue $0xFFFFFFFF  }
0x74: {  	[spmem:s4] =	stream.indirect.scatter.add.f32 [tilespmem:s30], [sflag:$0x9], $0x1, s29, s21, $0x40b8;
	[tilespmem:$0x1F600] =	vst v63  }
0x75: {  	s2 =	simm.s32 $0x2E00;
	s28 =	simm.s32 $0x5E00;
	(ifvalue) =	ssetifvalue $0xFFFFFFFF  }
0x76: {  	[spmem:s4] =	stream.indirect.scatter.add.f32 [tilespmem:s28], [sflag:$0x9], $0x1, s2, s21, $0x40b8;
	[tilespmem:$0x1F600] =	vst v63  }
0x77: {  	s29 =	simm.s32 $0x2E80;
	s30 =	simm.s32 $0x5E80;
	(ifvalue) =	ssetifvalue $0xFFFFFFFF  }
0x78: {  	[spmem:s4] =	stream.indirect.scatter.add.f32 [tilespmem:s30], [sflag:$0x9], $0x1, s29, s21, $0x40b8;
	[tilespmem:$0x1F600] =	vst v63  }
0x79: {  	(ifvalue) =	ssetifvalue $0xFFFFFFFF  }
0x7a: {  	[spmem:s4] =	stream.indirect.scatter.add.f32 [tilespmem:s25], [sflag:$0x9], $0x1, s15, s21, $0x40b8;
	[tilespmem:$0x1F600] =	vst v63  }
0x7b: {  	(ifvalue) =	ssetifvalue $0xFFFFFFFF  }
0x7c: {  	[spmem:s4] =	stream.indirect.scatter.add.f32 [tilespmem:s22], [sflag:$0x9], $0x1, s5, s21, $0x40b8;
	[tilespmem:$0x1F600] =	vst v63  }
.LBB2_23:
0x7d: {  	s24 =	sadd.s32 $0x1, s24  }
0x7e: {  	p3 =	sne.s32 s24, $0x7  }
.Ltmp3:
0x7f: {  	_ = 	snop;
	(pc) =	sbr.rel @!p3 .LBB2_24-.Ltmp3, $1  }
0x80: {  	_ =	sdelay $0x3  }
.LBB2_7:
0x81: {  	s28 =	smul.u32 $0x3, s24;
	_ =	sdelay $0x1  }
0x82: {  	p4 =	sge.u32 s28, s3  }
.Ltmp4:
0x83: {  	_ = 	snop;
	(pc) =	sbr.rel @p4 .LBB2_13-.Ltmp4, $2  }
0x84: {  	_ =	sdelay $0x2  }
0x85: {  	p3 =	seq.s32 s24, $0x0  }
.Ltmp5:
0x86: {  	(pc) =	sbr.rel @p3 .LBB2_10-.Ltmp5, $1  }
0x87: {  	_ =	sdelay $0x3  }
0x88: {  	_ =	swait.ge [sflag:s31], $0x80  }
0x89: {  	[sflag:s31] =	ssyncset.done $0x0  }
0x8a: {  	[sflag:s31] =	ssyncadd.s32 $0xFFFFFF80  }
0x8b: {  	_ =	swait.ge [sflag:s31], $0x80  }
0x8c: {  	[sflag:s31] =	ssyncset.done $0x0  }
0x8d: {  	[sflag:s31] =	ssyncadd.s32 $0xFFFFFF80  }
0x8e: {  	_ =	swait.ge [sflag:s31], $0x80  }
0x8f: {  	[sflag:s31] =	ssyncset.done $0x0  }
0x90: {  	[sflag:s31] =	ssyncadd.s32 $0xFFFFFF80  }
0x91: {  	_ =	swait.ge [sflag:s31], $0x80  }
0x92: {  	[sflag:s31] =	ssyncset.done $0x0  }
0x93: {  	[sflag:s31] =	ssyncadd.s32 $0xFFFFFF80  }
0x94: {  	_ =	swait.ge [sflag:s31], $0x80  }
0x95: {  	[sflag:s31] =	ssyncset.done $0x0  }
0x96: {  	[sflag:s31] =	ssyncadd.s32 $0xFFFFFF80  }
0x97: {  	_ =	swait.ge [sflag:s31], $0x80  }
0x98: {  	[sflag:s31] =	ssyncset.done $0x0  }
0x99: {  	[sflag:s31] =	ssyncadd.s32 $0xFFFFFF80  }
0x9a: {  	_ =	swait.ge [sflag:s31], $0x80  }
0x9b: {  	[sflag:s31] =	ssyncset.done $0x0  }
0x9c: {  	[sflag:s31] =	ssyncadd.s32 $0xFFFFFF80  }
0x9d: {  	_ =	swait.ge [sflag:s31], $0x80  }
0x9e: {  	[sflag:s31] =	ssyncset.done $0x0  }
0x9f: {  	[sflag:s31] =	ssyncadd.s32 $0xFFFFFF80  }
0xa0: {  	_ =	swait.ge [sflag:s31], $0x80  }
0xa1: {  	[sflag:s31] =	ssyncset.done $0x0  }
0xa2: {  	[sflag:s31] =	ssyncadd.s32 $0xFFFFFF80  }
0xa3: {  	_ =	swait.ge [sflag:s31], $0x80  }
0xa4: {  	[sflag:s31] =	ssyncset.done $0x0  }
0xa5: {  	[sflag:s31] =	ssyncadd.s32 $0xFFFFFF80  }
0xa6: {  	_ =	swait.ge [sflag:s31], $0x80  }
0xa7: {  	[sflag:s31] =	ssyncset.done $0x0  }
0xa8: {  	[sflag:s31] =	ssyncadd.s32 $0xFFFFFF80  }
0xa9: {  	_ =	swait.ge [sflag:s31], $0x80  }
0xaa: {  	[sflag:s31] =	ssyncset.done $0x0  }
0xab: {  	[sflag:s31] =	ssyncadd.s32 $0xFFFFFF80  }
0xac: {  	_ =	swait.ge [sflag:s31], $0x80  }
0xad: {  	[sflag:s31] =	ssyncset.done $0x0  }
0xae: {  	[sflag:s31] =	ssyncadd.s32 $0xFFFFFF80  }
0xaf: {  	_ =	swait.ge [sflag:s31], $0x80  }
0xb0: {  	[sflag:s31] =	ssyncset.done $0x0  }
0xb1: {  	[sflag:s31] =	ssyncadd.s32 $0xFFFFFF80  }
0xb2: {  	_ =	swait.ge [sflag:s31], $0x80  }
0xb3: {  	[sflag:s31] =	ssyncset.done $0x0  }
0xb4: {  	[sflag:s31] =	ssyncadd.s32 $0xFFFFFF80  }
0xb5: {  	_ =	swait.ge [sflag:s31], $0x80  }
0xb6: {  	[sflag:s31] =	ssyncset.done $0x0  }
0xb7: {  	[sflag:s31] =	ssyncadd.s32 $0xFFFFFF80  }
0xb8: {  	_ =	swait.ge [sflag:s31], $0x80  }
0xb9: {  	[sflag:s31] =	ssyncset.done $0x0  }
0xba: {  	[sflag:s31] =	ssyncadd.s32 $0xFFFFFF80  }
0xbb: {  	_ =	swait.ge [sflag:s31], $0x80  }
0xbc: {  	[sflag:s31] =	ssyncset.done $0x0  }
0xbd: {  	[sflag:s31] =	ssyncadd.s32 $0xFFFFFF80  }
0xbe: {  	_ =	swait.ge [sflag:s31], $0x80  }
0xbf: {  	[sflag:s31] =	ssyncset.done $0x0  }
0xc0: {  	[sflag:s31] =	ssyncadd.s32 $0xFFFFFF80  }
0xc1: {  	_ =	swait.ge [sflag:s31], $0x80  }
0xc2: {  	[sflag:s31] =	ssyncset.done $0x0  }
0xc3: {  	[sflag:s31] =	ssyncadd.s32 $0xFFFFFF80  }
0xc4: {  	_ =	swait.ge [sflag:s31], $0x80  }
0xc5: {  	[sflag:s31] =	ssyncset.done $0x0  }
0xc6: {  	[sflag:s31] =	ssyncadd.s32 $0xFFFFFF80  }
0xc7: {  	_ =	swait.ge [sflag:s31], $0x80  }
0xc8: {  	[sflag:s31] =	ssyncset.done $0x0  }
0xc9: {  	[sflag:s31] =	ssyncadd.s32 $0xFFFFFF80  }
0xca: {  	_ =	swait.ge [sflag:s31], $0x80  }
0xcb: {  	[sflag:s31] =	ssyncset.done $0x0  }
0xcc: {  	[sflag:s31] =	ssyncadd.s32 $0xFFFFFF80  }
0xcd: {  	_ =	swait.ge [sflag:s31], $0x80  }
0xce: {  	[sflag:s31] =	ssyncset.done $0x0  }
0xcf: {  	[sflag:s31] =	ssyncadd.s32 $0xFFFFFF80  }
0xd0: {  	_ =	swait.ge [sflag:s31], $0x80  }
0xd1: {  	[sflag:s31] =	ssyncset.done $0x0  }
0xd2: {  	[sflag:s31] =	ssyncadd.s32 $0xFFFFFF80  }
0xd3: {  	_ =	swait.ge [sflag:s31], $0x80  }
0xd4: {  	[sflag:s31] =	ssyncset.done $0x0  }
0xd5: {  	[sflag:s31] =	ssyncadd.s32 $0xFFFFFF80  }
0xd6: {  	_ =	swait.ge [sflag:s31], $0x80  }
0xd7: {  	[sflag:s31] =	ssyncset.done $0x0  }
0xd8: {  	[sflag:s31] =	ssyncadd.s32 $0xFFFFFF80  }
0xd9: {  	_ =	swait.ge [sflag:s31], $0x80  }
0xda: {  	[sflag:s31] =	ssyncset.done $0x0  }
0xdb: {  	[sflag:s31] =	ssyncadd.s32 $0xFFFFFF80  }
0xdc: {  	_ =	swait.ge [sflag:s31], $0x80  }
0xdd: {  	[sflag:s31] =	ssyncset.done $0x0  }
0xde: {  	[sflag:s31] =	ssyncadd.s32 $0xFFFFFF80  }
0xdf: {  	_ =	swait.ge [sflag:s31], $0x80  }
0xe0: {  	[sflag:s31] =	ssyncset.done $0x0  }
0xe1: {  	[sflag:s31] =	ssyncadd.s32 $0xFFFFFF80  }
0xe2: {  	_ =	swait.ge [sflag:s31], $0x80  }
0xe3: {  	[sflag:s31] =	ssyncset.done $0x0  }
0xe4: {  	[sflag:s31] =	ssyncadd.s32 $0xFFFFFF80  }
0xe5: {  	_ =	swait.ge [sflag:s31], $0x80  }
0xe6: {  	[sflag:s31] =	ssyncset.done $0x0  }
0xe7: {  	[sflag:s31] =	ssyncadd.s32 $0xFFFFFF80  }
.LBB2_10:
0xe8: {  	s29 =	sadd.s32 $0x1, s28  }
0xe9: {  	p4 =	sge.u32 s29, s3  }
0xea: {  	s29 =	sshll.u32 @!p4 s29, $0xD  }
0xeb: {  	s29 =	sadd.s32 @!p4 s26, s29  }
0xec: {  	s2 =	simm.s32 @!p4 $0x0;
	s0 =	simm.s32 @!p4 $0x1000;
	s30 =	sadd.s32 @!p4 s6, s29  }
0xed: {  	[tilespmem:s0], [sflag:$0x2] =	stream.linear.gather @!p4 [hbm4b:s30+s2], $0x1000, $0x38;
	[tilespmem:$0x1F600] =	vst v63  }
0xee: {  	s0 =	sadd.s32 @!p4 s7, s29;
	s29 =	simm.s32 @!p4 $0x4000  }
0xef: {  	[tilespmem:s29], [sflag:$0x5] =	stream.linear.gather @!p4 [hbm4b:s0+s2], $0x1000, $0x38;
	[tilespmem:$0x1F600] =	vst v63  }
0xf0: {  	_ =	swait.ge [sflag:s19], $0x1000  }
0xf1: {  	[sflag:s19] =	ssyncset.done $0x0  }
0xf2: {  	[sflag:s19] =	ssyncadd.s32 $0xFFFFF000  }
0xf3: {  	_ =	swait.ge [sflag:s20], $0x1000  }
0xf4: {  	[sflag:s20] =	ssyncset.done $0x0  }
0xf5: {  	s29 =	simm.s32 $0x0;
	[sflag:s20] =	ssyncadd.s32 $0xFFFFF000  }
0xf6: {  	v2 =	vld [tilespmem:s29+$0x0]  }
0xf7: {  	v7 =	vld [tilespmem:s29+$0x10]  }
0xf8: {  	v6 =	vld [tilespmem:s29+$0x20]  }
0xf9: {  	v5 =	vld [tilespmem:s29+$0x30]  }
0xfa: {  	v4 =	vld [tilespmem:s29+$0x40]  }
0xfb: {  	v3 =	vld [tilespmem:s29+$0x50];
	v8 =	vsub.s32 v2, v1  }
0xfc: {  	s30 =	simm.s32 $0x200;
	v7 =	vsub.s32 v7, v1;
	v2 =	vld [tilespmem:s29+$0x60];
	vm0 =	vlt.u32 v8, $0x188000  }
.LBB2_11:
0xfd: {  	p4 =	sne.s32 s30, $0x3E00;
	v8 =	vnsel vm0, $0xFFFFFFFF, v8;
	vm0 =	vlt.u32 v7, $0x188000;
	v6 =	vsub.s32 v6, v1;
	v9 =	vld [tilespmem:s29+$0x70]  }
0xfe: {  	s0 =	sshra.s32 s30, $0x2;
	[tilespmem:s29+$0x0] =	vst v8;
	v7 =	vnsel vm0, $0xFFFFFFFF, v7;
	vm0 =	vlt.u32 v6, $0x188000;
	v5 =	vsub.s32 v5, v1  }
0xff: {  	v8 =	vld [tilespmem:s0+$0x0];
	[tilespmem:s29+$0x10] =	vst v7;
	v6 =	vnsel vm0, $0xFFFFFFFF, v6;
	vm0 =	vlt.u32 v5, $0x188000;
	v4 =	vsub.s32 v4, v1  }
0x100: {  	v7 =	vld [tilespmem:s0+$0x10];
	[tilespmem:s29+$0x20] =	vst v6;
	v5 =	vnsel vm0, $0xFFFFFFFF, v5;
	vm0 =	vlt.u32 v4, $0x188000;
	v3 =	vsub.s32 v3, v1  }
.Ltmp6:
0x101: {  	v6 =	vld [tilespmem:s0+$0x20];
	[tilespmem:s29+$0x30] =	vst v5;
	v4 =	vnsel vm0, $0xFFFFFFFF, v4;
	vm0 =	vlt.u32 v3, $0x188000;
	v2 =	vsub.s32 v2, v1;
	(pc) =	sbr.rel @p4 .LBB2_11-.Ltmp6, $4  }
0x102: {  	v5 =	vld [tilespmem:s0+$0x30];
	[tilespmem:s29+$0x40] =	vst v4;
	v3 =	vnsel vm0, $0xFFFFFFFF, v3;
	vm0 =	vlt.u32 v2, $0x188000;
	v9 =	vsub.s32 v9, v1  }
0x103: {  	v4 =	vld [tilespmem:s0+$0x40];
	[tilespmem:s29+$0x50] =	vst v3;
	v2 =	vnsel vm0, $0xFFFFFFFF, v2;
	vm0 =	vlt.u32 v9, $0x188000  }
0x104: {  	v8 =	vsub.s32 v8, v1;
	v3 =	vld [tilespmem:s0+$0x50];
	[tilespmem:s29+$0x60] =	vst v2;
	v9 =	vnsel vm0, $0xFFFFFFFF, v9  }
0x105: {  	s30 =	sadd.s32 $0x200, s30;
	vm0 =	vlt.u32 v8, $0x188000;
	v7 =	vsub.s32 v7, v1;
	v2 =	vld [tilespmem:s0+$0x60];
	[tilespmem:s29+$0x70] =	vst v9;
	s29 =	smov.u32 s0  }
0x106: {  	v8 =	vnsel vm0, $0xFFFFFFFF, v8;
	vm9 =	vlt.u32 v7, $0x188000;
	v6 =	vsub.s32 v6, v1;
	v9 =	vld [tilespmem:s29+$0x70]  }
0x107: {  	[tilespmem:s29+$0x0] =	vst v8;
	v7 =	vnsel vm9, $0xFFFFFFFF, v7;
	vm10 =	vlt.u32 v6, $0x188000;
	v5 =	vsub.s32 v5, v1  }
0x108: {  	[tilespmem:s29+$0x10] =	vst v7;
	v6 =	vnsel vm10, $0xFFFFFFFF, v6;
	vm11 =	vlt.u32 v5, $0x188000;
	v4 =	vsub.s32 v4, v1  }
0x109: {  	[tilespmem:s29+$0x20] =	vst v6;
	v5 =	vnsel vm11, $0xFFFFFFFF, v5;
	vm12 =	vlt.u32 v4, $0x188000;
	v3 =	vsub.s32 v3, v1  }
0x10a: {  	[tilespmem:s29+$0x30] =	vst v5;
	v4 =	vnsel vm12, $0xFFFFFFFF, v4;
	vm13 =	vlt.u32 v3, $0x188000;
	v2 =	vsub.s32 v2, v1  }
0x10b: {  	[tilespmem:s29+$0x40] =	vst v4;
	v3 =	vnsel vm13, $0xFFFFFFFF, v3;
	vm14 =	vlt.u32 v2, $0x188000;
	v63 =	vsub.s32 v9, v1  }
0x10c: {  	[tilespmem:s29+$0x50] =	vst v3;
	v2 =	vnsel vm14, $0xFFFFFFFF, v2;
	vm15 =	vlt.u32 v63, $0x188000  }
0x10d: {  	[tilespmem:s29+$0x60] =	vst v2;
	v2 =	vnsel vm15, $0xFFFFFFFF, v63  }
0x10e: {  	s0 =	simm.s32 $0x0;
	s2 =	simm.s32 $0x3000;
	[tilespmem:s29+$0x70] =	vst v2;
	(ifvalue) =	ssetifvalue $0xFFFFFFFF  }
0x10f: {  	[spmem:s4] =	stream.indirect.scatter.add.f32 [tilespmem:s2], [sflag:$0x7], $0x1, s0, s21, $0x40b8;
	[tilespmem:$0x1F600] =	vst v63  }
0x110: {  	s2 =	simm.s32 $0x3080;
	(ifvalue) =	ssetifvalue $0xFFFFFFFF  }
0x111: {  	[spmem:s4] =	stream.indirect.scatter.add.f32 [tilespmem:s2], [sflag:$0x7], $0x1, s21, s21, $0x40b8;
	[tilespmem:$0x1F600] =	vst v63  }
0x112: {  	s30 =	simm.s32 $0x3100;
	s29 =	simm.s32 $0x100;
	(ifvalue) =	ssetifvalue $0xFFFFFFFF  }
0x113: {  	[spmem:s4] =	stream.indirect.scatter.add.f32 [tilespmem:s30], [sflag:$0x7], $0x1, s29, s21, $0x40b8;
	[tilespmem:$0x1F600] =	vst v63  }
0x114: {  	s29 =	simm.s32 $0x180;
	s30 =	simm.s32 $0x3180;
	(ifvalue) =	ssetifvalue $0xFFFFFFFF  }
0x115: {  	[spmem:s4] =	stream.indirect.scatter.add.f32 [tilespmem:s30], [sflag:$0x7], $0x1, s29, s21, $0x40b8;
	[tilespmem:$0x1F600] =	vst v63  }
0x116: {  	s29 =	simm.s32 $0x200;
	s30 =	simm.s32 $0x3200;
	(ifvalue) =	ssetifvalue $0xFFFFFFFF  }
0x117: {  	[spmem:s4] =	stream.indirect.scatter.add.f32 [tilespmem:s30], [sflag:$0x7], $0x1, s29, s21, $0x40b8;
	[tilespmem:$0x1F600] =	vst v63  }
0x118: {  	s29 =	simm.s32 $0x280;
	s30 =	simm.s32 $0x3280;
	(ifvalue) =	ssetifvalue $0xFFFFFFFF  }
0x119: {  	[spmem:s4] =	stream.indirect.scatter.add.f32 [tilespmem:s30], [sflag:$0x7], $0x1, s29, s21, $0x40b8;
	[tilespmem:$0x1F600] =	vst v63  }
0x11a: {  	s29 =	simm.s32 $0x300;
	s30 =	simm.s32 $0x3300;
	(ifvalue) =	ssetifvalue $0xFFFFFFFF  }
0x11b: {  	[spmem:s4] =	stream.indirect.scatter.add.f32 [tilespmem:s30], [sflag:$0x7], $0x1, s29, s21, $0x40b8;
	[tilespmem:$0x1F600] =	vst v63  }
0x11c: {  	s29 =	simm.s32 $0x380;
	s30 =	simm.s32 $0x3380;
	(ifvalue) =	ssetifvalue $0xFFFFFFFF  }
0x11d: {  	[spmem:s4] =	stream.indirect.scatter.add.f32 [tilespmem:s30], [sflag:$0x7], $0x1, s29, s21, $0x40b8;
	[tilespmem:$0x1F600] =	vst v63  }
0x11e: {  	s29 =	simm.s32 $0x400;
	s30 =	simm.s32 $0x3400;
	(ifvalue) =	ssetifvalue $0xFFFFFFFF  }
0x11f: {  	[spmem:s4] =	stream.indirect.scatter.add.f32 [tilespmem:s30], [sflag:$0x7], $0x1, s29, s21, $0x40b8;
	[tilespmem:$0x1F600] =	vst v63  }
0x120: {  	s29 =	simm.s32 $0x480;
	s30 =	simm.s32 $0x3480;
	(ifvalue) =	ssetifvalue $0xFFFFFFFF  }
0x121: {  	[spmem:s4] =	stream.indirect.scatter.add.f32 [tilespmem:s30], [sflag:$0x7], $0x1, s29, s21, $0x40b8;
	[tilespmem:$0x1F600] =	vst v63  }
0x122: {  	s29 =	simm.s32 $0x500;
	s30 =	simm.s32 $0x3500;
	(ifvalue) =	ssetifvalue $0xFFFFFFFF  }
0x123: {  	[spmem:s4] =	stream.indirect.scatter.add.f32 [tilespmem:s30], [sflag:$0x7], $0x1, s29, s21, $0x40b8;
	[tilespmem:$0x1F600] =	vst v63  }
0x124: {  	s29 =	simm.s32 $0x580;
	s30 =	simm.s32 $0x3580;
	(ifvalue) =	ssetifvalue $0xFFFFFFFF  }
0x125: {  	[spmem:s4] =	stream.indirect.scatter.add.f32 [tilespmem:s30], [sflag:$0x7], $0x1, s29, s21, $0x40b8;
	[tilespmem:$0x1F600] =	vst v63  }
0x126: {  	s29 =	simm.s32 $0x600;
	s30 =	simm.s32 $0x3600;
	(ifvalue) =	ssetifvalue $0xFFFFFFFF  }
0x127: {  	[spmem:s4] =	stream.indirect.scatter.add.f32 [tilespmem:s30], [sflag:$0x7], $0x1, s29, s21, $0x40b8;
	[tilespmem:$0x1F600] =	vst v63  }
0x128: {  	s29 =	simm.s32 $0x680;
	s30 =	simm.s32 $0x3680;
	(ifvalue) =	ssetifvalue $0xFFFFFFFF  }
0x129: {  	[spmem:s4] =	stream.indirect.scatter.add.f32 [tilespmem:s30], [sflag:$0x7], $0x1, s29, s21, $0x40b8;
	[tilespmem:$0x1F600] =	vst v63  }
0x12a: {  	s29 =	simm.s32 $0x700;
	s30 =	simm.s32 $0x3700;
	(ifvalue) =	ssetifvalue $0xFFFFFFFF  }
0x12b: {  	[spmem:s4] =	stream.indirect.scatter.add.f32 [tilespmem:s30], [sflag:$0x7], $0x1, s29, s21, $0x40b8;
	[tilespmem:$0x1F600] =	vst v63  }
0x12c: {  	s29 =	simm.s32 $0x780;
	s30 =	simm.s32 $0x3780;
	(ifvalue) =	ssetifvalue $0xFFFFFFFF  }
0x12d: {  	[spmem:s4] =	stream.indirect.scatter.add.f32 [tilespmem:s30], [sflag:$0x7], $0x1, s29, s21, $0x40b8;
	[tilespmem:$0x1F600] =	vst v63  }
0x12e: {  	s29 =	simm.s32 $0x800;
	s30 =	simm.s32 $0x3800;
	(ifvalue) =	ssetifvalue $0xFFFFFFFF  }
0x12f: {  	[spmem:s4] =	stream.indirect.scatter.add.f32 [tilespmem:s30], [sflag:$0x7], $0x1, s29, s21, $0x40b8;
	[tilespmem:$0x1F600] =	vst v63  }
0x130: {  	s29 =	simm.s32 $0x880;
	s30 =	simm.s32 $0x3880;
	(ifvalue) =	ssetifvalue $0xFFFFFFFF  }
0x131: {  	[spmem:s4] =	stream.indirect.scatter.add.f32 [tilespmem:s30], [sflag:$0x7], $0x1, s29, s21, $0x40b8;
	[tilespmem:$0x1F600] =	vst v63  }
0x132: {  	s29 =	simm.s32 $0x900;
	s30 =	simm.s32 $0x3900;
	(ifvalue) =	ssetifvalue $0xFFFFFFFF  }
0x133: {  	[spmem:s4] =	stream.indirect.scatter.add.f32 [tilespmem:s30], [sflag:$0x7], $0x1, s29, s21, $0x40b8;
	[tilespmem:$0x1F600] =	vst v63  }
0x134: {  	s29 =	simm.s32 $0x980;
	s30 =	simm.s32 $0x3980;
	(ifvalue) =	ssetifvalue $0xFFFFFFFF  }
0x135: {  	[spmem:s4] =	stream.indirect.scatter.add.f32 [tilespmem:s30], [sflag:$0x7], $0x1, s29, s21, $0x40b8;
	[tilespmem:$0x1F600] =	vst v63  }
0x136: {  	s29 =	simm.s32 $0xA00;
	s30 =	simm.s32 $0x3A00;
	(ifvalue) =	ssetifvalue $0xFFFFFFFF  }
0x137: {  	[spmem:s4] =	stream.indirect.scatter.add.f32 [tilespmem:s30], [sflag:$0x7], $0x1, s29, s21, $0x40b8;
	[tilespmem:$0x1F600] =	vst v63  }
0x138: {  	s29 =	simm.s32 $0xA80;
	s30 =	simm.s32 $0x3A80;
	(ifvalue) =	ssetifvalue $0xFFFFFFFF  }
0x139: {  	[spmem:s4] =	stream.indirect.scatter.add.f32 [tilespmem:s30], [sflag:$0x7], $0x1, s29, s21, $0x40b8;
	[tilespmem:$0x1F600] =	vst v63  }
0x13a: {  	s29 =	simm.s32 $0xB00;
	s30 =	simm.s32 $0x3B00;
	(ifvalue) =	ssetifvalue $0xFFFFFFFF  }
0x13b: {  	[spmem:s4] =	stream.indirect.scatter.add.f32 [tilespmem:s30], [sflag:$0x7], $0x1, s29, s21, $0x40b8;
	[tilespmem:$0x1F600] =	vst v63  }
0x13c: {  	s29 =	simm.s32 $0xB80;
	s30 =	simm.s32 $0x3B80;
	(ifvalue) =	ssetifvalue $0xFFFFFFFF  }
0x13d: {  	[spmem:s4] =	stream.indirect.scatter.add.f32 [tilespmem:s30], [sflag:$0x7], $0x1, s29, s21, $0x40b8;
	[tilespmem:$0x1F600] =	vst v63  }
0x13e: {  	s29 =	simm.s32 $0xC00;
	s30 =	simm.s32 $0x3C00;
	(ifvalue) =	ssetifvalue $0xFFFFFFFF  }
0x13f: {  	[spmem:s4] =	stream.indirect.scatter.add.f32 [tilespmem:s30], [sflag:$0x7], $0x1, s29, s21, $0x40b8;
	[tilespmem:$0x1F600] =	vst v63  }
0x140: {  	s29 =	simm.s32 $0xC80;
	s30 =	simm.s32 $0x3C80;
	(ifvalue) =	ssetifvalue $0xFFFFFFFF  }
0x141: {  	[spmem:s4] =	stream.indirect.scatter.add.f32 [tilespmem:s30], [sflag:$0x7], $0x1, s29, s21, $0x40b8;
	[tilespmem:$0x1F600] =	vst v63  }
0x142: {  	s29 =	simm.s32 $0xD00;
	s30 =	simm.s32 $0x3D00;
	(ifvalue) =	ssetifvalue $0xFFFFFFFF  }
0x143: {  	[spmem:s4] =	stream.indirect.scatter.add.f32 [tilespmem:s30], [sflag:$0x7], $0x1, s29, s21, $0x40b8;
	[tilespmem:$0x1F600] =	vst v63  }
0x144: {  	s29 =	simm.s32 $0xD80;
	s30 =	simm.s32 $0x3D80;
	(ifvalue) =	ssetifvalue $0xFFFFFFFF  }
0x145: {  	[spmem:s4] =	stream.indirect.scatter.add.f32 [tilespmem:s30], [sflag:$0x7], $0x1, s29, s21, $0x40b8;
	[tilespmem:$0x1F600] =	vst v63  }
0x146: {  	s29 =	simm.s32 $0xE00;
	s30 =	simm.s32 $0x3E00;
	(ifvalue) =	ssetifvalue $0xFFFFFFFF  }
0x147: {  	[spmem:s4] =	stream.indirect.scatter.add.f32 [tilespmem:s30], [sflag:$0x7], $0x1, s29, s21, $0x40b8;
	[tilespmem:$0x1F600] =	vst v63  }
0x148: {  	s29 =	simm.s32 $0xE80;
	s30 =	simm.s32 $0x3E80;
	(ifvalue) =	ssetifvalue $0xFFFFFFFF  }
0x149: {  	[spmem:s4] =	stream.indirect.scatter.add.f32 [tilespmem:s30], [sflag:$0x7], $0x1, s29, s21, $0x40b8;
	[tilespmem:$0x1F600] =	vst v63  }
0x14a: {  	s29 =	simm.s32 $0xF00;
	s30 =	simm.s32 $0x3F00;
	(ifvalue) =	ssetifvalue $0xFFFFFFFF  }
0x14b: {  	[spmem:s4] =	stream.indirect.scatter.add.f32 [tilespmem:s30], [sflag:$0x7], $0x1, s29, s21, $0x40b8;
	[tilespmem:$0x1F600] =	vst v63  }
0x14c: {  	s29 =	simm.s32 $0xF80;
	s30 =	simm.s32 $0x3F80;
	(ifvalue) =	ssetifvalue $0xFFFFFFFF  }
0x14d: {  	[spmem:s4] =	stream.indirect.scatter.add.f32 [tilespmem:s30], [sflag:$0x7], $0x1, s29, s21, $0x40b8;
	[tilespmem:$0x1F600] =	vst v63  }
.LBB2_13:
0x14e: {  	p4 =	sge.u32 s28, s10  }
.Ltmp7:
0x14f: {  	_ = 	snop;
	(pc) =	sbr.rel @p4 .LBB2_19-.Ltmp7, $1  }
0x150: {  	_ =	sdelay $0x3  }
.Ltmp8:
0x151: {  	(pc) =	sbr.rel @p3 .LBB2_16-.Ltmp8, $1  }
0x152: {  	_ =	sdelay $0x3  }
0x153: {  	_ =	swait.ge [sflag:s8], $0x80  }
0x154: {  	[sflag:s8] =	ssyncset.done $0x0  }
0x155: {  	[sflag:s8] =	ssyncadd.s32 $0xFFFFFF80  }
0x156: {  	_ =	swait.ge [sflag:s8], $0x80  }
0x157: {  	[sflag:s8] =	ssyncset.done $0x0  }
0x158: {  	[sflag:s8] =	ssyncadd.s32 $0xFFFFFF80  }
0x159: {  	_ =	swait.ge [sflag:s8], $0x80  }
0x15a: {  	[sflag:s8] =	ssyncset.done $0x0  }
0x15b: {  	[sflag:s8] =	ssyncadd.s32 $0xFFFFFF80  }
0x15c: {  	_ =	swait.ge [sflag:s8], $0x80  }
0x15d: {  	[sflag:s8] =	ssyncset.done $0x0  }
0x15e: {  	[sflag:s8] =	ssyncadd.s32 $0xFFFFFF80  }
0x15f: {  	_ =	swait.ge [sflag:s8], $0x80  }
0x160: {  	[sflag:s8] =	ssyncset.done $0x0  }
0x161: {  	[sflag:s8] =	ssyncadd.s32 $0xFFFFFF80  }
0x162: {  	_ =	swait.ge [sflag:s8], $0x80  }
0x163: {  	[sflag:s8] =	ssyncset.done $0x0  }
0x164: {  	[sflag:s8] =	ssyncadd.s32 $0xFFFFFF80  }
0x165: {  	_ =	swait.ge [sflag:s8], $0x80  }
0x166: {  	[sflag:s8] =	ssyncset.done $0x0  }
0x167: {  	[sflag:s8] =	ssyncadd.s32 $0xFFFFFF80  }
0x168: {  	_ =	swait.ge [sflag:s8], $0x80  }
0x169: {  	[sflag:s8] =	ssyncset.done $0x0  }
0x16a: {  	[sflag:s8] =	ssyncadd.s32 $0xFFFFFF80  }
0x16b: {  	_ =	swait.ge [sflag:s8], $0x80  }
0x16c: {  	[sflag:s8] =	ssyncset.done $0x0  }
0x16d: {  	[sflag:s8] =	ssyncadd.s32 $0xFFFFFF80  }
0x16e: {  	_ =	swait.ge [sflag:s8], $0x80  }
0x16f: {  	[sflag:s8] =	ssyncset.done $0x0  }
0x170: {  	[sflag:s8] =	ssyncadd.s32 $0xFFFFFF80  }
0x171: {  	_ =	swait.ge [sflag:s8], $0x80  }
0x172: {  	[sflag:s8] =	ssyncset.done $0x0  }
0x173: {  	[sflag:s8] =	ssyncadd.s32 $0xFFFFFF80  }
0x174: {  	_ =	swait.ge [sflag:s8], $0x80  }
0x175: {  	[sflag:s8] =	ssyncset.done $0x0  }
0x176: {  	[sflag:s8] =	ssyncadd.s32 $0xFFFFFF80  }
0x177: {  	_ =	swait.ge [sflag:s8], $0x80  }
0x178: {  	[sflag:s8] =	ssyncset.done $0x0  }
0x179: {  	[sflag:s8] =	ssyncadd.s32 $0xFFFFFF80  }
0x17a: {  	_ =	swait.ge [sflag:s8], $0x80  }
0x17b: {  	[sflag:s8] =	ssyncset.done $0x0  }
0x17c: {  	[sflag:s8] =	ssyncadd.s32 $0xFFFFFF80  }
0x17d: {  	_ =	swait.ge [sflag:s8], $0x80  }
0x17e: {  	[sflag:s8] =	ssyncset.done $0x0  }
0x17f: {  	[sflag:s8] =	ssyncadd.s32 $0xFFFFFF80  }
0x180: {  	_ =	swait.ge [sflag:s8], $0x80  }
0x181: {  	[sflag:s8] =	ssyncset.done $0x0  }
0x182: {  	[sflag:s8] =	ssyncadd.s32 $0xFFFFFF80  }
0x183: {  	_ =	swait.ge [sflag:s8], $0x80  }
0x184: {  	[sflag:s8] =	ssyncset.done $0x0  }
0x185: {  	[sflag:s8] =	ssyncadd.s32 $0xFFFFFF80  }
0x186: {  	_ =	swait.ge [sflag:s8], $0x80  }
0x187: {  	[sflag:s8] =	ssyncset.done $0x0  }
0x188: {  	[sflag:s8] =	ssyncadd.s32 $0xFFFFFF80  }
0x189: {  	_ =	swait.ge [sflag:s8], $0x80  }
0x18a: {  	[sflag:s8] =	ssyncset.done $0x0  }
0x18b: {  	[sflag:s8] =	ssyncadd.s32 $0xFFFFFF80  }
0x18c: {  	_ =	swait.ge [sflag:s8], $0x80  }
0x18d: {  	[sflag:s8] =	ssyncset.done $0x0  }
0x18e: {  	[sflag:s8] =	ssyncadd.s32 $0xFFFFFF80  }
0x18f: {  	_ =	swait.ge [sflag:s8], $0x80  }
0x190: {  	[sflag:s8] =	ssyncset.done $0x0  }
0x191: {  	[sflag:s8] =	ssyncadd.s32 $0xFFFFFF80  }
0x192: {  	_ =	swait.ge [sflag:s8], $0x80  }
0x193: {  	[sflag:s8] =	ssyncset.done $0x0  }
0x194: {  	[sflag:s8] =	ssyncadd.s32 $0xFFFFFF80  }
0x195: {  	_ =	swait.ge [sflag:s8], $0x80  }
0x196: {  	[sflag:s8] =	ssyncset.done $0x0  }
0x197: {  	[sflag:s8] =	ssyncadd.s32 $0xFFFFFF80  }
0x198: {  	_ =	swait.ge [sflag:s8], $0x80  }
0x199: {  	[sflag:s8] =	ssyncset.done $0x0  }
0x19a: {  	[sflag:s8] =	ssyncadd.s32 $0xFFFFFF80  }
0x19b: {  	_ =	swait.ge [sflag:s8], $0x80  }
0x19c: {  	[sflag:s8] =	ssyncset.done $0x0  }
0x19d: {  	[sflag:s8] =	ssyncadd.s32 $0xFFFFFF80  }
0x19e: {  	_ =	swait.ge [sflag:s8], $0x80  }
0x19f: {  	[sflag:s8] =	ssyncset.done $0x0  }
0x1a0: {  	[sflag:s8] =	ssyncadd.s32 $0xFFFFFF80  }
0x1a1: {  	_ =	swait.ge [sflag:s8], $0x80  }
0x1a2: {  	[sflag:s8] =	ssyncset.done $0x0  }
0x1a3: {  	[sflag:s8] =	ssyncadd.s32 $0xFFFFFF80  }
0x1a4: {  	_ =	swait.ge [sflag:s8], $0x80  }
0x1a5: {  	[sflag:s8] =	ssyncset.done $0x0  }
0x1a6: {  	[sflag:s8] =	ssyncadd.s32 $0xFFFFFF80  }
0x1a7: {  	_ =	swait.ge [sflag:s8], $0x80  }
0x1a8: {  	[sflag:s8] =	ssyncset.done $0x0  }
0x1a9: {  	[sflag:s8] =	ssyncadd.s32 $0xFFFFFF80  }
0x1aa: {  	_ =	swait.ge [sflag:s8], $0x80  }
0x1ab: {  	[sflag:s8] =	ssyncset.done $0x0  }
0x1ac: {  	[sflag:s8] =	ssyncadd.s32 $0xFFFFFF80  }
0x1ad: {  	_ =	swait.ge [sflag:s8], $0x80  }
0x1ae: {  	[sflag:s8] =	ssyncset.done $0x0  }
0x1af: {  	[sflag:s8] =	ssyncadd.s32 $0xFFFFFF80  }
0x1b0: {  	_ =	swait.ge [sflag:s8], $0x80  }
0x1b1: {  	[sflag:s8] =	ssyncset.done $0x0  }
0x1b2: {  	[sflag:s8] =	ssyncadd.s32 $0xFFFFFF80  }
.LBB2_16:
0x1b3: {  	s0 =	sadd.s32 $0x2, s28  }
0x1b4: {  	p3 =	sge.u32 s0, s3  }
0x1b5: {  	s0 =	sshll.u32 @!p3 s0, $0xD  }
0x1b6: {  	s0 =	sadd.s32 @!p3 s26, s0  }
0x1b7: {  	s29 =	simm.s32 @!p3 $0x0;
	s30 =	simm.s32 @!p3 $0x2000;
	s2 =	sadd.s32 @!p3 s6, s0  }
0x1b8: {  	[tilespmem:s30], [sflag:$0x3] =	stream.linear.gather @!p3 [hbm4b:s2+s29], $0x1000, $0x38;
	[tilespmem:$0x1F600] =	vst v63  }
0x1b9: {  	s0 =	sadd.s32 @!p3 s7, s0;
	s2 =	simm.s32 @!p3 $0x5000  }
0x1ba: {  	[tilespmem:s2], [sflag:$0x6] =	stream.linear.gather @!p3 [hbm4b:s0+s29], $0x1000, $0x38;
	[tilespmem:$0x1F600] =	vst v63  }
0x1bb: {  	_ =	swait.ge [sflag:s1], $0x1000  }
0x1bc: {  	[sflag:s1] =	ssyncset.done $0x0  }
0x1bd: {  	[sflag:s1] =	ssyncadd.s32 $0xFFFFF000  }
0x1be: {  	_ =	swait.ge [sflag:s14], $0x1000  }
0x1bf: {  	[sflag:s14] =	ssyncset.done $0x0  }
0x1c0: {  	s29 =	simm.s32 $0x0;
	[sflag:s14] =	ssyncadd.s32 $0xFFFFF000  }
0x1c1: {  	v2 =	vld [tilespmem:s29+$0x1000]  }
0x1c2: {  	v7 =	vld [tilespmem:s29+$0x1010]  }
0x1c3: {  	v6 =	vld [tilespmem:s29+$0x1020]  }
0x1c4: {  	v5 =	vld [tilespmem:s29+$0x1030]  }
0x1c5: {  	v4 =	vld [tilespmem:s29+$0x1040]  }
0x1c6: {  	v3 =	vld [tilespmem:s29+$0x1050];
	v8 =	vsub.s32 v2, v1  }
0x1c7: {  	s30 =	simm.s32 $0x200;
	v7 =	vsub.s32 v7, v1;
	v2 =	vld [tilespmem:s29+$0x1060];
	vm0 =	vlt.u32 v8, $0x188000  }
.LBB2_17:
0x1c8: {  	p3 =	sne.s32 s30, $0x3E00;
	v8 =	vnsel vm0, $0xFFFFFFFF, v8;
	vm0 =	vlt.u32 v7, $0x188000;
	v6 =	vsub.s32 v6, v1;
	v9 =	vld [tilespmem:s29+$0x1070]  }
0x1c9: {  	s0 =	sshra.s32 s30, $0x2;
	[tilespmem:s29+$0x1000] =	vst v8;
	v7 =	vnsel vm0, $0xFFFFFFFF, v7;
	vm0 =	vlt.u32 v6, $0x188000;
	v5 =	vsub.s32 v5, v1  }
0x1ca: {  	v8 =	vld [tilespmem:s0+$0x1000];
	[tilespmem:s29+$0x1010] =	vst v7;
	v6 =	vnsel vm0, $0xFFFFFFFF, v6;
	vm0 =	vlt.u32 v5, $0x188000;
	v4 =	vsub.s32 v4, v1  }
0x1cb: {  	v7 =	vld [tilespmem:s0+$0x1010];
	[tilespmem:s29+$0x1020] =	vst v6;
	v5 =	vnsel vm0, $0xFFFFFFFF, v5;
	vm0 =	vlt.u32 v4, $0x188000;
	v3 =	vsub.s32 v3, v1  }
.Ltmp9:
0x1cc: {  	v6 =	vld [tilespmem:s0+$0x1020];
	[tilespmem:s29+$0x1030] =	vst v5;
	v4 =	vnsel vm0, $0xFFFFFFFF, v4;
	vm0 =	vlt.u32 v3, $0x188000;
	v2 =	vsub.s32 v2, v1;
	(pc) =	sbr.rel @p3 .LBB2_17-.Ltmp9, $4  }
0x1cd: {  	v5 =	vld [tilespmem:s0+$0x1030];
	[tilespmem:s29+$0x1040] =	vst v4;
	v3 =	vnsel vm0, $0xFFFFFFFF, v3;
	vm0 =	vlt.u32 v2, $0x188000;
	v9 =	vsub.s32 v9, v1  }
0x1ce: {  	v4 =	vld [tilespmem:s0+$0x1040];
	[tilespmem:s29+$0x1050] =	vst v3;
	v2 =	vnsel vm0, $0xFFFFFFFF, v2;
	vm0 =	vlt.u32 v9, $0x188000  }
0x1cf: {  	v8 =	vsub.s32 v8, v1;
	v3 =	vld [tilespmem:s0+$0x1050];
	[tilespmem:s29+$0x1060] =	vst v2;
	v9 =	vnsel vm0, $0xFFFFFFFF, v9  }
0x1d0: {  	s30 =	sadd.s32 $0x200, s30;
	vm0 =	vlt.u32 v8, $0x188000;
	v7 =	vsub.s32 v7, v1;
	v2 =	vld [tilespmem:s0+$0x1060];
	[tilespmem:s29+$0x1070] =	vst v9;
	s29 =	smov.u32 s0  }
0x1d1: {  	v8 =	vnsel vm0, $0xFFFFFFFF, v8;
	vm9 =	vlt.u32 v7, $0x188000;
	v6 =	vsub.s32 v6, v1;
	v9 =	vld [tilespmem:s29+$0x1070]  }
0x1d2: {  	[tilespmem:s29+$0x1000] =	vst v8;
	v7 =	vnsel vm9, $0xFFFFFFFF, v7;
	vm10 =	vlt.u32 v6, $0x188000;
	v5 =	vsub.s32 v5, v1  }
0x1d3: {  	[tilespmem:s29+$0x1010] =	vst v7;
	v6 =	vnsel vm10, $0xFFFFFFFF, v6;
	vm11 =	vlt.u32 v5, $0x188000;
	v4 =	vsub.s32 v4, v1  }
0x1d4: {  	[tilespmem:s29+$0x1020] =	vst v6;
	v5 =	vnsel vm11, $0xFFFFFFFF, v5;
	vm12 =	vlt.u32 v4, $0x188000;
	v3 =	vsub.s32 v3, v1  }
0x1d5: {  	[tilespmem:s29+$0x1030] =	vst v5;
	v4 =	vnsel vm12, $0xFFFFFFFF, v4;
	vm13 =	vlt.u32 v3, $0x188000;
	v2 =	vsub.s32 v2, v1  }
0x1d6: {  	[tilespmem:s29+$0x1040] =	vst v4;
	v3 =	vnsel vm13, $0xFFFFFFFF, v3;
	vm14 =	vlt.u32 v2, $0x188000;
	v63 =	vsub.s32 v9, v1  }
0x1d7: {  	[tilespmem:s29+$0x1050] =	vst v3;
	v2 =	vnsel vm14, $0xFFFFFFFF, v2;
	vm15 =	vlt.u32 v63, $0x188000  }
0x1d8: {  	[tilespmem:s29+$0x1060] =	vst v2;
	v2 =	vnsel vm15, $0xFFFFFFFF, v63  }
0x1d9: {  	s0 =	simm.s32 $0x1000;
	s2 =	simm.s32 $0x4000;
	[tilespmem:s29+$0x1070] =	vst v2;
	(ifvalue) =	ssetifvalue $0xFFFFFFFF  }
0x1da: {  	[spmem:s4] =	stream.indirect.scatter.add.f32 [tilespmem:s2], [sflag:$0x8], $0x1, s0, s21, $0x40b8;
	[tilespmem:$0x1F600] =	vst v63  }
0x1db: {  	s30 =	simm.s32 $0x4080;
	s29 =	simm.s32 $0x1080;
	(ifvalue) =	ssetifvalue $0xFFFFFFFF  }
0x1dc: {  	[spmem:s4] =	stream.indirect.scatter.add.f32 [tilespmem:s30], [sflag:$0x8], $0x1, s29, s21, $0x40b8;
	[tilespmem:$0x1F600] =	vst v63  }
0x1dd: {  	s29 =	simm.s32 $0x1100;
	s30 =	simm.s32 $0x4100;
	(ifvalue) =	ssetifvalue $0xFFFFFFFF  }
0x1de: {  	[spmem:s4] =	stream.indirect.scatter.add.f32 [tilespmem:s30], [sflag:$0x8], $0x1, s29, s21, $0x40b8;
	[tilespmem:$0x1F600] =	vst v63  }
0x1df: {  	s29 =	simm.s32 $0x1180;
	s30 =	simm.s32 $0x4180;
	(ifvalue) =	ssetifvalue $0xFFFFFFFF  }
0x1e0: {  	[spmem:s4] =	stream.indirect.scatter.add.f32 [tilespmem:s30], [sflag:$0x8], $0x1, s29, s21, $0x40b8;
	[tilespmem:$0x1F600] =	vst v63  }
0x1e1: {  	s29 =	simm.s32 $0x1200;
	s30 =	simm.s32 $0x4200;
	(ifvalue) =	ssetifvalue $0xFFFFFFFF  }
0x1e2: {  	[spmem:s4] =	stream.indirect.scatter.add.f32 [tilespmem:s30], [sflag:$0x8], $0x1, s29, s21, $0x40b8;
	[tilespmem:$0x1F600] =	vst v63  }
0x1e3: {  	s29 =	simm.s32 $0x1280;
	s30 =	simm.s32 $0x4280;
	(ifvalue) =	ssetifvalue $0xFFFFFFFF  }
0x1e4: {  	[spmem:s4] =	stream.indirect.scatter.add.f32 [tilespmem:s30], [sflag:$0x8], $0x1, s29, s21, $0x40b8;
	[tilespmem:$0x1F600] =	vst v63  }
0x1e5: {  	s29 =	simm.s32 $0x1300;
	s30 =	simm.s32 $0x4300;
	(ifvalue) =	ssetifvalue $0xFFFFFFFF  }
0x1e6: {  	[spmem:s4] =	stream.indirect.scatter.add.f32 [tilespmem:s30], [sflag:$0x8], $0x1, s29, s21, $0x40b8;
	[tilespmem:$0x1F600] =	vst v63  }
0x1e7: {  	s29 =	simm.s32 $0x1380;
	s30 =	simm.s32 $0x4380;
	(ifvalue) =	ssetifvalue $0xFFFFFFFF  }
0x1e8: {  	[spmem:s4] =	stream.indirect.scatter.add.f32 [tilespmem:s30], [sflag:$0x8], $0x1, s29, s21, $0x40b8;
	[tilespmem:$0x1F600] =	vst v63  }
0x1e9: {  	s29 =	simm.s32 $0x1400;
	s30 =	simm.s32 $0x4400;
	(ifvalue) =	ssetifvalue $0xFFFFFFFF  }
0x1ea: {  	[spmem:s4] =	stream.indirect.scatter.add.f32 [tilespmem:s30], [sflag:$0x8], $0x1, s29, s21, $0x40b8;
	[tilespmem:$0x1F600] =	vst v63  }
0x1eb: {  	s29 =	simm.s32 $0x1480;
	s30 =	simm.s32 $0x4480;
	(ifvalue) =	ssetifvalue $0xFFFFFFFF  }
0x1ec: {  	[spmem:s4] =	stream.indirect.scatter.add.f32 [tilespmem:s30], [sflag:$0x8], $0x1, s29, s21, $0x40b8;
	[tilespmem:$0x1F600] =	vst v63  }
0x1ed: {  	s29 =	simm.s32 $0x1500;
	s30 =	simm.s32 $0x4500;
	(ifvalue) =	ssetifvalue $0xFFFFFFFF  }
0x1ee: {  	[spmem:s4] =	stream.indirect.scatter.add.f32 [tilespmem:s30], [sflag:$0x8], $0x1, s29, s21, $0x40b8;
	[tilespmem:$0x1F600] =	vst v63  }
0x1ef: {  	s29 =	simm.s32 $0x1580;
	s30 =	simm.s32 $0x4580;
	(ifvalue) =	ssetifvalue $0xFFFFFFFF  }
0x1f0: {  	[spmem:s4] =	stream.indirect.scatter.add.f32 [tilespmem:s30], [sflag:$0x8], $0x1, s29, s21, $0x40b8;
	[tilespmem:$0x1F600] =	vst v63  }
0x1f1: {  	s29 =	simm.s32 $0x1600;
	s30 =	simm.s32 $0x4600;
	(ifvalue) =	ssetifvalue $0xFFFFFFFF  }
0x1f2: {  	[spmem:s4] =	stream.indirect.scatter.add.f32 [tilespmem:s30], [sflag:$0x8], $0x1, s29, s21, $0x40b8;
	[tilespmem:$0x1F600] =	vst v63  }
0x1f3: {  	s29 =	simm.s32 $0x1680;
	s30 =	simm.s32 $0x4680;
	(ifvalue) =	ssetifvalue $0xFFFFFFFF  }
0x1f4: {  	[spmem:s4] =	stream.indirect.scatter.add.f32 [tilespmem:s30], [sflag:$0x8], $0x1, s29, s21, $0x40b8;
	[tilespmem:$0x1F600] =	vst v63  }
0x1f5: {  	s29 =	simm.s32 $0x1700;
	s30 =	simm.s32 $0x4700;
	(ifvalue) =	ssetifvalue $0xFFFFFFFF  }
0x1f6: {  	[spmem:s4] =	stream.indirect.scatter.add.f32 [tilespmem:s30], [sflag:$0x8], $0x1, s29, s21, $0x40b8;
	[tilespmem:$0x1F600] =	vst v63  }
0x1f7: {  	s29 =	simm.s32 $0x1780;
	s30 =	simm.s32 $0x4780;
	(ifvalue) =	ssetifvalue $0xFFFFFFFF  }
0x1f8: {  	[spmem:s4] =	stream.indirect.scatter.add.f32 [tilespmem:s30], [sflag:$0x8], $0x1, s29, s21, $0x40b8;
	[tilespmem:$0x1F600] =	vst v63  }
0x1f9: {  	s29 =	simm.s32 $0x1800;
	s30 =	simm.s32 $0x4800;
	(ifvalue) =	ssetifvalue $0xFFFFFFFF  }
0x1fa: {  	[spmem:s4] =	stream.indirect.scatter.add.f32 [tilespmem:s30], [sflag:$0x8], $0x1, s29, s21, $0x40b8;
	[tilespmem:$0x1F600] =	vst v63  }
0x1fb: {  	s29 =	simm.s32 $0x1880;
	s30 =	simm.s32 $0x4880;
	(ifvalue) =	ssetifvalue $0xFFFFFFFF  }
0x1fc: {  	[spmem:s4] =	stream.indirect.scatter.add.f32 [tilespmem:s30], [sflag:$0x8], $0x1, s29, s21, $0x40b8;
	[tilespmem:$0x1F600] =	vst v63  }
0x1fd: {  	s29 =	simm.s32 $0x1900;
	s30 =	simm.s32 $0x4900;
	(ifvalue) =	ssetifvalue $0xFFFFFFFF  }
0x1fe: {  	[spmem:s4] =	stream.indirect.scatter.add.f32 [tilespmem:s30], [sflag:$0x8], $0x1, s29, s21, $0x40b8;
	[tilespmem:$0x1F600] =	vst v63  }
0x1ff: {  	s29 =	simm.s32 $0x1980;
	s30 =	simm.s32 $0x4980;
	(ifvalue) =	ssetifvalue $0xFFFFFFFF  }
0x200: {  	[spmem:s4] =	stream.indirect.scatter.add.f32 [tilespmem:s30], [sflag:$0x8], $0x1, s29, s21, $0x40b8;
	[tilespmem:$0x1F600] =	vst v63  }
0x201: {  	s29 =	simm.s32 $0x1A00;
	s30 =	simm.s32 $0x4A00;
	(ifvalue) =	ssetifvalue $0xFFFFFFFF  }
0x202: {  	[spmem:s4] =	stream.indirect.scatter.add.f32 [tilespmem:s30], [sflag:$0x8], $0x1, s29, s21, $0x40b8;
	[tilespmem:$0x1F600] =	vst v63  }
0x203: {  	s29 =	simm.s32 $0x1A80;
	s30 =	simm.s32 $0x4A80;
	(ifvalue) =	ssetifvalue $0xFFFFFFFF  }
0x204: {  	[spmem:s4] =	stream.indirect.scatter.add.f32 [tilespmem:s30], [sflag:$0x8], $0x1, s29, s21, $0x40b8;
	[tilespmem:$0x1F600] =	vst v63  }
0x205: {  	s29 =	simm.s32 $0x1B00;
	s30 =	simm.s32 $0x4B00;
	(ifvalue) =	ssetifvalue $0xFFFFFFFF  }
0x206: {  	[spmem:s4] =	stream.indirect.scatter.add.f32 [tilespmem:s30], [sflag:$0x8], $0x1, s29, s21, $0x40b8;
	[tilespmem:$0x1F600] =	vst v63  }
0x207: {  	s29 =	simm.s32 $0x1B80;
	s30 =	simm.s32 $0x4B80;
	(ifvalue) =	ssetifvalue $0xFFFFFFFF  }
0x208: {  	[spmem:s4] =	stream.indirect.scatter.add.f32 [tilespmem:s30], [sflag:$0x8], $0x1, s29, s21, $0x40b8;
	[tilespmem:$0x1F600] =	vst v63  }
0x209: {  	s29 =	simm.s32 $0x1C00;
	s30 =	simm.s32 $0x4C00;
	(ifvalue) =	ssetifvalue $0xFFFFFFFF  }
0x20a: {  	[spmem:s4] =	stream.indirect.scatter.add.f32 [tilespmem:s30], [sflag:$0x8], $0x1, s29, s21, $0x40b8;
	[tilespmem:$0x1F600] =	vst v63  }
0x20b: {  	s29 =	simm.s32 $0x1C80;
	s30 =	simm.s32 $0x4C80;
	(ifvalue) =	ssetifvalue $0xFFFFFFFF  }
0x20c: {  	[spmem:s4] =	stream.indirect.scatter.add.f32 [tilespmem:s30], [sflag:$0x8], $0x1, s29, s21, $0x40b8;
	[tilespmem:$0x1F600] =	vst v63  }
0x20d: {  	s29 =	simm.s32 $0x1D00;
	s30 =	simm.s32 $0x4D00;
	(ifvalue) =	ssetifvalue $0xFFFFFFFF  }
0x20e: {  	[spmem:s4] =	stream.indirect.scatter.add.f32 [tilespmem:s30], [sflag:$0x8], $0x1, s29, s21, $0x40b8;
	[tilespmem:$0x1F600] =	vst v63  }
0x20f: {  	s29 =	simm.s32 $0x1D80;
	s30 =	simm.s32 $0x4D80;
	(ifvalue) =	ssetifvalue $0xFFFFFFFF  }
0x210: {  	[spmem:s4] =	stream.indirect.scatter.add.f32 [tilespmem:s30], [sflag:$0x8], $0x1, s29, s21, $0x40b8;
	[tilespmem:$0x1F600] =	vst v63  }
0x211: {  	s29 =	simm.s32 $0x1E00;
	s30 =	simm.s32 $0x4E00;
	(ifvalue) =	ssetifvalue $0xFFFFFFFF  }
0x212: {  	[spmem:s4] =	stream.indirect.scatter.add.f32 [tilespmem:s30], [sflag:$0x8], $0x1, s29, s21, $0x40b8;
	[tilespmem:$0x1F600] =	vst v63  }
0x213: {  	s29 =	simm.s32 $0x1E80;
	s30 =	simm.s32 $0x4E80;
	(ifvalue) =	ssetifvalue $0xFFFFFFFF  }
0x214: {  	[spmem:s4] =	stream.indirect.scatter.add.f32 [tilespmem:s30], [sflag:$0x8], $0x1, s29, s21, $0x40b8;
	[tilespmem:$0x1F600] =	vst v63  }
0x215: {  	s29 =	simm.s32 $0x1F00;
	s30 =	simm.s32 $0x4F00;
	(ifvalue) =	ssetifvalue $0xFFFFFFFF  }
0x216: {  	[spmem:s4] =	stream.indirect.scatter.add.f32 [tilespmem:s30], [sflag:$0x8], $0x1, s29, s21, $0x40b8;
	[tilespmem:$0x1F600] =	vst v63  }
0x217: {  	s29 =	simm.s32 $0x1F80;
	s30 =	simm.s32 $0x4F80;
	(ifvalue) =	ssetifvalue $0xFFFFFFFF  }
0x218: {  	[spmem:s4] =	stream.indirect.scatter.add.f32 [tilespmem:s30], [sflag:$0x8], $0x1, s29, s21, $0x40b8;
	[tilespmem:$0x1F600] =	vst v63  }
.LBB2_19:
0x219: {  	p3 =	sge.u32 s28, s9  }
.Ltmp10:
0x21a: {  	_ = 	snop;
	(pc) =	sbr.rel @p3 .LBB2_23-.Ltmp10, $1  }
0x21b: {  	_ =	sdelay $0x3  }
0x21c: {  	_ =	swait.ge [sflag:s11], $0x80  }
0x21d: {  	[sflag:s11] =	ssyncset.done $0x0  }
0x21e: {  	[sflag:s11] =	ssyncadd.s32 $0xFFFFFF80  }
0x21f: {  	_ =	swait.ge [sflag:s11], $0x80  }
0x220: {  	[sflag:s11] =	ssyncset.done $0x0  }
0x221: {  	[sflag:s11] =	ssyncadd.s32 $0xFFFFFF80  }
0x222: {  	_ =	swait.ge [sflag:s11], $0x80  }
0x223: {  	[sflag:s11] =	ssyncset.done $0x0  }
0x224: {  	[sflag:s11] =	ssyncadd.s32 $0xFFFFFF80  }
0x225: {  	_ =	swait.ge [sflag:s11], $0x80  }
0x226: {  	[sflag:s11] =	ssyncset.done $0x0  }
0x227: {  	[sflag:s11] =	ssyncadd.s32 $0xFFFFFF80  }
0x228: {  	_ =	swait.ge [sflag:s11], $0x80  }
0x229: {  	[sflag:s11] =	ssyncset.done $0x0  }
0x22a: {  	[sflag:s11] =	ssyncadd.s32 $0xFFFFFF80  }
0x22b: {  	_ =	swait.ge [sflag:s11], $0x80  }
0x22c: {  	[sflag:s11] =	ssyncset.done $0x0  }
0x22d: {  	[sflag:s11] =	ssyncadd.s32 $0xFFFFFF80  }
0x22e: {  	_ =	swait.ge [sflag:s11], $0x80  }
0x22f: {  	[sflag:s11] =	ssyncset.done $0x0  }
0x230: {  	[sflag:s11] =	ssyncadd.s32 $0xFFFFFF80  }
0x231: {  	_ =	swait.ge [sflag:s11], $0x80  }
0x232: {  	[sflag:s11] =	ssyncset.done $0x0  }
0x233: {  	[sflag:s11] =	ssyncadd.s32 $0xFFFFFF80  }
0x234: {  	_ =	swait.ge [sflag:s11], $0x80  }
0x235: {  	[sflag:s11] =	ssyncset.done $0x0  }
0x236: {  	[sflag:s11] =	ssyncadd.s32 $0xFFFFFF80  }
0x237: {  	_ =	swait.ge [sflag:s11], $0x80  }
0x238: {  	[sflag:s11] =	ssyncset.done $0x0  }
0x239: {  	[sflag:s11] =	ssyncadd.s32 $0xFFFFFF80  }
0x23a: {  	_ =	swait.ge [sflag:s11], $0x80  }
0x23b: {  	[sflag:s11] =	ssyncset.done $0x0  }
0x23c: {  	[sflag:s11] =	ssyncadd.s32 $0xFFFFFF80  }
0x23d: {  	_ =	swait.ge [sflag:s11], $0x80  }
0x23e: {  	[sflag:s11] =	ssyncset.done $0x0  }
0x23f: {  	[sflag:s11] =	ssyncadd.s32 $0xFFFFFF80  }
0x240: {  	_ =	swait.ge [sflag:s11], $0x80  }
0x241: {  	[sflag:s11] =	ssyncset.done $0x0  }
0x242: {  	[sflag:s11] =	ssyncadd.s32 $0xFFFFFF80  }
0x243: {  	_ =	swait.ge [sflag:s11], $0x80  }
0x244: {  	[sflag:s11] =	ssyncset.done $0x0  }
0x245: {  	[sflag:s11] =	ssyncadd.s32 $0xFFFFFF80  }
0x246: {  	_ =	swait.ge [sflag:s11], $0x80  }
0x247: {  	[sflag:s11] =	ssyncset.done $0x0  }
0x248: {  	[sflag:s11] =	ssyncadd.s32 $0xFFFFFF80  }
0x249: {  	_ =	swait.ge [sflag:s11], $0x80  }
0x24a: {  	[sflag:s11] =	ssyncset.done $0x0  }
0x24b: {  	[sflag:s11] =	ssyncadd.s32 $0xFFFFFF80  }
0x24c: {  	_ =	swait.ge [sflag:s11], $0x80  }
0x24d: {  	[sflag:s11] =	ssyncset.done $0x0  }
0x24e: {  	[sflag:s11] =	ssyncadd.s32 $0xFFFFFF80  }
0x24f: {  	_ =	swait.ge [sflag:s11], $0x80  }
0x250: {  	[sflag:s11] =	ssyncset.done $0x0  }
0x251: {  	[sflag:s11] =	ssyncadd.s32 $0xFFFFFF80  }
0x252: {  	_ =	swait.ge [sflag:s11], $0x80  }
0x253: {  	[sflag:s11] =	ssyncset.done $0x0  }
0x254: {  	[sflag:s11] =	ssyncadd.s32 $0xFFFFFF80  }
0x255: {  	_ =	swait.ge [sflag:s11], $0x80  }
0x256: {  	[sflag:s11] =	ssyncset.done $0x0  }
0x257: {  	[sflag:s11] =	ssyncadd.s32 $0xFFFFFF80  }
0x258: {  	_ =	swait.ge [sflag:s11], $0x80  }
0x259: {  	[sflag:s11] =	ssyncset.done $0x0  }
0x25a: {  	[sflag:s11] =	ssyncadd.s32 $0xFFFFFF80  }
0x25b: {  	_ =	swait.ge [sflag:s11], $0x80  }
0x25c: {  	[sflag:s11] =	ssyncset.done $0x0  }
0x25d: {  	[sflag:s11] =	ssyncadd.s32 $0xFFFFFF80  }
0x25e: {  	_ =	swait.ge [sflag:s11], $0x80  }
0x25f: {  	[sflag:s11] =	ssyncset.done $0x0  }
0x260: {  	[sflag:s11] =	ssyncadd.s32 $0xFFFFFF80  }
0x261: {  	_ =	swait.ge [sflag:s11], $0x80  }
0x262: {  	[sflag:s11] =	ssyncset.done $0x0  }
0x263: {  	[sflag:s11] =	ssyncadd.s32 $0xFFFFFF80  }
0x264: {  	_ =	swait.ge [sflag:s11], $0x80  }
0x265: {  	[sflag:s11] =	ssyncset.done $0x0  }
0x266: {  	[sflag:s11] =	ssyncadd.s32 $0xFFFFFF80  }
0x267: {  	_ =	swait.ge [sflag:s11], $0x80  }
0x268: {  	[sflag:s11] =	ssyncset.done $0x0  }
0x269: {  	[sflag:s11] =	ssyncadd.s32 $0xFFFFFF80  }
0x26a: {  	_ =	swait.ge [sflag:s11], $0x80  }
0x26b: {  	[sflag:s11] =	ssyncset.done $0x0  }
0x26c: {  	[sflag:s11] =	ssyncadd.s32 $0xFFFFFF80  }
0x26d: {  	_ =	swait.ge [sflag:s11], $0x80  }
0x26e: {  	[sflag:s11] =	ssyncset.done $0x0  }
0x26f: {  	[sflag:s11] =	ssyncadd.s32 $0xFFFFFF80  }
0x270: {  	_ =	swait.ge [sflag:s11], $0x80  }
0x271: {  	[sflag:s11] =	ssyncset.done $0x0  }
0x272: {  	[sflag:s11] =	ssyncadd.s32 $0xFFFFFF80  }
0x273: {  	_ =	swait.ge [sflag:s11], $0x80  }
0x274: {  	[sflag:s11] =	ssyncset.done $0x0  }
0x275: {  	[sflag:s11] =	ssyncadd.s32 $0xFFFFFF80  }
0x276: {  	_ =	swait.ge [sflag:s11], $0x80  }
0x277: {  	s0 =	sadd.s32 $0x3, s28;
	[sflag:s11] =	ssyncset.done $0x0  }
0x278: {  	p3 =	sge.u32 s0, s3;
	[sflag:s11] =	ssyncadd.s32 $0xFFFFFF80  }
0x279: {  	s0 =	sshll.u32 @!p3 s0, $0xD;
	_ =	swait.ge [sflag:s11], $0x80  }
0x27a: {  	s0 =	sadd.s32 @!p3 s26, s0;
	[sflag:s11] =	ssyncset.done $0x0  }
0x27b: {  	s28 =	simm.s32 @!p3 $0x0;
	s2 =	sadd.s32 @!p3 s6, s0;
	[sflag:s11] =	ssyncadd.s32 $0xFFFFFF80  }
0x27c: {  	[tilespmem:s28], [sflag:$0x1] =	stream.linear.gather @!p3 [hbm4b:s2+s28], $0x1000, $0x38;
	[tilespmem:$0x1F600] =	vst v63  }
0x27d: {  	s0 =	sadd.s32 @!p3 s7, s0;
	s2 =	simm.s32 @!p3 $0x3000  }
0x27e: {  	[tilespmem:s2], [sflag:$0x4] =	stream.linear.gather @!p3 [hbm4b:s0+s28], $0x1000, $0x38;
	[tilespmem:$0x1F600] =	vst v63  }
0x27f: {  	_ =	swait.ge [sflag:s18], $0x1000  }
0x280: {  	[sflag:s18] =	ssyncset.done $0x0  }
0x281: {  	[sflag:s18] =	ssyncadd.s32 $0xFFFFF000  }
0x282: {  	_ =	swait.ge [sflag:s13], $0x1000  }
0x283: {  	[sflag:s13] =	ssyncset.done $0x0  }
0x284: {  	s28 =	simm.s32 $0x0;
	[sflag:s13] =	ssyncadd.s32 $0xFFFFF000  }
0x285: {  	v2 =	vld [tilespmem:s28+$0x2000]  }
0x286: {  	v7 =	vld [tilespmem:s28+$0x2010]  }
0x287: {  	v6 =	vld [tilespmem:s28+$0x2020]  }
0x288: {  	v5 =	vld [tilespmem:s28+$0x2030]  }
0x289: {  	v4 =	vld [tilespmem:s28+$0x2040]  }
0x28a: {  	v3 =	vld [tilespmem:s28+$0x2050];
	v8 =	vsub.s32 v2, v1  }
0x28b: {  	s29 =	simm.s32 $0x200;
	v7 =	vsub.s32 v7, v1;
	v2 =	vld [tilespmem:s28+$0x2060];
	vm0 =	vlt.u32 v8, $0x188000  }
.LBB2_21:
0x28c: {  	p3 =	sne.s32 s29, $0x3E00;
	v8 =	vnsel vm0, $0xFFFFFFFF, v8;
	vm0 =	vlt.u32 v7, $0x188000;
	v6 =	vsub.s32 v6, v1;
	v9 =	vld [tilespmem:s28+$0x2070]  }
0x28d: {  	s0 =	sshra.s32 s29, $0x2;
	v5 =	vsub.s32 v5, v1;
	[tilespmem:s28+$0x2000] =	vst v8;
	v7 =	vnsel vm0, $0xFFFFFFFF, v7;
	vm0 =	vlt.u32 v6, $0x188000  }
0x28e: {  	v4 =	vsub.s32 v4, v1;
	v8 =	vld [tilespmem:s0+$0x2000];
	[tilespmem:s28+$0x2010] =	vst v7;
	v6 =	vnsel vm0, $0xFFFFFFFF, v6;
	vm0 =	vlt.u32 v5, $0x188000  }
0x28f: {  	v3 =	vsub.s32 v3, v1;
	v7 =	vld [tilespmem:s0+$0x2010];
	[tilespmem:s28+$0x2020] =	vst v6;
	v5 =	vnsel vm0, $0xFFFFFFFF, v5;
	vm0 =	vlt.u32 v4, $0x188000  }
.Ltmp11:
0x290: {  	v2 =	vsub.s32 v2, v1;
	v6 =	vld [tilespmem:s0+$0x2020];
	[tilespmem:s28+$0x2030] =	vst v5;
	v4 =	vnsel vm0, $0xFFFFFFFF, v4;
	vm0 =	vlt.u32 v3, $0x188000;
	(pc) =	sbr.rel @p3 .LBB2_21-.Ltmp11, $4  }
0x291: {  	v5 =	vld [tilespmem:s0+$0x2030];
	[tilespmem:s28+$0x2040] =	vst v4;
	v3 =	vnsel vm0, $0xFFFFFFFF, v3;
	vm0 =	vlt.u32 v2, $0x188000;
	v9 =	vsub.s32 v9, v1  }
0x292: {  	v4 =	vld [tilespmem:s0+$0x2040];
	[tilespmem:s28+$0x2050] =	vst v3;
	v2 =	vnsel vm0, $0xFFFFFFFF, v2;
	vm0 =	vlt.u32 v9, $0x188000  }
0x293: {  	v8 =	vsub.s32 v8, v1;
	v3 =	vld [tilespmem:s0+$0x2050];
	[tilespmem:s28+$0x2060] =	vst v2;
	v9 =	vnsel vm0, $0xFFFFFFFF, v9  }
0x294: {  	s29 =	sadd.s32 $0x200, s29;
	vm0 =	vlt.u32 v8, $0x188000;
	v7 =	vsub.s32 v7, v1;
	v2 =	vld [tilespmem:s0+$0x2060];
	[tilespmem:s28+$0x2070] =	vst v9;
	s28 =	smov.u32 s0  }
.Ltmp12:
0x295: {  	_ = 	snop;
	(pc) =	sbr.rel .LBB2_22-.Ltmp12, $1  }
0x296: {  	_ =	sdelay $0x3  }
.LBB2_24:
.Ltmp13:
0x297: {  	(pc) =	sbr.rel @!p0 .LBB2_26-.Ltmp13, $1  }
0x298: {  	_ =	sdelay $0x3  }
0x299: {  	_ =	swait.ge [sflag:s11], $0x80  }
0x29a: {  	[sflag:s11] =	ssyncset.done $0x0  }
0x29b: {  	[sflag:s11] =	ssyncadd.s32 $0xFFFFFF80  }
0x29c: {  	_ =	swait.ge [sflag:s11], $0x80  }
0x29d: {  	[sflag:s11] =	ssyncset.done $0x0  }
0x29e: {  	[sflag:s11] =	ssyncadd.s32 $0xFFFFFF80  }
0x29f: {  	_ =	swait.ge [sflag:s11], $0x80  }
0x2a0: {  	[sflag:s11] =	ssyncset.done $0x0  }
0x2a1: {  	[sflag:s11] =	ssyncadd.s32 $0xFFFFFF80  }
0x2a2: {  	_ =	swait.ge [sflag:s11], $0x80  }
0x2a3: {  	[sflag:s11] =	ssyncset.done $0x0  }
0x2a4: {  	[sflag:s11] =	ssyncadd.s32 $0xFFFFFF80  }
0x2a5: {  	_ =	swait.ge [sflag:s11], $0x80  }
0x2a6: {  	[sflag:s11] =	ssyncset.done $0x0  }
0x2a7: {  	[sflag:s11] =	ssyncadd.s32 $0xFFFFFF80  }
0x2a8: {  	_ =	swait.ge [sflag:s11], $0x80  }
0x2a9: {  	[sflag:s11] =	ssyncset.done $0x0  }
0x2aa: {  	[sflag:s11] =	ssyncadd.s32 $0xFFFFFF80  }
0x2ab: {  	_ =	swait.ge [sflag:s11], $0x80  }
0x2ac: {  	[sflag:s11] =	ssyncset.done $0x0  }
0x2ad: {  	[sflag:s11] =	ssyncadd.s32 $0xFFFFFF80  }
0x2ae: {  	_ =	swait.ge [sflag:s11], $0x80  }
0x2af: {  	[sflag:s11] =	ssyncset.done $0x0  }
0x2b0: {  	[sflag:s11] =	ssyncadd.s32 $0xFFFFFF80  }
0x2b1: {  	_ =	swait.ge [sflag:s11], $0x80  }
0x2b2: {  	[sflag:s11] =	ssyncset.done $0x0  }
0x2b3: {  	[sflag:s11] =	ssyncadd.s32 $0xFFFFFF80  }
0x2b4: {  	_ =	swait.ge [sflag:s11], $0x80  }
0x2b5: {  	[sflag:s11] =	ssyncset.done $0x0  }
0x2b6: {  	[sflag:s11] =	ssyncadd.s32 $0xFFFFFF80  }
0x2b7: {  	_ =	swait.ge [sflag:s11], $0x80  }
0x2b8: {  	[sflag:s11] =	ssyncset.done $0x0  }
0x2b9: {  	[sflag:s11] =	ssyncadd.s32 $0xFFFFFF80  }
0x2ba: {  	_ =	swait.ge [sflag:s11], $0x80  }
0x2bb: {  	[sflag:s11] =	ssyncset.done $0x0  }
0x2bc: {  	[sflag:s11] =	ssyncadd.s32 $0xFFFFFF80  }
0x2bd: {  	_ =	swait.ge [sflag:s11], $0x80  }
0x2be: {  	[sflag:s11] =	ssyncset.done $0x0  }
0x2bf: {  	[sflag:s11] =	ssyncadd.s32 $0xFFFFFF80  }
0x2c0: {  	_ =	swait.ge [sflag:s11], $0x80  }
0x2c1: {  	[sflag:s11] =	ssyncset.done $0x0  }
0x2c2: {  	[sflag:s11] =	ssyncadd.s32 $0xFFFFFF80  }
0x2c3: {  	_ =	swait.ge [sflag:s11], $0x80  }
0x2c4: {  	[sflag:s11] =	ssyncset.done $0x0  }
0x2c5: {  	[sflag:s11] =	ssyncadd.s32 $0xFFFFFF80  }
0x2c6: {  	_ =	swait.ge [sflag:s11], $0x80  }
0x2c7: {  	[sflag:s11] =	ssyncset.done $0x0  }
0x2c8: {  	[sflag:s11] =	ssyncadd.s32 $0xFFFFFF80  }
0x2c9: {  	_ =	swait.ge [sflag:s11], $0x80  }
0x2ca: {  	[sflag:s11] =	ssyncset.done $0x0  }
0x2cb: {  	[sflag:s11] =	ssyncadd.s32 $0xFFFFFF80  }
0x2cc: {  	_ =	swait.ge [sflag:s11], $0x80  }
0x2cd: {  	[sflag:s11] =	ssyncset.done $0x0  }
0x2ce: {  	[sflag:s11] =	ssyncadd.s32 $0xFFFFFF80  }
0x2cf: {  	_ =	swait.ge [sflag:s11], $0x80  }
0x2d0: {  	[sflag:s11] =	ssyncset.done $0x0  }
0x2d1: {  	[sflag:s11] =	ssyncadd.s32 $0xFFFFFF80  }
0x2d2: {  	_ =	swait.ge [sflag:s11], $0x80  }
0x2d3: {  	[sflag:s11] =	ssyncset.done $0x0  }
0x2d4: {  	[sflag:s11] =	ssyncadd.s32 $0xFFFFFF80  }
0x2d5: {  	_ =	swait.ge [sflag:s11], $0x80  }
0x2d6: {  	[sflag:s11] =	ssyncset.done $0x0  }
0x2d7: {  	[sflag:s11] =	ssyncadd.s32 $0xFFFFFF80  }
0x2d8: {  	_ =	swait.ge [sflag:s11], $0x80  }
0x2d9: {  	[sflag:s11] =	ssyncset.done $0x0  }
0x2da: {  	[sflag:s11] =	ssyncadd.s32 $0xFFFFFF80  }
0x2db: {  	_ =	swait.ge [sflag:s11], $0x80  }
0x2dc: {  	[sflag:s11] =	ssyncset.done $0x0  }
0x2dd: {  	[sflag:s11] =	ssyncadd.s32 $0xFFFFFF80  }
0x2de: {  	_ =	swait.ge [sflag:s11], $0x80  }
0x2df: {  	[sflag:s11] =	ssyncset.done $0x0  }
0x2e0: {  	[sflag:s11] =	ssyncadd.s32 $0xFFFFFF80  }
0x2e1: {  	_ =	swait.ge [sflag:s11], $0x80  }
0x2e2: {  	[sflag:s11] =	ssyncset.done $0x0  }
0x2e3: {  	[sflag:s11] =	ssyncadd.s32 $0xFFFFFF80  }
0x2e4: {  	_ =	swait.ge [sflag:s11], $0x80  }
0x2e5: {  	[sflag:s11] =	ssyncset.done $0x0  }
0x2e6: {  	[sflag:s11] =	ssyncadd.s32 $0xFFFFFF80  }
0x2e7: {  	_ =	swait.ge [sflag:s11], $0x80  }
0x2e8: {  	[sflag:s11] =	ssyncset.done $0x0  }
0x2e9: {  	[sflag:s11] =	ssyncadd.s32 $0xFFFFFF80  }
0x2ea: {  	_ =	swait.ge [sflag:s11], $0x80  }
0x2eb: {  	[sflag:s11] =	ssyncset.done $0x0  }
0x2ec: {  	[sflag:s11] =	ssyncadd.s32 $0xFFFFFF80  }
0x2ed: {  	_ =	swait.ge [sflag:s11], $0x80  }
0x2ee: {  	[sflag:s11] =	ssyncset.done $0x0  }
0x2ef: {  	[sflag:s11] =	ssyncadd.s32 $0xFFFFFF80  }
0x2f0: {  	_ =	swait.ge [sflag:s11], $0x80  }
0x2f1: {  	[sflag:s11] =	ssyncset.done $0x0  }
0x2f2: {  	[sflag:s11] =	ssyncadd.s32 $0xFFFFFF80  }
0x2f3: {  	_ =	swait.ge [sflag:s11], $0x80  }
0x2f4: {  	[sflag:s11] =	ssyncset.done $0x0  }
0x2f5: {  	[sflag:s11] =	ssyncadd.s32 $0xFFFFFF80  }
0x2f6: {  	_ =	swait.ge [sflag:s11], $0x80  }
0x2f7: {  	[sflag:s11] =	ssyncset.done $0x0  }
0x2f8: {  	[sflag:s11] =	ssyncadd.s32 $0xFFFFFF80  }
.LBB2_26:
.Ltmp14:
0x2f9: {  	(pc) =	sbr.rel @!p1 .LBB2_28-.Ltmp14, $1  }
0x2fa: {  	_ =	sdelay $0x3  }
0x2fb: {  	_ =	swait.ge [sflag:s31], $0x80  }
0x2fc: {  	[sflag:s31] =	ssyncset.done $0x0  }
0x2fd: {  	[sflag:s31] =	ssyncadd.s32 $0xFFFFFF80  }
0x2fe: {  	_ =	swait.ge [sflag:s31], $0x80  }
0x2ff: {  	[sflag:s31] =	ssyncset.done $0x0  }
0x300: {  	[sflag:s31] =	ssyncadd.s32 $0xFFFFFF80  }
0x301: {  	_ =	swait.ge [sflag:s31], $0x80  }
0x302: {  	[sflag:s31] =	ssyncset.done $0x0  }
0x303: {  	[sflag:s31] =	ssyncadd.s32 $0xFFFFFF80  }
0x304: {  	_ =	swait.ge [sflag:s31], $0x80  }
0x305: {  	[sflag:s31] =	ssyncset.done $0x0  }
0x306: {  	[sflag:s31] =	ssyncadd.s32 $0xFFFFFF80  }
0x307: {  	_ =	swait.ge [sflag:s31], $0x80  }
0x308: {  	[sflag:s31] =	ssyncset.done $0x0  }
0x309: {  	[sflag:s31] =	ssyncadd.s32 $0xFFFFFF80  }
0x30a: {  	_ =	swait.ge [sflag:s31], $0x80  }
0x30b: {  	[sflag:s31] =	ssyncset.done $0x0  }
0x30c: {  	[sflag:s31] =	ssyncadd.s32 $0xFFFFFF80  }
0x30d: {  	_ =	swait.ge [sflag:s31], $0x80  }
0x30e: {  	[sflag:s31] =	ssyncset.done $0x0  }
0x30f: {  	[sflag:s31] =	ssyncadd.s32 $0xFFFFFF80  }
0x310: {  	_ =	swait.ge [sflag:s31], $0x80  }
0x311: {  	[sflag:s31] =	ssyncset.done $0x0  }
0x312: {  	[sflag:s31] =	ssyncadd.s32 $0xFFFFFF80  }
0x313: {  	_ =	swait.ge [sflag:s31], $0x80  }
0x314: {  	[sflag:s31] =	ssyncset.done $0x0  }
0x315: {  	[sflag:s31] =	ssyncadd.s32 $0xFFFFFF80  }
0x316: {  	_ =	swait.ge [sflag:s31], $0x80  }
0x317: {  	[sflag:s31] =	ssyncset.done $0x0  }
0x318: {  	[sflag:s31] =	ssyncadd.s32 $0xFFFFFF80  }
0x319: {  	_ =	swait.ge [sflag:s31], $0x80  }
0x31a: {  	[sflag:s31] =	ssyncset.done $0x0  }
0x31b: {  	[sflag:s31] =	ssyncadd.s32 $0xFFFFFF80  }
0x31c: {  	_ =	swait.ge [sflag:s31], $0x80  }
0x31d: {  	[sflag:s31] =	ssyncset.done $0x0  }
0x31e: {  	[sflag:s31] =	ssyncadd.s32 $0xFFFFFF80  }
0x31f: {  	_ =	swait.ge [sflag:s31], $0x80  }
0x320: {  	[sflag:s31] =	ssyncset.done $0x0  }
0x321: {  	[sflag:s31] =	ssyncadd.s32 $0xFFFFFF80  }
0x322: {  	_ =	swait.ge [sflag:s31], $0x80  }
0x323: {  	[sflag:s31] =	ssyncset.done $0x0  }
0x324: {  	[sflag:s31] =	ssyncadd.s32 $0xFFFFFF80  }
0x325: {  	_ =	swait.ge [sflag:s31], $0x80  }
0x326: {  	[sflag:s31] =	ssyncset.done $0x0  }
0x327: {  	[sflag:s31] =	ssyncadd.s32 $0xFFFFFF80  }
0x328: {  	_ =	swait.ge [sflag:s31], $0x80  }
0x329: {  	[sflag:s31] =	ssyncset.done $0x0  }
0x32a: {  	[sflag:s31] =	ssyncadd.s32 $0xFFFFFF80  }
0x32b: {  	_ =	swait.ge [sflag:s31], $0x80  }
0x32c: {  	[sflag:s31] =	ssyncset.done $0x0  }
0x32d: {  	[sflag:s31] =	ssyncadd.s32 $0xFFFFFF80  }
0x32e: {  	_ =	swait.ge [sflag:s31], $0x80  }
0x32f: {  	[sflag:s31] =	ssyncset.done $0x0  }
0x330: {  	[sflag:s31] =	ssyncadd.s32 $0xFFFFFF80  }
0x331: {  	_ =	swait.ge [sflag:s31], $0x80  }
0x332: {  	[sflag:s31] =	ssyncset.done $0x0  }
0x333: {  	[sflag:s31] =	ssyncadd.s32 $0xFFFFFF80  }
0x334: {  	_ =	swait.ge [sflag:s31], $0x80  }
0x335: {  	[sflag:s31] =	ssyncset.done $0x0  }
0x336: {  	[sflag:s31] =	ssyncadd.s32 $0xFFFFFF80  }
0x337: {  	_ =	swait.ge [sflag:s31], $0x80  }
0x338: {  	[sflag:s31] =	ssyncset.done $0x0  }
0x339: {  	[sflag:s31] =	ssyncadd.s32 $0xFFFFFF80  }
0x33a: {  	_ =	swait.ge [sflag:s31], $0x80  }
0x33b: {  	[sflag:s31] =	ssyncset.done $0x0  }
0x33c: {  	[sflag:s31] =	ssyncadd.s32 $0xFFFFFF80  }
0x33d: {  	_ =	swait.ge [sflag:s31], $0x80  }
0x33e: {  	[sflag:s31] =	ssyncset.done $0x0  }
0x33f: {  	[sflag:s31] =	ssyncadd.s32 $0xFFFFFF80  }
0x340: {  	_ =	swait.ge [sflag:s31], $0x80  }
0x341: {  	[sflag:s31] =	ssyncset.done $0x0  }
0x342: {  	[sflag:s31] =	ssyncadd.s32 $0xFFFFFF80  }
0x343: {  	_ =	swait.ge [sflag:s31], $0x80  }
0x344: {  	[sflag:s31] =	ssyncset.done $0x0  }
0x345: {  	[sflag:s31] =	ssyncadd.s32 $0xFFFFFF80  }
0x346: {  	_ =	swait.ge [sflag:s31], $0x80  }
0x347: {  	[sflag:s31] =	ssyncset.done $0x0  }
0x348: {  	[sflag:s31] =	ssyncadd.s32 $0xFFFFFF80  }
0x349: {  	_ =	swait.ge [sflag:s31], $0x80  }
0x34a: {  	[sflag:s31] =	ssyncset.done $0x0  }
0x34b: {  	[sflag:s31] =	ssyncadd.s32 $0xFFFFFF80  }
0x34c: {  	_ =	swait.ge [sflag:s31], $0x80  }
0x34d: {  	[sflag:s31] =	ssyncset.done $0x0  }
0x34e: {  	[sflag:s31] =	ssyncadd.s32 $0xFFFFFF80  }
0x34f: {  	_ =	swait.ge [sflag:s31], $0x80  }
0x350: {  	[sflag:s31] =	ssyncset.done $0x0  }
0x351: {  	[sflag:s31] =	ssyncadd.s32 $0xFFFFFF80  }
0x352: {  	_ =	swait.ge [sflag:s31], $0x80  }
0x353: {  	[sflag:s31] =	ssyncset.done $0x0  }
0x354: {  	[sflag:s31] =	ssyncadd.s32 $0xFFFFFF80  }
0x355: {  	_ =	swait.ge [sflag:s31], $0x80  }
0x356: {  	[sflag:s31] =	ssyncset.done $0x0  }
0x357: {  	[sflag:s31] =	ssyncadd.s32 $0xFFFFFF80  }
0x358: {  	_ =	swait.ge [sflag:s31], $0x80  }
0x359: {  	[sflag:s31] =	ssyncset.done $0x0  }
0x35a: {  	[sflag:s31] =	ssyncadd.s32 $0xFFFFFF80  }
.LBB2_28:
.Ltmp15:
0x35b: {  	(pc) =	sbr.rel @!p2 .LBB2_30-.Ltmp15, $1  }
0x35c: {  	_ =	sdelay $0x3  }
0x35d: {  	_ =	swait.ge [sflag:s8], $0x80  }
0x35e: {  	[sflag:s8] =	ssyncset.done $0x0  }
0x35f: {  	[sflag:s8] =	ssyncadd.s32 $0xFFFFFF80  }
0x360: {  	_ =	swait.ge [sflag:s8], $0x80  }
0x361: {  	[sflag:s8] =	ssyncset.done $0x0  }
0x362: {  	[sflag:s8] =	ssyncadd.s32 $0xFFFFFF80  }
0x363: {  	_ =	swait.ge [sflag:s8], $0x80  }
0x364: {  	[sflag:s8] =	ssyncset.done $0x0  }
0x365: {  	[sflag:s8] =	ssyncadd.s32 $0xFFFFFF80  }
0x366: {  	_ =	swait.ge [sflag:s8], $0x80  }
0x367: {  	[sflag:s8] =	ssyncset.done $0x0  }
0x368: {  	[sflag:s8] =	ssyncadd.s32 $0xFFFFFF80  }
0x369: {  	_ =	swait.ge [sflag:s8], $0x80  }
0x36a: {  	[sflag:s8] =	ssyncset.done $0x0  }
0x36b: {  	[sflag:s8] =	ssyncadd.s32 $0xFFFFFF80  }
0x36c: {  	_ =	swait.ge [sflag:s8], $0x80  }
0x36d: {  	[sflag:s8] =	ssyncset.done $0x0  }
0x36e: {  	[sflag:s8] =	ssyncadd.s32 $0xFFFFFF80  }
0x36f: {  	_ =	swait.ge [sflag:s8], $0x80  }
0x370: {  	[sflag:s8] =	ssyncset.done $0x0  }
0x371: {  	[sflag:s8] =	ssyncadd.s32 $0xFFFFFF80  }
0x372: {  	_ =	swait.ge [sflag:s8], $0x80  }
0x373: {  	[sflag:s8] =	ssyncset.done $0x0  }
0x374: {  	[sflag:s8] =	ssyncadd.s32 $0xFFFFFF80  }
0x375: {  	_ =	swait.ge [sflag:s8], $0x80  }
0x376: {  	[sflag:s8] =	ssyncset.done $0x0  }
0x377: {  	[sflag:s8] =	ssyncadd.s32 $0xFFFFFF80  }
0x378: {  	_ =	swait.ge [sflag:s8], $0x80  }
0x379: {  	[sflag:s8] =	ssyncset.done $0x0  }
0x37a: {  	[sflag:s8] =	ssyncadd.s32 $0xFFFFFF80  }
0x37b: {  	_ =	swait.ge [sflag:s8], $0x80  }
0x37c: {  	[sflag:s8] =	ssyncset.done $0x0  }
0x37d: {  	[sflag:s8] =	ssyncadd.s32 $0xFFFFFF80  }
0x37e: {  	_ =	swait.ge [sflag:s8], $0x80  }
0x37f: {  	[sflag:s8] =	ssyncset.done $0x0  }
0x380: {  	[sflag:s8] =	ssyncadd.s32 $0xFFFFFF80  }
0x381: {  	_ =	swait.ge [sflag:s8], $0x80  }
0x382: {  	[sflag:s8] =	ssyncset.done $0x0  }
0x383: {  	[sflag:s8] =	ssyncadd.s32 $0xFFFFFF80  }
0x384: {  	_ =	swait.ge [sflag:s8], $0x80  }
0x385: {  	[sflag:s8] =	ssyncset.done $0x0  }
0x386: {  	[sflag:s8] =	ssyncadd.s32 $0xFFFFFF80  }
0x387: {  	_ =	swait.ge [sflag:s8], $0x80  }
0x388: {  	[sflag:s8] =	ssyncset.done $0x0  }
0x389: {  	[sflag:s8] =	ssyncadd.s32 $0xFFFFFF80  }
0x38a: {  	_ =	swait.ge [sflag:s8], $0x80  }
0x38b: {  	[sflag:s8] =	ssyncset.done $0x0  }
0x38c: {  	[sflag:s8] =	ssyncadd.s32 $0xFFFFFF80  }
0x38d: {  	_ =	swait.ge [sflag:s8], $0x80  }
0x38e: {  	[sflag:s8] =	ssyncset.done $0x0  }
0x38f: {  	[sflag:s8] =	ssyncadd.s32 $0xFFFFFF80  }
0x390: {  	_ =	swait.ge [sflag:s8], $0x80  }
0x391: {  	[sflag:s8] =	ssyncset.done $0x0  }
0x392: {  	[sflag:s8] =	ssyncadd.s32 $0xFFFFFF80  }
0x393: {  	_ =	swait.ge [sflag:s8], $0x80  }
0x394: {  	[sflag:s8] =	ssyncset.done $0x0  }
0x395: {  	[sflag:s8] =	ssyncadd.s32 $0xFFFFFF80  }
0x396: {  	_ =	swait.ge [sflag:s8], $0x80  }
0x397: {  	[sflag:s8] =	ssyncset.done $0x0  }
0x398: {  	[sflag:s8] =	ssyncadd.s32 $0xFFFFFF80  }
0x399: {  	_ =	swait.ge [sflag:s8], $0x80  }
0x39a: {  	[sflag:s8] =	ssyncset.done $0x0  }
0x39b: {  	[sflag:s8] =	ssyncadd.s32 $0xFFFFFF80  }
0x39c: {  	_ =	swait.ge [sflag:s8], $0x80  }
0x39d: {  	[sflag:s8] =	ssyncset.done $0x0  }
0x39e: {  	[sflag:s8] =	ssyncadd.s32 $0xFFFFFF80  }
0x39f: {  	_ =	swait.ge [sflag:s8], $0x80  }
0x3a0: {  	[sflag:s8] =	ssyncset.done $0x0  }
0x3a1: {  	[sflag:s8] =	ssyncadd.s32 $0xFFFFFF80  }
0x3a2: {  	_ =	swait.ge [sflag:s8], $0x80  }
0x3a3: {  	[sflag:s8] =	ssyncset.done $0x0  }
0x3a4: {  	[sflag:s8] =	ssyncadd.s32 $0xFFFFFF80  }
0x3a5: {  	_ =	swait.ge [sflag:s8], $0x80  }
0x3a6: {  	[sflag:s8] =	ssyncset.done $0x0  }
0x3a7: {  	[sflag:s8] =	ssyncadd.s32 $0xFFFFFF80  }
0x3a8: {  	_ =	swait.ge [sflag:s8], $0x80  }
0x3a9: {  	[sflag:s8] =	ssyncset.done $0x0  }
0x3aa: {  	[sflag:s8] =	ssyncadd.s32 $0xFFFFFF80  }
0x3ab: {  	_ =	swait.ge [sflag:s8], $0x80  }
0x3ac: {  	[sflag:s8] =	ssyncset.done $0x0  }
0x3ad: {  	[sflag:s8] =	ssyncadd.s32 $0xFFFFFF80  }
0x3ae: {  	_ =	swait.ge [sflag:s8], $0x80  }
0x3af: {  	[sflag:s8] =	ssyncset.done $0x0  }
0x3b0: {  	[sflag:s8] =	ssyncadd.s32 $0xFFFFFF80  }
0x3b1: {  	_ =	swait.ge [sflag:s8], $0x80  }
0x3b2: {  	[sflag:s8] =	ssyncset.done $0x0  }
0x3b3: {  	[sflag:s8] =	ssyncadd.s32 $0xFFFFFF80  }
0x3b4: {  	_ =	swait.ge [sflag:s8], $0x80  }
0x3b5: {  	[sflag:s8] =	ssyncset.done $0x0  }
0x3b6: {  	[sflag:s8] =	ssyncadd.s32 $0xFFFFFF80  }
0x3b7: {  	_ =	swait.ge [sflag:s8], $0x80  }
0x3b8: {  	[sflag:s8] =	ssyncset.done $0x0  }
0x3b9: {  	[sflag:s8] =	ssyncadd.s32 $0xFFFFFF80  }
0x3ba: {  	_ =	swait.ge [sflag:s8], $0x80  }
0x3bb: {  	[sflag:s8] =	ssyncset.done $0x0  }
0x3bc: {  	[sflag:s8] =	ssyncadd.s32 $0xFFFFFF80  }
.LBB2_30:
0x3bd: {  	s0 =	rddreg [dreg:$0xb]  }
0x3be: {  	s0 =	smul.u32 $0x498000, s0  }
0x3bf: {  	s2 =	rddreg [dreg:$0x5]  }
0x3c0: {  	s26 =	rddreg [dreg:$0xc];
	s0 =	sadd.s32 s2, s0  }
0x3c1: {  	s28 =	stileid.u32;
	[bflag:$0x0] =	sbarrier.arrive $0xFFFF;
	s0 =	sadd.s32 s26, s0  }
0x3c2: {  	s24 =	rddreg [dreg:$0x1];
	s2 =	sshll.u32 s28, $0x6;
	s0 =	sshrl.u32 s0, $0x3  }
0x3c3: {  	s29 =	rddreg [dreg:$0x9];
	s2 =	sor.u32 $0x1C0A, s2;
	s0 =	sadd.s32 s24, s0  }
0x3c4: {  	[hbm:s0], [sflag:s2] =	dma.local [spmem:s29], $0x3100  }
0x3c5: {  	_ =	swait.ge [sflag:s17], $0x3100  }
0x3c6: {  	[sflag:s17] =	ssyncset.done $0x0  }
0x3c7: {  	s30 =	sadd.s32 $0x0, s12;
	[sflag:s17] =	ssyncadd.s32 $0xFFFFCF00  }
0x3c8: {  	[spmem:s30] =	stream.linear.scatter [tilespmem:s16], [sflag:$0xA], $0xE00, $0x38;
	[tilespmem:$0x1F600] =	vst v63  }
0x3c9: {  	s24 =	simm.s32 $0x3800;
	_ =	swait.ge [sflag:s17], $0xE00  }
.LBB2_31:
0x3ca: {  	s0 =	sshra.s32 s24, $0x2;
	[sflag:s17] =	ssyncset.done $0x0;
	p3 =	sne.s32 s24, $0x5E800  }
.Ltmp16:
0x3cb: {  	s0 =	sadd.s32 s0, s12;
	[sflag:s17] =	ssyncadd.s32 $0xFFFFF200;
	(pc) =	sbr.rel @p3 .LBB2_31-.Ltmp16, $3  }
0x3cc: {  	[spmem:s0] =	stream.linear.scatter [tilespmem:s16], [sflag:$0xA], $0xE00, $0x38;
	[tilespmem:$0x1F600] =	vst v63  }
0x3cd: {  	s24 =	sadd.s32 $0x3800, s24;
	_ =	sdelay $0x1  }
0x3ce: {  	_ =	swait.ge [sflag:s17], $0xE00  }
0x3cf: {  	s23 =	sadd.s32 $0x1, s23  }
0x3d0: {  	p3 =	sne.s32 s23, $0xC  }
.Ltmp17:
0x3d1: {  	_ = 	snop;
	(pc) =	sbr.rel @p3 .LBB2_6-.Ltmp17, $3  }
0x3d2: {  	_ =	sdelay $0x1  }
0x3d3: {  	[sflag:s17] =	ssyncset.done $0x0  }
0x3d4: {  	[sflag:s17] =	ssyncadd.s32 $0xFFFFF200  }
0x3d5: {  	s2 =	rddreg [dreg:$0xa]  }
0x3d6: {  	s0 =	rddreg [dreg:$0x7];
	s2 =	sadd.s32 $0x1, s2  }
0x3d7: {  	p3 =	sne.s32 s2, s0  }
.Ltmp18:
0x3d8: {  	_ = 	snop;
	(pc) =	sbr.rel @p3 .LBB2_1-.Ltmp18, $1  }
0x3d9: {  	_ =	sdelay $0x3  }
0x3da: {  	_ =	sfence.sel $0x180000  }
0x3db: {  	[bflag:$0x0] =	sbarrier.arrive $0xFFFF  }
0x3dc: {  	_ =	strace $0x9000004D  }
0x3dd: {  	s0 =	stileid.u32;
	[bflag:$0x2] =	sbarrier.arrive $0xFFFF  }
0x3de: {  	p0 =	sne.s32 s0, $0x0;
	s0 =	rddreg [dreg:$0x3]  }
0x3df: {  	s0 =	sadd.s32 @!p0 $0x100000, s0  }
0x3e0: {  	[sflag:s0] =	ssyncadd.tile.s32 @!p0 $0x1;
	_ =	shalt  }
.Lfunc_end2:
_tile_overlayer_lowered:
.L_overlay_start_2:
0x3e1: {  	(tag) =	ssettag $0x2  }
0x3e2: {  	s0 =	rddreg [dreg:$0x0];
	s2 =	stileid.u32  }
0x3e3: {  	s1 =	rddreg [dreg:$0x1];
	p0 =	sne.s32 s2, $0x0  }
0x3e4: {  	s3 =	rddreg [dreg:$0x2];
	[bflag:$0x3] =	sbarrier.arrive $0xFFFF;
	s2 =	simm.s32 @!p0 $0x1C0A  }
0x3e5: {  	[timem:s3], [sflag:s2] =	dma.local @!p0 [hbm:s0], s1  }
0x3e6: {  	s0 =	simm.s32 @!p0 $0xA  }
0x3e7: {  	_ =	swait.ge @!p0 [sflag:s0], s1  }
0x3e8: {  	s1 =	ssub.s32 @!p0 $0x0, s1;
	[sflag:s0] =	ssyncset.done @!p0 $0x0  }
0x3e9: {  	[sflag:s0] =	ssyncadd.s32 @!p0 s1  }
0x3ea: {  	[bflag:$0x3] =	sbarrier.arrive $0xFFFF  }
0x3eb: {  	_ =	shalt  }

// kernel: sparse-core-data-format-call.1.cloned.1.call-start
scs
called_computation.1_lowered:
.L_overlay_start_0:
0x0: {  	s2 =	sld [smem:$0x3FD9]  }
0x1: {  	s3 =	sld [smem:$0x3FFE];
	_ =	sdelay $0x1  }
0x2: {  	s1 =	srdreg.scid  }
0x3: {  	s0 =	sand.u32 $0x1, s1  }
0x4: {  	s18 =	sshll.u32 s0, $0xA;
	s2 =	sadd.s32 s3, s2  }
0x5: {  	s2 =	sadd.s32 s2, s18  }
0x6: {  	[smem:$0x3FC5] =	sst s2  }
0x7: {  	_ = 	snop  }
0x8: {  	s19 =	sld [smem:$0x3FD0];
	(tm) =	ssettm $0x1  }
0x9: {  	s20 =	sld [smem:$0x3FFB];
	_ =	sdelay $0x3  }
0xa: {  	_ =	strace s20  }
0xb: {  	s2 =	sld [smem:$0x3FFC];
	_ =	sdelay $0x3  }
0xc: {  	_ =	strace s2  }
0xd: {  	s2 =	sld [smem:$0x3FFD];
	_ =	sdelay $0x3  }
0xe: {  	_ =	strace s2  }
0xf: {  	_ =	strace $0x8FFFFFFF  }
0x10: {  	s21 =	sld [smem:$0x3FDB];
	_ =	sdelay $0x1  }
0x11: {  	s4 =	simm.s32 $_scs_section_size  }
0x12: {  	s5 =	simm.s32 $_size__tile_overlayer_lowered;
	s6 =	simm.s32 $_tile_overlayer_lowered  }
0x13: {  	s7 =	simm.s32 $0x1BFF;
	s22 =	sshll.u32 s6, $0x1;
	s4 =	sadd.s32 s4, s21  }
0x14: {  	s23 =	simm.s32 $0x0;
	s5 =	sshll.u32 s5, $0x1;
	s6 =	sadd.s32 s22, s4  }
0x15: {  	[timem:s23], [sflag:s7] =	dma.local [hbm:s6], s5  }
0x16: {  	_ =	swait.ge [sflag:s7], s5  }
0x17: {  	s5 =	ssub.s32 $0x0, s5;
	[sflag:s7] =	ssyncset.done $0x0  }
0x18: {  	[sflag:s7] =	ssyncadd.s32 s5;
	_ =	sdelay $0x1  }
0x19: {  	s24 =	simm.s32 $0x1B8B  }
0x1a: {  	_ =	swait.ge [sflag:s24], $0x1  }
0x1b: {  	[sflag:s24] =	ssyncset.done $0x0  }
0x1c: {  	[sflag:s24] =	ssyncadd.s32 $0xFFFFFFFF  }
0x1d: {  	s5 =	sld [smem:$0x0]  }
0x1e: {  	s6 =	sand.u32 $0xFFFFFFFE, s1  }
0x1f: {  	p0 =	sne.s32 s1, s6  }
0x20: {  	s6 =	sshll.u32 @p0 s6, $0xE  }
0x21: {  	s6 =	sadd.s32 @p0 $0x11B8D, s6;
	s7 =	sshll.u32 @p0 s5, $0x11  }
0x22: {  	s6 =	sor.u32 @p0 s7, s6  }
0x23: {  	[sflag:s6] =	ssyncadd.remote.s32 @p0 $0x1;
	_ =	sdelay $0x1  }
0x24: {  	s6 =	simm.s32 @p0 $0x1B8D  }
0x25: {  	_ =	swait.eq @p0 [sflag:s6], $0x1  }
0x26: {  	[sflag:s6] =	ssyncadd.s32 @p0 $0xFFFFFFFF  }
0x27: {  	s7 =	sshll.u32 @!p0 s1, $0xE  }
0x28: {  	s7 =	sor.u32 @!p0 $0x4000, s7;
	s6 =	simm.s32 @!p0 $0x1B8D  }
0x29: {  	s5 =	sshll.u32 @!p0 s5, $0x11;
	s7 =	sadd.s32 @!p0 $0x11B8D, s7;
	_ =	swait.eq @!p0 [sflag:s6], $0x1  }
0x2a: {  	s5 =	sor.u32 @!p0 s5, s7;
	[sflag:s6] =	ssyncadd.s32 @!p0 $0xFFFFFFFF  }
0x2b: {  	s26 =	simm.s32 $0x1B8E;
	s25 =	sld [smem:$0x3FFE];
	[sflag:s5] =	ssyncadd.remote.s32 @!p0 $0x1  }
0x2c: {  	s27 =	simm.s32 $execute0_lowered;
	[smem:$0x3FD2] =	sst s26  }
0x2d: {  	s6 =	sshll.u32 s27, $0x1;
	_ =	strace $0x80000049;
	[dreg:$0x1] =	wrdreg $0xFFFFFFFF  }
0x2e: {  	s28 =	simm.s32 $_size_execute0_lowered;
	s4 =	sadd.s32 s4, s6;
	[dreg:$0x0] =	wrdreg $0x0  }
0x2f: {  	s6 =	sshll.u32 s28, $0x1;
	[dreg:$0x2] =	wrdreg s4  }
0x30: {  	[dreg:$0x3] =	wrdreg s6  }
0x31: {  	[dreg:$0x4] =	wrdreg $0xC0  }
0x32: {  	_ =	task [dreg:s23], $0x5FFFF  }
0x33: {  	[dreg:$0x1] =	wrdreg $0xFFFFFFFF  }
0x34: {  	[dreg:$0x0] =	wrdreg $0x60  }
0x35: {  	[dreg:$0x2] =	wrdreg s25  }
0x36: {  	[dreg:$0x3] =	wrdreg s19  }
0x37: {  	[dreg:$0x4] =	wrdreg $0x9  }
0x38: {  	_ =	task.clear_ibuf [dreg:s23], $0x5FFFF;
	_ =	strace $0x90000049  }
0x39: {  	s29 =	simm.s32 $0x9;
	_ =	strace $0x8000004B  }
0x3a: {  	_ =	swait.ge [sflag:s29], $0x1  }
0x3b: {  	[sflag:s29] =	ssyncadd.s32 $0xFFFFFFFF  }
0x3c: {  	_ =	strace $0x9000004B  }
0x3d: {  	_ =	sfence  }
0x3e: {  	s30 =	sld [smem:$0x0];
	_ =	sdelay $0x2  }
0x3f: {  	s31 =	sshll.u32 s1, $0xD;
	s1 =	sshrl.u32 s1, $0x2  }
0x40: {  	s4 =	sand.u32 $0x4000, s31;
	s1 =	sadd.s32 s1, s30  }
0x41: {  	s0 =	sor.u32 s4, s0;
	s1 =	sshll.u32 s1, $0x11  }
0x42: {  	s0 =	sor.u32 s1, s0  }
0x43: {  	s0 =	sadd.s32 $0x8F2B, s0  }
0x44: {  	[sflag:s0] =	ssyncadd.remote.s32 $0x1  }
0x45: {  	_ =	sfence.sel $0xFFFF  }
0x46: {  	[dreg:$0x0] =	wrdreg $0xFFFFFFFF;
	(pc) =	sbr.abs _section_cstart, $3  }
0x47: {  	[dreg:$0x1] =	wrdreg $0xFFFFFFFF  }
0x48: {  	_ =	task.clear_ibuf [dreg:s23], $0x2FFFF;
	_ =	strace $0x9FFFFFFF  }
0x49: {  	(tm) =	ssettm $0x7FFFFFFF  }
tec
execute0_lowered:
.L_overlay_start_1:
0x0: {  	(tag) =	ssettag $0x1  }
0x1: {  	s3 =	rddreg [dreg:$0x0]  }
0x2: {  	s2 =	rddreg [dreg:$0x1]  }
0x3: {  	s1 =	srdreg.scid;
	s0 =	rddreg [dreg:$0x2];
	_ =	strace $0x8000004A  }
0x4: {  	s7 =	simm.s32 $0x2;
	p0 =	por $0x0, $0x0;
	s13 =	simm.s32 $0x0  }
0x5: {  	s14 =	simm.s32 $0x0;
	s9 =	simm.s32 $0x0;
	s10 =	simm.s32 $0x0  }
.Ltmp0:
0x6: {  	s8 =	simm.s32 $0x0;
	s4 =	sshll.u32 s1, $0x4;
	(pc) =	sbr.rel .LBB1_1-.Ltmp0, $4  }
0x7: {  	s1 =	stileid.u32;
	s3 =	sadd.s32 $0x2D9000, s3;
	s4 =	sand.u32 $0x10, s4  }
0x8: {  	s5 =	sand.u32 $0x7, s1;
	s6 =	sor.u32 s1, s4;
	s4 =	simm.s32 $0x1  }
0x9: {  	s12 =	smov.u32 s5;
	[sflag:s4] =	ssyncpa.u1 $0x0;
	s6 =	sshrl.u32 s6, $0x3  }
0xa: {  	[sflag:s7] =	ssyncpa.u1 $0x0;
	s7 =	simm.s32 $0x0;
	s11 =	smov.u32 s6  }
.LBB1_9:
0xb: {  	s15 =	smul.u32 $0xE000, s15  }
0xc: {  	s17 =	smul.u32 $0x31000, s10  }
0xd: {  	s16 =	sand.u32 $0x1, s8;
	s18 =	smul.u32 $0x700, s9  }
0xe: {  	s16 =	smul.u32 $0x4080, s16  }
0xf: {  	s17 =	sadd.s32 s2, s17  }
0x10: {  	s15 =	sshrl.u32 s15, $0x2;
	s16 =	sor.u32 $0x8000, s16;
	s17 =	sadd.s32 s18, s17  }
0x11: {  	[hbm4b:s17+s7] =	stream.linear.scatter [tilespmem:s16], [sflag:$0x2], s15, $0x20;
	[tilespmem:$0x10100] =	vst v63  }
.LBB1_10:
0x12: {  	p1 =	slt.u32 s8, $0x2;
	s16 =	smov.u32 s14;
	s8 =	sadd.s32 $0x1, s8  }
0x13: {  	p0 =	por !p0, !p0;
	p2 =	sgt.s32 @!p1 s14, $0x7;
	s15 =	sshra.s32 @!p1 s14, $0x1F  }
0x14: {  	p3 =	sgt.s32 @!p1 s13, $0x6F;
	s17 =	sshra.s32 @!p1 s13, $0x1F;
	p2 =	por !p2, p1  }
0x15: {  	s14 =	sand.u32 @!p1 s15, s14;
	p3 =	por !p3, p1;
	s15 =	smov.u32 s13  }
0x16: {  	s13 =	sand.u32 @!p1 s17, s13;
	s16 =	simm.s32 @p2 $0x7;
	s15 =	simm.s32 @p3 $0x6F  }
0x17: {  	s17 =	smov.u32 s12;
	s14 =	ssub.s32 @!p1 s16, s14;
	s13 =	ssub.s32 @!p1 s15, s13  }
0x18: {  	s15 =	sadd.s32 @!p1 $0xFFFFFFF9, s14;
	s14 =	ssub.s32 @!p1 $0x8, s14;
	s16 =	sadd.s32 @!p1 $0xFFFFFF91, s13  }
0x19: {  	p2 =	sgt.s32 @!p1 s15, $0x0;
	p3 =	sgt.s32 @!p1 s16, $0x0;
	s14 =	smul.u32 @!p1 $0xE000, s14  }
0x1a: {  	s13 =	ssub.s32 @!p1 $0x70, s13;
	p3 =	por !p3, p1;
	p2 =	por !p2, p1  }
0x1b: {  	s15 =	sadd.s32 $0x4, s11;
	s13 =	simm.s32 @!p3 $0x0;
	s14 =	simm.s32 @!p2 $0x0  }
0x1c: {  	p2 =	sgt.s32 s15, $0x6F;
	s13 =	smul.u32 @!p1 s13, s14;
	s14 =	sadd.s32 $0x8, s12  }
0x1d: {  	s15 =	smov.u32 @p2 s6;
	s17 =	smov.u32 @p2 s14;
	p2 =	sne.s32 s8, $0x1E  }
.Ltmp1:
0x1e: {  	s16 =	simm.s32 @!p1 $0x2;
	s14 =	smov.u32 s10;
	(pc) =	sbr.rel @!p2 .LBB1_11-.Ltmp1, $4  }
0x1f: {  	s10 =	smov.u32 s12;
	s13 =	sshrl.u32 @!p1 s13, $0x2;
	p3 =	sgt.s32 s17, $0x7  }
0x20: {  	_ =	swait.ge @!p1 [sflag:s16], s13;
	s18 =	ssub.s32 @!p1 $0x0, s13;
	s13 =	smov.u32 s9  }
0x21: {  	s17 =	smov.u32 @p3 s5;
	s9 =	smov.u32 s11;
	[sflag:s16] =	ssyncset.done @!p1 $0x0  }
0x22: {  	s11 =	smov.u32 s15;
	s12 =	smov.u32 s17;
	[sflag:s16] =	ssyncadd.s32 @!p1 s18  }
.LBB1_1:
0x23: {  	p1 =	sgt.u32 s8, $0x1B  }
0x24: {  	p2 =	sgt.s32 @!p1 s12, $0x7  }
0x25: {  	s15 =	smov.u32 s12;
	s17 =	smov.u32 s11;
	p2 =	por !p2, p1  }
0x26: {  	s16 =	sshra.s32 @!p1 s12, $0x1F;
	s15 =	simm.s32 @p2 $0x7;
	p2 =	sgt.s32 @!p1 s11, $0x6F  }
0x27: {  	s18 =	sshra.s32 @!p1 s11, $0x1F;
	s16 =	sand.u32 @!p1 s16, s12;
	p2 =	por !p2, p1  }
0x28: {  	s18 =	sand.u32 @!p1 s18, s11;
	s15 =	ssub.s32 @!p1 s15, s16;
	s17 =	simm.s32 @p2 $0x6F  }
0x29: {  	s16 =	ssub.s32 @!p1 s17, s18;
	s17 =	sadd.s32 @!p1 $0xFFFFFFF9, s15  }
0x2a: {  	s15 =	ssub.s32 @!p1 $0x8, s15;
	s18 =	sadd.s32 @!p1 $0xFFFFFF91, s16;
	p2 =	sgt.s32 @!p1 s17, $0x0  }
0x2b: {  	s15 =	smul.u32 @!p1 $0xC000, s15;
	s16 =	ssub.s32 @!p1 $0x70, s16;
	p3 =	sgt.s32 @!p1 s18, $0x0  }
0x2c: {  	s17 =	smul.u32 @!p1 $0x2A000, s12;
	p2 =	por !p2, p1;
	p3 =	por !p3, p1  }
0x2d: {  	s18 =	smul.u32 @!p1 $0x600, s11;
	s15 =	simm.s32 @!p2 $0x0;
	s16 =	simm.s32 @!p3 $0x0  }
0x2e: {  	s17 =	sadd.s32 @!p1 s3, s17;
	s15 =	smul.u32 @!p1 s16, s15;
	s16 =	sxor.u32 @!p1 $0xFFFFFFFF, s8  }
0x2f: {  	s17 =	sadd.s32 @!p1 s18, s17;
	s16 =	sshll.u32 @!p1 s16, $0xE  }
0x30: {  	s18 =	simm.s32 @!p1 $0x0;
	s16 =	sand.u32 @!p1 $0x4000, s16;
	s15 =	sshrl.u32 @!p1 s15, $0x2  }
0x31: {  	[tilespmem:s16], [sflag:$0x1] =	stream.linear.gather @!p1 [hbm4b:s17+s18], s15, $0x38;
	[tilespmem:$0x10100] =	vst v63  }
0x32: {  	p1 =	seq.s32 s8, $0x0  }
0x33: {  	p2 =	seq.s32 @!p1 s8, $0x1D  }
0x34: {  	p1 =	por p1, p2  }
.Ltmp2:
0x35: {  	_ = 	snop;
	(pc) =	sbr.rel @p1 .LBB1_10-.Ltmp2, $1  }
0x36: {  	_ =	sdelay $0x3  }
0x37: {  	p1 =	sgt.s32 s10, $0x7  }
0x38: {  	s15 =	smov.u32 s10;
	s16 =	sshra.s32 s10, $0x1F;
	s17 =	smov.u32 s9  }
0x39: {  	s18 =	sshra.s32 s9, $0x1F;
	s15 =	simm.s32 @!p1 $0x7;
	p1 =	sgt.s32 s9, $0x6F  }
0x3a: {  	s16 =	sand.u32 s16, s10;
	s29 =	sand.u32 s18, s9;
	s17 =	simm.s32 @!p1 $0x6F  }
0x3b: {  	s15 =	ssub.s32 s15, s16;
	s16 =	ssub.s32 s17, s29  }
0x3c: {  	s30 =	sadd.s32 $0xFFFFFFF9, s15;
	s15 =	ssub.s32 $0x8, s15;
	s17 =	sadd.s32 $0xFFFFFF91, s16  }
0x3d: {  	p1 =	sgt.s32 s30, $0x0;
	s16 =	ssub.s32 $0x70, s16;
	p2 =	sgt.s32 s17, $0x0  }
0x3e: {  	s15 =	simm.s32 @p1 $0x0;
	s16 =	simm.s32 @p2 $0x0  }
0x3f: {  	s15 =	smul.u32 s15, s16;
	s16 =	sadd.s32 $0x1, s10  }
0x40: {  	s17 =	sadd.s32 $0x1, s9;
	p1 =	slt.s32 s16, $0x8  }
0x41: {  	s16 =	simm.s32 @!p1 $0x8;
	p1 =	slt.s32 s17, $0x70  }
0x42: {  	s16 =	ssub.s32 s16, s10;
	s17 =	simm.s32 @!p1 $0x70  }
0x43: {  	s17 =	ssub.s32 s17, s9;
	p1 =	slt.s32 s16, $0x1  }
0x44: {  	p2 =	slt.s32 @!p1 s17, $0x1  }
0x45: {  	s31 =	smul.u32 $0xC000, s15;
	p1 =	por p1, p2  }
.Ltmp3:
0x46: {  	_ = 	snop;
	(pc) =	sbr.rel @p1 .LBB1_9-.Ltmp3, $4  }
0x47: {  	s18 =	sshrl.u32 s31, $0x2  }
0x48: {  	_ =	swait.ge [sflag:s4], s18  }
0x49: {  	s18 =	ssub.s32 $0x0, s18;
	[sflag:s4] =	ssyncset.done $0x0  }
0x4a: {  	[sflag:s4] =	ssyncadd.s32 s18  }
0x4b: {  	s18 =	simm.s32 $0x1  }
0x4c: {  	s18 =	simm.s32 @!p0 $0x0  }
0x4d: {  	s19 =	smul.u32 $0x10200, s18;
	_ =	sdelay $0x1  }
0x4e: {  	s20 =	sshll.u32 s18, $0xE;
	s19 =	sshrl.u32 s19, $0x2  }
0x4f: {  	s18 =	sor.u32 $0x8000, s19;
	s19 =	sor.u32 $0x30, s20;
	s20 =	simm.s32 $0x0  }
.LBB1_4:
0x50: {  	s21 =	smov.u32 s19;
	s22 =	smov.u32 s18;
	s23 =	simm.s32 $0x0  }
.LBB1_5:
0x51: {  	v0 =	vld [tilespmem:s21+$0x30]  }
0x52: {  	v2 =	vld [tilespmem:s21+$0xFFFFFFE0]  }
0x53: {  	v5 =	vld [tilespmem:s21+$0xFFFFFFF0]  }
0x54: {  	v3 =	vld [tilespmem:s21+$0x0]  }
0x55: {  	s24 =	sadd.s32 $0x0, s22;
	v4 =	vld [tilespmem:s21+$0x10]  }
0x56: {  	v1 =	vld [tilespmem:s21+$0x20];
	[tilespmem:s24+$0x3060 ss:$0x81] =	vst.msk $0xffff, v0  }
0x57: {  	s25 =	sadd.s32 $0x80, s21;
	v0 =	vld [tilespmem:s21+$0xFFFFFFD0];
	[tilespmem:s24+$0x810 ss:$0x81] =	vst.msk $0xffff, v2  }
0x58: {  	s26 =	simm.s32 $0x4;
	s27 =	simm.s32 $0x8;
	v2 =	vld [tilespmem:s25+$0x30];
	[tilespmem:s24+$0x1020 ss:$0x81] =	vst.msk $0xffff, v5  }
.LBB1_6:
0x59: {  	p1 =	sne.s32 s27, $0x17C;
	v5 =	vld [tilespmem:s25+$0xFFFFFFE0];
	[tilespmem:s24+$0x1830 ss:$0x81] =	vst.msk $0xffff, v3  }
0x5a: {  	v6 =	vld [tilespmem:s25+$0xFFFFFFF0];
	[tilespmem:s24+$0x2040 ss:$0x81] =	vst.msk $0xffff, v4  }
.Ltmp4:
0x5b: {  	s28 =	sshra.s32 s26, $0x2;
	s26 =	smov.u32 s27;
	v3 =	vld [tilespmem:s25+$0x0];
	[tilespmem:s24+$0x2850 ss:$0x81] =	vst.msk $0xffff, v1;
	(pc) =	sbr.rel @p1 .LBB1_6-.Ltmp4, $4  }
0x5c: {  	v4 =	vld [tilespmem:s25+$0x10];
	[tilespmem:s24+$0x0 ss:$0x81] =	vst.msk $0xffff, v0;
	s24 =	sadd.s32 s28, s22  }
0x5d: {  	v1 =	vld [tilespmem:s25+$0x20];
	[tilespmem:s24+$0x3060 ss:$0x81] =	vst.msk $0xffff, v2  }
0x5e: {  	v0 =	vld [tilespmem:s25+$0xFFFFFFD0];
	[tilespmem:s24+$0x810 ss:$0x81] =	vst.msk $0xffff, v5;
	s25 =	sadd.s32 $0x80, s25  }
0x5f: {  	s27 =	sadd.s32 $0x4, s27;
	v2 =	vld [tilespmem:s25+$0x30];
	[tilespmem:s24+$0x1020 ss:$0x81] =	vst.msk $0xffff, v6  }
0x60: {  	v5 =	vld [tilespmem:s25+$0xFFFFFFE0];
	[tilespmem:s24+$0x1830 ss:$0x81] =	vst.msk $0xffff, v3  }
0x61: {  	v59 =	vld [tilespmem:s25+$0xFFFFFFF0];
	[tilespmem:s24+$0x2040 ss:$0x81] =	vst.msk $0xffff, v4  }
0x62: {  	s26 =	sshra.s32 s26, $0x2;
	v60 =	vld [tilespmem:s25+$0x0];
	[tilespmem:s24+$0x2850 ss:$0x81] =	vst.msk $0xffff, v1  }
0x63: {  	v61 =	vld [tilespmem:s25+$0x10];
	s26 =	sadd.s32 s26, s22;
	[tilespmem:s24+$0x0 ss:$0x81] =	vst.msk $0xffff, v0  }
0x64: {  	v62 =	vld [tilespmem:s25+$0x20];
	s23 =	sadd.s32 $0x1, s23;
	[tilespmem:s26+$0x3060 ss:$0x81] =	vst.msk $0xffff, v2  }
0x65: {  	v63 =	vld [tilespmem:s25+$0xFFFFFFD0];
	p1 =	sne.s32 s23, s17;
	[tilespmem:s26+$0x810 ss:$0x81] =	vst.msk $0xffff, v5  }
.Ltmp5:
0x66: {  	[tilespmem:s26+$0x1020 ss:$0x81] =	vst.msk $0xffff, v59;
	(pc) =	sbr.rel @p1 .LBB1_5-.Ltmp5, $4  }
0x67: {  	[tilespmem:s26+$0x1830 ss:$0x81] =	vst.msk $0xffff, v60  }
0x68: {  	[tilespmem:s26+$0x2040 ss:$0x81] =	vst.msk $0xffff, v61  }
0x69: {  	[tilespmem:s26+$0x2850 ss:$0x81] =	vst.msk $0xffff, v62  }
0x6a: {  	s21 =	sadd.s32 $0x4000, s21;
	s22 =	sadd.s32 $0x4080, s22;
	[tilespmem:s26+$0x0 ss:$0x81] =	vst.msk $0xffff, v63  }
0x6b: {  	s20 =	sadd.s32 $0x1, s20  }
0x6c: {  	p1 =	sne.s32 s20, s16  }
.Ltmp6:
0x6d: {  	_ = 	snop;
	(pc) =	sbr.rel @p1 .LBB1_4-.Ltmp6, $4  }
.Ltmp7:
0x6e: {  	_ = 	snop;
	(pc) =	sbr.rel @!p1 .LBB1_9-.Ltmp7, $4  }
0x6f: {  	_ = 	snop  }
0x70: {  	_ = 	snop  }
0x71: {  	s18 =	sadd.s32 $0x4080, s18;
	s19 =	sadd.s32 $0x4000, s19  }
0x72: {  	_ = 	snop  }
.LBB1_11:
0x73: {  	_ =	sfence.sel $0x180000  }
0x74: {  	s2 =	simm.s32 $0x1;
	[bflag:$0x0] =	sbarrier.arrive $0xFFFF  }
0x75: {  	s31 =	simm.s32 $0x2;
	[sflag:s2] =	ssyncpa.u1 $0x1  }
0x76: {  	[sflag:s31] =	ssyncpa.u1 $0x1  }
0x77: {  	p0 =	sne.s32 s1, $0x0;
	_ =	strace $0x9000004A  }
0x78: {  	s0 =	sadd.s32 @!p0 $0x100000, s0;
	[bflag:$0x2] =	sbarrier.arrive $0xFFFF  }
0x79: {  	[sflag:s0] =	ssyncadd.tile.s32 @!p0 $0x1;
	_ =	shalt  }
.Lfunc_end1:
_tile_overlayer_lowered:
.L_overlay_start_2:
0x7a: {  	(tag) =	ssettag $0x2  }
0x7b: {  	s0 =	rddreg [dreg:$0x0];
	s2 =	stileid.u32  }
0x7c: {  	s1 =	rddreg [dreg:$0x1];
	p0 =	sne.s32 s2, $0x0  }
0x7d: {  	s3 =	rddreg [dreg:$0x2];
	[bflag:$0x3] =	sbarrier.arrive $0xFFFF;
	s2 =	simm.s32 @!p0 $0x1C01  }
0x7e: {  	[timem:s3], [sflag:s2] =	dma.local @!p0 [hbm:s0], s1  }
0x7f: {  	s0 =	simm.s32 @!p0 $0x1  }
0x80: {  	_ =	swait.ge @!p0 [sflag:s0], s1  }
0x81: {  	s1 =	ssub.s32 @!p0 $0x0, s1;
	[sflag:s0] =	ssyncset.done @!p0 $0x0  }
0x82: {  	[sflag:s0] =	ssyncadd.s32 @!p0 s1  }
0x83: {  	[bflag:$0x3] =	sbarrier.arrive $0xFFFF  }
0x84: {  	_ =	shalt  }

// kernel: sparse-core-data-format-call.2.cloned.1.call-start
scs
called_computation.2_lowered:
.L_overlay_start_0:
0x0: {  	s1 =	sld [smem:$0x3FD9]  }
0x1: {  	s2 =	sld [smem:$0x3FFE];
	_ =	sdelay $0x1  }
0x2: {  	s3 =	srdreg.scid  }
0x3: {  	s0 =	sand.u32 $0x1, s3  }
0x4: {  	s17 =	sshll.u32 s0, $0xA;
	s1 =	sadd.s32 s2, s1  }
0x5: {  	s1 =	sadd.s32 s1, s17  }
0x6: {  	[smem:$0x3FC5] =	sst s1  }
0x7: {  	_ = 	snop  }
0x8: {  	(tm) =	ssettm $0x1  }
0x9: {  	s18 =	sld [smem:$0x3FFB];
	_ =	sdelay $0x3  }
0xa: {  	_ =	strace s18  }
0xb: {  	s1 =	sld [smem:$0x3FFC];
	_ =	sdelay $0x3  }
0xc: {  	_ =	strace s1  }
0xd: {  	s1 =	sld [smem:$0x3FFD];
	_ =	sdelay $0x3  }
0xe: {  	_ =	strace s1  }
0xf: {  	_ =	strace $0x8FFFFFFF  }
0x10: {  	s19 =	sld [smem:$0x3FDB];
	_ =	sdelay $0x1  }
0x11: {  	s20 =	simm.s32 $_scs_section_size  }
0x12: {  	s4 =	simm.s32 $_size__tile_overlayer_lowered;
	s5 =	simm.s32 $_tile_overlayer_lowered  }
0x13: {  	s23 =	simm.s32 $0x1BFF;
	s22 =	sshll.u32 s5, $0x1;
	s1 =	sadd.s32 s20, s19  }
0x14: {  	s6 =	simm.s32 $0x0;
	s21 =	sshll.u32 s4, $0x1;
	s4 =	sadd.s32 s22, s1  }
0x15: {  	[timem:s6], [sflag:s23] =	dma.local [hbm:s4], s21  }
0x16: {  	_ =	swait.ge [sflag:s23], s21  }
0x17: {  	s2 =	ssub.s32 $0x0, s21;
	[sflag:s23] =	ssyncset.done $0x0  }
0x18: {  	[sflag:s23] =	ssyncadd.s32 s2;
	_ =	sdelay $0x1  }
0x19: {  	s24 =	simm.s32 $0x1B8B  }
0x1a: {  	_ =	swait.ge [sflag:s24], $0x1  }
0x1b: {  	[sflag:s24] =	ssyncset.done $0x0  }
0x1c: {  	s26 =	simm.s32 $0x1B8E;
	s25 =	sld [smem:$0x3FFE];
	[sflag:s24] =	ssyncadd.s32 $0xFFFFFFFF  }
0x1d: {  	s27 =	simm.s32 $execute0_lowered;
	[smem:$0x3FD2] =	sst s26  }
0x1e: {  	s4 =	sshll.u32 s27, $0x1;
	_ =	strace $0x80000046;
	[dreg:$0x1] =	wrdreg $0xFFFFFFFF  }
0x1f: {  	s28 =	simm.s32 $_size_execute0_lowered;
	s1 =	sadd.s32 s1, s4;
	[dreg:$0x0] =	wrdreg $0x0  }
0x20: {  	s4 =	sshll.u32 s28, $0x1;
	[dreg:$0x2] =	wrdreg s1  }
0x21: {  	[dreg:$0x3] =	wrdreg s4  }
0x22: {  	[dreg:$0x4] =	wrdreg $0xC0  }
0x23: {  	_ =	task [dreg:s6], $0x5FFFF  }
0x24: {  	[dreg:$0x1] =	wrdreg $0xFFFFFFFF  }
0x25: {  	[dreg:$0x0] =	wrdreg $0x60  }
0x26: {  	[dreg:$0x2] =	wrdreg s25  }
0x27: {  	[dreg:$0x3] =	wrdreg $0xA  }
0x28: {  	_ =	task.clear_ibuf [dreg:s6], $0x4FFFF;
	_ =	strace $0x90000046  }
0x29: {  	s29 =	simm.s32 $0xA;
	_ =	strace $0x80000048  }
0x2a: {  	_ =	swait.ge [sflag:s29], $0x1  }
0x2b: {  	[sflag:s29] =	ssyncadd.s32 $0xFFFFFFFF  }
0x2c: {  	_ =	strace $0x90000048  }
0x2d: {  	_ =	sfence  }
0x2e: {  	s30 =	sld [smem:$0x0];
	_ =	sdelay $0x2  }
0x2f: {  	s31 =	sshll.u32 s3, $0xD;
	s3 =	sshrl.u32 s3, $0x2  }
0x30: {  	s2 =	sand.u32 $0x4000, s31;
	s1 =	sadd.s32 s3, s30  }
0x31: {  	s0 =	sor.u32 s2, s0;
	s1 =	sshll.u32 s1, $0x11  }
0x32: {  	s0 =	sor.u32 s1, s0  }
0x33: {  	s0 =	sadd.s32 $0x8F2B, s0  }
0x34: {  	[sflag:s0] =	ssyncadd.remote.s32 $0x1  }
0x35: {  	_ =	sfence.sel $0xFFFF  }
0x36: {  	[dreg:$0x0] =	wrdreg $0xFFFFFFFF;
	(pc) =	sbr.abs _section_cstart, $3  }
0x37: {  	[dreg:$0x1] =	wrdreg $0xFFFFFFFF  }
0x38: {  	_ =	task.clear_ibuf [dreg:s6], $0x2FFFF;
	_ =	strace $0x9FFFFFFF  }
0x39: {  	(tm) =	ssettm $0x7FFFFFFF  }
tec
execute0_lowered:
.L_overlay_start_1:
0x0: {  	(tag) =	ssettag $0x1  }
0x1: {  	s3 =	rddreg [dreg:$0x0]  }
0x2: {  	s0 =	rddreg [dreg:$0x1]  }
0x3: {  	s1 =	srdreg.scid;
	_ =	strace $0x80000047;
	s7 =	simm.s32 $0x2  }
0x4: {  	p0 =	por $0x0, $0x0;
	s13 =	simm.s32 $0x0;
	s14 =	simm.s32 $0x0  }
0x5: {  	s9 =	simm.s32 $0x0;
	s10 =	simm.s32 $0x0;
	s8 =	simm.s32 $0x0  }
.Ltmp0:
0x6: {  	s4 =	sshll.u32 s1, $0x4;
	s2 =	sadd.s32 $0x1000, s3;
	(pc) =	sbr.rel .LBB1_1-.Ltmp0, $4  }
0x7: {  	s1 =	stileid.u32;
	s3 =	sadd.s32 $0x151000, s3;
	s4 =	sand.u32 $0x10, s4  }
0x8: {  	s5 =	sand.u32 $0x7, s1;
	s6 =	sor.u32 s1, s4;
	s4 =	simm.s32 $0x1  }
0x9: {  	s12 =	smov.u32 s5;
	[sflag:s4] =	ssyncpa.u1 $0x0;
	s6 =	sshrl.u32 s6, $0x3  }
0xa: {  	[sflag:s7] =	ssyncpa.u1 $0x0;
	s7 =	simm.s32 $0x0;
	s11 =	smov.u32 s6  }
.LBB1_9:
0xb: {  	s15 =	smul.u32 $0xE000, s15  }
0xc: {  	s17 =	smul.u32 $0x31000, s10  }
0xd: {  	s16 =	sand.u32 $0x1, s8;
	s18 =	smul.u32 $0x700, s9  }
0xe: {  	s16 =	smul.u32 $0x4080, s16  }
0xf: {  	s17 =	sadd.s32 s3, s17  }
0x10: {  	s15 =	sshrl.u32 s15, $0x2;
	s16 =	sor.u32 $0x8000, s16;
	s17 =	sadd.s32 s18, s17  }
0x11: {  	[hbm4b:s17+s7] =	stream.linear.scatter [tilespmem:s16], [sflag:$0x2], s15, $0x20;
	[tilespmem:$0x10100] =	vst v63  }
.LBB1_10:
0x12: {  	p1 =	slt.u32 s8, $0x2;
	s16 =	smov.u32 s14;
	s8 =	sadd.s32 $0x1, s8  }
0x13: {  	p0 =	por !p0, !p0;
	p2 =	sgt.s32 @!p1 s14, $0x7;
	s15 =	sshra.s32 @!p1 s14, $0x1F  }
0x14: {  	p3 =	sgt.s32 @!p1 s13, $0x6F;
	s17 =	sshra.s32 @!p1 s13, $0x1F;
	p2 =	por !p2, p1  }
0x15: {  	s14 =	sand.u32 @!p1 s15, s14;
	p3 =	por !p3, p1;
	s15 =	smov.u32 s13  }
0x16: {  	s13 =	sand.u32 @!p1 s17, s13;
	s16 =	simm.s32 @p2 $0x7;
	s15 =	simm.s32 @p3 $0x6F  }
0x17: {  	s17 =	smov.u32 s12;
	s14 =	ssub.s32 @!p1 s16, s14;
	s13 =	ssub.s32 @!p1 s15, s13  }
0x18: {  	s15 =	sadd.s32 @!p1 $0xFFFFFFF9, s14;
	s14 =	ssub.s32 @!p1 $0x8, s14;
	s16 =	sadd.s32 @!p1 $0xFFFFFF91, s13  }
0x19: {  	p2 =	sgt.s32 @!p1 s15, $0x0;
	p3 =	sgt.s32 @!p1 s16, $0x0;
	s14 =	smul.u32 @!p1 $0xE000, s14  }
0x1a: {  	s13 =	ssub.s32 @!p1 $0x70, s13;
	p3 =	por !p3, p1;
	p2 =	por !p2, p1  }
0x1b: {  	s15 =	sadd.s32 $0x4, s11;
	s13 =	simm.s32 @!p3 $0x0;
	s14 =	simm.s32 @!p2 $0x0  }
0x1c: {  	p2 =	sgt.s32 s15, $0x6F;
	s13 =	smul.u32 @!p1 s13, s14;
	s14 =	sadd.s32 $0x8, s12  }
0x1d: {  	s15 =	smov.u32 @p2 s6;
	s17 =	smov.u32 @p2 s14;
	p2 =	sne.s32 s8, $0x1E  }
.Ltmp1:
0x1e: {  	s16 =	simm.s32 @!p1 $0x2;
	s14 =	smov.u32 s10;
	(pc) =	sbr.rel @!p2 .LBB1_11-.Ltmp1, $4  }
0x1f: {  	s10 =	smov.u32 s12;
	s13 =	sshrl.u32 @!p1 s13, $0x2;
	p3 =	sgt.s32 s17, $0x7  }
0x20: {  	_ =	swait.ge @!p1 [sflag:s16], s13;
	s18 =	ssub.s32 @!p1 $0x0, s13;
	s13 =	smov.u32 s9  }
0x21: {  	s17 =	smov.u32 @p3 s5;
	s9 =	smov.u32 s11;
	[sflag:s16] =	ssyncset.done @!p1 $0x0  }
0x22: {  	s11 =	smov.u32 s15;
	s12 =	smov.u32 s17;
	[sflag:s16] =	ssyncadd.s32 @!p1 s18  }
.LBB1_1:
0x23: {  	p1 =	sgt.u32 s8, $0x1B  }
0x24: {  	p2 =	sgt.s32 @!p1 s12, $0x7  }
0x25: {  	s15 =	smov.u32 s12;
	s17 =	smov.u32 s11;
	p2 =	por !p2, p1  }
0x26: {  	s16 =	sshra.s32 @!p1 s12, $0x1F;
	s15 =	simm.s32 @p2 $0x7;
	p2 =	sgt.s32 @!p1 s11, $0x6F  }
0x27: {  	s18 =	sshra.s32 @!p1 s11, $0x1F;
	s16 =	sand.u32 @!p1 s16, s12;
	p2 =	por !p2, p1  }
0x28: {  	s18 =	sand.u32 @!p1 s18, s11;
	s15 =	ssub.s32 @!p1 s15, s16;
	s17 =	simm.s32 @p2 $0x6F  }
0x29: {  	s16 =	ssub.s32 @!p1 s17, s18;
	s17 =	sadd.s32 @!p1 $0xFFFFFFF9, s15  }
0x2a: {  	s15 =	ssub.s32 @!p1 $0x8, s15;
	s18 =	sadd.s32 @!p1 $0xFFFFFF91, s16;
	p2 =	sgt.s32 @!p1 s17, $0x0  }
0x2b: {  	s15 =	smul.u32 @!p1 $0xC000, s15;
	s16 =	ssub.s32 @!p1 $0x70, s16;
	p3 =	sgt.s32 @!p1 s18, $0x0  }
0x2c: {  	s17 =	smul.u32 @!p1 $0x2A000, s12;
	p2 =	por !p2, p1;
	p3 =	por !p3, p1  }
0x2d: {  	s18 =	smul.u32 @!p1 $0x600, s11;
	s15 =	simm.s32 @!p2 $0x0;
	s16 =	simm.s32 @!p3 $0x0  }
0x2e: {  	s17 =	sadd.s32 @!p1 s2, s17;
	s15 =	smul.u32 @!p1 s16, s15;
	s16 =	sxor.u32 @!p1 $0xFFFFFFFF, s8  }
0x2f: {  	s17 =	sadd.s32 @!p1 s18, s17;
	s16 =	sshll.u32 @!p1 s16, $0xE  }
0x30: {  	s18 =	simm.s32 @!p1 $0x0;
	s16 =	sand.u32 @!p1 $0x4000, s16;
	s15 =	sshrl.u32 @!p1 s15, $0x2  }
0x31: {  	[tilespmem:s16], [sflag:$0x1] =	stream.linear.gather @!p1 [hbm4b:s17+s18], s15, $0x38;
	[tilespmem:$0x10100] =	vst v63  }
0x32: {  	p1 =	seq.s32 s8, $0x0  }
0x33: {  	p2 =	seq.s32 @!p1 s8, $0x1D  }
0x34: {  	p1 =	por p1, p2  }
.Ltmp2:
0x35: {  	_ = 	snop;
	(pc) =	sbr.rel @p1 .LBB1_10-.Ltmp2, $1  }
0x36: {  	_ =	sdelay $0x3  }
0x37: {  	p1 =	sgt.s32 s10, $0x7  }
0x38: {  	s15 =	smov.u32 s10;
	s16 =	sshra.s32 s10, $0x1F;
	s17 =	smov.u32 s9  }
0x39: {  	s18 =	sshra.s32 s9, $0x1F;
	s15 =	simm.s32 @!p1 $0x7;
	p1 =	sgt.s32 s9, $0x6F  }
0x3a: {  	s16 =	sand.u32 s16, s10;
	s29 =	sand.u32 s18, s9;
	s17 =	simm.s32 @!p1 $0x6F  }
0x3b: {  	s15 =	ssub.s32 s15, s16;
	s16 =	ssub.s32 s17, s29  }
0x3c: {  	s30 =	sadd.s32 $0xFFFFFFF9, s15;
	s15 =	ssub.s32 $0x8, s15;
	s17 =	sadd.s32 $0xFFFFFF91, s16  }
0x3d: {  	p1 =	sgt.s32 s30, $0x0;
	s16 =	ssub.s32 $0x70, s16;
	p2 =	sgt.s32 s17, $0x0  }
0x3e: {  	s15 =	simm.s32 @p1 $0x0;
	s16 =	simm.s32 @p2 $0x0  }
0x3f: {  	s15 =	smul.u32 s15, s16;
	s16 =	sadd.s32 $0x1, s10  }
0x40: {  	s17 =	sadd.s32 $0x1, s9;
	p1 =	slt.s32 s16, $0x8  }
0x41: {  	s16 =	simm.s32 @!p1 $0x8;
	p1 =	slt.s32 s17, $0x70  }
0x42: {  	s16 =	ssub.s32 s16, s10;
	s17 =	simm.s32 @!p1 $0x70  }
0x43: {  	s17 =	ssub.s32 s17, s9;
	p1 =	slt.s32 s16, $0x1  }
0x44: {  	p2 =	slt.s32 @!p1 s17, $0x1  }
0x45: {  	s31 =	smul.u32 $0xC000, s15;
	p1 =	por p1, p2  }
.Ltmp3:
0x46: {  	_ = 	snop;
	(pc) =	sbr.rel @p1 .LBB1_9-.Ltmp3, $4  }
0x47: {  	s18 =	sshrl.u32 s31, $0x2  }
0x48: {  	_ =	swait.ge [sflag:s4], s18  }
0x49: {  	s18 =	ssub.s32 $0x0, s18;
	[sflag:s4] =	ssyncset.done $0x0  }
0x4a: {  	[sflag:s4] =	ssyncadd.s32 s18  }
0x4b: {  	s18 =	simm.s32 $0x1  }
0x4c: {  	s18 =	simm.s32 @!p0 $0x0  }
0x4d: {  	s19 =	smul.u32 $0x10200, s18;
	_ =	sdelay $0x1  }
0x4e: {  	s20 =	sshll.u32 s18, $0xE;
	s19 =	sshrl.u32 s19, $0x2  }
0x4f: {  	s18 =	sor.u32 $0x8000, s19;
	s19 =	sor.u32 $0x30, s20;
	s20 =	simm.s32 $0x0  }
.LBB1_4:
0x50: {  	s21 =	smov.u32 s19;
	s22 =	smov.u32 s18;
	s23 =	simm.s32 $0x0  }
.LBB1_5:
0x51: {  	v0 =	vld [tilespmem:s21+$0x30]  }
0x52: {  	v2 =	vld [tilespmem:s21+$0xFFFFFFE0]  }
0x53: {  	v5 =	vld [tilespmem:s21+$0xFFFFFFF0]  }
0x54: {  	v3 =	vld [tilespmem:s21+$0x0]  }
0x55: {  	s24 =	sadd.s32 $0x0, s22;
	v4 =	vld [tilespmem:s21+$0x10]  }
0x56: {  	v1 =	vld [tilespmem:s21+$0x20];
	[tilespmem:s24+$0x3060 ss:$0x81] =	vst.msk $0xffff, v0  }
0x57: {  	s25 =	sadd.s32 $0x80, s21;
	v0 =	vld [tilespmem:s21+$0xFFFFFFD0];
	[tilespmem:s24+$0x810 ss:$0x81] =	vst.msk $0xffff, v2  }
0x58: {  	s26 =	simm.s32 $0x4;
	s27 =	simm.s32 $0x8;
	v2 =	vld [tilespmem:s25+$0x30];
	[tilespmem:s24+$0x1020 ss:$0x81] =	vst.msk $0xffff, v5  }
.LBB1_6:
0x59: {  	p1 =	sne.s32 s27, $0x17C;
	v5 =	vld [tilespmem:s25+$0xFFFFFFE0];
	[tilespmem:s24+$0x1830 ss:$0x81] =	vst.msk $0xffff, v3  }
0x5a: {  	v6 =	vld [tilespmem:s25+$0xFFFFFFF0];
	[tilespmem:s24+$0x2040 ss:$0x81] =	vst.msk $0xffff, v4  }
.Ltmp4:
0x5b: {  	s28 =	sshra.s32 s26, $0x2;
	s26 =	smov.u32 s27;
	v3 =	vld [tilespmem:s25+$0x0];
	[tilespmem:s24+$0x2850 ss:$0x81] =	vst.msk $0xffff, v1;
	(pc) =	sbr.rel @p1 .LBB1_6-.Ltmp4, $4  }
0x5c: {  	v4 =	vld [tilespmem:s25+$0x10];
	[tilespmem:s24+$0x0 ss:$0x81] =	vst.msk $0xffff, v0;
	s24 =	sadd.s32 s28, s22  }
0x5d: {  	v1 =	vld [tilespmem:s25+$0x20];
	[tilespmem:s24+$0x3060 ss:$0x81] =	vst.msk $0xffff, v2  }
0x5e: {  	v0 =	vld [tilespmem:s25+$0xFFFFFFD0];
	[tilespmem:s24+$0x810 ss:$0x81] =	vst.msk $0xffff, v5;
	s25 =	sadd.s32 $0x80, s25  }
0x5f: {  	s27 =	sadd.s32 $0x4, s27;
	v2 =	vld [tilespmem:s25+$0x30];
	[tilespmem:s24+$0x1020 ss:$0x81] =	vst.msk $0xffff, v6  }
0x60: {  	v5 =	vld [tilespmem:s25+$0xFFFFFFE0];
	[tilespmem:s24+$0x1830 ss:$0x81] =	vst.msk $0xffff, v3  }
0x61: {  	v59 =	vld [tilespmem:s25+$0xFFFFFFF0];
	[tilespmem:s24+$0x2040 ss:$0x81] =	vst.msk $0xffff, v4  }
0x62: {  	s26 =	sshra.s32 s26, $0x2;
	v60 =	vld [tilespmem:s25+$0x0];
	[tilespmem:s24+$0x2850 ss:$0x81] =	vst.msk $0xffff, v1  }
0x63: {  	v61 =	vld [tilespmem:s25+$0x10];
	s26 =	sadd.s32 s26, s22;
	[tilespmem:s24+$0x0 ss:$0x81] =	vst.msk $0xffff, v0  }
0x64: {  	v62 =	vld [tilespmem:s25+$0x20];
	s23 =	sadd.s32 $0x1, s23;
	[tilespmem:s26+$0x3060 ss:$0x81] =	vst.msk $0xffff, v2  }
0x65: {  	v63 =	vld [tilespmem:s25+$0xFFFFFFD0];
	p1 =	sne.s32 s23, s17;
	[tilespmem:s26+$0x810 ss:$0x81] =	vst.msk $0xffff, v5  }
.Ltmp5:
0x66: {  	[tilespmem:s26+$0x1020 ss:$0x81] =	vst.msk $0xffff, v59;
	(pc) =	sbr.rel @p1 .LBB1_5-.Ltmp5, $4  }
0x67: {  	[tilespmem:s26+$0x1830 ss:$0x81] =	vst.msk $0xffff, v60  }
0x68: {  	[tilespmem:s26+$0x2040 ss:$0x81] =	vst.msk $0xffff, v61  }
0x69: {  	[tilespmem:s26+$0x2850 ss:$0x81] =	vst.msk $0xffff, v62  }
0x6a: {  	s21 =	sadd.s32 $0x4000, s21;
	s22 =	sadd.s32 $0x4080, s22;
	[tilespmem:s26+$0x0 ss:$0x81] =	vst.msk $0xffff, v63  }
0x6b: {  	s20 =	sadd.s32 $0x1, s20  }
0x6c: {  	p1 =	sne.s32 s20, s16  }
.Ltmp6:
0x6d: {  	_ = 	snop;
	(pc) =	sbr.rel @p1 .LBB1_4-.Ltmp6, $4  }
.Ltmp7:
0x6e: {  	_ = 	snop;
	(pc) =	sbr.rel @!p1 .LBB1_9-.Ltmp7, $4  }
0x6f: {  	_ = 	snop  }
0x70: {  	_ = 	snop  }
0x71: {  	s18 =	sadd.s32 $0x4080, s18;
	s19 =	sadd.s32 $0x4000, s19  }
0x72: {  	_ = 	snop  }
.LBB1_11:
0x73: {  	_ =	sfence.sel $0x180000  }
0x74: {  	s2 =	simm.s32 $0x1;
	[bflag:$0x0] =	sbarrier.arrive $0xFFFF  }
0x75: {  	s31 =	simm.s32 $0x2;
	[sflag:s2] =	ssyncpa.u1 $0x1  }
0x76: {  	[sflag:s31] =	ssyncpa.u1 $0x1  }
0x77: {  	p0 =	sne.s32 s1, $0x0;
	_ =	strace $0x90000047  }
0x78: {  	s0 =	sadd.s32 @!p0 $0x100000, s0;
	[bflag:$0x2] =	sbarrier.arrive $0xFFFF  }
0x79: {  	[sflag:s0] =	ssyncadd.tile.s32 @!p0 $0x1;
	_ =	shalt  }
.Lfunc_end1:
_tile_overlayer_lowered:
.L_overlay_start_2:
0x7a: {  	(tag) =	ssettag $0x2  }
0x7b: {  	s0 =	rddreg [dreg:$0x0];
	s2 =	stileid.u32  }
0x7c: {  	s1 =	rddreg [dreg:$0x1];
	p0 =	sne.s32 s2, $0x0  }
0x7d: {  	s3 =	rddreg [dreg:$0x2];
	[bflag:$0x3] =	sbarrier.arrive $0xFFFF;
	s2 =	simm.s32 @!p0 $0x1C01  }
0x7e: {  	[timem:s3], [sflag:s2] =	dma.local @!p0 [hbm:s0], s1  }
0x7f: {  	s0 =	simm.s32 @!p0 $0x1  }
0x80: {  	_ =	swait.ge @!p0 [sflag:s0], s1  }
0x81: {  	s1 =	ssub.s32 @!p0 $0x0, s1;
	[sflag:s0] =	ssyncset.done @!p0 $0x0  }
0x82: {  	[sflag:s0] =	ssyncadd.s32 @!p0 s1  }
0x83: {  	[bflag:$0x3] =	sbarrier.arrive $0xFFFF  }
0x84: {  	_ =	shalt  }

// kernel: sparse-core-data-format-call.cloned.1.call-start
scs
called_computation_lowered:
.L_overlay_start_0:
0x0: {  	s2 =	sld [smem:$0x3FD9]  }
0x1: {  	s3 =	sld [smem:$0x3FFE];
	_ =	sdelay $0x1  }
0x2: {  	s1 =	srdreg.scid  }
0x3: {  	s0 =	sand.u32 $0x1, s1  }
0x4: {  	s18 =	sshll.u32 s0, $0xA;
	s2 =	sadd.s32 s3, s2  }
0x5: {  	s2 =	sadd.s32 s2, s18  }
0x6: {  	[smem:$0x3FC5] =	sst s2  }
0x7: {  	_ = 	snop  }
0x8: {  	s2 =	sld [smem:$0x3FD0];
	(tm) =	ssettm $0x1  }
0x9: {  	s19 =	sld [smem:$0x3FFB];
	_ =	sdelay $0x3  }
0xa: {  	_ =	strace s19  }
0xb: {  	s3 =	sld [smem:$0x3FFC];
	_ =	sdelay $0x3  }
0xc: {  	_ =	strace s3  }
0xd: {  	s3 =	sld [smem:$0x3FFD];
	_ =	sdelay $0x3  }
0xe: {  	_ =	strace s3  }
0xf: {  	_ =	strace $0x8FFFFFFF  }
0x10: {  	s20 =	sld [smem:$0x3FDB];
	_ =	sdelay $0x1  }
0x11: {  	s4 =	simm.s32 $_scs_section_size  }
0x12: {  	s5 =	simm.s32 $_size__tile_overlayer_lowered;
	s6 =	simm.s32 $_tile_overlayer_lowered  }
0x13: {  	s23 =	simm.s32 $0x1BFF;
	s22 =	sshll.u32 s6, $0x1;
	s3 =	sadd.s32 s4, s20  }
0x14: {  	s7 =	simm.s32 $0x0;
	s21 =	sshll.u32 s5, $0x1;
	s5 =	sadd.s32 s22, s3  }
0x15: {  	[timem:s7], [sflag:s23] =	dma.local [hbm:s5], s21  }
0x16: {  	_ =	swait.ge [sflag:s23], s21  }
0x17: {  	s4 =	ssub.s32 $0x0, s21;
	[sflag:s23] =	ssyncset.done $0x0  }
0x18: {  	[sflag:s23] =	ssyncadd.s32 s4;
	_ =	sdelay $0x1  }
0x19: {  	s24 =	simm.s32 $0x1B8B  }
0x1a: {  	_ =	swait.ge [sflag:s24], $0x1  }
0x1b: {  	[sflag:s24] =	ssyncset.done $0x0  }
0x1c: {  	s26 =	simm.s32 $0x1B8E;
	s25 =	sld [smem:$0x3FFE];
	[sflag:s24] =	ssyncadd.s32 $0xFFFFFFFF  }
0x1d: {  	s27 =	simm.s32 $execute0_lowered;
	[smem:$0x3FD2] =	sst s26  }
0x1e: {  	s5 =	sshll.u32 s27, $0x1;
	_ =	strace $0x8000004F;
	[dreg:$0x1] =	wrdreg $0xFFFFFFFF  }
0x1f: {  	s28 =	simm.s32 $_size_execute0_lowered;
	s3 =	sadd.s32 s3, s5;
	[dreg:$0x0] =	wrdreg $0x0  }
0x20: {  	s5 =	sshll.u32 s28, $0x1;
	[dreg:$0x2] =	wrdreg s3  }
0x21: {  	[dreg:$0x3] =	wrdreg s5  }
0x22: {  	[dreg:$0x4] =	wrdreg $0xC0  }
0x23: {  	_ =	task [dreg:s7], $0x5FFFF  }
0x24: {  	[dreg:$0x1] =	wrdreg $0xFFFFFFFF  }
0x25: {  	[dreg:$0x0] =	wrdreg $0x60  }
0x26: {  	[dreg:$0x2] =	wrdreg s25  }
0x27: {  	[dreg:$0x3] =	wrdreg s2  }
0x28: {  	[dreg:$0x4] =	wrdreg $0x9  }
0x29: {  	_ =	task.clear_ibuf [dreg:s7], $0x5FFFF;
	_ =	strace $0x9000004F  }
0x2a: {  	s29 =	simm.s32 $0x9;
	_ =	strace $0x80000051  }
0x2b: {  	_ =	swait.ge [sflag:s29], $0x1  }
0x2c: {  	[sflag:s29] =	ssyncadd.s32 $0xFFFFFFFF  }
0x2d: {  	_ =	strace $0x90000051  }
0x2e: {  	_ =	sfence  }
0x2f: {  	s30 =	sld [smem:$0x0];
	_ =	sdelay $0x2  }
0x30: {  	s31 =	sshll.u32 s1, $0xD;
	s1 =	sshrl.u32 s1, $0x2  }
0x31: {  	s3 =	sand.u32 $0x4000, s31;
	s1 =	sadd.s32 s1, s30  }
0x32: {  	s0 =	sor.u32 s3, s0;
	s1 =	sshll.u32 s1, $0x11  }
0x33: {  	s0 =	sor.u32 s1, s0  }
0x34: {  	s0 =	sadd.s32 $0x8F2B, s0  }
0x35: {  	[sflag:s0] =	ssyncadd.remote.s32 $0x1  }
0x36: {  	_ =	sfence.sel $0xFFFF  }
0x37: {  	[dreg:$0x0] =	wrdreg $0xFFFFFFFF;
	(pc) =	sbr.abs _section_cstart, $3  }
0x38: {  	[dreg:$0x1] =	wrdreg $0xFFFFFFFF  }
0x39: {  	_ =	task.clear_ibuf [dreg:s7], $0x2FFFF;
	_ =	strace $0x9FFFFFFF  }
0x3a: {  	(tm) =	ssettm $0x7FFFFFFF  }
0x3b: {  	_ =	shalt  }
tec
execute0_lowered:
.L_overlay_start_1:
0x0: {  	(tag) =	ssettag $0x1  }
0x1: {  	s0 =	rddreg [dreg:$0x0]  }
0x2: {  	s1 =	srdreg.scid;
	_ =	strace $0x80000050;
	s2 =	stileid.u32  }
0x3: {  	s30 =	simm.s32 $0x1;
	s31 =	simm.s32 $0x2;
	s15 =	simm.s32 $0x0  }
0x4: {  	s16 =	simm.s32 $0x0;
	s17 =	simm.s32 $0x0;
	s8 =	simm.s32 $0x0  }
0x5: {  	s10 =	simm.s32 $0x0;
	s12 =	simm.s32 $0x0;
	s11 =	simm.s32 $0x0  }
.Ltmp0:
0x6: {  	s9 =	simm.s32 $0x0;
	s29 =	sshll.u32 s1, $0x4;
	(pc) =	sbr.rel .LBB1_1-.Ltmp0, $4  }
0x7: {  	s6 =	sadd.s32 $0x1000, s0;
	[sflag:s30] =	ssyncpa.u1 $0x0;
	s0 =	sand.u32 $0x10, s29  }
0x8: {  	s7 =	sand.u32 $0x7, s2;
	[dreg:$0x3] =	wrdreg s6;
	s0 =	sor.u32 s2, s0  }
0x9: {  	[sflag:s31] =	ssyncpa.u1 $0x0;
	[dreg:$0x4] =	wrdreg s7;
	s22 =	sshrl.u32 s0, $0x3  }
0xa: {  	s14 =	smov.u32 s7;
	s13 =	smov.u32 s22;
	[dreg:$0x5] =	wrdreg s22  }
.LBB1_9:
0xb: {  	p0 =	sgt.s32 s8, $0x80;
	s3 =	smul.u32 $0xA8000, s12  }
0xc: {  	s0 =	smov.u32 s8;
	s1 =	sshrl.u32 s8, $0x5;
	s27 =	smul.u32 $0xC00, s10  }
0xd: {  	s4 =	sshrl.u32 s8, $0x3;
	s5 =	rddreg [dreg:$0x1];
	s0 =	simm.s32 @!p0 $0x80  }
0xe: {  	s28 =	sand.u32 $0x7, s8;
	s1 =	sand.u32 $0xFFFFFC, s1;
	s0 =	sadd.s32 s19, s0  }
0xf: {  	s29 =	rddreg [dreg:$0x6];
	s26 =	smulhi.u32 $0x2AAAAAB, s1;
	s2 =	sadd.s32 $0xFFFFFF80, s0  }
0x10: {  	s6 =	rddreg [dreg:$0x3];
	s0 =	ssub.s32 $0x100, s0;
	p0 =	sgt.s32 s2, $0x7F  }
0x11: {  	s7 =	rddreg [dreg:$0x4];
	s2 =	smul.u32 $0x60, s26;
	s0 =	simm.s32 @p0 $0x0  }
0x12: {  	s31 =	simm.s32 $0x800;
	s22 =	rddreg [dreg:$0x5];
	s0 =	smul.u32 s0, s18  }
0x13: {  	s4 =	sand.u32 $0xF, s4;
	s3 =	sadd.s32 s5, s3;
	s1 =	ssub.s32 s1, s2  }
0x14: {  	s2 =	sadd.s32 s27, s3;
	s3 =	sshll.u32 s28, $0x12;
	s0 =	smul.u32 $0x60, s0  }
0x15: {  	s1 =	sshll.u32 s1, $0x5;
	s2 =	sadd.s32 s4, s2;
	s4 =	sor.u32 $0x8000, s29  }
0x16: {  	s30 =	sor.u32 $0x400, s3;
	s1 =	sadd.s32 s1, s2;
	s0 =	sand.u32 $0x3FFFFFE0, s0  }
0x17: {  	[hbm4b:s1+s30] =	stream.strided.scatter [tilespmem:s4], [sflag:$0x2], s0, s31, s30, $0x20;
	[tilespmem:$0x10100] =	vst v63  }
.LBB1_10:
0x18: {  	p0 =	slt.u32 s9, $0x2  }
0x19: {  	p1 =	sgt.s32 @!p0 s17, $0x7  }
0x1a: {  	s0 =	smov.u32 s17;
	s1 =	sshra.s32 @!p0 s17, $0x1F;
	p1 =	por !p1, p0  }
0x1b: {  	s2 =	smov.u32 s16;
	s1 =	sand.u32 @!p0 s1, s17;
	s0 =	simm.s32 @p1 $0x7  }
0x1c: {  	s3 =	sshra.s32 @!p0 s16, $0x1F;
	p1 =	sgt.s32 @!p0 s16, $0xDF;
	s0 =	ssub.s32 @!p0 s0, s1  }
0x1d: {  	s4 =	sshra.s32 @!p0 s15, $0x1F;
	p2 =	por !p1, p0;
	s1 =	sadd.s32 @!p0 $0xFFFFFFF9, s0  }
0x1e: {  	s2 =	simm.s32 @p2 $0xDF;
	p1 =	sgt.s32 @!p0 s1, $0x0;
	s1 =	sand.u32 @!p0 s3, s16  }
0x1f: {  	s0 =	ssub.s32 @!p0 $0x8, s0;
	p2 =	sgt.s32 @!p0 s15, $0x80;
	s1 =	ssub.s32 @!p0 s2, s1  }
0x20: {  	p2 =	por !p2, p0;
	s3 =	smov.u32 s15;
	s2 =	sadd.s32 @!p0 $0xFFFFFF21, s1  }
0x21: {  	s3 =	simm.s32 @p2 $0x80;
	p2 =	sgt.s32 @!p0 s2, $0x0;
	s2 =	sand.u32 @!p0 s4, s15  }
0x22: {  	s0 =	smul.u32 @!p0 $0x60, s0;
	p1 =	por !p1, p0;
	s2 =	ssub.s32 @!p0 s3, s2  }
0x23: {  	s1 =	ssub.s32 @!p0 $0xE0, s1;
	p2 =	por !p2, p0;
	s3 =	sadd.s32 @!p0 $0xFFFFFF80, s2  }
0x24: {  	s0 =	simm.s32 @!p1 $0x0;
	s1 =	simm.s32 @!p2 $0x0;
	p2 =	sgt.s32 @!p0 s3, $0x7F  }
0x25: {  	s2 =	ssub.s32 @!p0 $0x100, s2;
	s0 =	smul.u32 @!p0 s1, s0;
	p1 =	por !p2, p0  }
0x26: {  	s1 =	sadd.s32 $0x80, s11;
	s3 =	smov.u32 s13;
	s2 =	simm.s32 @!p1 $0x0  }
0x27: {  	p1 =	sgt.s32 s1, $0xDF;
	s0 =	smul.u32 @!p0 s2, s0;
	s2 =	sadd.s32 $0x4, s13  }
0x28: {  	s3 =	smov.u32 @p1 s2  }
0x29: {  	s5 =	smov.u32 s14;
	s2 =	sadd.s32 $0x8, s14;
	p2 =	sgt.s32 s3, $0xDF  }
0x2a: {  	s9 =	sadd.s32 $0x1, s9;
	s5 =	smov.u32 @p2 s2  }
0x2b: {  	s17 =	smov.u32 s12;
	s1 =	simm.s32 @p1 $0x0;
	p1 =	sgt.s32 s5, $0x7  }
0x2c: {  	s12 =	smov.u32 s14;
	s5 =	smov.u32 @p1 s7;
	p1 =	sne.s32 s9, $0x72  }
.Ltmp1:
0x2d: {  	s16 =	smov.u32 s10;
	s10 =	smov.u32 s13;
	(pc) =	sbr.rel @!p1 .LBB1_11-.Ltmp1, $4  }
0x2e: {  	s4 =	simm.s32 @!p0 $0x2;
	s15 =	smov.u32 s8;
	s0 =	sand.u32 @!p0 $0x3FFFFFE0, s0  }
0x2f: {  	s8 =	smov.u32 s11;
	s11 =	smov.u32 s1;
	_ =	swait.ge @!p0 [sflag:s4], s0  }
0x30: {  	s0 =	ssub.s32 @!p0 $0x0, s0;
	s3 =	smov.u32 @p2 s22;
	[sflag:s4] =	ssyncset.done @!p0 $0x0  }
0x31: {  	s13 =	smov.u32 s3;
	[sflag:s4] =	ssyncadd.s32 @!p0 s0;
	s14 =	smov.u32 s5  }
.LBB1_1:
0x32: {  	p0 =	sgt.u32 s9, $0x6F;
	s18 =	smov.u32 s14  }
0x33: {  	s0 =	sand.u32 @!p0 $0x1FFFFFF, s11;
	p1 =	sgt.s32 @!p0 s14, $0x7;
	s19 =	sshra.s32 @!p0 s14, $0x1F  }
0x34: {  	s20 =	sshra.s32 @!p0 s13, $0x1F;
	s1 =	smulhi.u32 @!p0 $0x2492493, s0;
	p1 =	por !p1, p0  }
0x35: {  	s19 =	sand.u32 @!p0 s19, s14;
	s20 =	sand.u32 @!p0 s20, s13;
	s18 =	simm.s32 @p1 $0x7  }
0x36: {  	p1 =	sgt.s32 @!p0 s13, $0xDF;
	s1 =	sshrl.u32 @!p0 s1, $0x1;
	s18 =	ssub.s32 @!p0 s18, s19  }
0x37: {  	p1 =	por !p1, p0;
	s19 =	smov.u32 s13;
	s1 =	smul.u32 @!p0 $0xE0, s1  }
0x38: {  	s19 =	simm.s32 @p1 $0xDF;
	p1 =	sgt.s32 @!p0 s11, $0x60;
	s18 =	sadd.s32 @!p0 $0xFFFFFFF9, s18  }
0x39: {  	s19 =	ssub.s32 @!p0 s19, s20;
	p1 =	por !p1, p0;
	s20 =	smov.u32 s11  }
0x3a: {  	p2 =	sgt.s32 @!p0 s18, $0x0;
	s18 =	sshll.u32 @!p0 s18, $0x7;
	s21 =	sadd.s32 @!p0 $0xFFFFFF21, s19  }
0x3b: {  	s20 =	simm.s32 @p1 $0x60;
	p1 =	sgt.s32 @!p0 s21, $0x0;
	s21 =	sshra.s32 @!p0 s11, $0x1F  }
0x3c: {  	s19 =	ssub.s32 @!p0 $0xE0, s19;
	s18 =	ssub.s32 @!p0 $0x80, s18;
	s21 =	sand.u32 @!p0 s21, s11  }
0x3d: {  	p2 =	por !p2, p0;
	p1 =	por !p1, p0;
	s20 =	ssub.s32 @!p0 s20, s21  }
0x3e: {  	s18 =	simm.s32 @!p2 $0x0;
	s19 =	simm.s32 @!p1 $0x0;
	s21 =	sadd.s32 @!p0 $0xFFFFFFA0, s20  }
0x3f: {  	s0 =	ssub.s32 @!p0 s0, s1;
	s18 =	smul.u32 @!p0 s19, s18;
	p1 =	sgt.s32 @!p0 s21, $0x7F  }
0x40: {  	s19 =	ssub.s32 @!p0 $0xE0, s20;
	s20 =	smul.u32 @!p0 $0xC4000, s14;
	p1 =	por !p1, p0  }
0x41: {  	s1 =	smul.u32 @!p0 $0xE00, s13;
	s21 =	sxor.u32 @!p0 $0xFFFFFFFF, s9;
	s19 =	simm.s32 @!p1 $0x0  }
0x42: {  	s21 =	sshll.u32 @!p0 s21, $0xE;
	s18 =	smul.u32 @!p0 s19, s18;
	s19 =	sadd.s32 @!p0 s6, s20  }
0x43: {  	s0 =	sshll.u32 @!p0 s0, $0x4;
	s20 =	sand.u32 @!p0 $0x4000, s21;
	s1 =	sadd.s32 @!p0 s1, s19  }
0x44: {  	s18 =	sand.u32 @!p0 $0x3FFFFF80, s18;
	s0 =	sadd.s32 @!p0 s0, s1;
	s1 =	simm.s32 @!p0 $0x0  }
0x45: {  	[tilespmem:s20], [sflag:$0x1] =	stream.linear.gather @!p0 [hbm4b:s0+s1], s18, $0x38;
	[tilespmem:$0x10100] =	vst v63  }
0x46: {  	p0 =	seq.s32 s9, $0x0  }
0x47: {  	p1 =	seq.s32 @!p0 s9, $0x71  }
0x48: {  	p0 =	por p0, p1  }
.Ltmp2:
0x49: {  	_ = 	snop;
	(pc) =	sbr.rel @p0 .LBB1_10-.Ltmp2, $1  }
0x4a: {  	_ =	sdelay $0x3  }
0x4b: {  	p0 =	sgt.s32 s12, $0x7;
	s0 =	smov.u32 s12;
	s1 =	sshra.s32 s12, $0x1F  }
0x4c: {  	s18 =	sshra.s32 s10, $0x1F;
	s26 =	ssub.s32 $0x0, s8;
	s27 =	sshra.s32 s8, $0x1F  }
0x4d: {  	p1 =	sgt.s32 s8, $0x60;
	s20 =	smov.u32 s8;
	s0 =	simm.s32 @!p0 $0x7  }
0x4e: {  	s1 =	sand.u32 s1, s12;
	p0 =	sgt.s32 s10, $0xDF;
	s18 =	sand.u32 s18, s10  }
0x4f: {  	s20 =	simm.s32 @!p1 $0x60;
	s0 =	ssub.s32 s0, s1;
	s1 =	smov.u32 s10  }
0x50: {  	s19 =	sadd.s32 $0xFFFFFFF9, s0;
	s1 =	simm.s32 @!p0 $0xDF;
	s0 =	ssub.s32 $0x8, s0  }
0x51: {  	p0 =	sgt.s32 s19, $0x0;
	s1 =	ssub.s32 s1, s18;
	s19 =	sand.u32 s26, s27  }
0x52: {  	s21 =	sadd.s32 $0xFFFFFF21, s1;
	s1 =	ssub.s32 $0xE0, s1;
	s18 =	sadd.s32 s19, s20  }
0x53: {  	s0 =	simm.s32 @p0 $0x0;
	p1 =	sgt.s32 s21, $0x0;
	s20 =	sadd.s32 $0xFFFFFFA0, s18  }
0x54: {  	s1 =	simm.s32 @p1 $0x0;
	s28 =	sshll.u32 s20, $0x7;
	p0 =	sgt.s32 s20, $0x7F  }
0x55: {  	s18 =	smul.u32 s0, s1;
	s0 =	ssub.s32 $0x4000, s28;
	s1 =	sadd.s32 $0x1, s12  }
0x56: {  	s20 =	sadd.s32 $0x1, s10;
	s0 =	simm.s32 @p0 $0x0;
	p0 =	slt.s32 s1, $0x8  }
0x57: {  	s1 =	simm.s32 @!p0 $0x8;
	p0 =	slt.s32 s20, $0xE0  }
0x58: {  	s21 =	ssub.s32 s1, s12;
	s20 =	simm.s32 @!p0 $0xE0;
	s1 =	sadd.s32 $0x80, s8  }
0x59: {  	s22 =	ssub.s32 s20, s10;
	p1 =	slt.s32 s1, $0xE0;
	p0 =	slt.s32 s21, $0x1  }
0x5a: {  	s1 =	simm.s32 @!p1 $0xE0;
	p1 =	slt.s32 @!p0 s22, $0x1  }
0x5b: {  	s23 =	ssub.s32 s1, s8;
	p1 =	por p0, p1  }
0x5c: {  	p2 =	slt.s32 @!p1 s23, $0x1  }
0x5d: {  	s0 =	smul.u32 s18, s0;
	p1 =	por p1, p2  }
.Ltmp3:
0x5e: {  	_ = 	snop;
	(pc) =	sbr.rel @p1 .LBB1_9-.Ltmp3, $4  }
0x5f: {  	s2 =	simm.s32 $0x1;
	s29 =	sand.u32 $0x3FFFFF80, s0;
	s0 =	sand.u32 $0x1, s9  }
0x60: {  	_ =	swait.ge [sflag:s2], s29;
	s31 =	smul.u32 $0x4080, s0  }
0x61: {  	s30 =	ssub.s32 $0x0, s29;
	[sflag:s2] =	ssyncset.done $0x0  }
0x62: {  	[sflag:s2] =	ssyncadd.s32 s30;
	[dreg:$0x6] =	wrdreg s31  }
0x63: {  	s24 =	sshll.u32 @!p0 s0, $0xE;
	s0 =	rddreg [dreg:$0x6]  }
0x64: {  	s26 =	simm.s32 $0x0;
	s25 =	sor.u32 @!p0 $0x8000, s0  }
.LBB1_4:
0x65: {  	s27 =	simm.s32 $0x0  }
.LBB1_5:
0x66: {  	s0 =	sadd.s32 s26, s27  }
0x67: {  	s1 =	sshll.u32 s0, $0x10  }
0x68: {  	s1 =	sshra.s32 s1, $0x2  }
0x69: {  	s1 =	sadd.s32 s1, s24  }
0x6a: {  	s29 =	simm.s32 $0x0;
	s7 =	simm.s32 $0x0;
	s0 =	smul.u32 $0x10200, s0;
	v0 =	vmov s1  }
0x6b: {  	s31 =	simm.s32 $0x10;
	s4 =	simm.s32 $0x30;
	s3 =	simm.s32 $0x50  }
0x6c: {  	s31 =	sand.u32 $0x78, s31;
	s4 =	sand.u32 $0x78, s4;
	s0 =	sshra.s32 s0, $0x2  }
0x6d: {  	s31 =	smul.u32 $0x204, s31;
	s28 =	sadd.s32 s0, s25;
	s0 =	sand.u32 $0x78, s7  }
0x6e: {  	s4 =	smul.u32 $0x204, s4;
	s1 =	sand.u32 $0x3F80, s29;
	s2 =	sxor.u32 $0x40, s0  }
0x6f: {  	s30 =	simm.s32 $0x1;
	s3 =	sand.u32 $0x78, s3;
	s2 =	smul.u32 $0x204, s2;
	v1 =	vld.idx.msk [tilespmem:v0+s1+$0x40 ss:$0x1], $0xffff  }
0x70: {  	p0 =	sne.s32 s23, $0x1;
	s5 =	sand.u32 $0x7F, s29;
	s3 =	smul.u32 $0x204, s3  }
0x71: {  	s7 =	simm.s32 $0x20;
	s0 =	smul.u32 $0x204, s0;
	s2 =	sshrl.u32 s2, $0x2;
	v2 =	vld.idx.msk [tilespmem:v0+s1+$0x0 ss:$0x1], $0xffff  }
0x72: {  	s31 =	sshrl.u32 s31, $0x2;
	s7 =	sand.u32 $0x78, s7;
	v3 =	vld.idx.msk [tilespmem:v0+s1+$0x10 ss:$0x1], $0xffff;
	s2 =	sadd.s32 s2, s28  }
0x73: {  	s7 =	smul.u32 $0x204, s7;
	s0 =	sshrl.u32 s0, $0x2;
	v4 =	vld.idx.msk [tilespmem:v0+s1+$0x20 ss:$0x1], $0xffff;
	s2 =	sadd.s32 s5, s2  }
.Ltmp4:
0x74: {  	s4 =	sshrl.u32 s4, $0x2;
	s0 =	sadd.s32 s0, s28;
	[tilespmem:s2+$0x0 ss:$0x81] =	vst.msk $0xffff, v1;
	v1 =	vld.idx.msk [tilespmem:v0+s1+$0x30 ss:$0x1], $0xffff;
	(pc) =	sbr.rel @!p0 .LBB1_7-.Ltmp4, $4  }
0x75: {  	s20 =	sadd.s32 s31, s28;
	s7 =	sshrl.u32 s7, $0x2;
	s0 =	sadd.s32 s5, s0  }
0x76: {  	s3 =	sshrl.u32 s3, $0x2;
	s7 =	sadd.s32 s7, s28;
	[tilespmem:s0+$0x0 ss:$0x81] =	vst.msk $0xffff, v2;
	s2 =	sadd.s32 s5, s20;
	v2 =	vld.idx.msk [tilespmem:v0+s1+$0x50 ss:$0x1], $0xffff  }
0x77: {  	s6 =	sadd.s32 s4, s28;
	s20 =	sadd.s32 s5, s7;
	[tilespmem:s2+$0x0 ss:$0x81] =	vst.msk $0xffff, v3;
	s2 =	sadd.s32 s3, s28  }
0x78: {  	s31 =	simm.s32 $0x2808;
	s1 =	sadd.s32 s5, s6;
	[tilespmem:s20+$0x0 ss:$0x81] =	vst.msk $0xffff, v4;
	s0 =	sadd.s32 s5, s2  }
.LBB1_6:
0x79: {  	s2 =	sadd.s32 $0xFFFFD800, s31;
	s3 =	sadd.s32 $0xFFFFE000, s31;
	[tilespmem:s1+$0x0 ss:$0x81] =	vst.msk $0xffff, v1;
	s1 =	smov.u32 s30  }
0x7a: {  	s30 =	sadd.s32 $0x1, s30;
	s29 =	sadd.s32 $0x80, s29;
	s4 =	sadd.s32 $0xFFFFE800, s31  }
0x7b: {  	s5 =	sadd.s32 $0xFFFFF000, s31;
	s2 =	sshrl.u32 s2, $0x7;
	p0 =	sne.s32 s23, s30;
	[tilespmem:s0+$0x0 ss:$0x81] =	vst.msk $0xffff, v2  }
0x7c: {  	s6 =	sshrl.u32 s31, $0x7;
	s0 =	sand.u32 $0x3F80, s29;
	s2 =	sand.u32 $0x78, s2  }
0x7d: {  	s3 =	sshrl.u32 s3, $0x7;
	s4 =	sshrl.u32 s4, $0x7;
	v3 =	vld.idx.msk [tilespmem:v0+s0+$0x40 ss:$0x1], $0xffff;
	s7 =	sxor.u32 $0x40, s2  }
0x7e: {  	s5 =	sshrl.u32 s5, $0x7;
	s6 =	sand.u32 $0x78, s6;
	v4 =	vld.idx.msk [tilespmem:v0+s0+$0x0 ss:$0x1], $0xffff;
	s7 =	smul.u32 $0x204, s7  }
0x7f: {  	s20 =	sand.u32 $0x7F, s1;
	s3 =	sand.u32 $0x78, s3;
	s4 =	sand.u32 $0x78, s4;
	v5 =	vld.idx.msk [tilespmem:v0+s0+$0x10 ss:$0x1], $0xffff  }
0x80: {  	s5 =	sand.u32 $0x78, s5;
	s1 =	smul.u32 $0x204, s2;
	v6 =	vld.idx.msk [tilespmem:v0+s0+$0x20 ss:$0x1], $0xffff;
	s7 =	sshrl.u32 s7, $0x2  }
0x81: {  	s3 =	smul.u32 $0x204, s3;
	v1 =	vld.idx.msk [tilespmem:v0+s0+$0x30 ss:$0x1], $0xffff;
	s2 =	sadd.s32 s7, s28  }
0x82: {  	s2 =	sadd.s32 s20, s2;
	v2 =	vld.idx.msk [tilespmem:v0+s0+$0x50 ss:$0x1], $0xffff;
	s0 =	sshrl.u32 s1, $0x2;
	s1 =	smul.u32 $0x204, s4  }
0x83: {  	s4 =	smul.u32 $0x204, s6;
	[tilespmem:s2+$0x0 ss:$0x81] =	vst.msk $0xffff, v3  }
0x84: {  	s0 =	sadd.s32 s0, s28;
	s2 =	sshrl.u32 s3, $0x2;
	s3 =	smul.u32 $0x204, s5  }
.Ltmp5:
0x85: {  	s2 =	sadd.s32 s2, s28;
	s1 =	sshrl.u32 s1, $0x2;
	(pc) =	sbr.rel @p0 .LBB1_6-.Ltmp5, $4  }
0x86: {  	s0 =	sadd.s32 s20, s0;
	s1 =	sadd.s32 s1, s28;
	s3 =	sshrl.u32 s3, $0x2  }
0x87: {  	[tilespmem:s0+$0x0 ss:$0x81] =	vst.msk $0xffff, v4;
	s0 =	sadd.s32 s20, s2;
	s2 =	sadd.s32 s3, s28;
	s3 =	sshrl.u32 s4, $0x2  }
0x88: {  	[tilespmem:s0+$0x0 ss:$0x81] =	vst.msk $0xffff, v5;
	s0 =	sadd.s32 s20, s1;
	s1 =	sadd.s32 s20, s2;
	s2 =	sadd.s32 s3, s28  }
0x89: {  	s31 =	sadd.s32 $0x8, s31;
	[tilespmem:s0+$0x0 ss:$0x81] =	vst.msk $0xffff, v6;
	s0 =	sadd.s32 s20, s2  }
.LBB1_7:
0x8a: {  	s27 =	sadd.s32 $0x1, s27  }
0x8b: {  	p0 =	sne.s32 s27, s22  }
.Ltmp6:
0x8c: {  	_ = 	snop;
	(pc) =	sbr.rel @p0 .LBB1_5-.Ltmp6, $3  }
0x8d: {  	_ =	sdelay $0x1  }
0x8e: {  	[tilespmem:s1+$0x0 ss:$0x81] =	vst.msk $0xffff, v1  }
0x8f: {  	[tilespmem:s0+$0x0 ss:$0x81] =	vst.msk $0xffff, v2  }
0x90: {  	s26 =	sadd.s32 $0x1, s26  }
0x91: {  	p0 =	sne.s32 s26, s21  }
.Ltmp7:
0x92: {  	_ = 	snop;
	(pc) =	sbr.rel @p0 .LBB1_4-.Ltmp7, $4  }
.Ltmp8:
0x93: {  	_ = 	snop;
	(pc) =	sbr.rel @!p0 .LBB1_9-.Ltmp8, $4  }
0x94: {  	_ = 	snop  }
0x95: {  	_ = 	snop  }
0x96: {  	_ = 	snop  }
0x97: {  	_ = 	snop  }
.LBB1_11:
0x98: {  	_ =	sfence.sel $0x180000  }
0x99: {  	s0 =	simm.s32 $0x1;
	[bflag:$0x0] =	sbarrier.arrive $0xFFFF  }
0x9a: {  	s30 =	simm.s32 $0x2;
	[sflag:s0] =	ssyncpa.u1 $0x1  }
0x9b: {  	[sflag:s30] =	ssyncpa.u1 $0x1  }
0x9c: {  	_ =	strace $0x90000050  }
0x9d: {  	s31 =	stileid.u32;
	[bflag:$0x2] =	sbarrier.arrive $0xFFFF  }
0x9e: {  	p0 =	sne.s32 s31, $0x0;
	s0 =	rddreg [dreg:$0x2]  }
0x9f: {  	s0 =	sadd.s32 @!p0 $0x100000, s0  }
0xa0: {  	[sflag:s0] =	ssyncadd.tile.s32 @!p0 $0x1;
	_ =	shalt  }
.Lfunc_end1:
_tile_overlayer_lowered:
.L_overlay_start_2:
0xa1: {  	(tag) =	ssettag $0x2  }
0xa2: {  	s0 =	rddreg [dreg:$0x0];
	s2 =	stileid.u32  }
0xa3: {  	s1 =	rddreg [dreg:$0x1];
	p0 =	sne.s32 s2, $0x0  }
0xa4: {  	s3 =	rddreg [dreg:$0x2];
	[bflag:$0x3] =	sbarrier.arrive $0xFFFF;
	s2 =	simm.s32 @!p0 $0x1C01  }
0xa5: {  	[timem:s3], [sflag:s2] =	dma.local @!p0 [hbm:s0], s1  }
0xa6: {  	s0 =	simm.s32 @!p0 $0x1  }
0xa7: {  	_ =	swait.ge @!p0 [sflag:s0], s1  }
0xa8: {  	s1 =	ssub.s32 @!p0 $0x0, s1;
	[sflag:s0] =	ssyncset.done @!p0 $0x0  }
0xa9: {  	[sflag:s0] =	ssyncadd.s32 @!p0 s1  }
0xaa: {  	[bflag:$0x3] =	sbarrier.arrive $0xFFFF  }
0xab: {  	_ =	shalt  }

</sc_bundles>
